<compile_context>
chip_gen: v7x
topology: tpu7x:2x2x1
jax: 0.10.2.dev20260603
libtpu: 0.0.44.dev20260713+nightly
codegen_flags: <defaults>
</compile_context>

<pallas_src>
import jax
import jax.numpy as jnp
from jax import lax
from jax.experimental import pallas as pl
from jax.experimental.pallas import tpu as pltpu
from jax.experimental.pallas import tpu_sc as plsc

L_E = 8192
D = 1152
NLANE = 16
NTILE = 32
ROWS_PER_TILE = L_E // NTILE
CHUNK = 16
NCHUNK = ROWS_PER_TILE // CHUNK
NBUF = 4
RBLK = 16
KCH = D // NLANE


def _rsqrt32(x):
    i = lax.bitcast_convert_type(x, jnp.int32)
    i = jnp.int32(0x5F3759DF) - lax.shift_right_logical(i, 1)
    y = lax.bitcast_convert_type(i, jnp.float32)
    half = jnp.float32(0.5)
    three_half = jnp.float32(1.5)
    for _ in range(3):
        y = y * (three_half - half * x * y * y)
    return y


def _sc_scan_body(mt_hbm, mem_hbm, out_hbm, csim_hbm, cidx_hbm,
                  mt_v, b0, b1, b2, b3, csim_v, cidx_v,
                  si0, si1, si2, si3, so0, so1, so2, so3):
    bufs = (b0, b1, b2, b3)
    isems = (si0, si1, si2, si3)
    osems = (so0, so1, so2, so3)
    c = lax.axis_index("c")
    s = lax.axis_index("s")
    wid = c * 16 + s
    base_row = wid * ROWS_PER_TILE
    pltpu.sync_copy(mt_hbm, mt_v)

    def in_cp(ch, b):
        return pltpu.make_async_copy(
            mem_hbm.at[pl.ds(base_row + ch * CHUNK, CHUNK)], bufs[b],
            isems[b])

    def out_cp(ch, b):
        return pltpu.make_async_copy(
            bufs[b], out_hbm.at[pl.ds(base_row + ch * CHUNK, CHUNK)],
            osems[b])

    in_cp(0, 0).start()
    in_cp(1, 1).start()

    def compute(buf, row0, best_sim, best_idx):
        for half in range(CHUNK // RBLK):
            r0 = half * RBLK

            def kbody(k, accs):
                dacc, sacc = accs
                mtk = mt_v[pl.ds(k * NLANE, NLANE)]
                nd, ns = [], []
                for r in range(RBLK):
                    v = buf[r0 + r, pl.ds(k * NLANE, NLANE)]
                    nd.append(dacc[r] + v * mtk)
                    ns.append(sacc[r] + v * v)
                return tuple(nd), tuple(ns)

            zeros = tuple(jnp.zeros((NLANE,), jnp.float32)
                          for _ in range(RBLK))
            dvecs, svecs = lax.fori_loop(0, KCH, kbody, (zeros, zeros))
            for r in range(RBLK):
                dsum = jnp.sum(dvecs[r])
                ssum = jnp.sum(svecs[r])
                sim = dsum * _rsqrt32(ssum)
                ridx = row0 + r0 + r
                take = sim > best_sim
                best_sim = jnp.where(take, sim, best_sim)
                best_idx = jnp.where(take, ridx, best_idx)
        return best_sim, best_idx

    def quad(q, best):
        best_sim, best_idx = best
        for j in range(NBUF):
            ch = NBUF * q + j
            in_cp(ch, j).wait()
            best_sim, best_idx = compute(
                bufs[j], base_row + ch * CHUNK, best_sim, best_idx)
            out_cp(ch, j).start()
            nxt = ch + 2
            bb = (j + 2) % NBUF

            @pl.when(nxt < NCHUNK)
            def _():
                @pl.when(ch >= 2)
                def _():
                    out_cp(ch - 2, bb).wait()
                in_cp(nxt, bb).start()
        return best_sim, best_idx

    init = (jnp.float32(-jnp.inf), jnp.int32(0))
    best_sim, best_idx = lax.fori_loop(0, NCHUNK // NBUF, quad, init)

    for b in range(NBUF):
        out_cp(NCHUNK - NBUF + b, b).wait()

    lane = lax.iota(jnp.int32, NLANE)
    csim_v[...] = jnp.where(lane == 0, best_sim, jnp.float32(-jnp.inf))
    cidx_v[...] = jnp.where(lane == 0, best_idx, jnp.int32(2**30))
    pltpu.sync_copy(csim_v, csim_hbm.at[wid])
    pltpu.sync_copy(cidx_v, cidx_hbm.at[wid])


_sc_scan = pl.kernel(
    _sc_scan_body,
    out_type=(
        jax.ShapeDtypeStruct((L_E, D), jnp.float32),
        jax.ShapeDtypeStruct((NTILE, NLANE), jnp.float32),
        jax.ShapeDtypeStruct((NTILE, NLANE), jnp.int32),
    ),
    mesh=plsc.VectorSubcoreMesh(core_axis_name="c", subcore_axis_name="s"),
    compiler_params=pltpu.CompilerParams(needs_layout_passes=False),
    scratch_types=[
        pltpu.VMEM((D,), jnp.float32),
        pltpu.VMEM((CHUNK, D), jnp.float32),
        pltpu.VMEM((CHUNK, D), jnp.float32),
        pltpu.VMEM((CHUNK, D), jnp.float32),
        pltpu.VMEM((CHUNK, D), jnp.float32),
        pltpu.VMEM((NLANE,), jnp.float32),
        pltpu.VMEM((NLANE,), jnp.int32),
        pltpu.SemaphoreType.DMA,
        pltpu.SemaphoreType.DMA,
        pltpu.SemaphoreType.DMA,
        pltpu.SemaphoreType.DMA,
        pltpu.SemaphoreType.DMA,
        pltpu.SemaphoreType.DMA,
        pltpu.SemaphoreType.DMA,
        pltpu.SemaphoreType.DMA,
    ],
)


def _fixup_body(sim_ref, idx_ref, mt_ref, src_ref, out_ref, sem):
    del src_ref
    sims = sim_ref[...]
    idxs = idx_ref[...]
    m = jnp.max(sims)
    winner = jnp.min(jnp.where(sims == m, idxs, jnp.int32(2**30)))
    cp = pltpu.make_async_copy(mt_ref, out_ref.at[pl.ds(winner, 1)], sem)
    cp.start()
    cp.wait()


def kernel(M_t, memory):
    copied, csim, cidx = _sc_scan(M_t, memory)
    out = pl.pallas_call(
        _fixup_body,
        out_shape=jax.ShapeDtypeStruct((L_E, D), jnp.float32),
        in_specs=[
            pl.BlockSpec(memory_space=pltpu.VMEM),
            pl.BlockSpec(memory_space=pltpu.VMEM),
            pl.BlockSpec(memory_space=pltpu.VMEM),
            pl.BlockSpec(memory_space=pl.ANY),
        ],
        out_specs=pl.BlockSpec(memory_space=pl.ANY),
        scratch_shapes=[pltpu.SemaphoreType.DMA],
        input_output_aliases={3: 0},
    )(csim.reshape(4, 128), cidx.reshape(4, 128), M_t.reshape(1, D), copied)
    return out

# --- scband reference (transcript-rebuilt; emitter-appended) ---
"""Pipeline reference for scband-episodic-memory-30064771072237 (READ-ONLY COPY).

The authoritative reference and input builder live on the scoring server;
editing this copy changes nothing except your own understanding.
"""

import jax, jax.numpy as jnp
import numpy as np

L_E = 8192
FEATURE_DIM = 1152


def setup_inputs(seed: int = 0) -> dict:
    key = jax.random.key(seed)
    k1, k2 = jax.random.split(key)
    M_t = jax.random.normal(k1, (FEATURE_DIM,), dtype=jnp.float32)
    memory = jax.random.normal(k2, (L_E, FEATURE_DIM), dtype=jnp.float32)
    return {"M_t": M_t, "memory": memory}


def reference(M_t, memory):
    # EpisodicMemory.update with a full buffer (Algorithm 1 Lines 15-24),
    # buffer represented as a dense tensor [L_e, feature_dim].
    # 1) cosine similarity between M_t and every stored element (Line 18)
    M_flat = M_t.reshape(-1)
    dots = memory.reshape(memory.shape[0], -1) @ M_flat          # gather+reduce over rows
    norm_M = jnp.linalg.norm(M_flat)
    norms_E = jnp.linalg.norm(memory.reshape(memory.shape[0], -1), axis=1)
    denom = norm_M * norms_E
    sims = jnp.where(denom == 0, 0.0, dots / jnp.where(denom == 0, 1.0, denom))
    # 2) find most similar element (Line 21: max over similarities)
    max_idx = jnp.argmax(sims)
    # 3) replace it with M_t (del buffer[max_idx]; buffer.append(M_t)) -> scatter-overwrite
    new_memory = memory.at[max_idx].set(M_flat)
    return new_memory

if __name__ == "__main__":
    import jax
    _d = setup_inputs()
    print(jax.jit(kernel)(*tuple(_d.values())))

</pallas_src>

<mosaic_0001>
#map = affine_map<(d0, d1) -> (0)>
#map1 = affine_map<(d0, d1) -> (0, 0)>
module attributes {stable_mosaic.version = 14 : i64} {
  func.func @_sc_scan_body(%arg0: i32, %arg1: i32, %arg2: memref<1152xf32, #tpu.memory_space<hbm>>, %arg3: memref<8192x1152xf32, #tpu.memory_space<hbm>>, %arg4: memref<8192x1152xf32, #tpu.memory_space<hbm>>, %arg5: memref<32x16xf32, #tpu.memory_space<hbm>>, %arg6: memref<32x16xi32, #tpu.memory_space<hbm>>, %arg7: memref<1152xf32, #tpu.memory_space<vmem>>, %arg8: memref<16x1152xf32, #tpu.memory_space<vmem>>, %arg9: memref<16x1152xf32, #tpu.memory_space<vmem>>, %arg10: memref<16x1152xf32, #tpu.memory_space<vmem>>, %arg11: memref<16x1152xf32, #tpu.memory_space<vmem>>, %arg12: memref<16xf32, #tpu.memory_space<vmem>>, %arg13: memref<16xi32, #tpu.memory_space<vmem>>, %arg14: memref<!tpu.dma_semaphore, #tpu.memory_space<semaphore_mem>>, %arg15: memref<!tpu.dma_semaphore, #tpu.memory_space<semaphore_mem>>, %arg16: memref<!tpu.dma_semaphore, #tpu.memory_space<semaphore_mem>>, %arg17: memref<!tpu.dma_semaphore, #tpu.memory_space<semaphore_mem>>, %arg18: memref<!tpu.dma_semaphore, #tpu.memory_space<semaphore_mem>>, %arg19: memref<!tpu.dma_semaphore, #tpu.memory_space<semaphore_mem>>, %arg20: memref<!tpu.dma_semaphore, #tpu.memory_space<semaphore_mem>>, %arg21: memref<!tpu.dma_semaphore, #tpu.memory_space<semaphore_mem>>) attributes {dimension_semantics = [#tpu.dimension_semantics<core_parallel>, #tpu.dimension_semantics<subcore_parallel>], iteration_bounds = array<i64: 2, 16>, scalar_prefetch = 0 : i64, scratch_operands = 15 : i64, tpu.core_type = #tpu.core_type<sc_vector_subcore>, window_params = [{transform_indices = #map}, {transform_indices = #map1}, {transform_indices = #map1}, {transform_indices = #map1}, {transform_indices = #map1}]} {
    %mul3A = arith.constant 16 : i32
    %mul3A_0 = arith.muli %arg0, %mul3A : i32
    %add3A = arith.addi %mul3A_0, %arg1 : i32
    %mul3A_1 = arith.constant 256 : i32
    %mul3A_2 = arith.muli %add3A, %mul3A_1 : i32
    "tpu.region"() ({
      %run_scoped3A = tpu.sem_alloc : memref<!tpu.dma_semaphore, #tpu.memory_space<semaphore_mem>>
      tpu.enqueue_dma source(%arg2 : memref<1152xf32, #tpu.memory_space<hbm>>) target(%arg7 : memref<1152xf32, #tpu.memory_space<vmem>>) target_semaphore(%run_scoped3A : memref<!tpu.dma_semaphore, #tpu.memory_space<semaphore_mem>>)
      tpu.wait_dma2 semaphore(%run_scoped3A : memref<!tpu.dma_semaphore, #tpu.memory_space<semaphore_mem>>) src(%arg2 : memref<1152xf32, #tpu.memory_space<hbm>>) dst(%arg7 : memref<1152xf32, #tpu.memory_space<vmem>>)
      tpu.yield
    }) : () -> ()
    %add3A_3 = arith.constant 0 : i32
    %add3A_4 = arith.addi %mul3A_2, %add3A_3 : i32
    %dma_start3A = arith.constant 0 : i32
    %dma_start3A_5 = tpu.memref_slice %arg3[%add3A_4, %dma_start3A] : memref<8192x1152xf32, #tpu.memory_space<hbm>> -> memref<16x1152xf32, #tpu.memory_space<hbm>>
    %dma_start3A_6 = arith.constant 0 : i32
    %dma_start3A_7 = tpu.memref_slice %arg3[%add3A_4, %dma_start3A_6] : memref<8192x1152xf32, #tpu.memory_space<hbm>> -> memref<16x1152xf32, #tpu.memory_space<hbm>>
    tpu.enqueue_dma source(%dma_start3A_7 : memref<16x1152xf32, #tpu.memory_space<hbm>>) target(%arg8 : memref<16x1152xf32, #tpu.memory_space<vmem>>) target_semaphore(%arg14 : memref<!tpu.dma_semaphore, #tpu.memory_space<semaphore_mem>>)
    %add3A_8 = arith.constant 16 : i32
    %add3A_9 = arith.addi %mul3A_2, %add3A_8 : i32
    %dma_start3A_10 = arith.constant 0 : i32
    %dma_start3A_11 = tpu.memref_slice %arg3[%add3A_9, %dma_start3A_10] : memref<8192x1152xf32, #tpu.memory_space<hbm>> -> memref<16x1152xf32, #tpu.memory_space<hbm>>
    %dma_start3A_12 = arith.constant 0 : i32
    %dma_start3A_13 = tpu.memref_slice %arg3[%add3A_9, %dma_start3A_12] : memref<8192x1152xf32, #tpu.memory_space<hbm>> -> memref<16x1152xf32, #tpu.memory_space<hbm>>
    tpu.enqueue_dma source(%dma_start3A_13 : memref<16x1152xf32, #tpu.memory_space<hbm>>) target(%arg9 : memref<16x1152xf32, #tpu.memory_space<vmem>>) target_semaphore(%arg15 : memref<!tpu.dma_semaphore, #tpu.memory_space<semaphore_mem>>)
    %scan3A = arith.constant 0xFF800000 : f32
    %scan3A_14 = arith.constant 0 : i32
    %scan3A_15 = arith.constant 0 : i32
    %scan3A_16 = arith.constant 4 : i32
    %scan3A_17 = arith.addi %scan3A_15, %scan3A_16 : i32
    %scan3A_18 = arith.constant 1 : i32
    %scan3A_19:2 = scf.for %scan3A_57 = %scan3A_15 to %scan3A_17 step %scan3A_18 iter_args(%scan3A_58 = %scan3A, %scan3A_59 = %scan3A_14) -> (f32, i32)  : i32 {
      %mul3A_60 = arith.constant 4 : i32
      %mul3A_61 = arith.muli %mul3A_60, %scan3A_57 : i32
      %add3A_62 = arith.constant 0 : i32
      %add3A_63 = arith.addi %mul3A_61, %add3A_62 : i32
      %mul3A_64 = arith.constant 16 : i32
      %mul3A_65 = arith.muli %add3A_63, %mul3A_64 : i32
      %add3A_66 = arith.addi %mul3A_2, %mul3A_65 : i32
      %dma_wait3A_67 = arith.constant 0 : i32
      %dma_wait3A_68 = tpu.memref_slice %arg3[%add3A_66, %dma_wait3A_67] : memref<8192x1152xf32, #tpu.memory_space<hbm>> -> memref<16x1152xf32, #tpu.memory_space<hbm>>
      %dma_wait3A_69 = arith.constant 0 : i32
      %dma_wait3A_70 = tpu.memref_slice %arg3[%add3A_66, %dma_wait3A_69] : memref<8192x1152xf32, #tpu.memory_space<hbm>> -> memref<16x1152xf32, #tpu.memory_space<hbm>>
      tpu.wait_dma2 semaphore(%arg14 : memref<!tpu.dma_semaphore, #tpu.memory_space<semaphore_mem>>) src(%dma_wait3A_70 : memref<16x1152xf32, #tpu.memory_space<hbm>>) dst(%arg8 : memref<16x1152xf32, #tpu.memory_space<vmem>>)
      %mul3A_71 = arith.constant 16 : i32
      %mul3A_72 = arith.muli %add3A_63, %mul3A_71 : i32
      %add3A_73 = arith.addi %mul3A_2, %mul3A_72 : i32
      %broadcast_in_dim3A_74 = arith.constant 0.000000e+00 : f32
      %broadcast_in_dim3A_75 = vector.broadcast %broadcast_in_dim3A_74 : f32 to vector<16xf32>
      %broadcast_in_dim3A_76 = arith.constant 0.000000e+00 : f32
      %broadcast_in_dim3A_77 = vector.broadcast %broadcast_in_dim3A_76 : f32 to vector<16xf32>
      %broadcast_in_dim3A_78 = arith.constant 0.000000e+00 : f32
      %broadcast_in_dim3A_79 = vector.broadcast %broadcast_in_dim3A_78 : f32 to vector<16xf32>
      %broadcast_in_dim3A_80 = arith.constant 0.000000e+00 : f32
      %broadcast_in_dim3A_81 = vector.broadcast %broadcast_in_dim3A_80 : f32 to vector<16xf32>
      %broadcast_in_dim3A_82 = arith.constant 0.000000e+00 : f32
      %broadcast_in_dim3A_83 = vector.broadcast %broadcast_in_dim3A_82 : f32 to vector<16xf32>
      %broadcast_in_dim3A_84 = arith.constant 0.000000e+00 : f32
      %broadcast_in_dim3A_85 = vector.broadcast %broadcast_in_dim3A_84 : f32 to vector<16xf32>
      %broadcast_in_dim3A_86 = arith.constant 0.000000e+00 : f32
      %broadcast_in_dim3A_87 = vector.broadcast %broadcast_in_dim3A_86 : f32 to vector<16xf32>
      %broadcast_in_dim3A_88 = arith.constant 0.000000e+00 : f32
      %broadcast_in_dim3A_89 = vector.broadcast %broadcast_in_dim3A_88 : f32 to vector<16xf32>
      %broadcast_in_dim3A_90 = arith.constant 0.000000e+00 : f32
      %broadcast_in_dim3A_91 = vector.broadcast %broadcast_in_dim3A_90 : f32 to vector<16xf32>
      %broadcast_in_dim3A_92 = arith.constant 0.000000e+00 : f32
      %broadcast_in_dim3A_93 = vector.broadcast %broadcast_in_dim3A_92 : f32 to vector<16xf32>
      %broadcast_in_dim3A_94 = arith.constant 0.000000e+00 : f32
      %broadcast_in_dim3A_95 = vector.broadcast %broadcast_in_dim3A_94 : f32 to vector<16xf32>
      %broadcast_in_dim3A_96 = arith.constant 0.000000e+00 : f32
      %broadcast_in_dim3A_97 = vector.broadcast %broadcast_in_dim3A_96 : f32 to vector<16xf32>
      %broadcast_in_dim3A_98 = arith.constant 0.000000e+00 : f32
      %broadcast_in_dim3A_99 = vector.broadcast %broadcast_in_dim3A_98 : f32 to vector<16xf32>
      %broadcast_in_dim3A_100 = arith.constant 0.000000e+00 : f32
      %broadcast_in_dim3A_101 = vector.broadcast %broadcast_in_dim3A_100 : f32 to vector<16xf32>
      %broadcast_in_dim3A_102 = arith.constant 0.000000e+00 : f32
      %broadcast_in_dim3A_103 = vector.broadcast %broadcast_in_dim3A_102 : f32 to vector<16xf32>
      %broadcast_in_dim3A_104 = arith.constant 0.000000e+00 : f32
      %broadcast_in_dim3A_105 = vector.broadcast %broadcast_in_dim3A_104 : f32 to vector<16xf32>
      %scan3A_106 = arith.constant 0 : i32
      %scan3A_107 = arith.constant 72 : i32
      %scan3A_108 = arith.addi %scan3A_106, %scan3A_107 : i32
      %scan3A_109 = arith.constant 1 : i32
      %scan3A_110:32 = scf.for %scan3A_3068 = %scan3A_106 to %scan3A_108 step %scan3A_109 iter_args(%scan3A_3069 = %broadcast_in_dim3A_75, %scan3A_3070 = %broadcast_in_dim3A_77, %scan3A_3071 = %broadcast_in_dim3A_79, %scan3A_3072 = %broadcast_in_dim3A_81, %scan3A_3073 = %broadcast_in_dim3A_83, %scan3A_3074 = %broadcast_in_dim3A_85, %scan3A_3075 = %broadcast_in_dim3A_87, %scan3A_3076 = %broadcast_in_dim3A_89, %scan3A_3077 = %broadcast_in_dim3A_91, %scan3A_3078 = %broadcast_in_dim3A_93, %scan3A_3079 = %broadcast_in_dim3A_95, %scan3A_3080 = %broadcast_in_dim3A_97, %scan3A_3081 = %broadcast_in_dim3A_99, %scan3A_3082 = %broadcast_in_dim3A_101, %scan3A_3083 = %broadcast_in_dim3A_103, %scan3A_3084 = %broadcast_in_dim3A_105, %scan3A_3085 = %broadcast_in_dim3A_75, %scan3A_3086 = %broadcast_in_dim3A_77, %scan3A_3087 = %broadcast_in_dim3A_79, %scan3A_3088 = %broadcast_in_dim3A_81, %scan3A_3089 = %broadcast_in_dim3A_83, %scan3A_3090 = %broadcast_in_dim3A_85, %scan3A_3091 = %broadcast_in_dim3A_87, %scan3A_3092 = %broadcast_in_dim3A_89, %scan3A_3093 = %broadcast_in_dim3A_91, %scan3A_3094 = %broadcast_in_dim3A_93, %scan3A_3095 = %broadcast_in_dim3A_95, %scan3A_3096 = %broadcast_in_dim3A_97, %scan3A_3097 = %broadcast_in_dim3A_99, %scan3A_3098 = %broadcast_in_dim3A_101, %scan3A_3099 = %broadcast_in_dim3A_103, %scan3A_3100 = %broadcast_in_dim3A_105) -> (vector<16xf32>, vector<16xf32>, vector<16xf32>, vector<16xf32>, vector<16xf32>, vector<16xf32>, vector<16xf32>, vector<16xf32>, vector<16xf32>, vector<16xf32>, vector<16xf32>, vector<16xf32>, vector<16xf32>, vector<16xf32>, vector<16xf32>, vector<16xf32>, vector<16xf32>, vector<16xf32>, vector<16xf32>, vector<16xf32>, vector<16xf32>, vector<16xf32>, vector<16xf32>, vector<16xf32>, vector<16xf32>, vector<16xf32>, vector<16xf32>, vector<16xf32>, vector<16xf32>, vector<16xf32>, vector<16xf32>, vector<16xf32>)  : i32 {
        %mul3A_3101 = arith.constant 16 : i32
        %mul3A_3102 = arith.muli %scan3A_3068, %mul3A_3101 : i32
        %get3A = arith.index_cast %mul3A_3102 : i32 to index
        %get3A_3103 = tpu.vector_load %arg7[%get3A] {strides = array<i32>} : memref<1152xf32, #tpu.memory_space<vmem>>, vector<16xf32>,
        %mul3A_3104 = arith.constant 16 : i32
        %mul3A_3105 = arith.muli %scan3A_3068, %mul3A_3104 : i32
        %get3A_3106 = arith.constant 0 : i32
        %get3A_3107 = arith.index_cast %get3A_3106 : i32 to index
        %get3A_3108 = arith.index_cast %mul3A_3105 : i32 to index
        %get3A_3109 = tpu.vector_load %arg8[%get3A_3107, %get3A_3108] {strides = array<i32>} : memref<16x1152xf32, #tpu.memory_space<vmem>>, vector<16xf32>,
        %mul3A_3110 = arith.mulf %get3A_3109, %get3A_3103 : vector<16xf32>
        %add3A_3111 = arith.addf %scan3A_3069, %mul3A_3110 : vector<16xf32>
        %mul3A_3112 = arith.mulf %get3A_3109, %get3A_3109 : vector<16xf32>
        %add3A_3113 = arith.addf %scan3A_3085, %mul3A_3112 : vector<16xf32>
        %mul3A_3114 = arith.constant 16 : i32
        %mul3A_3115 = arith.muli %scan3A_3068, %mul3A_3114 : i32
        %get3A_3116 = arith.constant 1 : i32
        %get3A_3117 = arith.index_cast %get3A_3116 : i32 to index
        %get3A_3118 = arith.index_cast %mul3A_3115 : i32 to index
        %get3A_3119 = tpu.vector_load %arg8[%get3A_3117, %get3A_3118] {strides = array<i32>} : memref<16x1152xf32, #tpu.memory_space<vmem>>, vector<16xf32>,
        %mul3A_3120 = arith.mulf %get3A_3119, %get3A_3103 : vector<16xf32>
        %add3A_3121 = arith.addf %scan3A_3070, %mul3A_3120 : vector<16xf32>
        %mul3A_3122 = arith.mulf %get3A_3119, %get3A_3119 : vector<16xf32>
        %add3A_3123 = arith.addf %scan3A_3086, %mul3A_3122 : vector<16xf32>
        %mul3A_3124 = arith.constant 16 : i32
        %mul3A_3125 = arith.muli %scan3A_3068, %mul3A_3124 : i32
        %get3A_3126 = arith.constant 2 : i32
        %get3A_3127 = arith.index_cast %get3A_3126 : i32 to index
        %get3A_3128 = arith.index_cast %mul3A_3125 : i32 to index
        %get3A_3129 = tpu.vector_load %arg8[%get3A_3127, %get3A_3128] {strides = array<i32>} : memref<16x1152xf32, #tpu.memory_space<vmem>>, vector<16xf32>,
        %mul3A_3130 = arith.mulf %get3A_3129, %get3A_3103 : vector<16xf32>
        %add3A_3131 = arith.addf %scan3A_3071, %mul3A_3130 : vector<16xf32>
        %mul3A_3132 = arith.mulf %get3A_3129, %get3A_3129 : vector<16xf32>
        %add3A_3133 = arith.addf %scan3A_3087, %mul3A_3132 : vector<16xf32>
        %mul3A_3134 = arith.constant 16 : i32
        %mul3A_3135 = arith.muli %scan3A_3068, %mul3A_3134 : i32
        %get3A_3136 = arith.constant 3 : i32
        %get3A_3137 = arith.index_cast %get3A_3136 : i32 to index
        %get3A_3138 = arith.index_cast %mul3A_3135 : i32 to index
        %get3A_3139 = tpu.vector_load %arg8[%get3A_3137, %get3A_3138] {strides = array<i32>} : memref<16x1152xf32, #tpu.memory_space<vmem>>, vector<16xf32>,
        %mul3A_3140 = arith.mulf %get3A_3139, %get3A_3103 : vector<16xf32>
        %add3A_3141 = arith.addf %scan3A_3072, %mul3A_3140 : vector<16xf32>
        %mul3A_3142 = arith.mulf %get3A_3139, %get3A_3139 : vector<16xf32>
        %add3A_3143 = arith.addf %scan3A_3088, %mul3A_3142 : vector<16xf32>
        %mul3A_3144 = arith.constant 16 : i32
        %mul3A_3145 = arith.muli %scan3A_3068, %mul3A_3144 : i32
        %get3A_3146 = arith.constant 4 : i32
        %get3A_3147 = arith.index_cast %get3A_3146 : i32 to index
        %get3A_3148 = arith.index_cast %mul3A_3145 : i32 to index
        %get3A_3149 = tpu.vector_load %arg8[%get3A_3147, %get3A_3148] {strides = array<i32>} : memref<16x1152xf32, #tpu.memory_space<vmem>>, vector<16xf32>,
        %mul3A_3150 = arith.mulf %get3A_3149, %get3A_3103 : vector<16xf32>
        %add3A_3151 = arith.addf %scan3A_3073, %mul3A_3150 : vector<16xf32>
        %mul3A_3152 = arith.mulf %get3A_3149, %get3A_3149 : vector<16xf32>
        %add3A_3153 = arith.addf %scan3A_3089, %mul3A_3152 : vector<16xf32>
        %mul3A_3154 = arith.constant 16 : i32
        %mul3A_3155 = arith.muli %scan3A_3068, %mul3A_3154 : i32
        %get3A_3156 = arith.constant 5 : i32
        %get3A_3157 = arith.index_cast %get3A_3156 : i32 to index
        %get3A_3158 = arith.index_cast %mul3A_3155 : i32 to index
        %get3A_3159 = tpu.vector_load %arg8[%get3A_3157, %get3A_3158] {strides = array<i32>} : memref<16x1152xf32, #tpu.memory_space<vmem>>, vector<16xf32>,
        %mul3A_3160 = arith.mulf %get3A_3159, %get3A_3103 : vector<16xf32>
        %add3A_3161 = arith.addf %scan3A_3074, %mul3A_3160 : vector<16xf32>
        %mul3A_3162 = arith.mulf %get3A_3159, %get3A_3159 : vector<16xf32>
        %add3A_3163 = arith.addf %scan3A_3090, %mul3A_3162 : vector<16xf32>
        %mul3A_3164 = arith.constant 16 : i32
        %mul3A_3165 = arith.muli %scan3A_3068, %mul3A_3164 : i32
        %get3A_3166 = arith.constant 6 : i32
        %get3A_3167 = arith.index_cast %get3A_3166 : i32 to index
        %get3A_3168 = arith.index_cast %mul3A_3165 : i32 to index
        %get3A_3169 = tpu.vector_load %arg8[%get3A_3167, %get3A_3168] {strides = array<i32>} : memref<16x1152xf32, #tpu.memory_space<vmem>>, vector<16xf32>,
        %mul3A_3170 = arith.mulf %get3A_3169, %get3A_3103 : vector<16xf32>
        %add3A_3171 = arith.addf %scan3A_3075, %mul3A_3170 : vector<16xf32>
        %mul3A_3172 = arith.mulf %get3A_3169, %get3A_3169 : vector<16xf32>
        %add3A_3173 = arith.addf %scan3A_3091, %mul3A_3172 : vector<16xf32>
        %mul3A_3174 = arith.constant 16 : i32
        %mul3A_3175 = arith.muli %scan3A_3068, %mul3A_3174 : i32
        %get3A_3176 = arith.constant 7 : i32
        %get3A_3177 = arith.index_cast %get3A_3176 : i32 to index
        %get3A_3178 = arith.index_cast %mul3A_3175 : i32 to index
        %get3A_3179 = tpu.vector_load %arg8[%get3A_3177, %get3A_3178] {strides = array<i32>} : memref<16x1152xf32, #tpu.memory_space<vmem>>, vector<16xf32>,
        %mul3A_3180 = arith.mulf %get3A_3179, %get3A_3103 : vector<16xf32>
        %add3A_3181 = arith.addf %scan3A_3076, %mul3A_3180 : vector<16xf32>
        %mul3A_3182 = arith.mulf %get3A_3179, %get3A_3179 : vector<16xf32>
        %add3A_3183 = arith.addf %scan3A_3092, %mul3A_3182 : vector<16xf32>
        %mul3A_3184 = arith.constant 16 : i32
        %mul3A_3185 = arith.muli %scan3A_3068, %mul3A_3184 : i32
        %get3A_3186 = arith.constant 8 : i32
        %get3A_3187 = arith.index_cast %get3A_3186 : i32 to index
        %get3A_3188 = arith.index_cast %mul3A_3185 : i32 to index
        %get3A_3189 = tpu.vector_load %arg8[%get3A_3187, %get3A_3188] {strides = array<i32>} : memref<16x1152xf32, #tpu.memory_space<vmem>>, vector<16xf32>,
        %mul3A_3190 = arith.mulf %get3A_3189, %get3A_3103 : vector<16xf32>
        %add3A_3191 = arith.addf %scan3A_3077, %mul3A_3190 : vector<16xf32>
        %mul3A_3192 = arith.mulf %get3A_3189, %get3A_3189 : vector<16xf32>
        %add3A_3193 = arith.addf %scan3A_3093, %mul3A_3192 : vector<16xf32>
        %mul3A_3194 = arith.constant 16 : i32
        %mul3A_3195 = arith.muli %scan3A_3068, %mul3A_3194 : i32
        %get3A_3196 = arith.constant 9 : i32
        %get3A_3197 = arith.index_cast %get3A_3196 : i32 to index
        %get3A_3198 = arith.index_cast %mul3A_3195 : i32 to index
        %get3A_3199 = tpu.vector_load %arg8[%get3A_3197, %get3A_3198] {strides = array<i32>} : memref<16x1152xf32, #tpu.memory_space<vmem>>, vector<16xf32>,
        %mul3A_3200 = arith.mulf %get3A_3199, %get3A_3103 : vector<16xf32>
        %add3A_3201 = arith.addf %scan3A_3078, %mul3A_3200 : vector<16xf32>
        %mul3A_3202 = arith.mulf %get3A_3199, %get3A_3199 : vector<16xf32>
        %add3A_3203 = arith.addf %scan3A_3094, %mul3A_3202 : vector<16xf32>
        %mul3A_3204 = arith.constant 16 : i32
        %mul3A_3205 = arith.muli %scan3A_3068, %mul3A_3204 : i32
        %get3A_3206 = arith.constant 10 : i32
        %get3A_3207 = arith.index_cast %get3A_3206 : i32 to index
        %get3A_3208 = arith.index_cast %mul3A_3205 : i32 to index
        %get3A_3209 = tpu.vector_load %arg8[%get3A_3207, %get3A_3208] {strides = array<i32>} : memref<16x1152xf32, #tpu.memory_space<vmem>>, vector<16xf32>,
        %mul3A_3210 = arith.mulf %get3A_3209, %get3A_3103 : vector<16xf32>
        %add3A_3211 = arith.addf %scan3A_3079, %mul3A_3210 : vector<16xf32>
        %mul3A_3212 = arith.mulf %get3A_3209, %get3A_3209 : vector<16xf32>
        %add3A_3213 = arith.addf %scan3A_3095, %mul3A_3212 : vector<16xf32>
        %mul3A_3214 = arith.constant 16 : i32
        %mul3A_3215 = arith.muli %scan3A_3068, %mul3A_3214 : i32
        %get3A_3216 = arith.constant 11 : i32
        %get3A_3217 = arith.index_cast %get3A_3216 : i32 to index
        %get3A_3218 = arith.index_cast %mul3A_3215 : i32 to index
        %get3A_3219 = tpu.vector_load %arg8[%get3A_3217, %get3A_3218] {strides = array<i32>} : memref<16x1152xf32, #tpu.memory_space<vmem>>, vector<16xf32>,
        %mul3A_3220 = arith.mulf %get3A_3219, %get3A_3103 : vector<16xf32>
        %add3A_3221 = arith.addf %scan3A_3080, %mul3A_3220 : vector<16xf32>
        %mul3A_3222 = arith.mulf %get3A_3219, %get3A_3219 : vector<16xf32>
        %add3A_3223 = arith.addf %scan3A_3096, %mul3A_3222 : vector<16xf32>
        %mul3A_3224 = arith.constant 16 : i32
        %mul3A_3225 = arith.muli %scan3A_3068, %mul3A_3224 : i32
        %get3A_3226 = arith.constant 12 : i32
        %get3A_3227 = arith.index_cast %get3A_3226 : i32 to index
        %get3A_3228 = arith.index_cast %mul3A_3225 : i32 to index
        %get3A_3229 = tpu.vector_load %arg8[%get3A_3227, %get3A_3228] {strides = array<i32>} : memref<16x1152xf32, #tpu.memory_space<vmem>>, vector<16xf32>,
        %mul3A_3230 = arith.mulf %get3A_3229, %get3A_3103 : vector<16xf32>
        %add3A_3231 = arith.addf %scan3A_3081, %mul3A_3230 : vector<16xf32>
        %mul3A_3232 = arith.mulf %get3A_3229, %get3A_3229 : vector<16xf32>
        %add3A_3233 = arith.addf %scan3A_3097, %mul3A_3232 : vector<16xf32>
        %mul3A_3234 = arith.constant 16 : i32
        %mul3A_3235 = arith.muli %scan3A_3068, %mul3A_3234 : i32
        %get3A_3236 = arith.constant 13 : i32
        %get3A_3237 = arith.index_cast %get3A_3236 : i32 to index
        %get3A_3238 = arith.index_cast %mul3A_3235 : i32 to index
        %get3A_3239 = tpu.vector_load %arg8[%get3A_3237, %get3A_3238] {strides = array<i32>} : memref<16x1152xf32, #tpu.memory_space<vmem>>, vector<16xf32>,
        %mul3A_3240 = arith.mulf %get3A_3239, %get3A_3103 : vector<16xf32>
        %add3A_3241 = arith.addf %scan3A_3082, %mul3A_3240 : vector<16xf32>
        %mul3A_3242 = arith.mulf %get3A_3239, %get3A_3239 : vector<16xf32>
        %add3A_3243 = arith.addf %scan3A_3098, %mul3A_3242 : vector<16xf32>
        %mul3A_3244 = arith.constant 16 : i32
        %mul3A_3245 = arith.muli %scan3A_3068, %mul3A_3244 : i32
        %get3A_3246 = arith.constant 14 : i32
        %get3A_3247 = arith.index_cast %get3A_3246 : i32 to index
        %get3A_3248 = arith.index_cast %mul3A_3245 : i32 to index
        %get3A_3249 = tpu.vector_load %arg8[%get3A_3247, %get3A_3248] {strides = array<i32>} : memref<16x1152xf32, #tpu.memory_space<vmem>>, vector<16xf32>,
        %mul3A_3250 = arith.mulf %get3A_3249, %get3A_3103 : vector<16xf32>
        %add3A_3251 = arith.addf %scan3A_3083, %mul3A_3250 : vector<16xf32>
        %mul3A_3252 = arith.mulf %get3A_3249, %get3A_3249 : vector<16xf32>
        %add3A_3253 = arith.addf %scan3A_3099, %mul3A_3252 : vector<16xf32>
        %mul3A_3254 = arith.constant 16 : i32
        %mul3A_3255 = arith.muli %scan3A_3068, %mul3A_3254 : i32
        %get3A_3256 = arith.constant 15 : i32
        %get3A_3257 = arith.index_cast %get3A_3256 : i32 to index
        %get3A_3258 = arith.index_cast %mul3A_3255 : i32 to index
        %get3A_3259 = tpu.vector_load %arg8[%get3A_3257, %get3A_3258] {strides = array<i32>} : memref<16x1152xf32, #tpu.memory_space<vmem>>, vector<16xf32>,
        %mul3A_3260 = arith.mulf %get3A_3259, %get3A_3103 : vector<16xf32>
        %add3A_3261 = arith.addf %scan3A_3084, %mul3A_3260 : vector<16xf32>
        %mul3A_3262 = arith.mulf %get3A_3259, %get3A_3259 : vector<16xf32>
        %add3A_3263 = arith.addf %scan3A_3100, %mul3A_3262 : vector<16xf32>
        scf.yield %add3A_3111, %add3A_3121, %add3A_3131, %add3A_3141, %add3A_3151, %add3A_3161, %add3A_3171, %add3A_3181, %add3A_3191, %add3A_3201, %add3A_3211, %add3A_3221, %add3A_3231, %add3A_3241, %add3A_3251, %add3A_3261, %add3A_3113, %add3A_3123, %add3A_3133, %add3A_3143, %add3A_3153, %add3A_3163, %add3A_3173, %add3A_3183, %add3A_3193, %add3A_3203, %add3A_3213, %add3A_3223, %add3A_3233, %add3A_3243, %add3A_3253, %add3A_3263 : vector<16xf32>, vector<16xf32>, vector<16xf32>, vector<16xf32>, vector<16xf32>, vector<16xf32>, vector<16xf32>, vector<16xf32>, vector<16xf32>, vector<16xf32>, vector<16xf32>, vector<16xf32>, vector<16xf32>, vector<16xf32>, vector<16xf32>, vector<16xf32>, vector<16xf32>, vector<16xf32>, vector<16xf32>, vector<16xf32>, vector<16xf32>, vector<16xf32>, vector<16xf32>, vector<16xf32>, vector<16xf32>, vector<16xf32>, vector<16xf32>, vector<16xf32>, vector<16xf32>, vector<16xf32>, vector<16xf32>, vector<16xf32>
      }
      %scan3A_111 = arith.constant 72 : i32
      %reduce_sum3A = arith.constant true
      %reduce_sum3A_112 = vector.broadcast %reduce_sum3A : i1 to vector<16xi1>
      %reduce_sum3A_113 = tpu.scan <sum>, %scan3A_110#0 masked %reduce_sum3A_112 : vector<16xf32>, vector<16xi1> -> vector<16xf32>
      %reduce_sum3A_114 = vector.extract %reduce_sum3A_113[15] : f32 from vector<16xf32>
      %reduce_sum3A_115 = arith.constant true
      %reduce_sum3A_116 = vector.broadcast %reduce_sum3A_115 : i1 to vector<16xi1>
      %reduce_sum3A_117 = tpu.scan <sum>, %scan3A_110#16 masked %reduce_sum3A_116 : vector<16xf32>, vector<16xi1> -> vector<16xf32>
      %reduce_sum3A_118 = vector.extract %reduce_sum3A_117[15] : f32 from vector<16xf32>
      %bitcast_convert_type3A = arith.bitcast %reduce_sum3A_118 : f32 to i32
      %shift_right_logical3A = arith.constant 1 : i32
      %shift_right_logical3A_119 = arith.shrui %bitcast_convert_type3A, %shift_right_logical3A : i32
      %sub3A = arith.constant 1597463007 : i32
      %sub3A_120 = arith.subi %sub3A, %shift_right_logical3A_119 : i32
      %bitcast_convert_type3A_121 = arith.bitcast %sub3A_120 : i32 to f32
      %mul3A_122 = arith.constant 5.000000e-01 : f32
      %mul3A_123 = arith.mulf %mul3A_122, %reduce_sum3A_118 : f32
      %mul3A_124 = arith.mulf %mul3A_123, %bitcast_convert_type3A_121 : f32
      %mul3A_125 = arith.mulf %mul3A_124, %bitcast_convert_type3A_121 : f32
      %sub3A_126 = arith.constant 1.500000e+00 : f32
      %sub3A_127 = arith.subf %sub3A_126, %mul3A_125 : f32
      %mul3A_128 = arith.mulf %bitcast_convert_type3A_121, %sub3A_127 : f32
      %mul3A_129 = arith.constant 5.000000e-01 : f32
      %mul3A_130 = arith.mulf %mul3A_129, %reduce_sum3A_118 : f32
      %mul3A_131 = arith.mulf %mul3A_130, %mul3A_128 : f32
      %mul3A_132 = arith.mulf %mul3A_131, %mul3A_128 : f32
      %sub3A_133 = arith.constant 1.500000e+00 : f32
      %sub3A_134 = arith.subf %sub3A_133, %mul3A_132 : f32
      %mul3A_135 = arith.mulf %mul3A_128, %sub3A_134 : f32
      %mul3A_136 = arith.constant 5.000000e-01 : f32
      %mul3A_137 = arith.mulf %mul3A_136, %reduce_sum3A_118 : f32
      %mul3A_138 = arith.mulf %mul3A_137, %mul3A_135 : f32
      %mul3A_139 = arith.mulf %mul3A_138, %mul3A_135 : f32
      %sub3A_140 = arith.constant 1.500000e+00 : f32
      %sub3A_141 = arith.subf %sub3A_140, %mul3A_139 : f32
      %mul3A_142 = arith.mulf %mul3A_135, %sub3A_141 : f32
      %mul3A_143 = arith.mulf %reduce_sum3A_114, %mul3A_142 : f32
      %add3A_144 = arith.constant 0 : i32
      %add3A_145 = arith.addi %add3A_73, %add3A_144 : i32
      %add3A_146 = arith.constant 0 : i32
      %add3A_147 = arith.addi %add3A_145, %add3A_146 : i32
      %gt3A = arith.cmpf ogt, %mul3A_143, %scan3A_58 : f32
      %select_n3A_148 = arith.select %gt3A, %mul3A_143, %scan3A_58 : f32
      %select_n3A_149 = arith.select %gt3A, %add3A_147, %scan3A_59 : i32
      %reduce_sum3A_150 = arith.constant true
      %reduce_sum3A_151 = vector.broadcast %reduce_sum3A_150 : i1 to vector<16xi1>
      %reduce_sum3A_152 = tpu.scan <sum>, %scan3A_110#1 masked %reduce_sum3A_151 : vector<16xf32>, vector<16xi1> -> vector<16xf32>
      %reduce_sum3A_153 = vector.extract %reduce_sum3A_152[15] : f32 from vector<16xf32>
      %reduce_sum3A_154 = arith.constant true
      %reduce_sum3A_155 = vector.broadcast %reduce_sum3A_154 : i1 to vector<16xi1>
      %reduce_sum3A_156 = tpu.scan <sum>, %scan3A_110#17 masked %reduce_sum3A_155 : vector<16xf32>, vector<16xi1> -> vector<16xf32>
      %reduce_sum3A_157 = vector.extract %reduce_sum3A_156[15] : f32 from vector<16xf32>
      %bitcast_convert_type3A_158 = arith.bitcast %reduce_sum3A_157 : f32 to i32
      %shift_right_logical3A_159 = arith.constant 1 : i32
      %shift_right_logical3A_160 = arith.shrui %bitcast_convert_type3A_158, %shift_right_logical3A_159 : i32
      %sub3A_161 = arith.constant 1597463007 : i32
      %sub3A_162 = arith.subi %sub3A_161, %shift_right_logical3A_160 : i32
      %bitcast_convert_type3A_163 = arith.bitcast %sub3A_162 : i32 to f32
      %mul3A_164 = arith.constant 5.000000e-01 : f32
      %mul3A_165 = arith.mulf %mul3A_164, %reduce_sum3A_157 : f32
      %mul3A_166 = arith.mulf %mul3A_165, %bitcast_convert_type3A_163 : f32
      %mul3A_167 = arith.mulf %mul3A_166, %bitcast_convert_type3A_163 : f32
      %sub3A_168 = arith.constant 1.500000e+00 : f32
      %sub3A_169 = arith.subf %sub3A_168, %mul3A_167 : f32
      %mul3A_170 = arith.mulf %bitcast_convert_type3A_163, %sub3A_169 : f32
      %mul3A_171 = arith.constant 5.000000e-01 : f32
      %mul3A_172 = arith.mulf %mul3A_171, %reduce_sum3A_157 : f32
      %mul3A_173 = arith.mulf %mul3A_172, %mul3A_170 : f32
      %mul3A_174 = arith.mulf %mul3A_173, %mul3A_170 : f32
      %sub3A_175 = arith.constant 1.500000e+00 : f32
      %sub3A_176 = arith.subf %sub3A_175, %mul3A_174 : f32
      %mul3A_177 = arith.mulf %mul3A_170, %sub3A_176 : f32
      %mul3A_178 = arith.constant 5.000000e-01 : f32
      %mul3A_179 = arith.mulf %mul3A_178, %reduce_sum3A_157 : f32
      %mul3A_180 = arith.mulf %mul3A_179, %mul3A_177 : f32
      %mul3A_181 = arith.mulf %mul3A_180, %mul3A_177 : f32
      %sub3A_182 = arith.constant 1.500000e+00 : f32
      %sub3A_183 = arith.subf %sub3A_182, %mul3A_181 : f32
      %mul3A_184 = arith.mulf %mul3A_177, %sub3A_183 : f32
      %mul3A_185 = arith.mulf %reduce_sum3A_153, %mul3A_184 : f32
      %add3A_186 = arith.constant 0 : i32
      %add3A_187 = arith.addi %add3A_73, %add3A_186 : i32
      %add3A_188 = arith.constant 1 : i32
      %add3A_189 = arith.addi %add3A_187, %add3A_188 : i32
      %gt3A_190 = arith.cmpf ogt, %mul3A_185, %select_n3A_148 : f32
      %select_n3A_191 = arith.select %gt3A_190, %mul3A_185, %select_n3A_148 : f32
      %select_n3A_192 = arith.select %gt3A_190, %add3A_189, %select_n3A_149 : i32
      %reduce_sum3A_193 = arith.constant true
      %reduce_sum3A_194 = vector.broadcast %reduce_sum3A_193 : i1 to vector<16xi1>
      %reduce_sum3A_195 = tpu.scan <sum>, %scan3A_110#2 masked %reduce_sum3A_194 : vector<16xf32>, vector<16xi1> -> vector<16xf32>
      %reduce_sum3A_196 = vector.extract %reduce_sum3A_195[15] : f32 from vector<16xf32>
      %reduce_sum3A_197 = arith.constant true
      %reduce_sum3A_198 = vector.broadcast %reduce_sum3A_197 : i1 to vector<16xi1>
      %reduce_sum3A_199 = tpu.scan <sum>, %scan3A_110#18 masked %reduce_sum3A_198 : vector<16xf32>, vector<16xi1> -> vector<16xf32>
      %reduce_sum3A_200 = vector.extract %reduce_sum3A_199[15] : f32 from vector<16xf32>
      %bitcast_convert_type3A_201 = arith.bitcast %reduce_sum3A_200 : f32 to i32
      %shift_right_logical3A_202 = arith.constant 1 : i32
      %shift_right_logical3A_203 = arith.shrui %bitcast_convert_type3A_201, %shift_right_logical3A_202 : i32
      %sub3A_204 = arith.constant 1597463007 : i32
      %sub3A_205 = arith.subi %sub3A_204, %shift_right_logical3A_203 : i32
      %bitcast_convert_type3A_206 = arith.bitcast %sub3A_205 : i32 to f32
      %mul3A_207 = arith.constant 5.000000e-01 : f32
      %mul3A_208 = arith.mulf %mul3A_207, %reduce_sum3A_200 : f32
      %mul3A_209 = arith.mulf %mul3A_208, %bitcast_convert_type3A_206 : f32
      %mul3A_210 = arith.mulf %mul3A_209, %bitcast_convert_type3A_206 : f32
      %sub3A_211 = arith.constant 1.500000e+00 : f32
      %sub3A_212 = arith.subf %sub3A_211, %mul3A_210 : f32
      %mul3A_213 = arith.mulf %bitcast_convert_type3A_206, %sub3A_212 : f32
      %mul3A_214 = arith.constant 5.000000e-01 : f32
      %mul3A_215 = arith.mulf %mul3A_214, %reduce_sum3A_200 : f32
      %mul3A_216 = arith.mulf %mul3A_215, %mul3A_213 : f32
      %mul3A_217 = arith.mulf %mul3A_216, %mul3A_213 : f32
      %sub3A_218 = arith.constant 1.500000e+00 : f32
      %sub3A_219 = arith.subf %sub3A_218, %mul3A_217 : f32
      %mul3A_220 = arith.mulf %mul3A_213, %sub3A_219 : f32
      %mul3A_221 = arith.constant 5.000000e-01 : f32
      %mul3A_222 = arith.mulf %mul3A_221, %reduce_sum3A_200 : f32
      %mul3A_223 = arith.mulf %mul3A_222, %mul3A_220 : f32
      %mul3A_224 = arith.mulf %mul3A_223, %mul3A_220 : f32
      %sub3A_225 = arith.constant 1.500000e+00 : f32
      %sub3A_226 = arith.subf %sub3A_225, %mul3A_224 : f32
      %mul3A_227 = arith.mulf %mul3A_220, %sub3A_226 : f32
      %mul3A_228 = arith.mulf %reduce_sum3A_196, %mul3A_227 : f32
      %add3A_229 = arith.constant 0 : i32
      %add3A_230 = arith.addi %add3A_73, %add3A_229 : i32
      %add3A_231 = arith.constant 2 : i32
      %add3A_232 = arith.addi %add3A_230, %add3A_231 : i32
      %gt3A_233 = arith.cmpf ogt, %mul3A_228, %select_n3A_191 : f32
      %select_n3A_234 = arith.select %gt3A_233, %mul3A_228, %select_n3A_191 : f32
      %select_n3A_235 = arith.select %gt3A_233, %add3A_232, %select_n3A_192 : i32
      %reduce_sum3A_236 = arith.constant true
      %reduce_sum3A_237 = vector.broadcast %reduce_sum3A_236 : i1 to vector<16xi1>
      %reduce_sum3A_238 = tpu.scan <sum>, %scan3A_110#3 masked %reduce_sum3A_237 : vector<16xf32>, vector<16xi1> -> vector<16xf32>
      %reduce_sum3A_239 = vector.extract %reduce_sum3A_238[15] : f32 from vector<16xf32>
      %reduce_sum3A_240 = arith.constant true
      %reduce_sum3A_241 = vector.broadcast %reduce_sum3A_240 : i1 to vector<16xi1>
      %reduce_sum3A_242 = tpu.scan <sum>, %scan3A_110#19 masked %reduce_sum3A_241 : vector<16xf32>, vector<16xi1> -> vector<16xf32>
      %reduce_sum3A_243 = vector.extract %reduce_sum3A_242[15] : f32 from vector<16xf32>
      %bitcast_convert_type3A_244 = arith.bitcast %reduce_sum3A_243 : f32 to i32
      %shift_right_logical3A_245 = arith.constant 1 : i32
      %shift_right_logical3A_246 = arith.shrui %bitcast_convert_type3A_244, %shift_right_logical3A_245 : i32
      %sub3A_247 = arith.constant 1597463007 : i32
      %sub3A_248 = arith.subi %sub3A_247, %shift_right_logical3A_246 : i32
      %bitcast_convert_type3A_249 = arith.bitcast %sub3A_248 : i32 to f32
      %mul3A_250 = arith.constant 5.000000e-01 : f32
      %mul3A_251 = arith.mulf %mul3A_250, %reduce_sum3A_243 : f32
      %mul3A_252 = arith.mulf %mul3A_251, %bitcast_convert_type3A_249 : f32
      %mul3A_253 = arith.mulf %mul3A_252, %bitcast_convert_type3A_249 : f32
      %sub3A_254 = arith.constant 1.500000e+00 : f32
      %sub3A_255 = arith.subf %sub3A_254, %mul3A_253 : f32
      %mul3A_256 = arith.mulf %bitcast_convert_type3A_249, %sub3A_255 : f32
      %mul3A_257 = arith.constant 5.000000e-01 : f32
      %mul3A_258 = arith.mulf %mul3A_257, %reduce_sum3A_243 : f32
      %mul3A_259 = arith.mulf %mul3A_258, %mul3A_256 : f32
      %mul3A_260 = arith.mulf %mul3A_259, %mul3A_256 : f32
      %sub3A_261 = arith.constant 1.500000e+00 : f32
      %sub3A_262 = arith.subf %sub3A_261, %mul3A_260 : f32
      %mul3A_263 = arith.mulf %mul3A_256, %sub3A_262 : f32
      %mul3A_264 = arith.constant 5.000000e-01 : f32
      %mul3A_265 = arith.mulf %mul3A_264, %reduce_sum3A_243 : f32
      %mul3A_266 = arith.mulf %mul3A_265, %mul3A_263 : f32
      %mul3A_267 = arith.mulf %mul3A_266, %mul3A_263 : f32
      %sub3A_268 = arith.constant 1.500000e+00 : f32
      %sub3A_269 = arith.subf %sub3A_268, %mul3A_267 : f32
      %mul3A_270 = arith.mulf %mul3A_263, %sub3A_269 : f32
      %mul3A_271 = arith.mulf %reduce_sum3A_239, %mul3A_270 : f32
      %add3A_272 = arith.constant 0 : i32
      %add3A_273 = arith.addi %add3A_73, %add3A_272 : i32
      %add3A_274 = arith.constant 3 : i32
      %add3A_275 = arith.addi %add3A_273, %add3A_274 : i32
      %gt3A_276 = arith.cmpf ogt, %mul3A_271, %select_n3A_234 : f32
      %select_n3A_277 = arith.select %gt3A_276, %mul3A_271, %select_n3A_234 : f32
      %select_n3A_278 = arith.select %gt3A_276, %add3A_275, %select_n3A_235 : i32
      %reduce_sum3A_279 = arith.constant true
      %reduce_sum3A_280 = vector.broadcast %reduce_sum3A_279 : i1 to vector<16xi1>
      %reduce_sum3A_281 = tpu.scan <sum>, %scan3A_110#4 masked %reduce_sum3A_280 : vector<16xf32>, vector<16xi1> -> vector<16xf32>
      %reduce_sum3A_282 = vector.extract %reduce_sum3A_281[15] : f32 from vector<16xf32>
      %reduce_sum3A_283 = arith.constant true
      %reduce_sum3A_284 = vector.broadcast %reduce_sum3A_283 : i1 to vector<16xi1>
      %reduce_sum3A_285 = tpu.scan <sum>, %scan3A_110#20 masked %reduce_sum3A_284 : vector<16xf32>, vector<16xi1> -> vector<16xf32>
      %reduce_sum3A_286 = vector.extract %reduce_sum3A_285[15] : f32 from vector<16xf32>
      %bitcast_convert_type3A_287 = arith.bitcast %reduce_sum3A_286 : f32 to i32
      %shift_right_logical3A_288 = arith.constant 1 : i32
      %shift_right_logical3A_289 = arith.shrui %bitcast_convert_type3A_287, %shift_right_logical3A_288 : i32
      %sub3A_290 = arith.constant 1597463007 : i32
      %sub3A_291 = arith.subi %sub3A_290, %shift_right_logical3A_289 : i32
      %bitcast_convert_type3A_292 = arith.bitcast %sub3A_291 : i32 to f32
      %mul3A_293 = arith.constant 5.000000e-01 : f32
      %mul3A_294 = arith.mulf %mul3A_293, %reduce_sum3A_286 : f32
      %mul3A_295 = arith.mulf %mul3A_294, %bitcast_convert_type3A_292 : f32
      %mul3A_296 = arith.mulf %mul3A_295, %bitcast_convert_type3A_292 : f32
      %sub3A_297 = arith.constant 1.500000e+00 : f32
      %sub3A_298 = arith.subf %sub3A_297, %mul3A_296 : f32
      %mul3A_299 = arith.mulf %bitcast_convert_type3A_292, %sub3A_298 : f32
      %mul3A_300 = arith.constant 5.000000e-01 : f32
      %mul3A_301 = arith.mulf %mul3A_300, %reduce_sum3A_286 : f32
      %mul3A_302 = arith.mulf %mul3A_301, %mul3A_299 : f32
      %mul3A_303 = arith.mulf %mul3A_302, %mul3A_299 : f32
      %sub3A_304 = arith.constant 1.500000e+00 : f32
      %sub3A_305 = arith.subf %sub3A_304, %mul3A_303 : f32
      %mul3A_306 = arith.mulf %mul3A_299, %sub3A_305 : f32
      %mul3A_307 = arith.constant 5.000000e-01 : f32
      %mul3A_308 = arith.mulf %mul3A_307, %reduce_sum3A_286 : f32
      %mul3A_309 = arith.mulf %mul3A_308, %mul3A_306 : f32
      %mul3A_310 = arith.mulf %mul3A_309, %mul3A_306 : f32
      %sub3A_311 = arith.constant 1.500000e+00 : f32
      %sub3A_312 = arith.subf %sub3A_311, %mul3A_310 : f32
      %mul3A_313 = arith.mulf %mul3A_306, %sub3A_312 : f32
      %mul3A_314 = arith.mulf %reduce_sum3A_282, %mul3A_313 : f32
      %add3A_315 = arith.constant 0 : i32
      %add3A_316 = arith.addi %add3A_73, %add3A_315 : i32
      %add3A_317 = arith.constant 4 : i32
      %add3A_318 = arith.addi %add3A_316, %add3A_317 : i32
      %gt3A_319 = arith.cmpf ogt, %mul3A_314, %select_n3A_277 : f32
      %select_n3A_320 = arith.select %gt3A_319, %mul3A_314, %select_n3A_277 : f32
      %select_n3A_321 = arith.select %gt3A_319, %add3A_318, %select_n3A_278 : i32
      %reduce_sum3A_322 = arith.constant true
      %reduce_sum3A_323 = vector.broadcast %reduce_sum3A_322 : i1 to vector<16xi1>
      %reduce_sum3A_324 = tpu.scan <sum>, %scan3A_110#5 masked %reduce_sum3A_323 : vector<16xf32>, vector<16xi1> -> vector<16xf32>
      %reduce_sum3A_325 = vector.extract %reduce_sum3A_324[15] : f32 from vector<16xf32>
      %reduce_sum3A_326 = arith.constant true
      %reduce_sum3A_327 = vector.broadcast %reduce_sum3A_326 : i1 to vector<16xi1>
      %reduce_sum3A_328 = tpu.scan <sum>, %scan3A_110#21 masked %reduce_sum3A_327 : vector<16xf32>, vector<16xi1> -> vector<16xf32>
      %reduce_sum3A_329 = vector.extract %reduce_sum3A_328[15] : f32 from vector<16xf32>
      %bitcast_convert_type3A_330 = arith.bitcast %reduce_sum3A_329 : f32 to i32
      %shift_right_logical3A_331 = arith.constant 1 : i32
      %shift_right_logical3A_332 = arith.shrui %bitcast_convert_type3A_330, %shift_right_logical3A_331 : i32
      %sub3A_333 = arith.constant 1597463007 : i32
      %sub3A_334 = arith.subi %sub3A_333, %shift_right_logical3A_332 : i32
      %bitcast_convert_type3A_335 = arith.bitcast %sub3A_334 : i32 to f32
      %mul3A_336 = arith.constant 5.000000e-01 : f32
      %mul3A_337 = arith.mulf %mul3A_336, %reduce_sum3A_329 : f32
      %mul3A_338 = arith.mulf %mul3A_337, %bitcast_convert_type3A_335 : f32
      %mul3A_339 = arith.mulf %mul3A_338, %bitcast_convert_type3A_335 : f32
      %sub3A_340 = arith.constant 1.500000e+00 : f32
      %sub3A_341 = arith.subf %sub3A_340, %mul3A_339 : f32
      %mul3A_342 = arith.mulf %bitcast_convert_type3A_335, %sub3A_341 : f32
      %mul3A_343 = arith.constant 5.000000e-01 : f32
      %mul3A_344 = arith.mulf %mul3A_343, %reduce_sum3A_329 : f32
      %mul3A_345 = arith.mulf %mul3A_344, %mul3A_342 : f32
      %mul3A_346 = arith.mulf %mul3A_345, %mul3A_342 : f32
      %sub3A_347 = arith.constant 1.500000e+00 : f32
      %sub3A_348 = arith.subf %sub3A_347, %mul3A_346 : f32
      %mul3A_349 = arith.mulf %mul3A_342, %sub3A_348 : f32
      %mul3A_350 = arith.constant 5.000000e-01 : f32
      %mul3A_351 = arith.mulf %mul3A_350, %reduce_sum3A_329 : f32
      %mul3A_352 = arith.mulf %mul3A_351, %mul3A_349 : f32
      %mul3A_353 = arith.mulf %mul3A_352, %mul3A_349 : f32
      %sub3A_354 = arith.constant 1.500000e+00 : f32
      %sub3A_355 = arith.subf %sub3A_354, %mul3A_353 : f32
      %mul3A_356 = arith.mulf %mul3A_349, %sub3A_355 : f32
      %mul3A_357 = arith.mulf %reduce_sum3A_325, %mul3A_356 : f32
      %add3A_358 = arith.constant 0 : i32
      %add3A_359 = arith.addi %add3A_73, %add3A_358 : i32
      %add3A_360 = arith.constant 5 : i32
      %add3A_361 = arith.addi %add3A_359, %add3A_360 : i32
      %gt3A_362 = arith.cmpf ogt, %mul3A_357, %select_n3A_320 : f32
      %select_n3A_363 = arith.select %gt3A_362, %mul3A_357, %select_n3A_320 : f32
      %select_n3A_364 = arith.select %gt3A_362, %add3A_361, %select_n3A_321 : i32
      %reduce_sum3A_365 = arith.constant true
      %reduce_sum3A_366 = vector.broadcast %reduce_sum3A_365 : i1 to vector<16xi1>
      %reduce_sum3A_367 = tpu.scan <sum>, %scan3A_110#6 masked %reduce_sum3A_366 : vector<16xf32>, vector<16xi1> -> vector<16xf32>
      %reduce_sum3A_368 = vector.extract %reduce_sum3A_367[15] : f32 from vector<16xf32>
      %reduce_sum3A_369 = arith.constant true
      %reduce_sum3A_370 = vector.broadcast %reduce_sum3A_369 : i1 to vector<16xi1>
      %reduce_sum3A_371 = tpu.scan <sum>, %scan3A_110#22 masked %reduce_sum3A_370 : vector<16xf32>, vector<16xi1> -> vector<16xf32>
      %reduce_sum3A_372 = vector.extract %reduce_sum3A_371[15] : f32 from vector<16xf32>
      %bitcast_convert_type3A_373 = arith.bitcast %reduce_sum3A_372 : f32 to i32
      %shift_right_logical3A_374 = arith.constant 1 : i32
      %shift_right_logical3A_375 = arith.shrui %bitcast_convert_type3A_373, %shift_right_logical3A_374 : i32
      %sub3A_376 = arith.constant 1597463007 : i32
      %sub3A_377 = arith.subi %sub3A_376, %shift_right_logical3A_375 : i32
      %bitcast_convert_type3A_378 = arith.bitcast %sub3A_377 : i32 to f32
      %mul3A_379 = arith.constant 5.000000e-01 : f32
      %mul3A_380 = arith.mulf %mul3A_379, %reduce_sum3A_372 : f32
      %mul3A_381 = arith.mulf %mul3A_380, %bitcast_convert_type3A_378 : f32
      %mul3A_382 = arith.mulf %mul3A_381, %bitcast_convert_type3A_378 : f32
      %sub3A_383 = arith.constant 1.500000e+00 : f32
      %sub3A_384 = arith.subf %sub3A_383, %mul3A_382 : f32
      %mul3A_385 = arith.mulf %bitcast_convert_type3A_378, %sub3A_384 : f32
      %mul3A_386 = arith.constant 5.000000e-01 : f32
      %mul3A_387 = arith.mulf %mul3A_386, %reduce_sum3A_372 : f32
      %mul3A_388 = arith.mulf %mul3A_387, %mul3A_385 : f32
      %mul3A_389 = arith.mulf %mul3A_388, %mul3A_385 : f32
      %sub3A_390 = arith.constant 1.500000e+00 : f32
      %sub3A_391 = arith.subf %sub3A_390, %mul3A_389 : f32
      %mul3A_392 = arith.mulf %mul3A_385, %sub3A_391 : f32
      %mul3A_393 = arith.constant 5.000000e-01 : f32
      %mul3A_394 = arith.mulf %mul3A_393, %reduce_sum3A_372 : f32
      %mul3A_395 = arith.mulf %mul3A_394, %mul3A_392 : f32
      %mul3A_396 = arith.mulf %mul3A_395, %mul3A_392 : f32
      %sub3A_397 = arith.constant 1.500000e+00 : f32
      %sub3A_398 = arith.subf %sub3A_397, %mul3A_396 : f32
      %mul3A_399 = arith.mulf %mul3A_392, %sub3A_398 : f32
      %mul3A_400 = arith.mulf %reduce_sum3A_368, %mul3A_399 : f32
      %add3A_401 = arith.constant 0 : i32
      %add3A_402 = arith.addi %add3A_73, %add3A_401 : i32
      %add3A_403 = arith.constant 6 : i32
      %add3A_404 = arith.addi %add3A_402, %add3A_403 : i32
      %gt3A_405 = arith.cmpf ogt, %mul3A_400, %select_n3A_363 : f32
      %select_n3A_406 = arith.select %gt3A_405, %mul3A_400, %select_n3A_363 : f32
      %select_n3A_407 = arith.select %gt3A_405, %add3A_404, %select_n3A_364 : i32
      %reduce_sum3A_408 = arith.constant true
      %reduce_sum3A_409 = vector.broadcast %reduce_sum3A_408 : i1 to vector<16xi1>
      %reduce_sum3A_410 = tpu.scan <sum>, %scan3A_110#7 masked %reduce_sum3A_409 : vector<16xf32>, vector<16xi1> -> vector<16xf32>
      %reduce_sum3A_411 = vector.extract %reduce_sum3A_410[15] : f32 from vector<16xf32>
      %reduce_sum3A_412 = arith.constant true
      %reduce_sum3A_413 = vector.broadcast %reduce_sum3A_412 : i1 to vector<16xi1>
      %reduce_sum3A_414 = tpu.scan <sum>, %scan3A_110#23 masked %reduce_sum3A_413 : vector<16xf32>, vector<16xi1> -> vector<16xf32>
      %reduce_sum3A_415 = vector.extract %reduce_sum3A_414[15] : f32 from vector<16xf32>
      %bitcast_convert_type3A_416 = arith.bitcast %reduce_sum3A_415 : f32 to i32
      %shift_right_logical3A_417 = arith.constant 1 : i32
      %shift_right_logical3A_418 = arith.shrui %bitcast_convert_type3A_416, %shift_right_logical3A_417 : i32
      %sub3A_419 = arith.constant 1597463007 : i32
      %sub3A_420 = arith.subi %sub3A_419, %shift_right_logical3A_418 : i32
      %bitcast_convert_type3A_421 = arith.bitcast %sub3A_420 : i32 to f32
      %mul3A_422 = arith.constant 5.000000e-01 : f32
      %mul3A_423 = arith.mulf %mul3A_422, %reduce_sum3A_415 : f32
      %mul3A_424 = arith.mulf %mul3A_423, %bitcast_convert_type3A_421 : f32
      %mul3A_425 = arith.mulf %mul3A_424, %bitcast_convert_type3A_421 : f32
      %sub3A_426 = arith.constant 1.500000e+00 : f32
      %sub3A_427 = arith.subf %sub3A_426, %mul3A_425 : f32
      %mul3A_428 = arith.mulf %bitcast_convert_type3A_421, %sub3A_427 : f32
      %mul3A_429 = arith.constant 5.000000e-01 : f32
      %mul3A_430 = arith.mulf %mul3A_429, %reduce_sum3A_415 : f32
      %mul3A_431 = arith.mulf %mul3A_430, %mul3A_428 : f32
      %mul3A_432 = arith.mulf %mul3A_431, %mul3A_428 : f32
      %sub3A_433 = arith.constant 1.500000e+00 : f32
      %sub3A_434 = arith.subf %sub3A_433, %mul3A_432 : f32
      %mul3A_435 = arith.mulf %mul3A_428, %sub3A_434 : f32
      %mul3A_436 = arith.constant 5.000000e-01 : f32
      %mul3A_437 = arith.mulf %mul3A_436, %reduce_sum3A_415 : f32
      %mul3A_438 = arith.mulf %mul3A_437, %mul3A_435 : f32
      %mul3A_439 = arith.mulf %mul3A_438, %mul3A_435 : f32
      %sub3A_440 = arith.constant 1.500000e+00 : f32
      %sub3A_441 = arith.subf %sub3A_440, %mul3A_439 : f32
      %mul3A_442 = arith.mulf %mul3A_435, %sub3A_441 : f32
      %mul3A_443 = arith.mulf %reduce_sum3A_411, %mul3A_442 : f32
      %add3A_444 = arith.constant 0 : i32
      %add3A_445 = arith.addi %add3A_73, %add3A_444 : i32
      %add3A_446 = arith.constant 7 : i32
      %add3A_447 = arith.addi %add3A_445, %add3A_446 : i32
      %gt3A_448 = arith.cmpf ogt, %mul3A_443, %select_n3A_406 : f32
      %select_n3A_449 = arith.select %gt3A_448, %mul3A_443, %select_n3A_406 : f32
      %select_n3A_450 = arith.select %gt3A_448, %add3A_447, %select_n3A_407 : i32
      %reduce_sum3A_451 = arith.constant true
      %reduce_sum3A_452 = vector.broadcast %reduce_sum3A_451 : i1 to vector<16xi1>
      %reduce_sum3A_453 = tpu.scan <sum>, %scan3A_110#8 masked %reduce_sum3A_452 : vector<16xf32>, vector<16xi1> -> vector<16xf32>
      %reduce_sum3A_454 = vector.extract %reduce_sum3A_453[15] : f32 from vector<16xf32>
      %reduce_sum3A_455 = arith.constant true
      %reduce_sum3A_456 = vector.broadcast %reduce_sum3A_455 : i1 to vector<16xi1>
      %reduce_sum3A_457 = tpu.scan <sum>, %scan3A_110#24 masked %reduce_sum3A_456 : vector<16xf32>, vector<16xi1> -> vector<16xf32>
      %reduce_sum3A_458 = vector.extract %reduce_sum3A_457[15] : f32 from vector<16xf32>
      %bitcast_convert_type3A_459 = arith.bitcast %reduce_sum3A_458 : f32 to i32
      %shift_right_logical3A_460 = arith.constant 1 : i32
      %shift_right_logical3A_461 = arith.shrui %bitcast_convert_type3A_459, %shift_right_logical3A_460 : i32
      %sub3A_462 = arith.constant 1597463007 : i32
      %sub3A_463 = arith.subi %sub3A_462, %shift_right_logical3A_461 : i32
      %bitcast_convert_type3A_464 = arith.bitcast %sub3A_463 : i32 to f32
      %mul3A_465 = arith.constant 5.000000e-01 : f32
      %mul3A_466 = arith.mulf %mul3A_465, %reduce_sum3A_458 : f32
      %mul3A_467 = arith.mulf %mul3A_466, %bitcast_convert_type3A_464 : f32
      %mul3A_468 = arith.mulf %mul3A_467, %bitcast_convert_type3A_464 : f32
      %sub3A_469 = arith.constant 1.500000e+00 : f32
      %sub3A_470 = arith.subf %sub3A_469, %mul3A_468 : f32
      %mul3A_471 = arith.mulf %bitcast_convert_type3A_464, %sub3A_470 : f32
      %mul3A_472 = arith.constant 5.000000e-01 : f32
      %mul3A_473 = arith.mulf %mul3A_472, %reduce_sum3A_458 : f32
      %mul3A_474 = arith.mulf %mul3A_473, %mul3A_471 : f32
      %mul3A_475 = arith.mulf %mul3A_474, %mul3A_471 : f32
      %sub3A_476 = arith.constant 1.500000e+00 : f32
      %sub3A_477 = arith.subf %sub3A_476, %mul3A_475 : f32
      %mul3A_478 = arith.mulf %mul3A_471, %sub3A_477 : f32
      %mul3A_479 = arith.constant 5.000000e-01 : f32
      %mul3A_480 = arith.mulf %mul3A_479, %reduce_sum3A_458 : f32
      %mul3A_481 = arith.mulf %mul3A_480, %mul3A_478 : f32
      %mul3A_482 = arith.mulf %mul3A_481, %mul3A_478 : f32
      %sub3A_483 = arith.constant 1.500000e+00 : f32
      %sub3A_484 = arith.subf %sub3A_483, %mul3A_482 : f32
      %mul3A_485 = arith.mulf %mul3A_478, %sub3A_484 : f32
      %mul3A_486 = arith.mulf %reduce_sum3A_454, %mul3A_485 : f32
      %add3A_487 = arith.constant 0 : i32
      %add3A_488 = arith.addi %add3A_73, %add3A_487 : i32
      %add3A_489 = arith.constant 8 : i32
      %add3A_490 = arith.addi %add3A_488, %add3A_489 : i32
      %gt3A_491 = arith.cmpf ogt, %mul3A_486, %select_n3A_449 : f32
      %select_n3A_492 = arith.select %gt3A_491, %mul3A_486, %select_n3A_449 : f32
      %select_n3A_493 = arith.select %gt3A_491, %add3A_490, %select_n3A_450 : i32
      %reduce_sum3A_494 = arith.constant true
      %reduce_sum3A_495 = vector.broadcast %reduce_sum3A_494 : i1 to vector<16xi1>
      %reduce_sum3A_496 = tpu.scan <sum>, %scan3A_110#9 masked %reduce_sum3A_495 : vector<16xf32>, vector<16xi1> -> vector<16xf32>
      %reduce_sum3A_497 = vector.extract %reduce_sum3A_496[15] : f32 from vector<16xf32>
      %reduce_sum3A_498 = arith.constant true
      %reduce_sum3A_499 = vector.broadcast %reduce_sum3A_498 : i1 to vector<16xi1>
      %reduce_sum3A_500 = tpu.scan <sum>, %scan3A_110#25 masked %reduce_sum3A_499 : vector<16xf32>, vector<16xi1> -> vector<16xf32>
      %reduce_sum3A_501 = vector.extract %reduce_sum3A_500[15] : f32 from vector<16xf32>
      %bitcast_convert_type3A_502 = arith.bitcast %reduce_sum3A_501 : f32 to i32
      %shift_right_logical3A_503 = arith.constant 1 : i32
      %shift_right_logical3A_504 = arith.shrui %bitcast_convert_type3A_502, %shift_right_logical3A_503 : i32
      %sub3A_505 = arith.constant 1597463007 : i32
      %sub3A_506 = arith.subi %sub3A_505, %shift_right_logical3A_504 : i32
      %bitcast_convert_type3A_507 = arith.bitcast %sub3A_506 : i32 to f32
      %mul3A_508 = arith.constant 5.000000e-01 : f32
      %mul3A_509 = arith.mulf %mul3A_508, %reduce_sum3A_501 : f32
      %mul3A_510 = arith.mulf %mul3A_509, %bitcast_convert_type3A_507 : f32
      %mul3A_511 = arith.mulf %mul3A_510, %bitcast_convert_type3A_507 : f32
      %sub3A_512 = arith.constant 1.500000e+00 : f32
      %sub3A_513 = arith.subf %sub3A_512, %mul3A_511 : f32
      %mul3A_514 = arith.mulf %bitcast_convert_type3A_507, %sub3A_513 : f32
      %mul3A_515 = arith.constant 5.000000e-01 : f32
      %mul3A_516 = arith.mulf %mul3A_515, %reduce_sum3A_501 : f32
      %mul3A_517 = arith.mulf %mul3A_516, %mul3A_514 : f32
      %mul3A_518 = arith.mulf %mul3A_517, %mul3A_514 : f32
      %sub3A_519 = arith.constant 1.500000e+00 : f32
      %sub3A_520 = arith.subf %sub3A_519, %mul3A_518 : f32
      %mul3A_521 = arith.mulf %mul3A_514, %sub3A_520 : f32
      %mul3A_522 = arith.constant 5.000000e-01 : f32
      %mul3A_523 = arith.mulf %mul3A_522, %reduce_sum3A_501 : f32
      %mul3A_524 = arith.mulf %mul3A_523, %mul3A_521 : f32
      %mul3A_525 = arith.mulf %mul3A_524, %mul3A_521 : f32
      %sub3A_526 = arith.constant 1.500000e+00 : f32
      %sub3A_527 = arith.subf %sub3A_526, %mul3A_525 : f32
      %mul3A_528 = arith.mulf %mul3A_521, %sub3A_527 : f32
      %mul3A_529 = arith.mulf %reduce_sum3A_497, %mul3A_528 : f32
      %add3A_530 = arith.constant 0 : i32
      %add3A_531 = arith.addi %add3A_73, %add3A_530 : i32
      %add3A_532 = arith.constant 9 : i32
      %add3A_533 = arith.addi %add3A_531, %add3A_532 : i32
      %gt3A_534 = arith.cmpf ogt, %mul3A_529, %select_n3A_492 : f32
      %select_n3A_535 = arith.select %gt3A_534, %mul3A_529, %select_n3A_492 : f32
      %select_n3A_536 = arith.select %gt3A_534, %add3A_533, %select_n3A_493 : i32
      %reduce_sum3A_537 = arith.constant true
      %reduce_sum3A_538 = vector.broadcast %reduce_sum3A_537 : i1 to vector<16xi1>
      %reduce_sum3A_539 = tpu.scan <sum>, %scan3A_110#10 masked %reduce_sum3A_538 : vector<16xf32>, vector<16xi1> -> vector<16xf32>
      %reduce_sum3A_540 = vector.extract %reduce_sum3A_539[15] : f32 from vector<16xf32>
      %reduce_sum3A_541 = arith.constant true
      %reduce_sum3A_542 = vector.broadcast %reduce_sum3A_541 : i1 to vector<16xi1>
      %reduce_sum3A_543 = tpu.scan <sum>, %scan3A_110#26 masked %reduce_sum3A_542 : vector<16xf32>, vector<16xi1> -> vector<16xf32>
      %reduce_sum3A_544 = vector.extract %reduce_sum3A_543[15] : f32 from vector<16xf32>
      %bitcast_convert_type3A_545 = arith.bitcast %reduce_sum3A_544 : f32 to i32
      %shift_right_logical3A_546 = arith.constant 1 : i32
      %shift_right_logical3A_547 = arith.shrui %bitcast_convert_type3A_545, %shift_right_logical3A_546 : i32
      %sub3A_548 = arith.constant 1597463007 : i32
      %sub3A_549 = arith.subi %sub3A_548, %shift_right_logical3A_547 : i32
      %bitcast_convert_type3A_550 = arith.bitcast %sub3A_549 : i32 to f32
      %mul3A_551 = arith.constant 5.000000e-01 : f32
      %mul3A_552 = arith.mulf %mul3A_551, %reduce_sum3A_544 : f32
      %mul3A_553 = arith.mulf %mul3A_552, %bitcast_convert_type3A_550 : f32
      %mul3A_554 = arith.mulf %mul3A_553, %bitcast_convert_type3A_550 : f32
      %sub3A_555 = arith.constant 1.500000e+00 : f32
      %sub3A_556 = arith.subf %sub3A_555, %mul3A_554 : f32
      %mul3A_557 = arith.mulf %bitcast_convert_type3A_550, %sub3A_556 : f32
      %mul3A_558 = arith.constant 5.000000e-01 : f32
      %mul3A_559 = arith.mulf %mul3A_558, %reduce_sum3A_544 : f32
      %mul3A_560 = arith.mulf %mul3A_559, %mul3A_557 : f32
      %mul3A_561 = arith.mulf %mul3A_560, %mul3A_557 : f32
      %sub3A_562 = arith.constant 1.500000e+00 : f32
      %sub3A_563 = arith.subf %sub3A_562, %mul3A_561 : f32
      %mul3A_564 = arith.mulf %mul3A_557, %sub3A_563 : f32
      %mul3A_565 = arith.constant 5.000000e-01 : f32
      %mul3A_566 = arith.mulf %mul3A_565, %reduce_sum3A_544 : f32
      %mul3A_567 = arith.mulf %mul3A_566, %mul3A_564 : f32
      %mul3A_568 = arith.mulf %mul3A_567, %mul3A_564 : f32
      %sub3A_569 = arith.constant 1.500000e+00 : f32
      %sub3A_570 = arith.subf %sub3A_569, %mul3A_568 : f32
      %mul3A_571 = arith.mulf %mul3A_564, %sub3A_570 : f32
      %mul3A_572 = arith.mulf %reduce_sum3A_540, %mul3A_571 : f32
      %add3A_573 = arith.constant 0 : i32
      %add3A_574 = arith.addi %add3A_73, %add3A_573 : i32
      %add3A_575 = arith.constant 10 : i32
      %add3A_576 = arith.addi %add3A_574, %add3A_575 : i32
      %gt3A_577 = arith.cmpf ogt, %mul3A_572, %select_n3A_535 : f32
      %select_n3A_578 = arith.select %gt3A_577, %mul3A_572, %select_n3A_535 : f32
      %select_n3A_579 = arith.select %gt3A_577, %add3A_576, %select_n3A_536 : i32
      %reduce_sum3A_580 = arith.constant true
      %reduce_sum3A_581 = vector.broadcast %reduce_sum3A_580 : i1 to vector<16xi1>
      %reduce_sum3A_582 = tpu.scan <sum>, %scan3A_110#11 masked %reduce_sum3A_581 : vector<16xf32>, vector<16xi1> -> vector<16xf32>
      %reduce_sum3A_583 = vector.extract %reduce_sum3A_582[15] : f32 from vector<16xf32>
      %reduce_sum3A_584 = arith.constant true
      %reduce_sum3A_585 = vector.broadcast %reduce_sum3A_584 : i1 to vector<16xi1>
      %reduce_sum3A_586 = tpu.scan <sum>, %scan3A_110#27 masked %reduce_sum3A_585 : vector<16xf32>, vector<16xi1> -> vector<16xf32>
      %reduce_sum3A_587 = vector.extract %reduce_sum3A_586[15] : f32 from vector<16xf32>
      %bitcast_convert_type3A_588 = arith.bitcast %reduce_sum3A_587 : f32 to i32
      %shift_right_logical3A_589 = arith.constant 1 : i32
      %shift_right_logical3A_590 = arith.shrui %bitcast_convert_type3A_588, %shift_right_logical3A_589 : i32
      %sub3A_591 = arith.constant 1597463007 : i32
      %sub3A_592 = arith.subi %sub3A_591, %shift_right_logical3A_590 : i32
      %bitcast_convert_type3A_593 = arith.bitcast %sub3A_592 : i32 to f32
      %mul3A_594 = arith.constant 5.000000e-01 : f32
      %mul3A_595 = arith.mulf %mul3A_594, %reduce_sum3A_587 : f32
      %mul3A_596 = arith.mulf %mul3A_595, %bitcast_convert_type3A_593 : f32
      %mul3A_597 = arith.mulf %mul3A_596, %bitcast_convert_type3A_593 : f32
      %sub3A_598 = arith.constant 1.500000e+00 : f32
      %sub3A_599 = arith.subf %sub3A_598, %mul3A_597 : f32
      %mul3A_600 = arith.mulf %bitcast_convert_type3A_593, %sub3A_599 : f32
      %mul3A_601 = arith.constant 5.000000e-01 : f32
      %mul3A_602 = arith.mulf %mul3A_601, %reduce_sum3A_587 : f32
      %mul3A_603 = arith.mulf %mul3A_602, %mul3A_600 : f32
      %mul3A_604 = arith.mulf %mul3A_603, %mul3A_600 : f32
      %sub3A_605 = arith.constant 1.500000e+00 : f32
      %sub3A_606 = arith.subf %sub3A_605, %mul3A_604 : f32
      %mul3A_607 = arith.mulf %mul3A_600, %sub3A_606 : f32
      %mul3A_608 = arith.constant 5.000000e-01 : f32
      %mul3A_609 = arith.mulf %mul3A_608, %reduce_sum3A_587 : f32
      %mul3A_610 = arith.mulf %mul3A_609, %mul3A_607 : f32
      %mul3A_611 = arith.mulf %mul3A_610, %mul3A_607 : f32
      %sub3A_612 = arith.constant 1.500000e+00 : f32
      %sub3A_613 = arith.subf %sub3A_612, %mul3A_611 : f32
      %mul3A_614 = arith.mulf %mul3A_607, %sub3A_613 : f32
      %mul3A_615 = arith.mulf %reduce_sum3A_583, %mul3A_614 : f32
      %add3A_616 = arith.constant 0 : i32
      %add3A_617 = arith.addi %add3A_73, %add3A_616 : i32
      %add3A_618 = arith.constant 11 : i32
      %add3A_619 = arith.addi %add3A_617, %add3A_618 : i32
      %gt3A_620 = arith.cmpf ogt, %mul3A_615, %select_n3A_578 : f32
      %select_n3A_621 = arith.select %gt3A_620, %mul3A_615, %select_n3A_578 : f32
      %select_n3A_622 = arith.select %gt3A_620, %add3A_619, %select_n3A_579 : i32
      %reduce_sum3A_623 = arith.constant true
      %reduce_sum3A_624 = vector.broadcast %reduce_sum3A_623 : i1 to vector<16xi1>
      %reduce_sum3A_625 = tpu.scan <sum>, %scan3A_110#12 masked %reduce_sum3A_624 : vector<16xf32>, vector<16xi1> -> vector<16xf32>
      %reduce_sum3A_626 = vector.extract %reduce_sum3A_625[15] : f32 from vector<16xf32>
      %reduce_sum3A_627 = arith.constant true
      %reduce_sum3A_628 = vector.broadcast %reduce_sum3A_627 : i1 to vector<16xi1>
      %reduce_sum3A_629 = tpu.scan <sum>, %scan3A_110#28 masked %reduce_sum3A_628 : vector<16xf32>, vector<16xi1> -> vector<16xf32>
      %reduce_sum3A_630 = vector.extract %reduce_sum3A_629[15] : f32 from vector<16xf32>
      %bitcast_convert_type3A_631 = arith.bitcast %reduce_sum3A_630 : f32 to i32
      %shift_right_logical3A_632 = arith.constant 1 : i32
      %shift_right_logical3A_633 = arith.shrui %bitcast_convert_type3A_631, %shift_right_logical3A_632 : i32
      %sub3A_634 = arith.constant 1597463007 : i32
      %sub3A_635 = arith.subi %sub3A_634, %shift_right_logical3A_633 : i32
      %bitcast_convert_type3A_636 = arith.bitcast %sub3A_635 : i32 to f32
      %mul3A_637 = arith.constant 5.000000e-01 : f32
      %mul3A_638 = arith.mulf %mul3A_637, %reduce_sum3A_630 : f32
      %mul3A_639 = arith.mulf %mul3A_638, %bitcast_convert_type3A_636 : f32
      %mul3A_640 = arith.mulf %mul3A_639, %bitcast_convert_type3A_636 : f32
      %sub3A_641 = arith.constant 1.500000e+00 : f32
      %sub3A_642 = arith.subf %sub3A_641, %mul3A_640 : f32
      %mul3A_643 = arith.mulf %bitcast_convert_type3A_636, %sub3A_642 : f32
      %mul3A_644 = arith.constant 5.000000e-01 : f32
      %mul3A_645 = arith.mulf %mul3A_644, %reduce_sum3A_630 : f32
      %mul3A_646 = arith.mulf %mul3A_645, %mul3A_643 : f32
      %mul3A_647 = arith.mulf %mul3A_646, %mul3A_643 : f32
      %sub3A_648 = arith.constant 1.500000e+00 : f32
      %sub3A_649 = arith.subf %sub3A_648, %mul3A_647 : f32
      %mul3A_650 = arith.mulf %mul3A_643, %sub3A_649 : f32
      %mul3A_651 = arith.constant 5.000000e-01 : f32
      %mul3A_652 = arith.mulf %mul3A_651, %reduce_sum3A_630 : f32
      %mul3A_653 = arith.mulf %mul3A_652, %mul3A_650 : f32
      %mul3A_654 = arith.mulf %mul3A_653, %mul3A_650 : f32
      %sub3A_655 = arith.constant 1.500000e+00 : f32
      %sub3A_656 = arith.subf %sub3A_655, %mul3A_654 : f32
      %mul3A_657 = arith.mulf %mul3A_650, %sub3A_656 : f32
      %mul3A_658 = arith.mulf %reduce_sum3A_626, %mul3A_657 : f32
      %add3A_659 = arith.constant 0 : i32
      %add3A_660 = arith.addi %add3A_73, %add3A_659 : i32
      %add3A_661 = arith.constant 12 : i32
      %add3A_662 = arith.addi %add3A_660, %add3A_661 : i32
      %gt3A_663 = arith.cmpf ogt, %mul3A_658, %select_n3A_621 : f32
      %select_n3A_664 = arith.select %gt3A_663, %mul3A_658, %select_n3A_621 : f32
      %select_n3A_665 = arith.select %gt3A_663, %add3A_662, %select_n3A_622 : i32
      %reduce_sum3A_666 = arith.constant true
      %reduce_sum3A_667 = vector.broadcast %reduce_sum3A_666 : i1 to vector<16xi1>
      %reduce_sum3A_668 = tpu.scan <sum>, %scan3A_110#13 masked %reduce_sum3A_667 : vector<16xf32>, vector<16xi1> -> vector<16xf32>
      %reduce_sum3A_669 = vector.extract %reduce_sum3A_668[15] : f32 from vector<16xf32>
      %reduce_sum3A_670 = arith.constant true
      %reduce_sum3A_671 = vector.broadcast %reduce_sum3A_670 : i1 to vector<16xi1>
      %reduce_sum3A_672 = tpu.scan <sum>, %scan3A_110#29 masked %reduce_sum3A_671 : vector<16xf32>, vector<16xi1> -> vector<16xf32>
      %reduce_sum3A_673 = vector.extract %reduce_sum3A_672[15] : f32 from vector<16xf32>
      %bitcast_convert_type3A_674 = arith.bitcast %reduce_sum3A_673 : f32 to i32
      %shift_right_logical3A_675 = arith.constant 1 : i32
      %shift_right_logical3A_676 = arith.shrui %bitcast_convert_type3A_674, %shift_right_logical3A_675 : i32
      %sub3A_677 = arith.constant 1597463007 : i32
      %sub3A_678 = arith.subi %sub3A_677, %shift_right_logical3A_676 : i32
      %bitcast_convert_type3A_679 = arith.bitcast %sub3A_678 : i32 to f32
      %mul3A_680 = arith.constant 5.000000e-01 : f32
      %mul3A_681 = arith.mulf %mul3A_680, %reduce_sum3A_673 : f32
      %mul3A_682 = arith.mulf %mul3A_681, %bitcast_convert_type3A_679 : f32
      %mul3A_683 = arith.mulf %mul3A_682, %bitcast_convert_type3A_679 : f32
      %sub3A_684 = arith.constant 1.500000e+00 : f32
      %sub3A_685 = arith.subf %sub3A_684, %mul3A_683 : f32
      %mul3A_686 = arith.mulf %bitcast_convert_type3A_679, %sub3A_685 : f32
      %mul3A_687 = arith.constant 5.000000e-01 : f32
      %mul3A_688 = arith.mulf %mul3A_687, %reduce_sum3A_673 : f32
      %mul3A_689 = arith.mulf %mul3A_688, %mul3A_686 : f32
      %mul3A_690 = arith.mulf %mul3A_689, %mul3A_686 : f32
      %sub3A_691 = arith.constant 1.500000e+00 : f32
      %sub3A_692 = arith.subf %sub3A_691, %mul3A_690 : f32
      %mul3A_693 = arith.mulf %mul3A_686, %sub3A_692 : f32
      %mul3A_694 = arith.constant 5.000000e-01 : f32
      %mul3A_695 = arith.mulf %mul3A_694, %reduce_sum3A_673 : f32
      %mul3A_696 = arith.mulf %mul3A_695, %mul3A_693 : f32
      %mul3A_697 = arith.mulf %mul3A_696, %mul3A_693 : f32
      %sub3A_698 = arith.constant 1.500000e+00 : f32
      %sub3A_699 = arith.subf %sub3A_698, %mul3A_697 : f32
      %mul3A_700 = arith.mulf %mul3A_693, %sub3A_699 : f32
      %mul3A_701 = arith.mulf %reduce_sum3A_669, %mul3A_700 : f32
      %add3A_702 = arith.constant 0 : i32
      %add3A_703 = arith.addi %add3A_73, %add3A_702 : i32
      %add3A_704 = arith.constant 13 : i32
      %add3A_705 = arith.addi %add3A_703, %add3A_704 : i32
      %gt3A_706 = arith.cmpf ogt, %mul3A_701, %select_n3A_664 : f32
      %select_n3A_707 = arith.select %gt3A_706, %mul3A_701, %select_n3A_664 : f32
      %select_n3A_708 = arith.select %gt3A_706, %add3A_705, %select_n3A_665 : i32
      %reduce_sum3A_709 = arith.constant true
      %reduce_sum3A_710 = vector.broadcast %reduce_sum3A_709 : i1 to vector<16xi1>
      %reduce_sum3A_711 = tpu.scan <sum>, %scan3A_110#14 masked %reduce_sum3A_710 : vector<16xf32>, vector<16xi1> -> vector<16xf32>
      %reduce_sum3A_712 = vector.extract %reduce_sum3A_711[15] : f32 from vector<16xf32>
      %reduce_sum3A_713 = arith.constant true
      %reduce_sum3A_714 = vector.broadcast %reduce_sum3A_713 : i1 to vector<16xi1>
      %reduce_sum3A_715 = tpu.scan <sum>, %scan3A_110#30 masked %reduce_sum3A_714 : vector<16xf32>, vector<16xi1> -> vector<16xf32>
      %reduce_sum3A_716 = vector.extract %reduce_sum3A_715[15] : f32 from vector<16xf32>
      %bitcast_convert_type3A_717 = arith.bitcast %reduce_sum3A_716 : f32 to i32
      %shift_right_logical3A_718 = arith.constant 1 : i32
      %shift_right_logical3A_719 = arith.shrui %bitcast_convert_type3A_717, %shift_right_logical3A_718 : i32
      %sub3A_720 = arith.constant 1597463007 : i32
      %sub3A_721 = arith.subi %sub3A_720, %shift_right_logical3A_719 : i32
      %bitcast_convert_type3A_722 = arith.bitcast %sub3A_721 : i32 to f32
      %mul3A_723 = arith.constant 5.000000e-01 : f32
      %mul3A_724 = arith.mulf %mul3A_723, %reduce_sum3A_716 : f32
      %mul3A_725 = arith.mulf %mul3A_724, %bitcast_convert_type3A_722 : f32
      %mul3A_726 = arith.mulf %mul3A_725, %bitcast_convert_type3A_722 : f32
      %sub3A_727 = arith.constant 1.500000e+00 : f32
      %sub3A_728 = arith.subf %sub3A_727, %mul3A_726 : f32
      %mul3A_729 = arith.mulf %bitcast_convert_type3A_722, %sub3A_728 : f32
      %mul3A_730 = arith.constant 5.000000e-01 : f32
      %mul3A_731 = arith.mulf %mul3A_730, %reduce_sum3A_716 : f32
      %mul3A_732 = arith.mulf %mul3A_731, %mul3A_729 : f32
      %mul3A_733 = arith.mulf %mul3A_732, %mul3A_729 : f32
      %sub3A_734 = arith.constant 1.500000e+00 : f32
      %sub3A_735 = arith.subf %sub3A_734, %mul3A_733 : f32
      %mul3A_736 = arith.mulf %mul3A_729, %sub3A_735 : f32
      %mul3A_737 = arith.constant 5.000000e-01 : f32
      %mul3A_738 = arith.mulf %mul3A_737, %reduce_sum3A_716 : f32
      %mul3A_739 = arith.mulf %mul3A_738, %mul3A_736 : f32
      %mul3A_740 = arith.mulf %mul3A_739, %mul3A_736 : f32
      %sub3A_741 = arith.constant 1.500000e+00 : f32
      %sub3A_742 = arith.subf %sub3A_741, %mul3A_740 : f32
      %mul3A_743 = arith.mulf %mul3A_736, %sub3A_742 : f32
      %mul3A_744 = arith.mulf %reduce_sum3A_712, %mul3A_743 : f32
      %add3A_745 = arith.constant 0 : i32
      %add3A_746 = arith.addi %add3A_73, %add3A_745 : i32
      %add3A_747 = arith.constant 14 : i32
      %add3A_748 = arith.addi %add3A_746, %add3A_747 : i32
      %gt3A_749 = arith.cmpf ogt, %mul3A_744, %select_n3A_707 : f32
      %select_n3A_750 = arith.select %gt3A_749, %mul3A_744, %select_n3A_707 : f32
      %select_n3A_751 = arith.select %gt3A_749, %add3A_748, %select_n3A_708 : i32
      %reduce_sum3A_752 = arith.constant true
      %reduce_sum3A_753 = vector.broadcast %reduce_sum3A_752 : i1 to vector<16xi1>
      %reduce_sum3A_754 = tpu.scan <sum>, %scan3A_110#15 masked %reduce_sum3A_753 : vector<16xf32>, vector<16xi1> -> vector<16xf32>
      %reduce_sum3A_755 = vector.extract %reduce_sum3A_754[15] : f32 from vector<16xf32>
      %reduce_sum3A_756 = arith.constant true
      %reduce_sum3A_757 = vector.broadcast %reduce_sum3A_756 : i1 to vector<16xi1>
      %reduce_sum3A_758 = tpu.scan <sum>, %scan3A_110#31 masked %reduce_sum3A_757 : vector<16xf32>, vector<16xi1> -> vector<16xf32>
      %reduce_sum3A_759 = vector.extract %reduce_sum3A_758[15] : f32 from vector<16xf32>
      %bitcast_convert_type3A_760 = arith.bitcast %reduce_sum3A_759 : f32 to i32
      %shift_right_logical3A_761 = arith.constant 1 : i32
      %shift_right_logical3A_762 = arith.shrui %bitcast_convert_type3A_760, %shift_right_logical3A_761 : i32
      %sub3A_763 = arith.constant 1597463007 : i32
      %sub3A_764 = arith.subi %sub3A_763, %shift_right_logical3A_762 : i32
      %bitcast_convert_type3A_765 = arith.bitcast %sub3A_764 : i32 to f32
      %mul3A_766 = arith.constant 5.000000e-01 : f32
      %mul3A_767 = arith.mulf %mul3A_766, %reduce_sum3A_759 : f32
      %mul3A_768 = arith.mulf %mul3A_767, %bitcast_convert_type3A_765 : f32
      %mul3A_769 = arith.mulf %mul3A_768, %bitcast_convert_type3A_765 : f32
      %sub3A_770 = arith.constant 1.500000e+00 : f32
      %sub3A_771 = arith.subf %sub3A_770, %mul3A_769 : f32
      %mul3A_772 = arith.mulf %bitcast_convert_type3A_765, %sub3A_771 : f32
      %mul3A_773 = arith.constant 5.000000e-01 : f32
      %mul3A_774 = arith.mulf %mul3A_773, %reduce_sum3A_759 : f32
      %mul3A_775 = arith.mulf %mul3A_774, %mul3A_772 : f32
      %mul3A_776 = arith.mulf %mul3A_775, %mul3A_772 : f32
      %sub3A_777 = arith.constant 1.500000e+00 : f32
      %sub3A_778 = arith.subf %sub3A_777, %mul3A_776 : f32
      %mul3A_779 = arith.mulf %mul3A_772, %sub3A_778 : f32
      %mul3A_780 = arith.constant 5.000000e-01 : f32
      %mul3A_781 = arith.mulf %mul3A_780, %reduce_sum3A_759 : f32
      %mul3A_782 = arith.mulf %mul3A_781, %mul3A_779 : f32
      %mul3A_783 = arith.mulf %mul3A_782, %mul3A_779 : f32
      %sub3A_784 = arith.constant 1.500000e+00 : f32
      %sub3A_785 = arith.subf %sub3A_784, %mul3A_783 : f32
      %mul3A_786 = arith.mulf %mul3A_779, %sub3A_785 : f32
      %mul3A_787 = arith.mulf %reduce_sum3A_755, %mul3A_786 : f32
      %add3A_788 = arith.constant 0 : i32
      %add3A_789 = arith.addi %add3A_73, %add3A_788 : i32
      %add3A_790 = arith.constant 15 : i32
      %add3A_791 = arith.addi %add3A_789, %add3A_790 : i32
      %gt3A_792 = arith.cmpf ogt, %mul3A_787, %select_n3A_750 : f32
      %select_n3A_793 = arith.select %gt3A_792, %mul3A_787, %select_n3A_750 : f32
      %select_n3A_794 = arith.select %gt3A_792, %add3A_791, %select_n3A_751 : i32
      %mul3A_795 = arith.constant 16 : i32
      %mul3A_796 = arith.muli %add3A_63, %mul3A_795 : i32
      %add3A_797 = arith.addi %mul3A_2, %mul3A_796 : i32
      %dma_start3A_798 = arith.constant 0 : i32
      %dma_start3A_799 = tpu.memref_slice %arg4[%add3A_797, %dma_start3A_798] : memref<8192x1152xf32, #tpu.memory_space<hbm>> -> memref<16x1152xf32, #tpu.memory_space<hbm>>
      %dma_start3A_800 = arith.constant 0 : i32
      %dma_start3A_801 = tpu.memref_slice %arg4[%add3A_797, %dma_start3A_800] : memref<8192x1152xf32, #tpu.memory_space<hbm>> -> memref<16x1152xf32, #tpu.memory_space<hbm>>
      tpu.enqueue_dma source(%arg8 : memref<16x1152xf32, #tpu.memory_space<vmem>>) target(%dma_start3A_801 : memref<16x1152xf32, #tpu.memory_space<hbm>>) target_semaphore(%arg18 : memref<!tpu.dma_semaphore, #tpu.memory_space<semaphore_mem>>)
      %add3A_802 = arith.constant 2 : i32
      %add3A_803 = arith.addi %add3A_63, %add3A_802 : i32
      %lt3A = arith.constant 16 : i32
      %lt3A_804 = arith.cmpi slt, %add3A_803, %lt3A : i32
      %convert_element_type3A = arith.extui %lt3A_804 : i1 to i32
      %cond3A = arith.constant 0 : i32
      %cond3A_805 = arith.cmpi ne, %convert_element_type3A, %cond3A : i32
      scf.if %cond3A_805 {
        %ge3A = arith.constant 2 : i32
        %ge3A_3068 = arith.cmpi sge, %add3A_63, %ge3A : i32
        %convert_element_type3A_3069 = arith.extui %ge3A_3068 : i1 to i32
        %cond3A_3070 = arith.constant 0 : i32
        %cond3A_3071 = arith.cmpi ne, %convert_element_type3A_3069, %cond3A_3070 : i32
        scf.if %cond3A_3071 {
          %sub3A_3079 = arith.constant 2 : i32
          %sub3A_3080 = arith.subi %add3A_63, %sub3A_3079 : i32
          %mul3A_3081 = arith.constant 16 : i32
          %mul3A_3082 = arith.muli %sub3A_3080, %mul3A_3081 : i32
          %add3A_3083 = arith.addi %mul3A_2, %mul3A_3082 : i32
          %dma_wait3A_3084 = arith.constant 0 : i32
          %dma_wait3A_3085 = tpu.memref_slice %arg4[%add3A_3083, %dma_wait3A_3084] : memref<8192x1152xf32, #tpu.memory_space<hbm>> -> memref<16x1152xf32, #tpu.memory_space<hbm>>
          %dma_wait3A_3086 = arith.constant 0 : i32
          %dma_wait3A_3087 = tpu.memref_slice %arg4[%add3A_3083, %dma_wait3A_3086] : memref<8192x1152xf32, #tpu.memory_space<hbm>> -> memref<16x1152xf32, #tpu.memory_space<hbm>>
          tpu.wait_dma2 semaphore(%arg20 : memref<!tpu.dma_semaphore, #tpu.memory_space<semaphore_mem>>) src(%arg10 : memref<16x1152xf32, #tpu.memory_space<vmem>>) dst(%dma_wait3A_3087 : memref<16x1152xf32, #tpu.memory_space<hbm>>)
        } else {
        }
        %mul3A_3072 = arith.constant 16 : i32
        %mul3A_3073 = arith.muli %add3A_803, %mul3A_3072 : i32
        %add3A_3074 = arith.addi %mul3A_2, %mul3A_3073 : i32
        %dma_start3A_3075 = arith.constant 0 : i32
        %dma_start3A_3076 = tpu.memref_slice %arg3[%add3A_3074, %dma_start3A_3075] : memref<8192x1152xf32, #tpu.memory_space<hbm>> -> memref<16x1152xf32, #tpu.memory_space<hbm>>
        %dma_start3A_3077 = arith.constant 0 : i32
        %dma_start3A_3078 = tpu.memref_slice %arg3[%add3A_3074, %dma_start3A_3077] : memref<8192x1152xf32, #tpu.memory_space<hbm>> -> memref<16x1152xf32, #tpu.memory_space<hbm>>
        tpu.enqueue_dma source(%dma_start3A_3078 : memref<16x1152xf32, #tpu.memory_space<hbm>>) target(%arg10 : memref<16x1152xf32, #tpu.memory_space<vmem>>) target_semaphore(%arg16 : memref<!tpu.dma_semaphore, #tpu.memory_space<semaphore_mem>>)
      } else {
      }
      %mul3A_806 = arith.constant 4 : i32
      %mul3A_807 = arith.muli %mul3A_806, %scan3A_57 : i32
      %add3A_808 = arith.constant 1 : i32
      %add3A_809 = arith.addi %mul3A_807, %add3A_808 : i32
      %mul3A_810 = arith.constant 16 : i32
      %mul3A_811 = arith.muli %add3A_809, %mul3A_810 : i32
      %add3A_812 = arith.addi %mul3A_2, %mul3A_811 : i32
      %dma_wait3A_813 = arith.constant 0 : i32
      %dma_wait3A_814 = tpu.memref_slice %arg3[%add3A_812, %dma_wait3A_813] : memref<8192x1152xf32, #tpu.memory_space<hbm>> -> memref<16x1152xf32, #tpu.memory_space<hbm>>
      %dma_wait3A_815 = arith.constant 0 : i32
      %dma_wait3A_816 = tpu.memref_slice %arg3[%add3A_812, %dma_wait3A_815] : memref<8192x1152xf32, #tpu.memory_space<hbm>> -> memref<16x1152xf32, #tpu.memory_space<hbm>>
      tpu.wait_dma2 semaphore(%arg15 : memref<!tpu.dma_semaphore, #tpu.memory_space<semaphore_mem>>) src(%dma_wait3A_816 : memref<16x1152xf32, #tpu.memory_space<hbm>>) dst(%arg9 : memref<16x1152xf32, #tpu.memory_space<vmem>>)
      %mul3A_817 = arith.constant 16 : i32
      %mul3A_818 = arith.muli %add3A_809, %mul3A_817 : i32
      %add3A_819 = arith.addi %mul3A_2, %mul3A_818 : i32
      %broadcast_in_dim3A_820 = arith.constant 0.000000e+00 : f32
      %broadcast_in_dim3A_821 = vector.broadcast %broadcast_in_dim3A_820 : f32 to vector<16xf32>
      %broadcast_in_dim3A_822 = arith.constant 0.000000e+00 : f32
      %broadcast_in_dim3A_823 = vector.broadcast %broadcast_in_dim3A_822 : f32 to vector<16xf32>
      %broadcast_in_dim3A_824 = arith.constant 0.000000e+00 : f32
      %broadcast_in_dim3A_825 = vector.broadcast %broadcast_in_dim3A_824 : f32 to vector<16xf32>
      %broadcast_in_dim3A_826 = arith.constant 0.000000e+00 : f32
      %broadcast_in_dim3A_827 = vector.broadcast %broadcast_in_dim3A_826 : f32 to vector<16xf32>
      %broadcast_in_dim3A_828 = arith.constant 0.000000e+00 : f32
      %broadcast_in_dim3A_829 = vector.broadcast %broadcast_in_dim3A_828 : f32 to vector<16xf32>
      %broadcast_in_dim3A_830 = arith.constant 0.000000e+00 : f32
      %broadcast_in_dim3A_831 = vector.broadcast %broadcast_in_dim3A_830 : f32 to vector<16xf32>
      %broadcast_in_dim3A_832 = arith.constant 0.000000e+00 : f32
      %broadcast_in_dim3A_833 = vector.broadcast %broadcast_in_dim3A_832 : f32 to vector<16xf32>
      %broadcast_in_dim3A_834 = arith.constant 0.000000e+00 : f32
      %broadcast_in_dim3A_835 = vector.broadcast %broadcast_in_dim3A_834 : f32 to vector<16xf32>
      %broadcast_in_dim3A_836 = arith.constant 0.000000e+00 : f32
      %broadcast_in_dim3A_837 = vector.broadcast %broadcast_in_dim3A_836 : f32 to vector<16xf32>
      %broadcast_in_dim3A_838 = arith.constant 0.000000e+00 : f32
      %broadcast_in_dim3A_839 = vector.broadcast %broadcast_in_dim3A_838 : f32 to vector<16xf32>
      %broadcast_in_dim3A_840 = arith.constant 0.000000e+00 : f32
      %broadcast_in_dim3A_841 = vector.broadcast %broadcast_in_dim3A_840 : f32 to vector<16xf32>
      %broadcast_in_dim3A_842 = arith.constant 0.000000e+00 : f32
      %broadcast_in_dim3A_843 = vector.broadcast %broadcast_in_dim3A_842 : f32 to vector<16xf32>
      %broadcast_in_dim3A_844 = arith.constant 0.000000e+00 : f32
      %broadcast_in_dim3A_845 = vector.broadcast %broadcast_in_dim3A_844 : f32 to vector<16xf32>
      %broadcast_in_dim3A_846 = arith.constant 0.000000e+00 : f32
      %broadcast_in_dim3A_847 = vector.broadcast %broadcast_in_dim3A_846 : f32 to vector<16xf32>
      %broadcast_in_dim3A_848 = arith.constant 0.000000e+00 : f32
      %broadcast_in_dim3A_849 = vector.broadcast %broadcast_in_dim3A_848 : f32 to vector<16xf32>
      %broadcast_in_dim3A_850 = arith.constant 0.000000e+00 : f32
      %broadcast_in_dim3A_851 = vector.broadcast %broadcast_in_dim3A_850 : f32 to vector<16xf32>
      %scan3A_852 = arith.constant 0 : i32
      %scan3A_853 = arith.constant 72 : i32
      %scan3A_854 = arith.addi %scan3A_852, %scan3A_853 : i32
      %scan3A_855 = arith.constant 1 : i32
      %scan3A_856:32 = scf.for %scan3A_3068 = %scan3A_852 to %scan3A_854 step %scan3A_855 iter_args(%scan3A_3069 = %broadcast_in_dim3A_821, %scan3A_3070 = %broadcast_in_dim3A_823, %scan3A_3071 = %broadcast_in_dim3A_825, %scan3A_3072 = %broadcast_in_dim3A_827, %scan3A_3073 = %broadcast_in_dim3A_829, %scan3A_3074 = %broadcast_in_dim3A_831, %scan3A_3075 = %broadcast_in_dim3A_833, %scan3A_3076 = %broadcast_in_dim3A_835, %scan3A_3077 = %broadcast_in_dim3A_837, %scan3A_3078 = %broadcast_in_dim3A_839, %scan3A_3079 = %broadcast_in_dim3A_841, %scan3A_3080 = %broadcast_in_dim3A_843, %scan3A_3081 = %broadcast_in_dim3A_845, %scan3A_3082 = %broadcast_in_dim3A_847, %scan3A_3083 = %broadcast_in_dim3A_849, %scan3A_3084 = %broadcast_in_dim3A_851, %scan3A_3085 = %broadcast_in_dim3A_821, %scan3A_3086 = %broadcast_in_dim3A_823, %scan3A_3087 = %broadcast_in_dim3A_825, %scan3A_3088 = %broadcast_in_dim3A_827, %scan3A_3089 = %broadcast_in_dim3A_829, %scan3A_3090 = %broadcast_in_dim3A_831, %scan3A_3091 = %broadcast_in_dim3A_833, %scan3A_3092 = %broadcast_in_dim3A_835, %scan3A_3093 = %broadcast_in_dim3A_837, %scan3A_3094 = %broadcast_in_dim3A_839, %scan3A_3095 = %broadcast_in_dim3A_841, %scan3A_3096 = %broadcast_in_dim3A_843, %scan3A_3097 = %broadcast_in_dim3A_845, %scan3A_3098 = %broadcast_in_dim3A_847, %scan3A_3099 = %broadcast_in_dim3A_849, %scan3A_3100 = %broadcast_in_dim3A_851) -> (vector<16xf32>, vector<16xf32>, vector<16xf32>, vector<16xf32>, vector<16xf32>, vector<16xf32>, vector<16xf32>, vector<16xf32>, vector<16xf32>, vector<16xf32>, vector<16xf32>, vector<16xf32>, vector<16xf32>, vector<16xf32>, vector<16xf32>, vector<16xf32>, vector<16xf32>, vector<16xf32>, vector<16xf32>, vector<16xf32>, vector<16xf32>, vector<16xf32>, vector<16xf32>, vector<16xf32>, vector<16xf32>, vector<16xf32>, vector<16xf32>, vector<16xf32>, vector<16xf32>, vector<16xf32>, vector<16xf32>, vector<16xf32>)  : i32 {
        %mul3A_3101 = arith.constant 16 : i32
        %mul3A_3102 = arith.muli %scan3A_3068, %mul3A_3101 : i32
        %get3A = arith.index_cast %mul3A_3102 : i32 to index
        %get3A_3103 = tpu.vector_load %arg7[%get3A] {strides = array<i32>} : memref<1152xf32, #tpu.memory_space<vmem>>, vector<16xf32>,
        %mul3A_3104 = arith.constant 16 : i32
        %mul3A_3105 = arith.muli %scan3A_3068, %mul3A_3104 : i32
        %get3A_3106 = arith.constant 0 : i32
        %get3A_3107 = arith.index_cast %get3A_3106 : i32 to index
        %get3A_3108 = arith.index_cast %mul3A_3105 : i32 to index
        %get3A_3109 = tpu.vector_load %arg9[%get3A_3107, %get3A_3108] {strides = array<i32>} : memref<16x1152xf32, #tpu.memory_space<vmem>>, vector<16xf32>,
        %mul3A_3110 = arith.mulf %get3A_3109, %get3A_3103 : vector<16xf32>
        %add3A_3111 = arith.addf %scan3A_3069, %mul3A_3110 : vector<16xf32>
        %mul3A_3112 = arith.mulf %get3A_3109, %get3A_3109 : vector<16xf32>
        %add3A_3113 = arith.addf %scan3A_3085, %mul3A_3112 : vector<16xf32>
        %mul3A_3114 = arith.constant 16 : i32
        %mul3A_3115 = arith.muli %scan3A_3068, %mul3A_3114 : i32
        %get3A_3116 = arith.constant 1 : i32
        %get3A_3117 = arith.index_cast %get3A_3116 : i32 to index
        %get3A_3118 = arith.index_cast %mul3A_3115 : i32 to index
        %get3A_3119 = tpu.vector_load %arg9[%get3A_3117, %get3A_3118] {strides = array<i32>} : memref<16x1152xf32, #tpu.memory_space<vmem>>, vector<16xf32>,
        %mul3A_3120 = arith.mulf %get3A_3119, %get3A_3103 : vector<16xf32>
        %add3A_3121 = arith.addf %scan3A_3070, %mul3A_3120 : vector<16xf32>
        %mul3A_3122 = arith.mulf %get3A_3119, %get3A_3119 : vector<16xf32>
        %add3A_3123 = arith.addf %scan3A_3086, %mul3A_3122 : vector<16xf32>
        %mul3A_3124 = arith.constant 16 : i32
        %mul3A_3125 = arith.muli %scan3A_3068, %mul3A_3124 : i32
        %get3A_3126 = arith.constant 2 : i32
        %get3A_3127 = arith.index_cast %get3A_3126 : i32 to index
        %get3A_3128 = arith.index_cast %mul3A_3125 : i32 to index
        %get3A_3129 = tpu.vector_load %arg9[%get3A_3127, %get3A_3128] {strides = array<i32>} : memref<16x1152xf32, #tpu.memory_space<vmem>>, vector<16xf32>,
        %mul3A_3130 = arith.mulf %get3A_3129, %get3A_3103 : vector<16xf32>
        %add3A_3131 = arith.addf %scan3A_3071, %mul3A_3130 : vector<16xf32>
        %mul3A_3132 = arith.mulf %get3A_3129, %get3A_3129 : vector<16xf32>
        %add3A_3133 = arith.addf %scan3A_3087, %mul3A_3132 : vector<16xf32>
        %mul3A_3134 = arith.constant 16 : i32
        %mul3A_3135 = arith.muli %scan3A_3068, %mul3A_3134 : i32
        %get3A_3136 = arith.constant 3 : i32
        %get3A_3137 = arith.index_cast %get3A_3136 : i32 to index
        %get3A_3138 = arith.index_cast %mul3A_3135 : i32 to index
        %get3A_3139 = tpu.vector_load %arg9[%get3A_3137, %get3A_3138] {strides = array<i32>} : memref<16x1152xf32, #tpu.memory_space<vmem>>, vector<16xf32>,
        %mul3A_3140 = arith.mulf %get3A_3139, %get3A_3103 : vector<16xf32>
        %add3A_3141 = arith.addf %scan3A_3072, %mul3A_3140 : vector<16xf32>
        %mul3A_3142 = arith.mulf %get3A_3139, %get3A_3139 : vector<16xf32>
        %add3A_3143 = arith.addf %scan3A_3088, %mul3A_3142 : vector<16xf32>
        %mul3A_3144 = arith.constant 16 : i32
        %mul3A_3145 = arith.muli %scan3A_3068, %mul3A_3144 : i32
        %get3A_3146 = arith.constant 4 : i32
        %get3A_3147 = arith.index_cast %get3A_3146 : i32 to index
        %get3A_3148 = arith.index_cast %mul3A_3145 : i32 to index
        %get3A_3149 = tpu.vector_load %arg9[%get3A_3147, %get3A_3148] {strides = array<i32>} : memref<16x1152xf32, #tpu.memory_space<vmem>>, vector<16xf32>,
        %mul3A_3150 = arith.mulf %get3A_3149, %get3A_3103 : vector<16xf32>
        %add3A_3151 = arith.addf %scan3A_3073, %mul3A_3150 : vector<16xf32>
        %mul3A_3152 = arith.mulf %get3A_3149, %get3A_3149 : vector<16xf32>
        %add3A_3153 = arith.addf %scan3A_3089, %mul3A_3152 : vector<16xf32>
        %mul3A_3154 = arith.constant 16 : i32
        %mul3A_3155 = arith.muli %scan3A_3068, %mul3A_3154 : i32
        %get3A_3156 = arith.constant 5 : i32
        %get3A_3157 = arith.index_cast %get3A_3156 : i32 to index
        %get3A_3158 = arith.index_cast %mul3A_3155 : i32 to index
        %get3A_3159 = tpu.vector_load %arg9[%get3A_3157, %get3A_3158] {strides = array<i32>} : memref<16x1152xf32, #tpu.memory_space<vmem>>, vector<16xf32>,
        %mul3A_3160 = arith.mulf %get3A_3159, %get3A_3103 : vector<16xf32>
        %add3A_3161 = arith.addf %scan3A_3074, %mul3A_3160 : vector<16xf32>
        %mul3A_3162 = arith.mulf %get3A_3159, %get3A_3159 : vector<16xf32>
        %add3A_3163 = arith.addf %scan3A_3090, %mul3A_3162 : vector<16xf32>
        %mul3A_3164 = arith.constant 16 : i32
        %mul3A_3165 = arith.muli %scan3A_3068, %mul3A_3164 : i32
        %get3A_3166 = arith.constant 6 : i32
        %get3A_3167 = arith.index_cast %get3A_3166 : i32 to index
        %get3A_3168 = arith.index_cast %mul3A_3165 : i32 to index
        %get3A_3169 = tpu.vector_load %arg9[%get3A_3167, %get3A_3168] {strides = array<i32>} : memref<16x1152xf32, #tpu.memory_space<vmem>>, vector<16xf32>,
        %mul3A_3170 = arith.mulf %get3A_3169, %get3A_3103 : vector<16xf32>
        %add3A_3171 = arith.addf %scan3A_3075, %mul3A_3170 : vector<16xf32>
        %mul3A_3172 = arith.mulf %get3A_3169, %get3A_3169 : vector<16xf32>
        %add3A_3173 = arith.addf %scan3A_3091, %mul3A_3172 : vector<16xf32>
        %mul3A_3174 = arith.constant 16 : i32
        %mul3A_3175 = arith.muli %scan3A_3068, %mul3A_3174 : i32
        %get3A_3176 = arith.constant 7 : i32
        %get3A_3177 = arith.index_cast %get3A_3176 : i32 to index
        %get3A_3178 = arith.index_cast %mul3A_3175 : i32 to index
        %get3A_3179 = tpu.vector_load %arg9[%get3A_3177, %get3A_3178] {strides = array<i32>} : memref<16x1152xf32, #tpu.memory_space<vmem>>, vector<16xf32>,
        %mul3A_3180 = arith.mulf %get3A_3179, %get3A_3103 : vector<16xf32>
        %add3A_3181 = arith.addf %scan3A_3076, %mul3A_3180 : vector<16xf32>
        %mul3A_3182 = arith.mulf %get3A_3179, %get3A_3179 : vector<16xf32>
        %add3A_3183 = arith.addf %scan3A_3092, %mul3A_3182 : vector<16xf32>
        %mul3A_3184 = arith.constant 16 : i32
        %mul3A_3185 = arith.muli %scan3A_3068, %mul3A_3184 : i32
        %get3A_3186 = arith.constant 8 : i32
        %get3A_3187 = arith.index_cast %get3A_3186 : i32 to index
        %get3A_3188 = arith.index_cast %mul3A_3185 : i32 to index
        %get3A_3189 = tpu.vector_load %arg9[%get3A_3187, %get3A_3188] {strides = array<i32>} : memref<16x1152xf32, #tpu.memory_space<vmem>>, vector<16xf32>,
        %mul3A_3190 = arith.mulf %get3A_3189, %get3A_3103 : vector<16xf32>
        %add3A_3191 = arith.addf %scan3A_3077, %mul3A_3190 : vector<16xf32>
        %mul3A_3192 = arith.mulf %get3A_3189, %get3A_3189 : vector<16xf32>
        %add3A_3193 = arith.addf %scan3A_3093, %mul3A_3192 : vector<16xf32>
        %mul3A_3194 = arith.constant 16 : i32
        %mul3A_3195 = arith.muli %scan3A_3068, %mul3A_3194 : i32
        %get3A_3196 = arith.constant 9 : i32
        %get3A_3197 = arith.index_cast %get3A_3196 : i32 to index
        %get3A_3198 = arith.index_cast %mul3A_3195 : i32 to index
        %get3A_3199 = tpu.vector_load %arg9[%get3A_3197, %get3A_3198] {strides = array<i32>} : memref<16x1152xf32, #tpu.memory_space<vmem>>, vector<16xf32>,
        %mul3A_3200 = arith.mulf %get3A_3199, %get3A_3103 : vector<16xf32>
        %add3A_3201 = arith.addf %scan3A_3078, %mul3A_3200 : vector<16xf32>
        %mul3A_3202 = arith.mulf %get3A_3199, %get3A_3199 : vector<16xf32>
        %add3A_3203 = arith.addf %scan3A_3094, %mul3A_3202 : vector<16xf32>
        %mul3A_3204 = arith.constant 16 : i32
        %mul3A_3205 = arith.muli %scan3A_3068, %mul3A_3204 : i32
        %get3A_3206 = arith.constant 10 : i32
        %get3A_3207 = arith.index_cast %get3A_3206 : i32 to index
        %get3A_3208 = arith.index_cast %mul3A_3205 : i32 to index
        %get3A_3209 = tpu.vector_load %arg9[%get3A_3207, %get3A_3208] {strides = array<i32>} : memref<16x1152xf32, #tpu.memory_space<vmem>>, vector<16xf32>,
        %mul3A_3210 = arith.mulf %get3A_3209, %get3A_3103 : vector<16xf32>
        %add3A_3211 = arith.addf %scan3A_3079, %mul3A_3210 : vector<16xf32>
        %mul3A_3212 = arith.mulf %get3A_3209, %get3A_3209 : vector<16xf32>
        %add3A_3213 = arith.addf %scan3A_3095, %mul3A_3212 : vector<16xf32>
        %mul3A_3214 = arith.constant 16 : i32
        %mul3A_3215 = arith.muli %scan3A_3068, %mul3A_3214 : i32
        %get3A_3216 = arith.constant 11 : i32
        %get3A_3217 = arith.index_cast %get3A_3216 : i32 to index
        %get3A_3218 = arith.index_cast %mul3A_3215 : i32 to index
        %get3A_3219 = tpu.vector_load %arg9[%get3A_3217, %get3A_3218] {strides = array<i32>} : memref<16x1152xf32, #tpu.memory_space<vmem>>, vector<16xf32>,
        %mul3A_3220 = arith.mulf %get3A_3219, %get3A_3103 : vector<16xf32>
        %add3A_3221 = arith.addf %scan3A_3080, %mul3A_3220 : vector<16xf32>
        %mul3A_3222 = arith.mulf %get3A_3219, %get3A_3219 : vector<16xf32>
        %add3A_3223 = arith.addf %scan3A_3096, %mul3A_3222 : vector<16xf32>
        %mul3A_3224 = arith.constant 16 : i32
        %mul3A_3225 = arith.muli %scan3A_3068, %mul3A_3224 : i32
        %get3A_3226 = arith.constant 12 : i32
        %get3A_3227 = arith.index_cast %get3A_3226 : i32 to index
        %get3A_3228 = arith.index_cast %mul3A_3225 : i32 to index
        %get3A_3229 = tpu.vector_load %arg9[%get3A_3227, %get3A_3228] {strides = array<i32>} : memref<16x1152xf32, #tpu.memory_space<vmem>>, vector<16xf32>,
        %mul3A_3230 = arith.mulf %get3A_3229, %get3A_3103 : vector<16xf32>
        %add3A_3231 = arith.addf %scan3A_3081, %mul3A_3230 : vector<16xf32>
        %mul3A_3232 = arith.mulf %get3A_3229, %get3A_3229 : vector<16xf32>
        %add3A_3233 = arith.addf %scan3A_3097, %mul3A_3232 : vector<16xf32>
        %mul3A_3234 = arith.constant 16 : i32
        %mul3A_3235 = arith.muli %scan3A_3068, %mul3A_3234 : i32
        %get3A_3236 = arith.constant 13 : i32
        %get3A_3237 = arith.index_cast %get3A_3236 : i32 to index
        %get3A_3238 = arith.index_cast %mul3A_3235 : i32 to index
        %get3A_3239 = tpu.vector_load %arg9[%get3A_3237, %get3A_3238] {strides = array<i32>} : memref<16x1152xf32, #tpu.memory_space<vmem>>, vector<16xf32>,
        %mul3A_3240 = arith.mulf %get3A_3239, %get3A_3103 : vector<16xf32>
        %add3A_3241 = arith.addf %scan3A_3082, %mul3A_3240 : vector<16xf32>
        %mul3A_3242 = arith.mulf %get3A_3239, %get3A_3239 : vector<16xf32>
        %add3A_3243 = arith.addf %scan3A_3098, %mul3A_3242 : vector<16xf32>
        %mul3A_3244 = arith.constant 16 : i32
        %mul3A_3245 = arith.muli %scan3A_3068, %mul3A_3244 : i32
        %get3A_3246 = arith.constant 14 : i32
        %get3A_3247 = arith.index_cast %get3A_3246 : i32 to index
        %get3A_3248 = arith.index_cast %mul3A_3245 : i32 to index
        %get3A_3249 = tpu.vector_load %arg9[%get3A_3247, %get3A_3248] {strides = array<i32>} : memref<16x1152xf32, #tpu.memory_space<vmem>>, vector<16xf32>,
        %mul3A_3250 = arith.mulf %get3A_3249, %get3A_3103 : vector<16xf32>
        %add3A_3251 = arith.addf %scan3A_3083, %mul3A_3250 : vector<16xf32>
        %mul3A_3252 = arith.mulf %get3A_3249, %get3A_3249 : vector<16xf32>
        %add3A_3253 = arith.addf %scan3A_3099, %mul3A_3252 : vector<16xf32>
        %mul3A_3254 = arith.constant 16 : i32
        %mul3A_3255 = arith.muli %scan3A_3068, %mul3A_3254 : i32
        %get3A_3256 = arith.constant 15 : i32
        %get3A_3257 = arith.index_cast %get3A_3256 : i32 to index
        %get3A_3258 = arith.index_cast %mul3A_3255 : i32 to index
        %get3A_3259 = tpu.vector_load %arg9[%get3A_3257, %get3A_3258] {strides = array<i32>} : memref<16x1152xf32, #tpu.memory_space<vmem>>, vector<16xf32>,
        %mul3A_3260 = arith.mulf %get3A_3259, %get3A_3103 : vector<16xf32>
        %add3A_3261 = arith.addf %scan3A_3084, %mul3A_3260 : vector<16xf32>
        %mul3A_3262 = arith.mulf %get3A_3259, %get3A_3259 : vector<16xf32>
        %add3A_3263 = arith.addf %scan3A_3100, %mul3A_3262 : vector<16xf32>
        scf.yield %add3A_3111, %add3A_3121, %add3A_3131, %add3A_3141, %add3A_3151, %add3A_3161, %add3A_3171, %add3A_3181, %add3A_3191, %add3A_3201, %add3A_3211, %add3A_3221, %add3A_3231, %add3A_3241, %add3A_3251, %add3A_3261, %add3A_3113, %add3A_3123, %add3A_3133, %add3A_3143, %add3A_3153, %add3A_3163, %add3A_3173, %add3A_3183, %add3A_3193, %add3A_3203, %add3A_3213, %add3A_3223, %add3A_3233, %add3A_3243, %add3A_3253, %add3A_3263 : vector<16xf32>, vector<16xf32>, vector<16xf32>, vector<16xf32>, vector<16xf32>, vector<16xf32>, vector<16xf32>, vector<16xf32>, vector<16xf32>, vector<16xf32>, vector<16xf32>, vector<16xf32>, vector<16xf32>, vector<16xf32>, vector<16xf32>, vector<16xf32>, vector<16xf32>, vector<16xf32>, vector<16xf32>, vector<16xf32>, vector<16xf32>, vector<16xf32>, vector<16xf32>, vector<16xf32>, vector<16xf32>, vector<16xf32>, vector<16xf32>, vector<16xf32>, vector<16xf32>, vector<16xf32>, vector<16xf32>, vector<16xf32>
      }
      %scan3A_857 = arith.constant 72 : i32
      %reduce_sum3A_858 = arith.constant true
      %reduce_sum3A_859 = vector.broadcast %reduce_sum3A_858 : i1 to vector<16xi1>
      %reduce_sum3A_860 = tpu.scan <sum>, %scan3A_856#0 masked %reduce_sum3A_859 : vector<16xf32>, vector<16xi1> -> vector<16xf32>
      %reduce_sum3A_861 = vector.extract %reduce_sum3A_860[15] : f32 from vector<16xf32>
      %reduce_sum3A_862 = arith.constant true
      %reduce_sum3A_863 = vector.broadcast %reduce_sum3A_862 : i1 to vector<16xi1>
      %reduce_sum3A_864 = tpu.scan <sum>, %scan3A_856#16 masked %reduce_sum3A_863 : vector<16xf32>, vector<16xi1> -> vector<16xf32>
      %reduce_sum3A_865 = vector.extract %reduce_sum3A_864[15] : f32 from vector<16xf32>
      %bitcast_convert_type3A_866 = arith.bitcast %reduce_sum3A_865 : f32 to i32
      %shift_right_logical3A_867 = arith.constant 1 : i32
      %shift_right_logical3A_868 = arith.shrui %bitcast_convert_type3A_866, %shift_right_logical3A_867 : i32
      %sub3A_869 = arith.constant 1597463007 : i32
      %sub3A_870 = arith.subi %sub3A_869, %shift_right_logical3A_868 : i32
      %bitcast_convert_type3A_871 = arith.bitcast %sub3A_870 : i32 to f32
      %mul3A_872 = arith.constant 5.000000e-01 : f32
      %mul3A_873 = arith.mulf %mul3A_872, %reduce_sum3A_865 : f32
      %mul3A_874 = arith.mulf %mul3A_873, %bitcast_convert_type3A_871 : f32
      %mul3A_875 = arith.mulf %mul3A_874, %bitcast_convert_type3A_871 : f32
      %sub3A_876 = arith.constant 1.500000e+00 : f32
      %sub3A_877 = arith.subf %sub3A_876, %mul3A_875 : f32
      %mul3A_878 = arith.mulf %bitcast_convert_type3A_871, %sub3A_877 : f32
      %mul3A_879 = arith.constant 5.000000e-01 : f32
      %mul3A_880 = arith.mulf %mul3A_879, %reduce_sum3A_865 : f32
      %mul3A_881 = arith.mulf %mul3A_880, %mul3A_878 : f32
      %mul3A_882 = arith.mulf %mul3A_881, %mul3A_878 : f32
      %sub3A_883 = arith.constant 1.500000e+00 : f32
      %sub3A_884 = arith.subf %sub3A_883, %mul3A_882 : f32
      %mul3A_885 = arith.mulf %mul3A_878, %sub3A_884 : f32
      %mul3A_886 = arith.constant 5.000000e-01 : f32
      %mul3A_887 = arith.mulf %mul3A_886, %reduce_sum3A_865 : f32
      %mul3A_888 = arith.mulf %mul3A_887, %mul3A_885 : f32
      %mul3A_889 = arith.mulf %mul3A_888, %mul3A_885 : f32
      %sub3A_890 = arith.constant 1.500000e+00 : f32
      %sub3A_891 = arith.subf %sub3A_890, %mul3A_889 : f32
      %mul3A_892 = arith.mulf %mul3A_885, %sub3A_891 : f32
      %mul3A_893 = arith.mulf %reduce_sum3A_861, %mul3A_892 : f32
      %add3A_894 = arith.constant 0 : i32
      %add3A_895 = arith.addi %add3A_819, %add3A_894 : i32
      %add3A_896 = arith.constant 0 : i32
      %add3A_897 = arith.addi %add3A_895, %add3A_896 : i32
      %gt3A_898 = arith.cmpf ogt, %mul3A_893, %select_n3A_793 : f32
      %select_n3A_899 = arith.select %gt3A_898, %mul3A_893, %select_n3A_793 : f32
      %select_n3A_900 = arith.select %gt3A_898, %add3A_897, %select_n3A_794 : i32
      %reduce_sum3A_901 = arith.constant true
      %reduce_sum3A_902 = vector.broadcast %reduce_sum3A_901 : i1 to vector<16xi1>
      %reduce_sum3A_903 = tpu.scan <sum>, %scan3A_856#1 masked %reduce_sum3A_902 : vector<16xf32>, vector<16xi1> -> vector<16xf32>
      %reduce_sum3A_904 = vector.extract %reduce_sum3A_903[15] : f32 from vector<16xf32>
      %reduce_sum3A_905 = arith.constant true
      %reduce_sum3A_906 = vector.broadcast %reduce_sum3A_905 : i1 to vector<16xi1>
      %reduce_sum3A_907 = tpu.scan <sum>, %scan3A_856#17 masked %reduce_sum3A_906 : vector<16xf32>, vector<16xi1> -> vector<16xf32>
      %reduce_sum3A_908 = vector.extract %reduce_sum3A_907[15] : f32 from vector<16xf32>
      %bitcast_convert_type3A_909 = arith.bitcast %reduce_sum3A_908 : f32 to i32
      %shift_right_logical3A_910 = arith.constant 1 : i32
      %shift_right_logical3A_911 = arith.shrui %bitcast_convert_type3A_909, %shift_right_logical3A_910 : i32
      %sub3A_912 = arith.constant 1597463007 : i32
      %sub3A_913 = arith.subi %sub3A_912, %shift_right_logical3A_911 : i32
      %bitcast_convert_type3A_914 = arith.bitcast %sub3A_913 : i32 to f32
      %mul3A_915 = arith.constant 5.000000e-01 : f32
      %mul3A_916 = arith.mulf %mul3A_915, %reduce_sum3A_908 : f32
      %mul3A_917 = arith.mulf %mul3A_916, %bitcast_convert_type3A_914 : f32
      %mul3A_918 = arith.mulf %mul3A_917, %bitcast_convert_type3A_914 : f32
      %sub3A_919 = arith.constant 1.500000e+00 : f32
      %sub3A_920 = arith.subf %sub3A_919, %mul3A_918 : f32
      %mul3A_921 = arith.mulf %bitcast_convert_type3A_914, %sub3A_920 : f32
      %mul3A_922 = arith.constant 5.000000e-01 : f32
      %mul3A_923 = arith.mulf %mul3A_922, %reduce_sum3A_908 : f32
      %mul3A_924 = arith.mulf %mul3A_923, %mul3A_921 : f32
      %mul3A_925 = arith.mulf %mul3A_924, %mul3A_921 : f32
      %sub3A_926 = arith.constant 1.500000e+00 : f32
      %sub3A_927 = arith.subf %sub3A_926, %mul3A_925 : f32
      %mul3A_928 = arith.mulf %mul3A_921, %sub3A_927 : f32
      %mul3A_929 = arith.constant 5.000000e-01 : f32
      %mul3A_930 = arith.mulf %mul3A_929, %reduce_sum3A_908 : f32
      %mul3A_931 = arith.mulf %mul3A_930, %mul3A_928 : f32
      %mul3A_932 = arith.mulf %mul3A_931, %mul3A_928 : f32
      %sub3A_933 = arith.constant 1.500000e+00 : f32
      %sub3A_934 = arith.subf %sub3A_933, %mul3A_932 : f32
      %mul3A_935 = arith.mulf %mul3A_928, %sub3A_934 : f32
      %mul3A_936 = arith.mulf %reduce_sum3A_904, %mul3A_935 : f32
      %add3A_937 = arith.constant 0 : i32
      %add3A_938 = arith.addi %add3A_819, %add3A_937 : i32
      %add3A_939 = arith.constant 1 : i32
      %add3A_940 = arith.addi %add3A_938, %add3A_939 : i32
      %gt3A_941 = arith.cmpf ogt, %mul3A_936, %select_n3A_899 : f32
      %select_n3A_942 = arith.select %gt3A_941, %mul3A_936, %select_n3A_899 : f32
      %select_n3A_943 = arith.select %gt3A_941, %add3A_940, %select_n3A_900 : i32
      %reduce_sum3A_944 = arith.constant true
      %reduce_sum3A_945 = vector.broadcast %reduce_sum3A_944 : i1 to vector<16xi1>
      %reduce_sum3A_946 = tpu.scan <sum>, %scan3A_856#2 masked %reduce_sum3A_945 : vector<16xf32>, vector<16xi1> -> vector<16xf32>
      %reduce_sum3A_947 = vector.extract %reduce_sum3A_946[15] : f32 from vector<16xf32>
      %reduce_sum3A_948 = arith.constant true
      %reduce_sum3A_949 = vector.broadcast %reduce_sum3A_948 : i1 to vector<16xi1>
      %reduce_sum3A_950 = tpu.scan <sum>, %scan3A_856#18 masked %reduce_sum3A_949 : vector<16xf32>, vector<16xi1> -> vector<16xf32>
      %reduce_sum3A_951 = vector.extract %reduce_sum3A_950[15] : f32 from vector<16xf32>
      %bitcast_convert_type3A_952 = arith.bitcast %reduce_sum3A_951 : f32 to i32
      %shift_right_logical3A_953 = arith.constant 1 : i32
      %shift_right_logical3A_954 = arith.shrui %bitcast_convert_type3A_952, %shift_right_logical3A_953 : i32
      %sub3A_955 = arith.constant 1597463007 : i32
      %sub3A_956 = arith.subi %sub3A_955, %shift_right_logical3A_954 : i32
      %bitcast_convert_type3A_957 = arith.bitcast %sub3A_956 : i32 to f32
      %mul3A_958 = arith.constant 5.000000e-01 : f32
      %mul3A_959 = arith.mulf %mul3A_958, %reduce_sum3A_951 : f32
      %mul3A_960 = arith.mulf %mul3A_959, %bitcast_convert_type3A_957 : f32
      %mul3A_961 = arith.mulf %mul3A_960, %bitcast_convert_type3A_957 : f32
      %sub3A_962 = arith.constant 1.500000e+00 : f32
      %sub3A_963 = arith.subf %sub3A_962, %mul3A_961 : f32
      %mul3A_964 = arith.mulf %bitcast_convert_type3A_957, %sub3A_963 : f32
      %mul3A_965 = arith.constant 5.000000e-01 : f32
      %mul3A_966 = arith.mulf %mul3A_965, %reduce_sum3A_951 : f32
      %mul3A_967 = arith.mulf %mul3A_966, %mul3A_964 : f32
      %mul3A_968 = arith.mulf %mul3A_967, %mul3A_964 : f32
      %sub3A_969 = arith.constant 1.500000e+00 : f32
      %sub3A_970 = arith.subf %sub3A_969, %mul3A_968 : f32
      %mul3A_971 = arith.mulf %mul3A_964, %sub3A_970 : f32
      %mul3A_972 = arith.constant 5.000000e-01 : f32
      %mul3A_973 = arith.mulf %mul3A_972, %reduce_sum3A_951 : f32
      %mul3A_974 = arith.mulf %mul3A_973, %mul3A_971 : f32
      %mul3A_975 = arith.mulf %mul3A_974, %mul3A_971 : f32
      %sub3A_976 = arith.constant 1.500000e+00 : f32
      %sub3A_977 = arith.subf %sub3A_976, %mul3A_975 : f32
      %mul3A_978 = arith.mulf %mul3A_971, %sub3A_977 : f32
      %mul3A_979 = arith.mulf %reduce_sum3A_947, %mul3A_978 : f32
      %add3A_980 = arith.constant 0 : i32
      %add3A_981 = arith.addi %add3A_819, %add3A_980 : i32
      %add3A_982 = arith.constant 2 : i32
      %add3A_983 = arith.addi %add3A_981, %add3A_982 : i32
      %gt3A_984 = arith.cmpf ogt, %mul3A_979, %select_n3A_942 : f32
      %select_n3A_985 = arith.select %gt3A_984, %mul3A_979, %select_n3A_942 : f32
      %select_n3A_986 = arith.select %gt3A_984, %add3A_983, %select_n3A_943 : i32
      %reduce_sum3A_987 = arith.constant true
      %reduce_sum3A_988 = vector.broadcast %reduce_sum3A_987 : i1 to vector<16xi1>
      %reduce_sum3A_989 = tpu.scan <sum>, %scan3A_856#3 masked %reduce_sum3A_988 : vector<16xf32>, vector<16xi1> -> vector<16xf32>
      %reduce_sum3A_990 = vector.extract %reduce_sum3A_989[15] : f32 from vector<16xf32>
      %reduce_sum3A_991 = arith.constant true
      %reduce_sum3A_992 = vector.broadcast %reduce_sum3A_991 : i1 to vector<16xi1>
      %reduce_sum3A_993 = tpu.scan <sum>, %scan3A_856#19 masked %reduce_sum3A_992 : vector<16xf32>, vector<16xi1> -> vector<16xf32>
      %reduce_sum3A_994 = vector.extract %reduce_sum3A_993[15] : f32 from vector<16xf32>
      %bitcast_convert_type3A_995 = arith.bitcast %reduce_sum3A_994 : f32 to i32
      %shift_right_logical3A_996 = arith.constant 1 : i32
      %shift_right_logical3A_997 = arith.shrui %bitcast_convert_type3A_995, %shift_right_logical3A_996 : i32
      %sub3A_998 = arith.constant 1597463007 : i32
      %sub3A_999 = arith.subi %sub3A_998, %shift_right_logical3A_997 : i32
      %bitcast_convert_type3A_1000 = arith.bitcast %sub3A_999 : i32 to f32
      %mul3A_1001 = arith.constant 5.000000e-01 : f32
      %mul3A_1002 = arith.mulf %mul3A_1001, %reduce_sum3A_994 : f32
      %mul3A_1003 = arith.mulf %mul3A_1002, %bitcast_convert_type3A_1000 : f32
      %mul3A_1004 = arith.mulf %mul3A_1003, %bitcast_convert_type3A_1000 : f32
      %sub3A_1005 = arith.constant 1.500000e+00 : f32
      %sub3A_1006 = arith.subf %sub3A_1005, %mul3A_1004 : f32
      %mul3A_1007 = arith.mulf %bitcast_convert_type3A_1000, %sub3A_1006 : f32
      %mul3A_1008 = arith.constant 5.000000e-01 : f32
      %mul3A_1009 = arith.mulf %mul3A_1008, %reduce_sum3A_994 : f32
      %mul3A_1010 = arith.mulf %mul3A_1009, %mul3A_1007 : f32
      %mul3A_1011 = arith.mulf %mul3A_1010, %mul3A_1007 : f32
      %sub3A_1012 = arith.constant 1.500000e+00 : f32
      %sub3A_1013 = arith.subf %sub3A_1012, %mul3A_1011 : f32
      %mul3A_1014 = arith.mulf %mul3A_1007, %sub3A_1013 : f32
      %mul3A_1015 = arith.constant 5.000000e-01 : f32
      %mul3A_1016 = arith.mulf %mul3A_1015, %reduce_sum3A_994 : f32
      %mul3A_1017 = arith.mulf %mul3A_1016, %mul3A_1014 : f32
      %mul3A_1018 = arith.mulf %mul3A_1017, %mul3A_1014 : f32
      %sub3A_1019 = arith.constant 1.500000e+00 : f32
      %sub3A_1020 = arith.subf %sub3A_1019, %mul3A_1018 : f32
      %mul3A_1021 = arith.mulf %mul3A_1014, %sub3A_1020 : f32
      %mul3A_1022 = arith.mulf %reduce_sum3A_990, %mul3A_1021 : f32
      %add3A_1023 = arith.constant 0 : i32
      %add3A_1024 = arith.addi %add3A_819, %add3A_1023 : i32
      %add3A_1025 = arith.constant 3 : i32
      %add3A_1026 = arith.addi %add3A_1024, %add3A_1025 : i32
      %gt3A_1027 = arith.cmpf ogt, %mul3A_1022, %select_n3A_985 : f32
      %select_n3A_1028 = arith.select %gt3A_1027, %mul3A_1022, %select_n3A_985 : f32
      %select_n3A_1029 = arith.select %gt3A_1027, %add3A_1026, %select_n3A_986 : i32
      %reduce_sum3A_1030 = arith.constant true
      %reduce_sum3A_1031 = vector.broadcast %reduce_sum3A_1030 : i1 to vector<16xi1>
      %reduce_sum3A_1032 = tpu.scan <sum>, %scan3A_856#4 masked %reduce_sum3A_1031 : vector<16xf32>, vector<16xi1> -> vector<16xf32>
      %reduce_sum3A_1033 = vector.extract %reduce_sum3A_1032[15] : f32 from vector<16xf32>
      %reduce_sum3A_1034 = arith.constant true
      %reduce_sum3A_1035 = vector.broadcast %reduce_sum3A_1034 : i1 to vector<16xi1>
      %reduce_sum3A_1036 = tpu.scan <sum>, %scan3A_856#20 masked %reduce_sum3A_1035 : vector<16xf32>, vector<16xi1> -> vector<16xf32>
      %reduce_sum3A_1037 = vector.extract %reduce_sum3A_1036[15] : f32 from vector<16xf32>
      %bitcast_convert_type3A_1038 = arith.bitcast %reduce_sum3A_1037 : f32 to i32
      %shift_right_logical3A_1039 = arith.constant 1 : i32
      %shift_right_logical3A_1040 = arith.shrui %bitcast_convert_type3A_1038, %shift_right_logical3A_1039 : i32
      %sub3A_1041 = arith.constant 1597463007 : i32
      %sub3A_1042 = arith.subi %sub3A_1041, %shift_right_logical3A_1040 : i32
      %bitcast_convert_type3A_1043 = arith.bitcast %sub3A_1042 : i32 to f32
      %mul3A_1044 = arith.constant 5.000000e-01 : f32
      %mul3A_1045 = arith.mulf %mul3A_1044, %reduce_sum3A_1037 : f32
      %mul3A_1046 = arith.mulf %mul3A_1045, %bitcast_convert_type3A_1043 : f32
      %mul3A_1047 = arith.mulf %mul3A_1046, %bitcast_convert_type3A_1043 : f32
      %sub3A_1048 = arith.constant 1.500000e+00 : f32
      %sub3A_1049 = arith.subf %sub3A_1048, %mul3A_1047 : f32
      %mul3A_1050 = arith.mulf %bitcast_convert_type3A_1043, %sub3A_1049 : f32
      %mul3A_1051 = arith.constant 5.000000e-01 : f32
      %mul3A_1052 = arith.mulf %mul3A_1051, %reduce_sum3A_1037 : f32
      %mul3A_1053 = arith.mulf %mul3A_1052, %mul3A_1050 : f32
      %mul3A_1054 = arith.mulf %mul3A_1053, %mul3A_1050 : f32
      %sub3A_1055 = arith.constant 1.500000e+00 : f32
      %sub3A_1056 = arith.subf %sub3A_1055, %mul3A_1054 : f32
      %mul3A_1057 = arith.mulf %mul3A_1050, %sub3A_1056 : f32
      %mul3A_1058 = arith.constant 5.000000e-01 : f32
      %mul3A_1059 = arith.mulf %mul3A_1058, %reduce_sum3A_1037 : f32
      %mul3A_1060 = arith.mulf %mul3A_1059, %mul3A_1057 : f32
      %mul3A_1061 = arith.mulf %mul3A_1060, %mul3A_1057 : f32
      %sub3A_1062 = arith.constant 1.500000e+00 : f32
      %sub3A_1063 = arith.subf %sub3A_1062, %mul3A_1061 : f32
      %mul3A_1064 = arith.mulf %mul3A_1057, %sub3A_1063 : f32
      %mul3A_1065 = arith.mulf %reduce_sum3A_1033, %mul3A_1064 : f32
      %add3A_1066 = arith.constant 0 : i32
      %add3A_1067 = arith.addi %add3A_819, %add3A_1066 : i32
      %add3A_1068 = arith.constant 4 : i32
      %add3A_1069 = arith.addi %add3A_1067, %add3A_1068 : i32
      %gt3A_1070 = arith.cmpf ogt, %mul3A_1065, %select_n3A_1028 : f32
      %select_n3A_1071 = arith.select %gt3A_1070, %mul3A_1065, %select_n3A_1028 : f32
      %select_n3A_1072 = arith.select %gt3A_1070, %add3A_1069, %select_n3A_1029 : i32
      %reduce_sum3A_1073 = arith.constant true
      %reduce_sum3A_1074 = vector.broadcast %reduce_sum3A_1073 : i1 to vector<16xi1>
      %reduce_sum3A_1075 = tpu.scan <sum>, %scan3A_856#5 masked %reduce_sum3A_1074 : vector<16xf32>, vector<16xi1> -> vector<16xf32>
      %reduce_sum3A_1076 = vector.extract %reduce_sum3A_1075[15] : f32 from vector<16xf32>
      %reduce_sum3A_1077 = arith.constant true
      %reduce_sum3A_1078 = vector.broadcast %reduce_sum3A_1077 : i1 to vector<16xi1>
      %reduce_sum3A_1079 = tpu.scan <sum>, %scan3A_856#21 masked %reduce_sum3A_1078 : vector<16xf32>, vector<16xi1> -> vector<16xf32>
      %reduce_sum3A_1080 = vector.extract %reduce_sum3A_1079[15] : f32 from vector<16xf32>
      %bitcast_convert_type3A_1081 = arith.bitcast %reduce_sum3A_1080 : f32 to i32
      %shift_right_logical3A_1082 = arith.constant 1 : i32
      %shift_right_logical3A_1083 = arith.shrui %bitcast_convert_type3A_1081, %shift_right_logical3A_1082 : i32
      %sub3A_1084 = arith.constant 1597463007 : i32
      %sub3A_1085 = arith.subi %sub3A_1084, %shift_right_logical3A_1083 : i32
      %bitcast_convert_type3A_1086 = arith.bitcast %sub3A_1085 : i32 to f32
      %mul3A_1087 = arith.constant 5.000000e-01 : f32
      %mul3A_1088 = arith.mulf %mul3A_1087, %reduce_sum3A_1080 : f32
      %mul3A_1089 = arith.mulf %mul3A_1088, %bitcast_convert_type3A_1086 : f32
      %mul3A_1090 = arith.mulf %mul3A_1089, %bitcast_convert_type3A_1086 : f32
      %sub3A_1091 = arith.constant 1.500000e+00 : f32
      %sub3A_1092 = arith.subf %sub3A_1091, %mul3A_1090 : f32
      %mul3A_1093 = arith.mulf %bitcast_convert_type3A_1086, %sub3A_1092 : f32
      %mul3A_1094 = arith.constant 5.000000e-01 : f32
      %mul3A_1095 = arith.mulf %mul3A_1094, %reduce_sum3A_1080 : f32
      %mul3A_1096 = arith.mulf %mul3A_1095, %mul3A_1093 : f32
      %mul3A_1097 = arith.mulf %mul3A_1096, %mul3A_1093 : f32
      %sub3A_1098 = arith.constant 1.500000e+00 : f32
      %sub3A_1099 = arith.subf %sub3A_1098, %mul3A_1097 : f32
      %mul3A_1100 = arith.mulf %mul3A_1093, %sub3A_1099 : f32
      %mul3A_1101 = arith.constant 5.000000e-01 : f32
      %mul3A_1102 = arith.mulf %mul3A_1101, %reduce_sum3A_1080 : f32
      %mul3A_1103 = arith.mulf %mul3A_1102, %mul3A_1100 : f32
      %mul3A_1104 = arith.mulf %mul3A_1103, %mul3A_1100 : f32
      %sub3A_1105 = arith.constant 1.500000e+00 : f32
      %sub3A_1106 = arith.subf %sub3A_1105, %mul3A_1104 : f32
      %mul3A_1107 = arith.mulf %mul3A_1100, %sub3A_1106 : f32
      %mul3A_1108 = arith.mulf %reduce_sum3A_1076, %mul3A_1107 : f32
      %add3A_1109 = arith.constant 0 : i32
      %add3A_1110 = arith.addi %add3A_819, %add3A_1109 : i32
      %add3A_1111 = arith.constant 5 : i32
      %add3A_1112 = arith.addi %add3A_1110, %add3A_1111 : i32
      %gt3A_1113 = arith.cmpf ogt, %mul3A_1108, %select_n3A_1071 : f32
      %select_n3A_1114 = arith.select %gt3A_1113, %mul3A_1108, %select_n3A_1071 : f32
      %select_n3A_1115 = arith.select %gt3A_1113, %add3A_1112, %select_n3A_1072 : i32
      %reduce_sum3A_1116 = arith.constant true
      %reduce_sum3A_1117 = vector.broadcast %reduce_sum3A_1116 : i1 to vector<16xi1>
      %reduce_sum3A_1118 = tpu.scan <sum>, %scan3A_856#6 masked %reduce_sum3A_1117 : vector<16xf32>, vector<16xi1> -> vector<16xf32>
      %reduce_sum3A_1119 = vector.extract %reduce_sum3A_1118[15] : f32 from vector<16xf32>
      %reduce_sum3A_1120 = arith.constant true
      %reduce_sum3A_1121 = vector.broadcast %reduce_sum3A_1120 : i1 to vector<16xi1>
      %reduce_sum3A_1122 = tpu.scan <sum>, %scan3A_856#22 masked %reduce_sum3A_1121 : vector<16xf32>, vector<16xi1> -> vector<16xf32>
      %reduce_sum3A_1123 = vector.extract %reduce_sum3A_1122[15] : f32 from vector<16xf32>
      %bitcast_convert_type3A_1124 = arith.bitcast %reduce_sum3A_1123 : f32 to i32
      %shift_right_logical3A_1125 = arith.constant 1 : i32
      %shift_right_logical3A_1126 = arith.shrui %bitcast_convert_type3A_1124, %shift_right_logical3A_1125 : i32
      %sub3A_1127 = arith.constant 1597463007 : i32
      %sub3A_1128 = arith.subi %sub3A_1127, %shift_right_logical3A_1126 : i32
      %bitcast_convert_type3A_1129 = arith.bitcast %sub3A_1128 : i32 to f32
      %mul3A_1130 = arith.constant 5.000000e-01 : f32
      %mul3A_1131 = arith.mulf %mul3A_1130, %reduce_sum3A_1123 : f32
      %mul3A_1132 = arith.mulf %mul3A_1131, %bitcast_convert_type3A_1129 : f32
      %mul3A_1133 = arith.mulf %mul3A_1132, %bitcast_convert_type3A_1129 : f32
      %sub3A_1134 = arith.constant 1.500000e+00 : f32
      %sub3A_1135 = arith.subf %sub3A_1134, %mul3A_1133 : f32
      %mul3A_1136 = arith.mulf %bitcast_convert_type3A_1129, %sub3A_1135 : f32
      %mul3A_1137 = arith.constant 5.000000e-01 : f32
      %mul3A_1138 = arith.mulf %mul3A_1137, %reduce_sum3A_1123 : f32
      %mul3A_1139 = arith.mulf %mul3A_1138, %mul3A_1136 : f32
      %mul3A_1140 = arith.mulf %mul3A_1139, %mul3A_1136 : f32
      %sub3A_1141 = arith.constant 1.500000e+00 : f32
      %sub3A_1142 = arith.subf %sub3A_1141, %mul3A_1140 : f32
      %mul3A_1143 = arith.mulf %mul3A_1136, %sub3A_1142 : f32
      %mul3A_1144 = arith.constant 5.000000e-01 : f32
      %mul3A_1145 = arith.mulf %mul3A_1144, %reduce_sum3A_1123 : f32
      %mul3A_1146 = arith.mulf %mul3A_1145, %mul3A_1143 : f32
      %mul3A_1147 = arith.mulf %mul3A_1146, %mul3A_1143 : f32
      %sub3A_1148 = arith.constant 1.500000e+00 : f32
      %sub3A_1149 = arith.subf %sub3A_1148, %mul3A_1147 : f32
      %mul3A_1150 = arith.mulf %mul3A_1143, %sub3A_1149 : f32
      %mul3A_1151 = arith.mulf %reduce_sum3A_1119, %mul3A_1150 : f32
      %add3A_1152 = arith.constant 0 : i32
      %add3A_1153 = arith.addi %add3A_819, %add3A_1152 : i32
      %add3A_1154 = arith.constant 6 : i32
      %add3A_1155 = arith.addi %add3A_1153, %add3A_1154 : i32
      %gt3A_1156 = arith.cmpf ogt, %mul3A_1151, %select_n3A_1114 : f32
      %select_n3A_1157 = arith.select %gt3A_1156, %mul3A_1151, %select_n3A_1114 : f32
      %select_n3A_1158 = arith.select %gt3A_1156, %add3A_1155, %select_n3A_1115 : i32
      %reduce_sum3A_1159 = arith.constant true
      %reduce_sum3A_1160 = vector.broadcast %reduce_sum3A_1159 : i1 to vector<16xi1>
      %reduce_sum3A_1161 = tpu.scan <sum>, %scan3A_856#7 masked %reduce_sum3A_1160 : vector<16xf32>, vector<16xi1> -> vector<16xf32>
      %reduce_sum3A_1162 = vector.extract %reduce_sum3A_1161[15] : f32 from vector<16xf32>
      %reduce_sum3A_1163 = arith.constant true
      %reduce_sum3A_1164 = vector.broadcast %reduce_sum3A_1163 : i1 to vector<16xi1>
      %reduce_sum3A_1165 = tpu.scan <sum>, %scan3A_856#23 masked %reduce_sum3A_1164 : vector<16xf32>, vector<16xi1> -> vector<16xf32>
      %reduce_sum3A_1166 = vector.extract %reduce_sum3A_1165[15] : f32 from vector<16xf32>
      %bitcast_convert_type3A_1167 = arith.bitcast %reduce_sum3A_1166 : f32 to i32
      %shift_right_logical3A_1168 = arith.constant 1 : i32
      %shift_right_logical3A_1169 = arith.shrui %bitcast_convert_type3A_1167, %shift_right_logical3A_1168 : i32
      %sub3A_1170 = arith.constant 1597463007 : i32
      %sub3A_1171 = arith.subi %sub3A_1170, %shift_right_logical3A_1169 : i32
      %bitcast_convert_type3A_1172 = arith.bitcast %sub3A_1171 : i32 to f32
      %mul3A_1173 = arith.constant 5.000000e-01 : f32
      %mul3A_1174 = arith.mulf %mul3A_1173, %reduce_sum3A_1166 : f32
      %mul3A_1175 = arith.mulf %mul3A_1174, %bitcast_convert_type3A_1172 : f32
      %mul3A_1176 = arith.mulf %mul3A_1175, %bitcast_convert_type3A_1172 : f32
      %sub3A_1177 = arith.constant 1.500000e+00 : f32
      %sub3A_1178 = arith.subf %sub3A_1177, %mul3A_1176 : f32
      %mul3A_1179 = arith.mulf %bitcast_convert_type3A_1172, %sub3A_1178 : f32
      %mul3A_1180 = arith.constant 5.000000e-01 : f32
      %mul3A_1181 = arith.mulf %mul3A_1180, %reduce_sum3A_1166 : f32
      %mul3A_1182 = arith.mulf %mul3A_1181, %mul3A_1179 : f32
      %mul3A_1183 = arith.mulf %mul3A_1182, %mul3A_1179 : f32
      %sub3A_1184 = arith.constant 1.500000e+00 : f32
      %sub3A_1185 = arith.subf %sub3A_1184, %mul3A_1183 : f32
      %mul3A_1186 = arith.mulf %mul3A_1179, %sub3A_1185 : f32
      %mul3A_1187 = arith.constant 5.000000e-01 : f32
      %mul3A_1188 = arith.mulf %mul3A_1187, %reduce_sum3A_1166 : f32
      %mul3A_1189 = arith.mulf %mul3A_1188, %mul3A_1186 : f32
      %mul3A_1190 = arith.mulf %mul3A_1189, %mul3A_1186 : f32
      %sub3A_1191 = arith.constant 1.500000e+00 : f32
      %sub3A_1192 = arith.subf %sub3A_1191, %mul3A_1190 : f32
      %mul3A_1193 = arith.mulf %mul3A_1186, %sub3A_1192 : f32
      %mul3A_1194 = arith.mulf %reduce_sum3A_1162, %mul3A_1193 : f32
      %add3A_1195 = arith.constant 0 : i32
      %add3A_1196 = arith.addi %add3A_819, %add3A_1195 : i32
      %add3A_1197 = arith.constant 7 : i32
      %add3A_1198 = arith.addi %add3A_1196, %add3A_1197 : i32
      %gt3A_1199 = arith.cmpf ogt, %mul3A_1194, %select_n3A_1157 : f32
      %select_n3A_1200 = arith.select %gt3A_1199, %mul3A_1194, %select_n3A_1157 : f32
      %select_n3A_1201 = arith.select %gt3A_1199, %add3A_1198, %select_n3A_1158 : i32
      %reduce_sum3A_1202 = arith.constant true
      %reduce_sum3A_1203 = vector.broadcast %reduce_sum3A_1202 : i1 to vector<16xi1>
      %reduce_sum3A_1204 = tpu.scan <sum>, %scan3A_856#8 masked %reduce_sum3A_1203 : vector<16xf32>, vector<16xi1> -> vector<16xf32>
      %reduce_sum3A_1205 = vector.extract %reduce_sum3A_1204[15] : f32 from vector<16xf32>
      %reduce_sum3A_1206 = arith.constant true
      %reduce_sum3A_1207 = vector.broadcast %reduce_sum3A_1206 : i1 to vector<16xi1>
      %reduce_sum3A_1208 = tpu.scan <sum>, %scan3A_856#24 masked %reduce_sum3A_1207 : vector<16xf32>, vector<16xi1> -> vector<16xf32>
      %reduce_sum3A_1209 = vector.extract %reduce_sum3A_1208[15] : f32 from vector<16xf32>
      %bitcast_convert_type3A_1210 = arith.bitcast %reduce_sum3A_1209 : f32 to i32
      %shift_right_logical3A_1211 = arith.constant 1 : i32
      %shift_right_logical3A_1212 = arith.shrui %bitcast_convert_type3A_1210, %shift_right_logical3A_1211 : i32
      %sub3A_1213 = arith.constant 1597463007 : i32
      %sub3A_1214 = arith.subi %sub3A_1213, %shift_right_logical3A_1212 : i32
      %bitcast_convert_type3A_1215 = arith.bitcast %sub3A_1214 : i32 to f32
      %mul3A_1216 = arith.constant 5.000000e-01 : f32
      %mul3A_1217 = arith.mulf %mul3A_1216, %reduce_sum3A_1209 : f32
      %mul3A_1218 = arith.mulf %mul3A_1217, %bitcast_convert_type3A_1215 : f32
      %mul3A_1219 = arith.mulf %mul3A_1218, %bitcast_convert_type3A_1215 : f32
      %sub3A_1220 = arith.constant 1.500000e+00 : f32
      %sub3A_1221 = arith.subf %sub3A_1220, %mul3A_1219 : f32
      %mul3A_1222 = arith.mulf %bitcast_convert_type3A_1215, %sub3A_1221 : f32
      %mul3A_1223 = arith.constant 5.000000e-01 : f32
      %mul3A_1224 = arith.mulf %mul3A_1223, %reduce_sum3A_1209 : f32
      %mul3A_1225 = arith.mulf %mul3A_1224, %mul3A_1222 : f32
      %mul3A_1226 = arith.mulf %mul3A_1225, %mul3A_1222 : f32
      %sub3A_1227 = arith.constant 1.500000e+00 : f32
      %sub3A_1228 = arith.subf %sub3A_1227, %mul3A_1226 : f32
      %mul3A_1229 = arith.mulf %mul3A_1222, %sub3A_1228 : f32
      %mul3A_1230 = arith.constant 5.000000e-01 : f32
      %mul3A_1231 = arith.mulf %mul3A_1230, %reduce_sum3A_1209 : f32
      %mul3A_1232 = arith.mulf %mul3A_1231, %mul3A_1229 : f32
      %mul3A_1233 = arith.mulf %mul3A_1232, %mul3A_1229 : f32
      %sub3A_1234 = arith.constant 1.500000e+00 : f32
      %sub3A_1235 = arith.subf %sub3A_1234, %mul3A_1233 : f32
      %mul3A_1236 = arith.mulf %mul3A_1229, %sub3A_1235 : f32
      %mul3A_1237 = arith.mulf %reduce_sum3A_1205, %mul3A_1236 : f32
      %add3A_1238 = arith.constant 0 : i32
      %add3A_1239 = arith.addi %add3A_819, %add3A_1238 : i32
      %add3A_1240 = arith.constant 8 : i32
      %add3A_1241 = arith.addi %add3A_1239, %add3A_1240 : i32
      %gt3A_1242 = arith.cmpf ogt, %mul3A_1237, %select_n3A_1200 : f32
      %select_n3A_1243 = arith.select %gt3A_1242, %mul3A_1237, %select_n3A_1200 : f32
      %select_n3A_1244 = arith.select %gt3A_1242, %add3A_1241, %select_n3A_1201 : i32
      %reduce_sum3A_1245 = arith.constant true
      %reduce_sum3A_1246 = vector.broadcast %reduce_sum3A_1245 : i1 to vector<16xi1>
      %reduce_sum3A_1247 = tpu.scan <sum>, %scan3A_856#9 masked %reduce_sum3A_1246 : vector<16xf32>, vector<16xi1> -> vector<16xf32>
      %reduce_sum3A_1248 = vector.extract %reduce_sum3A_1247[15] : f32 from vector<16xf32>
      %reduce_sum3A_1249 = arith.constant true
      %reduce_sum3A_1250 = vector.broadcast %reduce_sum3A_1249 : i1 to vector<16xi1>
      %reduce_sum3A_1251 = tpu.scan <sum>, %scan3A_856#25 masked %reduce_sum3A_1250 : vector<16xf32>, vector<16xi1> -> vector<16xf32>
      %reduce_sum3A_1252 = vector.extract %reduce_sum3A_1251[15] : f32 from vector<16xf32>
      %bitcast_convert_type3A_1253 = arith.bitcast %reduce_sum3A_1252 : f32 to i32
      %shift_right_logical3A_1254 = arith.constant 1 : i32
      %shift_right_logical3A_1255 = arith.shrui %bitcast_convert_type3A_1253, %shift_right_logical3A_1254 : i32
      %sub3A_1256 = arith.constant 1597463007 : i32
      %sub3A_1257 = arith.subi %sub3A_1256, %shift_right_logical3A_1255 : i32
      %bitcast_convert_type3A_1258 = arith.bitcast %sub3A_1257 : i32 to f32
      %mul3A_1259 = arith.constant 5.000000e-01 : f32
      %mul3A_1260 = arith.mulf %mul3A_1259, %reduce_sum3A_1252 : f32
      %mul3A_1261 = arith.mulf %mul3A_1260, %bitcast_convert_type3A_1258 : f32
      %mul3A_1262 = arith.mulf %mul3A_1261, %bitcast_convert_type3A_1258 : f32
      %sub3A_1263 = arith.constant 1.500000e+00 : f32
      %sub3A_1264 = arith.subf %sub3A_1263, %mul3A_1262 : f32
      %mul3A_1265 = arith.mulf %bitcast_convert_type3A_1258, %sub3A_1264 : f32
      %mul3A_1266 = arith.constant 5.000000e-01 : f32
      %mul3A_1267 = arith.mulf %mul3A_1266, %reduce_sum3A_1252 : f32
      %mul3A_1268 = arith.mulf %mul3A_1267, %mul3A_1265 : f32
      %mul3A_1269 = arith.mulf %mul3A_1268, %mul3A_1265 : f32
      %sub3A_1270 = arith.constant 1.500000e+00 : f32
      %sub3A_1271 = arith.subf %sub3A_1270, %mul3A_1269 : f32
      %mul3A_1272 = arith.mulf %mul3A_1265, %sub3A_1271 : f32
      %mul3A_1273 = arith.constant 5.000000e-01 : f32
      %mul3A_1274 = arith.mulf %mul3A_1273, %reduce_sum3A_1252 : f32
      %mul3A_1275 = arith.mulf %mul3A_1274, %mul3A_1272 : f32
      %mul3A_1276 = arith.mulf %mul3A_1275, %mul3A_1272 : f32
      %sub3A_1277 = arith.constant 1.500000e+00 : f32
      %sub3A_1278 = arith.subf %sub3A_1277, %mul3A_1276 : f32
      %mul3A_1279 = arith.mulf %mul3A_1272, %sub3A_1278 : f32
      %mul3A_1280 = arith.mulf %reduce_sum3A_1248, %mul3A_1279 : f32
      %add3A_1281 = arith.constant 0 : i32
      %add3A_1282 = arith.addi %add3A_819, %add3A_1281 : i32
      %add3A_1283 = arith.constant 9 : i32
      %add3A_1284 = arith.addi %add3A_1282, %add3A_1283 : i32
      %gt3A_1285 = arith.cmpf ogt, %mul3A_1280, %select_n3A_1243 : f32
      %select_n3A_1286 = arith.select %gt3A_1285, %mul3A_1280, %select_n3A_1243 : f32
      %select_n3A_1287 = arith.select %gt3A_1285, %add3A_1284, %select_n3A_1244 : i32
      %reduce_sum3A_1288 = arith.constant true
      %reduce_sum3A_1289 = vector.broadcast %reduce_sum3A_1288 : i1 to vector<16xi1>
      %reduce_sum3A_1290 = tpu.scan <sum>, %scan3A_856#10 masked %reduce_sum3A_1289 : vector<16xf32>, vector<16xi1> -> vector<16xf32>
      %reduce_sum3A_1291 = vector.extract %reduce_sum3A_1290[15] : f32 from vector<16xf32>
      %reduce_sum3A_1292 = arith.constant true
      %reduce_sum3A_1293 = vector.broadcast %reduce_sum3A_1292 : i1 to vector<16xi1>
      %reduce_sum3A_1294 = tpu.scan <sum>, %scan3A_856#26 masked %reduce_sum3A_1293 : vector<16xf32>, vector<16xi1> -> vector<16xf32>
      %reduce_sum3A_1295 = vector.extract %reduce_sum3A_1294[15] : f32 from vector<16xf32>
      %bitcast_convert_type3A_1296 = arith.bitcast %reduce_sum3A_1295 : f32 to i32
      %shift_right_logical3A_1297 = arith.constant 1 : i32
      %shift_right_logical3A_1298 = arith.shrui %bitcast_convert_type3A_1296, %shift_right_logical3A_1297 : i32
      %sub3A_1299 = arith.constant 1597463007 : i32
      %sub3A_1300 = arith.subi %sub3A_1299, %shift_right_logical3A_1298 : i32
      %bitcast_convert_type3A_1301 = arith.bitcast %sub3A_1300 : i32 to f32
      %mul3A_1302 = arith.constant 5.000000e-01 : f32
      %mul3A_1303 = arith.mulf %mul3A_1302, %reduce_sum3A_1295 : f32
      %mul3A_1304 = arith.mulf %mul3A_1303, %bitcast_convert_type3A_1301 : f32
      %mul3A_1305 = arith.mulf %mul3A_1304, %bitcast_convert_type3A_1301 : f32
      %sub3A_1306 = arith.constant 1.500000e+00 : f32
      %sub3A_1307 = arith.subf %sub3A_1306, %mul3A_1305 : f32
      %mul3A_1308 = arith.mulf %bitcast_convert_type3A_1301, %sub3A_1307 : f32
      %mul3A_1309 = arith.constant 5.000000e-01 : f32
      %mul3A_1310 = arith.mulf %mul3A_1309, %reduce_sum3A_1295 : f32
      %mul3A_1311 = arith.mulf %mul3A_1310, %mul3A_1308 : f32
      %mul3A_1312 = arith.mulf %mul3A_1311, %mul3A_1308 : f32
      %sub3A_1313 = arith.constant 1.500000e+00 : f32
      %sub3A_1314 = arith.subf %sub3A_1313, %mul3A_1312 : f32
      %mul3A_1315 = arith.mulf %mul3A_1308, %sub3A_1314 : f32
      %mul3A_1316 = arith.constant 5.000000e-01 : f32
      %mul3A_1317 = arith.mulf %mul3A_1316, %reduce_sum3A_1295 : f32
      %mul3A_1318 = arith.mulf %mul3A_1317, %mul3A_1315 : f32
      %mul3A_1319 = arith.mulf %mul3A_1318, %mul3A_1315 : f32
      %sub3A_1320 = arith.constant 1.500000e+00 : f32
      %sub3A_1321 = arith.subf %sub3A_1320, %mul3A_1319 : f32
      %mul3A_1322 = arith.mulf %mul3A_1315, %sub3A_1321 : f32
      %mul3A_1323 = arith.mulf %reduce_sum3A_1291, %mul3A_1322 : f32
      %add3A_1324 = arith.constant 0 : i32
      %add3A_1325 = arith.addi %add3A_819, %add3A_1324 : i32
      %add3A_1326 = arith.constant 10 : i32
      %add3A_1327 = arith.addi %add3A_1325, %add3A_1326 : i32
      %gt3A_1328 = arith.cmpf ogt, %mul3A_1323, %select_n3A_1286 : f32
      %select_n3A_1329 = arith.select %gt3A_1328, %mul3A_1323, %select_n3A_1286 : f32
      %select_n3A_1330 = arith.select %gt3A_1328, %add3A_1327, %select_n3A_1287 : i32
      %reduce_sum3A_1331 = arith.constant true
      %reduce_sum3A_1332 = vector.broadcast %reduce_sum3A_1331 : i1 to vector<16xi1>
      %reduce_sum3A_1333 = tpu.scan <sum>, %scan3A_856#11 masked %reduce_sum3A_1332 : vector<16xf32>, vector<16xi1> -> vector<16xf32>
      %reduce_sum3A_1334 = vector.extract %reduce_sum3A_1333[15] : f32 from vector<16xf32>
      %reduce_sum3A_1335 = arith.constant true
      %reduce_sum3A_1336 = vector.broadcast %reduce_sum3A_1335 : i1 to vector<16xi1>
      %reduce_sum3A_1337 = tpu.scan <sum>, %scan3A_856#27 masked %reduce_sum3A_1336 : vector<16xf32>, vector<16xi1> -> vector<16xf32>
      %reduce_sum3A_1338 = vector.extract %reduce_sum3A_1337[15] : f32 from vector<16xf32>
      %bitcast_convert_type3A_1339 = arith.bitcast %reduce_sum3A_1338 : f32 to i32
      %shift_right_logical3A_1340 = arith.constant 1 : i32
      %shift_right_logical3A_1341 = arith.shrui %bitcast_convert_type3A_1339, %shift_right_logical3A_1340 : i32
      %sub3A_1342 = arith.constant 1597463007 : i32
      %sub3A_1343 = arith.subi %sub3A_1342, %shift_right_logical3A_1341 : i32
      %bitcast_convert_type3A_1344 = arith.bitcast %sub3A_1343 : i32 to f32
      %mul3A_1345 = arith.constant 5.000000e-01 : f32
      %mul3A_1346 = arith.mulf %mul3A_1345, %reduce_sum3A_1338 : f32
      %mul3A_1347 = arith.mulf %mul3A_1346, %bitcast_convert_type3A_1344 : f32
      %mul3A_1348 = arith.mulf %mul3A_1347, %bitcast_convert_type3A_1344 : f32
      %sub3A_1349 = arith.constant 1.500000e+00 : f32
      %sub3A_1350 = arith.subf %sub3A_1349, %mul3A_1348 : f32
      %mul3A_1351 = arith.mulf %bitcast_convert_type3A_1344, %sub3A_1350 : f32
      %mul3A_1352 = arith.constant 5.000000e-01 : f32
      %mul3A_1353 = arith.mulf %mul3A_1352, %reduce_sum3A_1338 : f32
      %mul3A_1354 = arith.mulf %mul3A_1353, %mul3A_1351 : f32
      %mul3A_1355 = arith.mulf %mul3A_1354, %mul3A_1351 : f32
      %sub3A_1356 = arith.constant 1.500000e+00 : f32
      %sub3A_1357 = arith.subf %sub3A_1356, %mul3A_1355 : f32
      %mul3A_1358 = arith.mulf %mul3A_1351, %sub3A_1357 : f32
      %mul3A_1359 = arith.constant 5.000000e-01 : f32
      %mul3A_1360 = arith.mulf %mul3A_1359, %reduce_sum3A_1338 : f32
      %mul3A_1361 = arith.mulf %mul3A_1360, %mul3A_1358 : f32
      %mul3A_1362 = arith.mulf %mul3A_1361, %mul3A_1358 : f32
      %sub3A_1363 = arith.constant 1.500000e+00 : f32
      %sub3A_1364 = arith.subf %sub3A_1363, %mul3A_1362 : f32
      %mul3A_1365 = arith.mulf %mul3A_1358, %sub3A_1364 : f32
      %mul3A_1366 = arith.mulf %reduce_sum3A_1334, %mul3A_1365 : f32
      %add3A_1367 = arith.constant 0 : i32
      %add3A_1368 = arith.addi %add3A_819, %add3A_1367 : i32
      %add3A_1369 = arith.constant 11 : i32
      %add3A_1370 = arith.addi %add3A_1368, %add3A_1369 : i32
      %gt3A_1371 = arith.cmpf ogt, %mul3A_1366, %select_n3A_1329 : f32
      %select_n3A_1372 = arith.select %gt3A_1371, %mul3A_1366, %select_n3A_1329 : f32
      %select_n3A_1373 = arith.select %gt3A_1371, %add3A_1370, %select_n3A_1330 : i32
      %reduce_sum3A_1374 = arith.constant true
      %reduce_sum3A_1375 = vector.broadcast %reduce_sum3A_1374 : i1 to vector<16xi1>
      %reduce_sum3A_1376 = tpu.scan <sum>, %scan3A_856#12 masked %reduce_sum3A_1375 : vector<16xf32>, vector<16xi1> -> vector<16xf32>
      %reduce_sum3A_1377 = vector.extract %reduce_sum3A_1376[15] : f32 from vector<16xf32>
      %reduce_sum3A_1378 = arith.constant true
      %reduce_sum3A_1379 = vector.broadcast %reduce_sum3A_1378 : i1 to vector<16xi1>
      %reduce_sum3A_1380 = tpu.scan <sum>, %scan3A_856#28 masked %reduce_sum3A_1379 : vector<16xf32>, vector<16xi1> -> vector<16xf32>
      %reduce_sum3A_1381 = vector.extract %reduce_sum3A_1380[15] : f32 from vector<16xf32>
      %bitcast_convert_type3A_1382 = arith.bitcast %reduce_sum3A_1381 : f32 to i32
      %shift_right_logical3A_1383 = arith.constant 1 : i32
      %shift_right_logical3A_1384 = arith.shrui %bitcast_convert_type3A_1382, %shift_right_logical3A_1383 : i32
      %sub3A_1385 = arith.constant 1597463007 : i32
      %sub3A_1386 = arith.subi %sub3A_1385, %shift_right_logical3A_1384 : i32
      %bitcast_convert_type3A_1387 = arith.bitcast %sub3A_1386 : i32 to f32
      %mul3A_1388 = arith.constant 5.000000e-01 : f32
      %mul3A_1389 = arith.mulf %mul3A_1388, %reduce_sum3A_1381 : f32
      %mul3A_1390 = arith.mulf %mul3A_1389, %bitcast_convert_type3A_1387 : f32
      %mul3A_1391 = arith.mulf %mul3A_1390, %bitcast_convert_type3A_1387 : f32
      %sub3A_1392 = arith.constant 1.500000e+00 : f32
      %sub3A_1393 = arith.subf %sub3A_1392, %mul3A_1391 : f32
      %mul3A_1394 = arith.mulf %bitcast_convert_type3A_1387, %sub3A_1393 : f32
      %mul3A_1395 = arith.constant 5.000000e-01 : f32
      %mul3A_1396 = arith.mulf %mul3A_1395, %reduce_sum3A_1381 : f32
      %mul3A_1397 = arith.mulf %mul3A_1396, %mul3A_1394 : f32
      %mul3A_1398 = arith.mulf %mul3A_1397, %mul3A_1394 : f32
      %sub3A_1399 = arith.constant 1.500000e+00 : f32
      %sub3A_1400 = arith.subf %sub3A_1399, %mul3A_1398 : f32
      %mul3A_1401 = arith.mulf %mul3A_1394, %sub3A_1400 : f32
      %mul3A_1402 = arith.constant 5.000000e-01 : f32
      %mul3A_1403 = arith.mulf %mul3A_1402, %reduce_sum3A_1381 : f32
      %mul3A_1404 = arith.mulf %mul3A_1403, %mul3A_1401 : f32
      %mul3A_1405 = arith.mulf %mul3A_1404, %mul3A_1401 : f32
      %sub3A_1406 = arith.constant 1.500000e+00 : f32
      %sub3A_1407 = arith.subf %sub3A_1406, %mul3A_1405 : f32
      %mul3A_1408 = arith.mulf %mul3A_1401, %sub3A_1407 : f32
      %mul3A_1409 = arith.mulf %reduce_sum3A_1377, %mul3A_1408 : f32
      %add3A_1410 = arith.constant 0 : i32
      %add3A_1411 = arith.addi %add3A_819, %add3A_1410 : i32
      %add3A_1412 = arith.constant 12 : i32
      %add3A_1413 = arith.addi %add3A_1411, %add3A_1412 : i32
      %gt3A_1414 = arith.cmpf ogt, %mul3A_1409, %select_n3A_1372 : f32
      %select_n3A_1415 = arith.select %gt3A_1414, %mul3A_1409, %select_n3A_1372 : f32
      %select_n3A_1416 = arith.select %gt3A_1414, %add3A_1413, %select_n3A_1373 : i32
      %reduce_sum3A_1417 = arith.constant true
      %reduce_sum3A_1418 = vector.broadcast %reduce_sum3A_1417 : i1 to vector<16xi1>
      %reduce_sum3A_1419 = tpu.scan <sum>, %scan3A_856#13 masked %reduce_sum3A_1418 : vector<16xf32>, vector<16xi1> -> vector<16xf32>
      %reduce_sum3A_1420 = vector.extract %reduce_sum3A_1419[15] : f32 from vector<16xf32>
      %reduce_sum3A_1421 = arith.constant true
      %reduce_sum3A_1422 = vector.broadcast %reduce_sum3A_1421 : i1 to vector<16xi1>
      %reduce_sum3A_1423 = tpu.scan <sum>, %scan3A_856#29 masked %reduce_sum3A_1422 : vector<16xf32>, vector<16xi1> -> vector<16xf32>
      %reduce_sum3A_1424 = vector.extract %reduce_sum3A_1423[15] : f32 from vector<16xf32>
      %bitcast_convert_type3A_1425 = arith.bitcast %reduce_sum3A_1424 : f32 to i32
      %shift_right_logical3A_1426 = arith.constant 1 : i32
      %shift_right_logical3A_1427 = arith.shrui %bitcast_convert_type3A_1425, %shift_right_logical3A_1426 : i32
      %sub3A_1428 = arith.constant 1597463007 : i32
      %sub3A_1429 = arith.subi %sub3A_1428, %shift_right_logical3A_1427 : i32
      %bitcast_convert_type3A_1430 = arith.bitcast %sub3A_1429 : i32 to f32
      %mul3A_1431 = arith.constant 5.000000e-01 : f32
      %mul3A_1432 = arith.mulf %mul3A_1431, %reduce_sum3A_1424 : f32
      %mul3A_1433 = arith.mulf %mul3A_1432, %bitcast_convert_type3A_1430 : f32
      %mul3A_1434 = arith.mulf %mul3A_1433, %bitcast_convert_type3A_1430 : f32
      %sub3A_1435 = arith.constant 1.500000e+00 : f32
      %sub3A_1436 = arith.subf %sub3A_1435, %mul3A_1434 : f32
      %mul3A_1437 = arith.mulf %bitcast_convert_type3A_1430, %sub3A_1436 : f32
      %mul3A_1438 = arith.constant 5.000000e-01 : f32
      %mul3A_1439 = arith.mulf %mul3A_1438, %reduce_sum3A_1424 : f32
      %mul3A_1440 = arith.mulf %mul3A_1439, %mul3A_1437 : f32
      %mul3A_1441 = arith.mulf %mul3A_1440, %mul3A_1437 : f32
      %sub3A_1442 = arith.constant 1.500000e+00 : f32
      %sub3A_1443 = arith.subf %sub3A_1442, %mul3A_1441 : f32
      %mul3A_1444 = arith.mulf %mul3A_1437, %sub3A_1443 : f32
      %mul3A_1445 = arith.constant 5.000000e-01 : f32
      %mul3A_1446 = arith.mulf %mul3A_1445, %reduce_sum3A_1424 : f32
      %mul3A_1447 = arith.mulf %mul3A_1446, %mul3A_1444 : f32
      %mul3A_1448 = arith.mulf %mul3A_1447, %mul3A_1444 : f32
      %sub3A_1449 = arith.constant 1.500000e+00 : f32
      %sub3A_1450 = arith.subf %sub3A_1449, %mul3A_1448 : f32
      %mul3A_1451 = arith.mulf %mul3A_1444, %sub3A_1450 : f32
      %mul3A_1452 = arith.mulf %reduce_sum3A_1420, %mul3A_1451 : f32
      %add3A_1453 = arith.constant 0 : i32
      %add3A_1454 = arith.addi %add3A_819, %add3A_1453 : i32
      %add3A_1455 = arith.constant 13 : i32
      %add3A_1456 = arith.addi %add3A_1454, %add3A_1455 : i32
      %gt3A_1457 = arith.cmpf ogt, %mul3A_1452, %select_n3A_1415 : f32
      %select_n3A_1458 = arith.select %gt3A_1457, %mul3A_1452, %select_n3A_1415 : f32
      %select_n3A_1459 = arith.select %gt3A_1457, %add3A_1456, %select_n3A_1416 : i32
      %reduce_sum3A_1460 = arith.constant true
      %reduce_sum3A_1461 = vector.broadcast %reduce_sum3A_1460 : i1 to vector<16xi1>
      %reduce_sum3A_1462 = tpu.scan <sum>, %scan3A_856#14 masked %reduce_sum3A_1461 : vector<16xf32>, vector<16xi1> -> vector<16xf32>
      %reduce_sum3A_1463 = vector.extract %reduce_sum3A_1462[15] : f32 from vector<16xf32>
      %reduce_sum3A_1464 = arith.constant true
      %reduce_sum3A_1465 = vector.broadcast %reduce_sum3A_1464 : i1 to vector<16xi1>
      %reduce_sum3A_1466 = tpu.scan <sum>, %scan3A_856#30 masked %reduce_sum3A_1465 : vector<16xf32>, vector<16xi1> -> vector<16xf32>
      %reduce_sum3A_1467 = vector.extract %reduce_sum3A_1466[15] : f32 from vector<16xf32>
      %bitcast_convert_type3A_1468 = arith.bitcast %reduce_sum3A_1467 : f32 to i32
      %shift_right_logical3A_1469 = arith.constant 1 : i32
      %shift_right_logical3A_1470 = arith.shrui %bitcast_convert_type3A_1468, %shift_right_logical3A_1469 : i32
      %sub3A_1471 = arith.constant 1597463007 : i32
      %sub3A_1472 = arith.subi %sub3A_1471, %shift_right_logical3A_1470 : i32
      %bitcast_convert_type3A_1473 = arith.bitcast %sub3A_1472 : i32 to f32
      %mul3A_1474 = arith.constant 5.000000e-01 : f32
      %mul3A_1475 = arith.mulf %mul3A_1474, %reduce_sum3A_1467 : f32
      %mul3A_1476 = arith.mulf %mul3A_1475, %bitcast_convert_type3A_1473 : f32
      %mul3A_1477 = arith.mulf %mul3A_1476, %bitcast_convert_type3A_1473 : f32
      %sub3A_1478 = arith.constant 1.500000e+00 : f32
      %sub3A_1479 = arith.subf %sub3A_1478, %mul3A_1477 : f32
      %mul3A_1480 = arith.mulf %bitcast_convert_type3A_1473, %sub3A_1479 : f32
      %mul3A_1481 = arith.constant 5.000000e-01 : f32
      %mul3A_1482 = arith.mulf %mul3A_1481, %reduce_sum3A_1467 : f32
      %mul3A_1483 = arith.mulf %mul3A_1482, %mul3A_1480 : f32
      %mul3A_1484 = arith.mulf %mul3A_1483, %mul3A_1480 : f32
      %sub3A_1485 = arith.constant 1.500000e+00 : f32
      %sub3A_1486 = arith.subf %sub3A_1485, %mul3A_1484 : f32
      %mul3A_1487 = arith.mulf %mul3A_1480, %sub3A_1486 : f32
      %mul3A_1488 = arith.constant 5.000000e-01 : f32
      %mul3A_1489 = arith.mulf %mul3A_1488, %reduce_sum3A_1467 : f32
      %mul3A_1490 = arith.mulf %mul3A_1489, %mul3A_1487 : f32
      %mul3A_1491 = arith.mulf %mul3A_1490, %mul3A_1487 : f32
      %sub3A_1492 = arith.constant 1.500000e+00 : f32
      %sub3A_1493 = arith.subf %sub3A_1492, %mul3A_1491 : f32
      %mul3A_1494 = arith.mulf %mul3A_1487, %sub3A_1493 : f32
      %mul3A_1495 = arith.mulf %reduce_sum3A_1463, %mul3A_1494 : f32
      %add3A_1496 = arith.constant 0 : i32
      %add3A_1497 = arith.addi %add3A_819, %add3A_1496 : i32
      %add3A_1498 = arith.constant 14 : i32
      %add3A_1499 = arith.addi %add3A_1497, %add3A_1498 : i32
      %gt3A_1500 = arith.cmpf ogt, %mul3A_1495, %select_n3A_1458 : f32
      %select_n3A_1501 = arith.select %gt3A_1500, %mul3A_1495, %select_n3A_1458 : f32
      %select_n3A_1502 = arith.select %gt3A_1500, %add3A_1499, %select_n3A_1459 : i32
      %reduce_sum3A_1503 = arith.constant true
      %reduce_sum3A_1504 = vector.broadcast %reduce_sum3A_1503 : i1 to vector<16xi1>
      %reduce_sum3A_1505 = tpu.scan <sum>, %scan3A_856#15 masked %reduce_sum3A_1504 : vector<16xf32>, vector<16xi1> -> vector<16xf32>
      %reduce_sum3A_1506 = vector.extract %reduce_sum3A_1505[15] : f32 from vector<16xf32>
      %reduce_sum3A_1507 = arith.constant true
      %reduce_sum3A_1508 = vector.broadcast %reduce_sum3A_1507 : i1 to vector<16xi1>
      %reduce_sum3A_1509 = tpu.scan <sum>, %scan3A_856#31 masked %reduce_sum3A_1508 : vector<16xf32>, vector<16xi1> -> vector<16xf32>
      %reduce_sum3A_1510 = vector.extract %reduce_sum3A_1509[15] : f32 from vector<16xf32>
      %bitcast_convert_type3A_1511 = arith.bitcast %reduce_sum3A_1510 : f32 to i32
      %shift_right_logical3A_1512 = arith.constant 1 : i32
      %shift_right_logical3A_1513 = arith.shrui %bitcast_convert_type3A_1511, %shift_right_logical3A_1512 : i32
      %sub3A_1514 = arith.constant 1597463007 : i32
      %sub3A_1515 = arith.subi %sub3A_1514, %shift_right_logical3A_1513 : i32
      %bitcast_convert_type3A_1516 = arith.bitcast %sub3A_1515 : i32 to f32
      %mul3A_1517 = arith.constant 5.000000e-01 : f32
      %mul3A_1518 = arith.mulf %mul3A_1517, %reduce_sum3A_1510 : f32
      %mul3A_1519 = arith.mulf %mul3A_1518, %bitcast_convert_type3A_1516 : f32
      %mul3A_1520 = arith.mulf %mul3A_1519, %bitcast_convert_type3A_1516 : f32
      %sub3A_1521 = arith.constant 1.500000e+00 : f32
      %sub3A_1522 = arith.subf %sub3A_1521, %mul3A_1520 : f32
      %mul3A_1523 = arith.mulf %bitcast_convert_type3A_1516, %sub3A_1522 : f32
      %mul3A_1524 = arith.constant 5.000000e-01 : f32
      %mul3A_1525 = arith.mulf %mul3A_1524, %reduce_sum3A_1510 : f32
      %mul3A_1526 = arith.mulf %mul3A_1525, %mul3A_1523 : f32
      %mul3A_1527 = arith.mulf %mul3A_1526, %mul3A_1523 : f32
      %sub3A_1528 = arith.constant 1.500000e+00 : f32
      %sub3A_1529 = arith.subf %sub3A_1528, %mul3A_1527 : f32
      %mul3A_1530 = arith.mulf %mul3A_1523, %sub3A_1529 : f32
      %mul3A_1531 = arith.constant 5.000000e-01 : f32
      %mul3A_1532 = arith.mulf %mul3A_1531, %reduce_sum3A_1510 : f32
      %mul3A_1533 = arith.mulf %mul3A_1532, %mul3A_1530 : f32
      %mul3A_1534 = arith.mulf %mul3A_1533, %mul3A_1530 : f32
      %sub3A_1535 = arith.constant 1.500000e+00 : f32
      %sub3A_1536 = arith.subf %sub3A_1535, %mul3A_1534 : f32
      %mul3A_1537 = arith.mulf %mul3A_1530, %sub3A_1536 : f32
      %mul3A_1538 = arith.mulf %reduce_sum3A_1506, %mul3A_1537 : f32
      %add3A_1539 = arith.constant 0 : i32
      %add3A_1540 = arith.addi %add3A_819, %add3A_1539 : i32
      %add3A_1541 = arith.constant 15 : i32
      %add3A_1542 = arith.addi %add3A_1540, %add3A_1541 : i32
      %gt3A_1543 = arith.cmpf ogt, %mul3A_1538, %select_n3A_1501 : f32
      %select_n3A_1544 = arith.select %gt3A_1543, %mul3A_1538, %select_n3A_1501 : f32
      %select_n3A_1545 = arith.select %gt3A_1543, %add3A_1542, %select_n3A_1502 : i32
      %mul3A_1546 = arith.constant 16 : i32
      %mul3A_1547 = arith.muli %add3A_809, %mul3A_1546 : i32
      %add3A_1548 = arith.addi %mul3A_2, %mul3A_1547 : i32
      %dma_start3A_1549 = arith.constant 0 : i32
      %dma_start3A_1550 = tpu.memref_slice %arg4[%add3A_1548, %dma_start3A_1549] : memref<8192x1152xf32, #tpu.memory_space<hbm>> -> memref<16x1152xf32, #tpu.memory_space<hbm>>
      %dma_start3A_1551 = arith.constant 0 : i32
      %dma_start3A_1552 = tpu.memref_slice %arg4[%add3A_1548, %dma_start3A_1551] : memref<8192x1152xf32, #tpu.memory_space<hbm>> -> memref<16x1152xf32, #tpu.memory_space<hbm>>
      tpu.enqueue_dma source(%arg9 : memref<16x1152xf32, #tpu.memory_space<vmem>>) target(%dma_start3A_1552 : memref<16x1152xf32, #tpu.memory_space<hbm>>) target_semaphore(%arg19 : memref<!tpu.dma_semaphore, #tpu.memory_space<semaphore_mem>>)
      %add3A_1553 = arith.constant 2 : i32
      %add3A_1554 = arith.addi %add3A_809, %add3A_1553 : i32
      %lt3A_1555 = arith.constant 16 : i32
      %lt3A_1556 = arith.cmpi slt, %add3A_1554, %lt3A_1555 : i32
      %convert_element_type3A_1557 = arith.extui %lt3A_1556 : i1 to i32
      %cond3A_1558 = arith.constant 0 : i32
      %cond3A_1559 = arith.cmpi ne, %convert_element_type3A_1557, %cond3A_1558 : i32
      scf.if %cond3A_1559 {
        %ge3A = arith.constant 2 : i32
        %ge3A_3068 = arith.cmpi sge, %add3A_809, %ge3A : i32
        %convert_element_type3A_3069 = arith.extui %ge3A_3068 : i1 to i32
        %cond3A_3070 = arith.constant 0 : i32
        %cond3A_3071 = arith.cmpi ne, %convert_element_type3A_3069, %cond3A_3070 : i32
        scf.if %cond3A_3071 {
          %sub3A_3079 = arith.constant 2 : i32
          %sub3A_3080 = arith.subi %add3A_809, %sub3A_3079 : i32
          %mul3A_3081 = arith.constant 16 : i32
          %mul3A_3082 = arith.muli %sub3A_3080, %mul3A_3081 : i32
          %add3A_3083 = arith.addi %mul3A_2, %mul3A_3082 : i32
          %dma_wait3A_3084 = arith.constant 0 : i32
          %dma_wait3A_3085 = tpu.memref_slice %arg4[%add3A_3083, %dma_wait3A_3084] : memref<8192x1152xf32, #tpu.memory_space<hbm>> -> memref<16x1152xf32, #tpu.memory_space<hbm>>
          %dma_wait3A_3086 = arith.constant 0 : i32
          %dma_wait3A_3087 = tpu.memref_slice %arg4[%add3A_3083, %dma_wait3A_3086] : memref<8192x1152xf32, #tpu.memory_space<hbm>> -> memref<16x1152xf32, #tpu.memory_space<hbm>>
          tpu.wait_dma2 semaphore(%arg21 : memref<!tpu.dma_semaphore, #tpu.memory_space<semaphore_mem>>) src(%arg11 : memref<16x1152xf32, #tpu.memory_space<vmem>>) dst(%dma_wait3A_3087 : memref<16x1152xf32, #tpu.memory_space<hbm>>)
        } else {
        }
        %mul3A_3072 = arith.constant 16 : i32
        %mul3A_3073 = arith.muli %add3A_1554, %mul3A_3072 : i32
        %add3A_3074 = arith.addi %mul3A_2, %mul3A_3073 : i32
        %dma_start3A_3075 = arith.constant 0 : i32
        %dma_start3A_3076 = tpu.memref_slice %arg3[%add3A_3074, %dma_start3A_3075] : memref<8192x1152xf32, #tpu.memory_space<hbm>> -> memref<16x1152xf32, #tpu.memory_space<hbm>>
        %dma_start3A_3077 = arith.constant 0 : i32
        %dma_start3A_3078 = tpu.memref_slice %arg3[%add3A_3074, %dma_start3A_3077] : memref<8192x1152xf32, #tpu.memory_space<hbm>> -> memref<16x1152xf32, #tpu.memory_space<hbm>>
        tpu.enqueue_dma source(%dma_start3A_3078 : memref<16x1152xf32, #tpu.memory_space<hbm>>) target(%arg11 : memref<16x1152xf32, #tpu.memory_space<vmem>>) target_semaphore(%arg17 : memref<!tpu.dma_semaphore, #tpu.memory_space<semaphore_mem>>)
      } else {
      }
      %mul3A_1560 = arith.constant 4 : i32
      %mul3A_1561 = arith.muli %mul3A_1560, %scan3A_57 : i32
      %add3A_1562 = arith.constant 2 : i32
      %add3A_1563 = arith.addi %mul3A_1561, %add3A_1562 : i32
      %mul3A_1564 = arith.constant 16 : i32
      %mul3A_1565 = arith.muli %add3A_1563, %mul3A_1564 : i32
      %add3A_1566 = arith.addi %mul3A_2, %mul3A_1565 : i32
      %dma_wait3A_1567 = arith.constant 0 : i32
      %dma_wait3A_1568 = tpu.memref_slice %arg3[%add3A_1566, %dma_wait3A_1567] : memref<8192x1152xf32, #tpu.memory_space<hbm>> -> memref<16x1152xf32, #tpu.memory_space<hbm>>
      %dma_wait3A_1569 = arith.constant 0 : i32
      %dma_wait3A_1570 = tpu.memref_slice %arg3[%add3A_1566, %dma_wait3A_1569] : memref<8192x1152xf32, #tpu.memory_space<hbm>> -> memref<16x1152xf32, #tpu.memory_space<hbm>>
      tpu.wait_dma2 semaphore(%arg16 : memref<!tpu.dma_semaphore, #tpu.memory_space<semaphore_mem>>) src(%dma_wait3A_1570 : memref<16x1152xf32, #tpu.memory_space<hbm>>) dst(%arg10 : memref<16x1152xf32, #tpu.memory_space<vmem>>)
      %mul3A_1571 = arith.constant 16 : i32
      %mul3A_1572 = arith.muli %add3A_1563, %mul3A_1571 : i32
      %add3A_1573 = arith.addi %mul3A_2, %mul3A_1572 : i32
      %broadcast_in_dim3A_1574 = arith.constant 0.000000e+00 : f32
      %broadcast_in_dim3A_1575 = vector.broadcast %broadcast_in_dim3A_1574 : f32 to vector<16xf32>
      %broadcast_in_dim3A_1576 = arith.constant 0.000000e+00 : f32
      %broadcast_in_dim3A_1577 = vector.broadcast %broadcast_in_dim3A_1576 : f32 to vector<16xf32>
      %broadcast_in_dim3A_1578 = arith.constant 0.000000e+00 : f32
      %broadcast_in_dim3A_1579 = vector.broadcast %broadcast_in_dim3A_1578 : f32 to vector<16xf32>
      %broadcast_in_dim3A_1580 = arith.constant 0.000000e+00 : f32
      %broadcast_in_dim3A_1581 = vector.broadcast %broadcast_in_dim3A_1580 : f32 to vector<16xf32>
      %broadcast_in_dim3A_1582 = arith.constant 0.000000e+00 : f32
      %broadcast_in_dim3A_1583 = vector.broadcast %broadcast_in_dim3A_1582 : f32 to vector<16xf32>
      %broadcast_in_dim3A_1584 = arith.constant 0.000000e+00 : f32
      %broadcast_in_dim3A_1585 = vector.broadcast %broadcast_in_dim3A_1584 : f32 to vector<16xf32>
      %broadcast_in_dim3A_1586 = arith.constant 0.000000e+00 : f32
      %broadcast_in_dim3A_1587 = vector.broadcast %broadcast_in_dim3A_1586 : f32 to vector<16xf32>
      %broadcast_in_dim3A_1588 = arith.constant 0.000000e+00 : f32
      %broadcast_in_dim3A_1589 = vector.broadcast %broadcast_in_dim3A_1588 : f32 to vector<16xf32>
      %broadcast_in_dim3A_1590 = arith.constant 0.000000e+00 : f32
      %broadcast_in_dim3A_1591 = vector.broadcast %broadcast_in_dim3A_1590 : f32 to vector<16xf32>
      %broadcast_in_dim3A_1592 = arith.constant 0.000000e+00 : f32
      %broadcast_in_dim3A_1593 = vector.broadcast %broadcast_in_dim3A_1592 : f32 to vector<16xf32>
      %broadcast_in_dim3A_1594 = arith.constant 0.000000e+00 : f32
      %broadcast_in_dim3A_1595 = vector.broadcast %broadcast_in_dim3A_1594 : f32 to vector<16xf32>
      %broadcast_in_dim3A_1596 = arith.constant 0.000000e+00 : f32
      %broadcast_in_dim3A_1597 = vector.broadcast %broadcast_in_dim3A_1596 : f32 to vector<16xf32>
      %broadcast_in_dim3A_1598 = arith.constant 0.000000e+00 : f32
      %broadcast_in_dim3A_1599 = vector.broadcast %broadcast_in_dim3A_1598 : f32 to vector<16xf32>
      %broadcast_in_dim3A_1600 = arith.constant 0.000000e+00 : f32
      %broadcast_in_dim3A_1601 = vector.broadcast %broadcast_in_dim3A_1600 : f32 to vector<16xf32>
      %broadcast_in_dim3A_1602 = arith.constant 0.000000e+00 : f32
      %broadcast_in_dim3A_1603 = vector.broadcast %broadcast_in_dim3A_1602 : f32 to vector<16xf32>
      %broadcast_in_dim3A_1604 = arith.constant 0.000000e+00 : f32
      %broadcast_in_dim3A_1605 = vector.broadcast %broadcast_in_dim3A_1604 : f32 to vector<16xf32>
      %scan3A_1606 = arith.constant 0 : i32
      %scan3A_1607 = arith.constant 72 : i32
      %scan3A_1608 = arith.addi %scan3A_1606, %scan3A_1607 : i32
      %scan3A_1609 = arith.constant 1 : i32
      %scan3A_1610:32 = scf.for %scan3A_3068 = %scan3A_1606 to %scan3A_1608 step %scan3A_1609 iter_args(%scan3A_3069 = %broadcast_in_dim3A_1575, %scan3A_3070 = %broadcast_in_dim3A_1577, %scan3A_3071 = %broadcast_in_dim3A_1579, %scan3A_3072 = %broadcast_in_dim3A_1581, %scan3A_3073 = %broadcast_in_dim3A_1583, %scan3A_3074 = %broadcast_in_dim3A_1585, %scan3A_3075 = %broadcast_in_dim3A_1587, %scan3A_3076 = %broadcast_in_dim3A_1589, %scan3A_3077 = %broadcast_in_dim3A_1591, %scan3A_3078 = %broadcast_in_dim3A_1593, %scan3A_3079 = %broadcast_in_dim3A_1595, %scan3A_3080 = %broadcast_in_dim3A_1597, %scan3A_3081 = %broadcast_in_dim3A_1599, %scan3A_3082 = %broadcast_in_dim3A_1601, %scan3A_3083 = %broadcast_in_dim3A_1603, %scan3A_3084 = %broadcast_in_dim3A_1605, %scan3A_3085 = %broadcast_in_dim3A_1575, %scan3A_3086 = %broadcast_in_dim3A_1577, %scan3A_3087 = %broadcast_in_dim3A_1579, %scan3A_3088 = %broadcast_in_dim3A_1581, %scan3A_3089 = %broadcast_in_dim3A_1583, %scan3A_3090 = %broadcast_in_dim3A_1585, %scan3A_3091 = %broadcast_in_dim3A_1587, %scan3A_3092 = %broadcast_in_dim3A_1589, %scan3A_3093 = %broadcast_in_dim3A_1591, %scan3A_3094 = %broadcast_in_dim3A_1593, %scan3A_3095 = %broadcast_in_dim3A_1595, %scan3A_3096 = %broadcast_in_dim3A_1597, %scan3A_3097 = %broadcast_in_dim3A_1599, %scan3A_3098 = %broadcast_in_dim3A_1601, %scan3A_3099 = %broadcast_in_dim3A_1603, %scan3A_3100 = %broadcast_in_dim3A_1605) -> (vector<16xf32>, vector<16xf32>, vector<16xf32>, vector<16xf32>, vector<16xf32>, vector<16xf32>, vector<16xf32>, vector<16xf32>, vector<16xf32>, vector<16xf32>, vector<16xf32>, vector<16xf32>, vector<16xf32>, vector<16xf32>, vector<16xf32>, vector<16xf32>, vector<16xf32>, vector<16xf32>, vector<16xf32>, vector<16xf32>, vector<16xf32>, vector<16xf32>, vector<16xf32>, vector<16xf32>, vector<16xf32>, vector<16xf32>, vector<16xf32>, vector<16xf32>, vector<16xf32>, vector<16xf32>, vector<16xf32>, vector<16xf32>)  : i32 {
        %mul3A_3101 = arith.constant 16 : i32
        %mul3A_3102 = arith.muli %scan3A_3068, %mul3A_3101 : i32
        %get3A = arith.index_cast %mul3A_3102 : i32 to index
        %get3A_3103 = tpu.vector_load %arg7[%get3A] {strides = array<i32>} : memref<1152xf32, #tpu.memory_space<vmem>>, vector<16xf32>,
        %mul3A_3104 = arith.constant 16 : i32
        %mul3A_3105 = arith.muli %scan3A_3068, %mul3A_3104 : i32
        %get3A_3106 = arith.constant 0 : i32
        %get3A_3107 = arith.index_cast %get3A_3106 : i32 to index
        %get3A_3108 = arith.index_cast %mul3A_3105 : i32 to index
        %get3A_3109 = tpu.vector_load %arg10[%get3A_3107, %get3A_3108] {strides = array<i32>} : memref<16x1152xf32, #tpu.memory_space<vmem>>, vector<16xf32>,
        %mul3A_3110 = arith.mulf %get3A_3109, %get3A_3103 : vector<16xf32>
        %add3A_3111 = arith.addf %scan3A_3069, %mul3A_3110 : vector<16xf32>
        %mul3A_3112 = arith.mulf %get3A_3109, %get3A_3109 : vector<16xf32>
        %add3A_3113 = arith.addf %scan3A_3085, %mul3A_3112 : vector<16xf32>
        %mul3A_3114 = arith.constant 16 : i32
        %mul3A_3115 = arith.muli %scan3A_3068, %mul3A_3114 : i32
        %get3A_3116 = arith.constant 1 : i32
        %get3A_3117 = arith.index_cast %get3A_3116 : i32 to index
        %get3A_3118 = arith.index_cast %mul3A_3115 : i32 to index
        %get3A_3119 = tpu.vector_load %arg10[%get3A_3117, %get3A_3118] {strides = array<i32>} : memref<16x1152xf32, #tpu.memory_space<vmem>>, vector<16xf32>,
        %mul3A_3120 = arith.mulf %get3A_3119, %get3A_3103 : vector<16xf32>
        %add3A_3121 = arith.addf %scan3A_3070, %mul3A_3120 : vector<16xf32>
        %mul3A_3122 = arith.mulf %get3A_3119, %get3A_3119 : vector<16xf32>
        %add3A_3123 = arith.addf %scan3A_3086, %mul3A_3122 : vector<16xf32>
        %mul3A_3124 = arith.constant 16 : i32
        %mul3A_3125 = arith.muli %scan3A_3068, %mul3A_3124 : i32
        %get3A_3126 = arith.constant 2 : i32
        %get3A_3127 = arith.index_cast %get3A_3126 : i32 to index
        %get3A_3128 = arith.index_cast %mul3A_3125 : i32 to index
        %get3A_3129 = tpu.vector_load %arg10[%get3A_3127, %get3A_3128] {strides = array<i32>} : memref<16x1152xf32, #tpu.memory_space<vmem>>, vector<16xf32>,
        %mul3A_3130 = arith.mulf %get3A_3129, %get3A_3103 : vector<16xf32>
        %add3A_3131 = arith.addf %scan3A_3071, %mul3A_3130 : vector<16xf32>
        %mul3A_3132 = arith.mulf %get3A_3129, %get3A_3129 : vector<16xf32>
        %add3A_3133 = arith.addf %scan3A_3087, %mul3A_3132 : vector<16xf32>
        %mul3A_3134 = arith.constant 16 : i32
        %mul3A_3135 = arith.muli %scan3A_3068, %mul3A_3134 : i32
        %get3A_3136 = arith.constant 3 : i32
        %get3A_3137 = arith.index_cast %get3A_3136 : i32 to index
        %get3A_3138 = arith.index_cast %mul3A_3135 : i32 to index
        %get3A_3139 = tpu.vector_load %arg10[%get3A_3137, %get3A_3138] {strides = array<i32>} : memref<16x1152xf32, #tpu.memory_space<vmem>>, vector<16xf32>,
        %mul3A_3140 = arith.mulf %get3A_3139, %get3A_3103 : vector<16xf32>
        %add3A_3141 = arith.addf %scan3A_3072, %mul3A_3140 : vector<16xf32>
        %mul3A_3142 = arith.mulf %get3A_3139, %get3A_3139 : vector<16xf32>
        %add3A_3143 = arith.addf %scan3A_3088, %mul3A_3142 : vector<16xf32>
        %mul3A_3144 = arith.constant 16 : i32
        %mul3A_3145 = arith.muli %scan3A_3068, %mul3A_3144 : i32
        %get3A_3146 = arith.constant 4 : i32
        %get3A_3147 = arith.index_cast %get3A_3146 : i32 to index
        %get3A_3148 = arith.index_cast %mul3A_3145 : i32 to index
        %get3A_3149 = tpu.vector_load %arg10[%get3A_3147, %get3A_3148] {strides = array<i32>} : memref<16x1152xf32, #tpu.memory_space<vmem>>, vector<16xf32>,
        %mul3A_3150 = arith.mulf %get3A_3149, %get3A_3103 : vector<16xf32>
        %add3A_3151 = arith.addf %scan3A_3073, %mul3A_3150 : vector<16xf32>
        %mul3A_3152 = arith.mulf %get3A_3149, %get3A_3149 : vector<16xf32>
        %add3A_3153 = arith.addf %scan3A_3089, %mul3A_3152 : vector<16xf32>
        %mul3A_3154 = arith.constant 16 : i32
        %mul3A_3155 = arith.muli %scan3A_3068, %mul3A_3154 : i32
        %get3A_3156 = arith.constant 5 : i32
        %get3A_3157 = arith.index_cast %get3A_3156 : i32 to index
        %get3A_3158 = arith.index_cast %mul3A_3155 : i32 to index
        %get3A_3159 = tpu.vector_load %arg10[%get3A_3157, %get3A_3158] {strides = array<i32>} : memref<16x1152xf32, #tpu.memory_space<vmem>>, vector<16xf32>,
        %mul3A_3160 = arith.mulf %get3A_3159, %get3A_3103 : vector<16xf32>
        %add3A_3161 = arith.addf %scan3A_3074, %mul3A_3160 : vector<16xf32>
        %mul3A_3162 = arith.mulf %get3A_3159, %get3A_3159 : vector<16xf32>
        %add3A_3163 = arith.addf %scan3A_3090, %mul3A_3162 : vector<16xf32>
        %mul3A_3164 = arith.constant 16 : i32
        %mul3A_3165 = arith.muli %scan3A_3068, %mul3A_3164 : i32
        %get3A_3166 = arith.constant 6 : i32
        %get3A_3167 = arith.index_cast %get3A_3166 : i32 to index
        %get3A_3168 = arith.index_cast %mul3A_3165 : i32 to index
        %get3A_3169 = tpu.vector_load %arg10[%get3A_3167, %get3A_3168] {strides = array<i32>} : memref<16x1152xf32, #tpu.memory_space<vmem>>, vector<16xf32>,
        %mul3A_3170 = arith.mulf %get3A_3169, %get3A_3103 : vector<16xf32>
        %add3A_3171 = arith.addf %scan3A_3075, %mul3A_3170 : vector<16xf32>
        %mul3A_3172 = arith.mulf %get3A_3169, %get3A_3169 : vector<16xf32>
        %add3A_3173 = arith.addf %scan3A_3091, %mul3A_3172 : vector<16xf32>
        %mul3A_3174 = arith.constant 16 : i32
        %mul3A_3175 = arith.muli %scan3A_3068, %mul3A_3174 : i32
        %get3A_3176 = arith.constant 7 : i32
        %get3A_3177 = arith.index_cast %get3A_3176 : i32 to index
        %get3A_3178 = arith.index_cast %mul3A_3175 : i32 to index
        %get3A_3179 = tpu.vector_load %arg10[%get3A_3177, %get3A_3178] {strides = array<i32>} : memref<16x1152xf32, #tpu.memory_space<vmem>>, vector<16xf32>,
        %mul3A_3180 = arith.mulf %get3A_3179, %get3A_3103 : vector<16xf32>
        %add3A_3181 = arith.addf %scan3A_3076, %mul3A_3180 : vector<16xf32>
        %mul3A_3182 = arith.mulf %get3A_3179, %get3A_3179 : vector<16xf32>
        %add3A_3183 = arith.addf %scan3A_3092, %mul3A_3182 : vector<16xf32>
        %mul3A_3184 = arith.constant 16 : i32
        %mul3A_3185 = arith.muli %scan3A_3068, %mul3A_3184 : i32
        %get3A_3186 = arith.constant 8 : i32
        %get3A_3187 = arith.index_cast %get3A_3186 : i32 to index
        %get3A_3188 = arith.index_cast %mul3A_3185 : i32 to index
        %get3A_3189 = tpu.vector_load %arg10[%get3A_3187, %get3A_3188] {strides = array<i32>} : memref<16x1152xf32, #tpu.memory_space<vmem>>, vector<16xf32>,
        %mul3A_3190 = arith.mulf %get3A_3189, %get3A_3103 : vector<16xf32>
        %add3A_3191 = arith.addf %scan3A_3077, %mul3A_3190 : vector<16xf32>
        %mul3A_3192 = arith.mulf %get3A_3189, %get3A_3189 : vector<16xf32>
        %add3A_3193 = arith.addf %scan3A_3093, %mul3A_3192 : vector<16xf32>
        %mul3A_3194 = arith.constant 16 : i32
        %mul3A_3195 = arith.muli %scan3A_3068, %mul3A_3194 : i32
        %get3A_3196 = arith.constant 9 : i32
        %get3A_3197 = arith.index_cast %get3A_3196 : i32 to index
        %get3A_3198 = arith.index_cast %mul3A_3195 : i32 to index
        %get3A_3199 = tpu.vector_load %arg10[%get3A_3197, %get3A_3198] {strides = array<i32>} : memref<16x1152xf32, #tpu.memory_space<vmem>>, vector<16xf32>,
        %mul3A_3200 = arith.mulf %get3A_3199, %get3A_3103 : vector<16xf32>
        %add3A_3201 = arith.addf %scan3A_3078, %mul3A_3200 : vector<16xf32>
        %mul3A_3202 = arith.mulf %get3A_3199, %get3A_3199 : vector<16xf32>
        %add3A_3203 = arith.addf %scan3A_3094, %mul3A_3202 : vector<16xf32>
        %mul3A_3204 = arith.constant 16 : i32
        %mul3A_3205 = arith.muli %scan3A_3068, %mul3A_3204 : i32
        %get3A_3206 = arith.constant 10 : i32
        %get3A_3207 = arith.index_cast %get3A_3206 : i32 to index
        %get3A_3208 = arith.index_cast %mul3A_3205 : i32 to index
        %get3A_3209 = tpu.vector_load %arg10[%get3A_3207, %get3A_3208] {strides = array<i32>} : memref<16x1152xf32, #tpu.memory_space<vmem>>, vector<16xf32>,
        %mul3A_3210 = arith.mulf %get3A_3209, %get3A_3103 : vector<16xf32>
        %add3A_3211 = arith.addf %scan3A_3079, %mul3A_3210 : vector<16xf32>
        %mul3A_3212 = arith.mulf %get3A_3209, %get3A_3209 : vector<16xf32>
        %add3A_3213 = arith.addf %scan3A_3095, %mul3A_3212 : vector<16xf32>
        %mul3A_3214 = arith.constant 16 : i32
        %mul3A_3215 = arith.muli %scan3A_3068, %mul3A_3214 : i32
        %get3A_3216 = arith.constant 11 : i32
        %get3A_3217 = arith.index_cast %get3A_3216 : i32 to index
        %get3A_3218 = arith.index_cast %mul3A_3215 : i32 to index
        %get3A_3219 = tpu.vector_load %arg10[%get3A_3217, %get3A_3218] {strides = array<i32>} : memref<16x1152xf32, #tpu.memory_space<vmem>>, vector<16xf32>,
        %mul3A_3220 = arith.mulf %get3A_3219, %get3A_3103 : vector<16xf32>
        %add3A_3221 = arith.addf %scan3A_3080, %mul3A_3220 : vector<16xf32>
        %mul3A_3222 = arith.mulf %get3A_3219, %get3A_3219 : vector<16xf32>
        %add3A_3223 = arith.addf %scan3A_3096, %mul3A_3222 : vector<16xf32>
        %mul3A_3224 = arith.constant 16 : i32
        %mul3A_3225 = arith.muli %scan3A_3068, %mul3A_3224 : i32
        %get3A_3226 = arith.constant 12 : i32
        %get3A_3227 = arith.index_cast %get3A_3226 : i32 to index
        %get3A_3228 = arith.index_cast %mul3A_3225 : i32 to index
        %get3A_3229 = tpu.vector_load %arg10[%get3A_3227, %get3A_3228] {strides = array<i32>} : memref<16x1152xf32, #tpu.memory_space<vmem>>, vector<16xf32>,
        %mul3A_3230 = arith.mulf %get3A_3229, %get3A_3103 : vector<16xf32>
        %add3A_3231 = arith.addf %scan3A_3081, %mul3A_3230 : vector<16xf32>
        %mul3A_3232 = arith.mulf %get3A_3229, %get3A_3229 : vector<16xf32>
        %add3A_3233 = arith.addf %scan3A_3097, %mul3A_3232 : vector<16xf32>
        %mul3A_3234 = arith.constant 16 : i32
        %mul3A_3235 = arith.muli %scan3A_3068, %mul3A_3234 : i32
        %get3A_3236 = arith.constant 13 : i32
        %get3A_3237 = arith.index_cast %get3A_3236 : i32 to index
        %get3A_3238 = arith.index_cast %mul3A_3235 : i32 to index
        %get3A_3239 = tpu.vector_load %arg10[%get3A_3237, %get3A_3238] {strides = array<i32>} : memref<16x1152xf32, #tpu.memory_space<vmem>>, vector<16xf32>,
        %mul3A_3240 = arith.mulf %get3A_3239, %get3A_3103 : vector<16xf32>
        %add3A_3241 = arith.addf %scan3A_3082, %mul3A_3240 : vector<16xf32>
        %mul3A_3242 = arith.mulf %get3A_3239, %get3A_3239 : vector<16xf32>
        %add3A_3243 = arith.addf %scan3A_3098, %mul3A_3242 : vector<16xf32>
        %mul3A_3244 = arith.constant 16 : i32
        %mul3A_3245 = arith.muli %scan3A_3068, %mul3A_3244 : i32
        %get3A_3246 = arith.constant 14 : i32
        %get3A_3247 = arith.index_cast %get3A_3246 : i32 to index
        %get3A_3248 = arith.index_cast %mul3A_3245 : i32 to index
        %get3A_3249 = tpu.vector_load %arg10[%get3A_3247, %get3A_3248] {strides = array<i32>} : memref<16x1152xf32, #tpu.memory_space<vmem>>, vector<16xf32>,
        %mul3A_3250 = arith.mulf %get3A_3249, %get3A_3103 : vector<16xf32>
        %add3A_3251 = arith.addf %scan3A_3083, %mul3A_3250 : vector<16xf32>
        %mul3A_3252 = arith.mulf %get3A_3249, %get3A_3249 : vector<16xf32>
        %add3A_3253 = arith.addf %scan3A_3099, %mul3A_3252 : vector<16xf32>
        %mul3A_3254 = arith.constant 16 : i32
        %mul3A_3255 = arith.muli %scan3A_3068, %mul3A_3254 : i32
        %get3A_3256 = arith.constant 15 : i32
        %get3A_3257 = arith.index_cast %get3A_3256 : i32 to index
        %get3A_3258 = arith.index_cast %mul3A_3255 : i32 to index
        %get3A_3259 = tpu.vector_load %arg10[%get3A_3257, %get3A_3258] {strides = array<i32>} : memref<16x1152xf32, #tpu.memory_space<vmem>>, vector<16xf32>,
        %mul3A_3260 = arith.mulf %get3A_3259, %get3A_3103 : vector<16xf32>
        %add3A_3261 = arith.addf %scan3A_3084, %mul3A_3260 : vector<16xf32>
        %mul3A_3262 = arith.mulf %get3A_3259, %get3A_3259 : vector<16xf32>
        %add3A_3263 = arith.addf %scan3A_3100, %mul3A_3262 : vector<16xf32>
        scf.yield %add3A_3111, %add3A_3121, %add3A_3131, %add3A_3141, %add3A_3151, %add3A_3161, %add3A_3171, %add3A_3181, %add3A_3191, %add3A_3201, %add3A_3211, %add3A_3221, %add3A_3231, %add3A_3241, %add3A_3251, %add3A_3261, %add3A_3113, %add3A_3123, %add3A_3133, %add3A_3143, %add3A_3153, %add3A_3163, %add3A_3173, %add3A_3183, %add3A_3193, %add3A_3203, %add3A_3213, %add3A_3223, %add3A_3233, %add3A_3243, %add3A_3253, %add3A_3263 : vector<16xf32>, vector<16xf32>, vector<16xf32>, vector<16xf32>, vector<16xf32>, vector<16xf32>, vector<16xf32>, vector<16xf32>, vector<16xf32>, vector<16xf32>, vector<16xf32>, vector<16xf32>, vector<16xf32>, vector<16xf32>, vector<16xf32>, vector<16xf32>, vector<16xf32>, vector<16xf32>, vector<16xf32>, vector<16xf32>, vector<16xf32>, vector<16xf32>, vector<16xf32>, vector<16xf32>, vector<16xf32>, vector<16xf32>, vector<16xf32>, vector<16xf32>, vector<16xf32>, vector<16xf32>, vector<16xf32>, vector<16xf32>
      }
      %scan3A_1611 = arith.constant 72 : i32
      %reduce_sum3A_1612 = arith.constant true
      %reduce_sum3A_1613 = vector.broadcast %reduce_sum3A_1612 : i1 to vector<16xi1>
      %reduce_sum3A_1614 = tpu.scan <sum>, %scan3A_1610#0 masked %reduce_sum3A_1613 : vector<16xf32>, vector<16xi1> -> vector<16xf32>
      %reduce_sum3A_1615 = vector.extract %reduce_sum3A_1614[15] : f32 from vector<16xf32>
      %reduce_sum3A_1616 = arith.constant true
      %reduce_sum3A_1617 = vector.broadcast %reduce_sum3A_1616 : i1 to vector<16xi1>
      %reduce_sum3A_1618 = tpu.scan <sum>, %scan3A_1610#16 masked %reduce_sum3A_1617 : vector<16xf32>, vector<16xi1> -> vector<16xf32>
      %reduce_sum3A_1619 = vector.extract %reduce_sum3A_1618[15] : f32 from vector<16xf32>
      %bitcast_convert_type3A_1620 = arith.bitcast %reduce_sum3A_1619 : f32 to i32
      %shift_right_logical3A_1621 = arith.constant 1 : i32
      %shift_right_logical3A_1622 = arith.shrui %bitcast_convert_type3A_1620, %shift_right_logical3A_1621 : i32
      %sub3A_1623 = arith.constant 1597463007 : i32
      %sub3A_1624 = arith.subi %sub3A_1623, %shift_right_logical3A_1622 : i32
      %bitcast_convert_type3A_1625 = arith.bitcast %sub3A_1624 : i32 to f32
      %mul3A_1626 = arith.constant 5.000000e-01 : f32
      %mul3A_1627 = arith.mulf %mul3A_1626, %reduce_sum3A_1619 : f32
      %mul3A_1628 = arith.mulf %mul3A_1627, %bitcast_convert_type3A_1625 : f32
      %mul3A_1629 = arith.mulf %mul3A_1628, %bitcast_convert_type3A_1625 : f32
      %sub3A_1630 = arith.constant 1.500000e+00 : f32
      %sub3A_1631 = arith.subf %sub3A_1630, %mul3A_1629 : f32
      %mul3A_1632 = arith.mulf %bitcast_convert_type3A_1625, %sub3A_1631 : f32
      %mul3A_1633 = arith.constant 5.000000e-01 : f32
      %mul3A_1634 = arith.mulf %mul3A_1633, %reduce_sum3A_1619 : f32
      %mul3A_1635 = arith.mulf %mul3A_1634, %mul3A_1632 : f32
      %mul3A_1636 = arith.mulf %mul3A_1635, %mul3A_1632 : f32
      %sub3A_1637 = arith.constant 1.500000e+00 : f32
      %sub3A_1638 = arith.subf %sub3A_1637, %mul3A_1636 : f32
      %mul3A_1639 = arith.mulf %mul3A_1632, %sub3A_1638 : f32
      %mul3A_1640 = arith.constant 5.000000e-01 : f32
      %mul3A_1641 = arith.mulf %mul3A_1640, %reduce_sum3A_1619 : f32
      %mul3A_1642 = arith.mulf %mul3A_1641, %mul3A_1639 : f32
      %mul3A_1643 = arith.mulf %mul3A_1642, %mul3A_1639 : f32
      %sub3A_1644 = arith.constant 1.500000e+00 : f32
      %sub3A_1645 = arith.subf %sub3A_1644, %mul3A_1643 : f32
      %mul3A_1646 = arith.mulf %mul3A_1639, %sub3A_1645 : f32
      %mul3A_1647 = arith.mulf %reduce_sum3A_1615, %mul3A_1646 : f32
      %add3A_1648 = arith.constant 0 : i32
      %add3A_1649 = arith.addi %add3A_1573, %add3A_1648 : i32
      %add3A_1650 = arith.constant 0 : i32
      %add3A_1651 = arith.addi %add3A_1649, %add3A_1650 : i32
      %gt3A_1652 = arith.cmpf ogt, %mul3A_1647, %select_n3A_1544 : f32
      %select_n3A_1653 = arith.select %gt3A_1652, %mul3A_1647, %select_n3A_1544 : f32
      %select_n3A_1654 = arith.select %gt3A_1652, %add3A_1651, %select_n3A_1545 : i32
      %reduce_sum3A_1655 = arith.constant true
      %reduce_sum3A_1656 = vector.broadcast %reduce_sum3A_1655 : i1 to vector<16xi1>
      %reduce_sum3A_1657 = tpu.scan <sum>, %scan3A_1610#1 masked %reduce_sum3A_1656 : vector<16xf32>, vector<16xi1> -> vector<16xf32>
      %reduce_sum3A_1658 = vector.extract %reduce_sum3A_1657[15] : f32 from vector<16xf32>
      %reduce_sum3A_1659 = arith.constant true
      %reduce_sum3A_1660 = vector.broadcast %reduce_sum3A_1659 : i1 to vector<16xi1>
      %reduce_sum3A_1661 = tpu.scan <sum>, %scan3A_1610#17 masked %reduce_sum3A_1660 : vector<16xf32>, vector<16xi1> -> vector<16xf32>
      %reduce_sum3A_1662 = vector.extract %reduce_sum3A_1661[15] : f32 from vector<16xf32>
      %bitcast_convert_type3A_1663 = arith.bitcast %reduce_sum3A_1662 : f32 to i32
      %shift_right_logical3A_1664 = arith.constant 1 : i32
      %shift_right_logical3A_1665 = arith.shrui %bitcast_convert_type3A_1663, %shift_right_logical3A_1664 : i32
      %sub3A_1666 = arith.constant 1597463007 : i32
      %sub3A_1667 = arith.subi %sub3A_1666, %shift_right_logical3A_1665 : i32
      %bitcast_convert_type3A_1668 = arith.bitcast %sub3A_1667 : i32 to f32
      %mul3A_1669 = arith.constant 5.000000e-01 : f32
      %mul3A_1670 = arith.mulf %mul3A_1669, %reduce_sum3A_1662 : f32
      %mul3A_1671 = arith.mulf %mul3A_1670, %bitcast_convert_type3A_1668 : f32
      %mul3A_1672 = arith.mulf %mul3A_1671, %bitcast_convert_type3A_1668 : f32
      %sub3A_1673 = arith.constant 1.500000e+00 : f32
      %sub3A_1674 = arith.subf %sub3A_1673, %mul3A_1672 : f32
      %mul3A_1675 = arith.mulf %bitcast_convert_type3A_1668, %sub3A_1674 : f32
      %mul3A_1676 = arith.constant 5.000000e-01 : f32
      %mul3A_1677 = arith.mulf %mul3A_1676, %reduce_sum3A_1662 : f32
      %mul3A_1678 = arith.mulf %mul3A_1677, %mul3A_1675 : f32
      %mul3A_1679 = arith.mulf %mul3A_1678, %mul3A_1675 : f32
      %sub3A_1680 = arith.constant 1.500000e+00 : f32
      %sub3A_1681 = arith.subf %sub3A_1680, %mul3A_1679 : f32
      %mul3A_1682 = arith.mulf %mul3A_1675, %sub3A_1681 : f32
      %mul3A_1683 = arith.constant 5.000000e-01 : f32
      %mul3A_1684 = arith.mulf %mul3A_1683, %reduce_sum3A_1662 : f32
      %mul3A_1685 = arith.mulf %mul3A_1684, %mul3A_1682 : f32
      %mul3A_1686 = arith.mulf %mul3A_1685, %mul3A_1682 : f32
      %sub3A_1687 = arith.constant 1.500000e+00 : f32
      %sub3A_1688 = arith.subf %sub3A_1687, %mul3A_1686 : f32
      %mul3A_1689 = arith.mulf %mul3A_1682, %sub3A_1688 : f32
      %mul3A_1690 = arith.mulf %reduce_sum3A_1658, %mul3A_1689 : f32
      %add3A_1691 = arith.constant 0 : i32
      %add3A_1692 = arith.addi %add3A_1573, %add3A_1691 : i32
      %add3A_1693 = arith.constant 1 : i32
      %add3A_1694 = arith.addi %add3A_1692, %add3A_1693 : i32
      %gt3A_1695 = arith.cmpf ogt, %mul3A_1690, %select_n3A_1653 : f32
      %select_n3A_1696 = arith.select %gt3A_1695, %mul3A_1690, %select_n3A_1653 : f32
      %select_n3A_1697 = arith.select %gt3A_1695, %add3A_1694, %select_n3A_1654 : i32
      %reduce_sum3A_1698 = arith.constant true
      %reduce_sum3A_1699 = vector.broadcast %reduce_sum3A_1698 : i1 to vector<16xi1>
      %reduce_sum3A_1700 = tpu.scan <sum>, %scan3A_1610#2 masked %reduce_sum3A_1699 : vector<16xf32>, vector<16xi1> -> vector<16xf32>
      %reduce_sum3A_1701 = vector.extract %reduce_sum3A_1700[15] : f32 from vector<16xf32>
      %reduce_sum3A_1702 = arith.constant true
      %reduce_sum3A_1703 = vector.broadcast %reduce_sum3A_1702 : i1 to vector<16xi1>
      %reduce_sum3A_1704 = tpu.scan <sum>, %scan3A_1610#18 masked %reduce_sum3A_1703 : vector<16xf32>, vector<16xi1> -> vector<16xf32>
      %reduce_sum3A_1705 = vector.extract %reduce_sum3A_1704[15] : f32 from vector<16xf32>
      %bitcast_convert_type3A_1706 = arith.bitcast %reduce_sum3A_1705 : f32 to i32
      %shift_right_logical3A_1707 = arith.constant 1 : i32
      %shift_right_logical3A_1708 = arith.shrui %bitcast_convert_type3A_1706, %shift_right_logical3A_1707 : i32
      %sub3A_1709 = arith.constant 1597463007 : i32
      %sub3A_1710 = arith.subi %sub3A_1709, %shift_right_logical3A_1708 : i32
      %bitcast_convert_type3A_1711 = arith.bitcast %sub3A_1710 : i32 to f32
      %mul3A_1712 = arith.constant 5.000000e-01 : f32
      %mul3A_1713 = arith.mulf %mul3A_1712, %reduce_sum3A_1705 : f32
      %mul3A_1714 = arith.mulf %mul3A_1713, %bitcast_convert_type3A_1711 : f32
      %mul3A_1715 = arith.mulf %mul3A_1714, %bitcast_convert_type3A_1711 : f32
      %sub3A_1716 = arith.constant 1.500000e+00 : f32
      %sub3A_1717 = arith.subf %sub3A_1716, %mul3A_1715 : f32
      %mul3A_1718 = arith.mulf %bitcast_convert_type3A_1711, %sub3A_1717 : f32
      %mul3A_1719 = arith.constant 5.000000e-01 : f32
      %mul3A_1720 = arith.mulf %mul3A_1719, %reduce_sum3A_1705 : f32
      %mul3A_1721 = arith.mulf %mul3A_1720, %mul3A_1718 : f32
      %mul3A_1722 = arith.mulf %mul3A_1721, %mul3A_1718 : f32
      %sub3A_1723 = arith.constant 1.500000e+00 : f32
      %sub3A_1724 = arith.subf %sub3A_1723, %mul3A_1722 : f32
      %mul3A_1725 = arith.mulf %mul3A_1718, %sub3A_1724 : f32
      %mul3A_1726 = arith.constant 5.000000e-01 : f32
      %mul3A_1727 = arith.mulf %mul3A_1726, %reduce_sum3A_1705 : f32
      %mul3A_1728 = arith.mulf %mul3A_1727, %mul3A_1725 : f32
      %mul3A_1729 = arith.mulf %mul3A_1728, %mul3A_1725 : f32
      %sub3A_1730 = arith.constant 1.500000e+00 : f32
      %sub3A_1731 = arith.subf %sub3A_1730, %mul3A_1729 : f32
      %mul3A_1732 = arith.mulf %mul3A_1725, %sub3A_1731 : f32
      %mul3A_1733 = arith.mulf %reduce_sum3A_1701, %mul3A_1732 : f32
      %add3A_1734 = arith.constant 0 : i32
      %add3A_1735 = arith.addi %add3A_1573, %add3A_1734 : i32
      %add3A_1736 = arith.constant 2 : i32
      %add3A_1737 = arith.addi %add3A_1735, %add3A_1736 : i32
      %gt3A_1738 = arith.cmpf ogt, %mul3A_1733, %select_n3A_1696 : f32
      %select_n3A_1739 = arith.select %gt3A_1738, %mul3A_1733, %select_n3A_1696 : f32
      %select_n3A_1740 = arith.select %gt3A_1738, %add3A_1737, %select_n3A_1697 : i32
      %reduce_sum3A_1741 = arith.constant true
      %reduce_sum3A_1742 = vector.broadcast %reduce_sum3A_1741 : i1 to vector<16xi1>
      %reduce_sum3A_1743 = tpu.scan <sum>, %scan3A_1610#3 masked %reduce_sum3A_1742 : vector<16xf32>, vector<16xi1> -> vector<16xf32>
      %reduce_sum3A_1744 = vector.extract %reduce_sum3A_1743[15] : f32 from vector<16xf32>
      %reduce_sum3A_1745 = arith.constant true
      %reduce_sum3A_1746 = vector.broadcast %reduce_sum3A_1745 : i1 to vector<16xi1>
      %reduce_sum3A_1747 = tpu.scan <sum>, %scan3A_1610#19 masked %reduce_sum3A_1746 : vector<16xf32>, vector<16xi1> -> vector<16xf32>
      %reduce_sum3A_1748 = vector.extract %reduce_sum3A_1747[15] : f32 from vector<16xf32>
      %bitcast_convert_type3A_1749 = arith.bitcast %reduce_sum3A_1748 : f32 to i32
      %shift_right_logical3A_1750 = arith.constant 1 : i32
      %shift_right_logical3A_1751 = arith.shrui %bitcast_convert_type3A_1749, %shift_right_logical3A_1750 : i32
      %sub3A_1752 = arith.constant 1597463007 : i32
      %sub3A_1753 = arith.subi %sub3A_1752, %shift_right_logical3A_1751 : i32
      %bitcast_convert_type3A_1754 = arith.bitcast %sub3A_1753 : i32 to f32
      %mul3A_1755 = arith.constant 5.000000e-01 : f32
      %mul3A_1756 = arith.mulf %mul3A_1755, %reduce_sum3A_1748 : f32
      %mul3A_1757 = arith.mulf %mul3A_1756, %bitcast_convert_type3A_1754 : f32
      %mul3A_1758 = arith.mulf %mul3A_1757, %bitcast_convert_type3A_1754 : f32
      %sub3A_1759 = arith.constant 1.500000e+00 : f32
      %sub3A_1760 = arith.subf %sub3A_1759, %mul3A_1758 : f32
      %mul3A_1761 = arith.mulf %bitcast_convert_type3A_1754, %sub3A_1760 : f32
      %mul3A_1762 = arith.constant 5.000000e-01 : f32
      %mul3A_1763 = arith.mulf %mul3A_1762, %reduce_sum3A_1748 : f32
      %mul3A_1764 = arith.mulf %mul3A_1763, %mul3A_1761 : f32
      %mul3A_1765 = arith.mulf %mul3A_1764, %mul3A_1761 : f32
      %sub3A_1766 = arith.constant 1.500000e+00 : f32
      %sub3A_1767 = arith.subf %sub3A_1766, %mul3A_1765 : f32
      %mul3A_1768 = arith.mulf %mul3A_1761, %sub3A_1767 : f32
      %mul3A_1769 = arith.constant 5.000000e-01 : f32
      %mul3A_1770 = arith.mulf %mul3A_1769, %reduce_sum3A_1748 : f32
      %mul3A_1771 = arith.mulf %mul3A_1770, %mul3A_1768 : f32
      %mul3A_1772 = arith.mulf %mul3A_1771, %mul3A_1768 : f32
      %sub3A_1773 = arith.constant 1.500000e+00 : f32
      %sub3A_1774 = arith.subf %sub3A_1773, %mul3A_1772 : f32
      %mul3A_1775 = arith.mulf %mul3A_1768, %sub3A_1774 : f32
      %mul3A_1776 = arith.mulf %reduce_sum3A_1744, %mul3A_1775 : f32
      %add3A_1777 = arith.constant 0 : i32
      %add3A_1778 = arith.addi %add3A_1573, %add3A_1777 : i32
      %add3A_1779 = arith.constant 3 : i32
      %add3A_1780 = arith.addi %add3A_1778, %add3A_1779 : i32
      %gt3A_1781 = arith.cmpf ogt, %mul3A_1776, %select_n3A_1739 : f32
      %select_n3A_1782 = arith.select %gt3A_1781, %mul3A_1776, %select_n3A_1739 : f32
      %select_n3A_1783 = arith.select %gt3A_1781, %add3A_1780, %select_n3A_1740 : i32
      %reduce_sum3A_1784 = arith.constant true
      %reduce_sum3A_1785 = vector.broadcast %reduce_sum3A_1784 : i1 to vector<16xi1>
      %reduce_sum3A_1786 = tpu.scan <sum>, %scan3A_1610#4 masked %reduce_sum3A_1785 : vector<16xf32>, vector<16xi1> -> vector<16xf32>
      %reduce_sum3A_1787 = vector.extract %reduce_sum3A_1786[15] : f32 from vector<16xf32>
      %reduce_sum3A_1788 = arith.constant true
      %reduce_sum3A_1789 = vector.broadcast %reduce_sum3A_1788 : i1 to vector<16xi1>
      %reduce_sum3A_1790 = tpu.scan <sum>, %scan3A_1610#20 masked %reduce_sum3A_1789 : vector<16xf32>, vector<16xi1> -> vector<16xf32>
      %reduce_sum3A_1791 = vector.extract %reduce_sum3A_1790[15] : f32 from vector<16xf32>
      %bitcast_convert_type3A_1792 = arith.bitcast %reduce_sum3A_1791 : f32 to i32
      %shift_right_logical3A_1793 = arith.constant 1 : i32
      %shift_right_logical3A_1794 = arith.shrui %bitcast_convert_type3A_1792, %shift_right_logical3A_1793 : i32
      %sub3A_1795 = arith.constant 1597463007 : i32
      %sub3A_1796 = arith.subi %sub3A_1795, %shift_right_logical3A_1794 : i32
      %bitcast_convert_type3A_1797 = arith.bitcast %sub3A_1796 : i32 to f32
      %mul3A_1798 = arith.constant 5.000000e-01 : f32
      %mul3A_1799 = arith.mulf %mul3A_1798, %reduce_sum3A_1791 : f32
      %mul3A_1800 = arith.mulf %mul3A_1799, %bitcast_convert_type3A_1797 : f32
      %mul3A_1801 = arith.mulf %mul3A_1800, %bitcast_convert_type3A_1797 : f32
      %sub3A_1802 = arith.constant 1.500000e+00 : f32
      %sub3A_1803 = arith.subf %sub3A_1802, %mul3A_1801 : f32
      %mul3A_1804 = arith.mulf %bitcast_convert_type3A_1797, %sub3A_1803 : f32
      %mul3A_1805 = arith.constant 5.000000e-01 : f32
      %mul3A_1806 = arith.mulf %mul3A_1805, %reduce_sum3A_1791 : f32
      %mul3A_1807 = arith.mulf %mul3A_1806, %mul3A_1804 : f32
      %mul3A_1808 = arith.mulf %mul3A_1807, %mul3A_1804 : f32
      %sub3A_1809 = arith.constant 1.500000e+00 : f32
      %sub3A_1810 = arith.subf %sub3A_1809, %mul3A_1808 : f32
      %mul3A_1811 = arith.mulf %mul3A_1804, %sub3A_1810 : f32
      %mul3A_1812 = arith.constant 5.000000e-01 : f32
      %mul3A_1813 = arith.mulf %mul3A_1812, %reduce_sum3A_1791 : f32
      %mul3A_1814 = arith.mulf %mul3A_1813, %mul3A_1811 : f32
      %mul3A_1815 = arith.mulf %mul3A_1814, %mul3A_1811 : f32
      %sub3A_1816 = arith.constant 1.500000e+00 : f32
      %sub3A_1817 = arith.subf %sub3A_1816, %mul3A_1815 : f32
      %mul3A_1818 = arith.mulf %mul3A_1811, %sub3A_1817 : f32
      %mul3A_1819 = arith.mulf %reduce_sum3A_1787, %mul3A_1818 : f32
      %add3A_1820 = arith.constant 0 : i32
      %add3A_1821 = arith.addi %add3A_1573, %add3A_1820 : i32
      %add3A_1822 = arith.constant 4 : i32
      %add3A_1823 = arith.addi %add3A_1821, %add3A_1822 : i32
      %gt3A_1824 = arith.cmpf ogt, %mul3A_1819, %select_n3A_1782 : f32
      %select_n3A_1825 = arith.select %gt3A_1824, %mul3A_1819, %select_n3A_1782 : f32
      %select_n3A_1826 = arith.select %gt3A_1824, %add3A_1823, %select_n3A_1783 : i32
      %reduce_sum3A_1827 = arith.constant true
      %reduce_sum3A_1828 = vector.broadcast %reduce_sum3A_1827 : i1 to vector<16xi1>
      %reduce_sum3A_1829 = tpu.scan <sum>, %scan3A_1610#5 masked %reduce_sum3A_1828 : vector<16xf32>, vector<16xi1> -> vector<16xf32>
      %reduce_sum3A_1830 = vector.extract %reduce_sum3A_1829[15] : f32 from vector<16xf32>
      %reduce_sum3A_1831 = arith.constant true
      %reduce_sum3A_1832 = vector.broadcast %reduce_sum3A_1831 : i1 to vector<16xi1>
      %reduce_sum3A_1833 = tpu.scan <sum>, %scan3A_1610#21 masked %reduce_sum3A_1832 : vector<16xf32>, vector<16xi1> -> vector<16xf32>
      %reduce_sum3A_1834 = vector.extract %reduce_sum3A_1833[15] : f32 from vector<16xf32>
      %bitcast_convert_type3A_1835 = arith.bitcast %reduce_sum3A_1834 : f32 to i32
      %shift_right_logical3A_1836 = arith.constant 1 : i32
      %shift_right_logical3A_1837 = arith.shrui %bitcast_convert_type3A_1835, %shift_right_logical3A_1836 : i32
      %sub3A_1838 = arith.constant 1597463007 : i32
      %sub3A_1839 = arith.subi %sub3A_1838, %shift_right_logical3A_1837 : i32
      %bitcast_convert_type3A_1840 = arith.bitcast %sub3A_1839 : i32 to f32
      %mul3A_1841 = arith.constant 5.000000e-01 : f32
      %mul3A_1842 = arith.mulf %mul3A_1841, %reduce_sum3A_1834 : f32
      %mul3A_1843 = arith.mulf %mul3A_1842, %bitcast_convert_type3A_1840 : f32
      %mul3A_1844 = arith.mulf %mul3A_1843, %bitcast_convert_type3A_1840 : f32
      %sub3A_1845 = arith.constant 1.500000e+00 : f32
      %sub3A_1846 = arith.subf %sub3A_1845, %mul3A_1844 : f32
      %mul3A_1847 = arith.mulf %bitcast_convert_type3A_1840, %sub3A_1846 : f32
      %mul3A_1848 = arith.constant 5.000000e-01 : f32
      %mul3A_1849 = arith.mulf %mul3A_1848, %reduce_sum3A_1834 : f32
      %mul3A_1850 = arith.mulf %mul3A_1849, %mul3A_1847 : f32
      %mul3A_1851 = arith.mulf %mul3A_1850, %mul3A_1847 : f32
      %sub3A_1852 = arith.constant 1.500000e+00 : f32
      %sub3A_1853 = arith.subf %sub3A_1852, %mul3A_1851 : f32
      %mul3A_1854 = arith.mulf %mul3A_1847, %sub3A_1853 : f32
      %mul3A_1855 = arith.constant 5.000000e-01 : f32
      %mul3A_1856 = arith.mulf %mul3A_1855, %reduce_sum3A_1834 : f32
      %mul3A_1857 = arith.mulf %mul3A_1856, %mul3A_1854 : f32
      %mul3A_1858 = arith.mulf %mul3A_1857, %mul3A_1854 : f32
      %sub3A_1859 = arith.constant 1.500000e+00 : f32
      %sub3A_1860 = arith.subf %sub3A_1859, %mul3A_1858 : f32
      %mul3A_1861 = arith.mulf %mul3A_1854, %sub3A_1860 : f32
      %mul3A_1862 = arith.mulf %reduce_sum3A_1830, %mul3A_1861 : f32
      %add3A_1863 = arith.constant 0 : i32
      %add3A_1864 = arith.addi %add3A_1573, %add3A_1863 : i32
      %add3A_1865 = arith.constant 5 : i32
      %add3A_1866 = arith.addi %add3A_1864, %add3A_1865 : i32
      %gt3A_1867 = arith.cmpf ogt, %mul3A_1862, %select_n3A_1825 : f32
      %select_n3A_1868 = arith.select %gt3A_1867, %mul3A_1862, %select_n3A_1825 : f32
      %select_n3A_1869 = arith.select %gt3A_1867, %add3A_1866, %select_n3A_1826 : i32
      %reduce_sum3A_1870 = arith.constant true
      %reduce_sum3A_1871 = vector.broadcast %reduce_sum3A_1870 : i1 to vector<16xi1>
      %reduce_sum3A_1872 = tpu.scan <sum>, %scan3A_1610#6 masked %reduce_sum3A_1871 : vector<16xf32>, vector<16xi1> -> vector<16xf32>
      %reduce_sum3A_1873 = vector.extract %reduce_sum3A_1872[15] : f32 from vector<16xf32>
      %reduce_sum3A_1874 = arith.constant true
      %reduce_sum3A_1875 = vector.broadcast %reduce_sum3A_1874 : i1 to vector<16xi1>
      %reduce_sum3A_1876 = tpu.scan <sum>, %scan3A_1610#22 masked %reduce_sum3A_1875 : vector<16xf32>, vector<16xi1> -> vector<16xf32>
      %reduce_sum3A_1877 = vector.extract %reduce_sum3A_1876[15] : f32 from vector<16xf32>
      %bitcast_convert_type3A_1878 = arith.bitcast %reduce_sum3A_1877 : f32 to i32
      %shift_right_logical3A_1879 = arith.constant 1 : i32
      %shift_right_logical3A_1880 = arith.shrui %bitcast_convert_type3A_1878, %shift_right_logical3A_1879 : i32
      %sub3A_1881 = arith.constant 1597463007 : i32
      %sub3A_1882 = arith.subi %sub3A_1881, %shift_right_logical3A_1880 : i32
      %bitcast_convert_type3A_1883 = arith.bitcast %sub3A_1882 : i32 to f32
      %mul3A_1884 = arith.constant 5.000000e-01 : f32
      %mul3A_1885 = arith.mulf %mul3A_1884, %reduce_sum3A_1877 : f32
      %mul3A_1886 = arith.mulf %mul3A_1885, %bitcast_convert_type3A_1883 : f32
      %mul3A_1887 = arith.mulf %mul3A_1886, %bitcast_convert_type3A_1883 : f32
      %sub3A_1888 = arith.constant 1.500000e+00 : f32
      %sub3A_1889 = arith.subf %sub3A_1888, %mul3A_1887 : f32
      %mul3A_1890 = arith.mulf %bitcast_convert_type3A_1883, %sub3A_1889 : f32
      %mul3A_1891 = arith.constant 5.000000e-01 : f32
      %mul3A_1892 = arith.mulf %mul3A_1891, %reduce_sum3A_1877 : f32
      %mul3A_1893 = arith.mulf %mul3A_1892, %mul3A_1890 : f32
      %mul3A_1894 = arith.mulf %mul3A_1893, %mul3A_1890 : f32
      %sub3A_1895 = arith.constant 1.500000e+00 : f32
      %sub3A_1896 = arith.subf %sub3A_1895, %mul3A_1894 : f32
      %mul3A_1897 = arith.mulf %mul3A_1890, %sub3A_1896 : f32
      %mul3A_1898 = arith.constant 5.000000e-01 : f32
      %mul3A_1899 = arith.mulf %mul3A_1898, %reduce_sum3A_1877 : f32
      %mul3A_1900 = arith.mulf %mul3A_1899, %mul3A_1897 : f32
      %mul3A_1901 = arith.mulf %mul3A_1900, %mul3A_1897 : f32
      %sub3A_1902 = arith.constant 1.500000e+00 : f32
      %sub3A_1903 = arith.subf %sub3A_1902, %mul3A_1901 : f32
      %mul3A_1904 = arith.mulf %mul3A_1897, %sub3A_1903 : f32
      %mul3A_1905 = arith.mulf %reduce_sum3A_1873, %mul3A_1904 : f32
      %add3A_1906 = arith.constant 0 : i32
      %add3A_1907 = arith.addi %add3A_1573, %add3A_1906 : i32
      %add3A_1908 = arith.constant 6 : i32
      %add3A_1909 = arith.addi %add3A_1907, %add3A_1908 : i32
      %gt3A_1910 = arith.cmpf ogt, %mul3A_1905, %select_n3A_1868 : f32
      %select_n3A_1911 = arith.select %gt3A_1910, %mul3A_1905, %select_n3A_1868 : f32
      %select_n3A_1912 = arith.select %gt3A_1910, %add3A_1909, %select_n3A_1869 : i32
      %reduce_sum3A_1913 = arith.constant true
      %reduce_sum3A_1914 = vector.broadcast %reduce_sum3A_1913 : i1 to vector<16xi1>
      %reduce_sum3A_1915 = tpu.scan <sum>, %scan3A_1610#7 masked %reduce_sum3A_1914 : vector<16xf32>, vector<16xi1> -> vector<16xf32>
      %reduce_sum3A_1916 = vector.extract %reduce_sum3A_1915[15] : f32 from vector<16xf32>
      %reduce_sum3A_1917 = arith.constant true
      %reduce_sum3A_1918 = vector.broadcast %reduce_sum3A_1917 : i1 to vector<16xi1>
      %reduce_sum3A_1919 = tpu.scan <sum>, %scan3A_1610#23 masked %reduce_sum3A_1918 : vector<16xf32>, vector<16xi1> -> vector<16xf32>
      %reduce_sum3A_1920 = vector.extract %reduce_sum3A_1919[15] : f32 from vector<16xf32>
      %bitcast_convert_type3A_1921 = arith.bitcast %reduce_sum3A_1920 : f32 to i32
      %shift_right_logical3A_1922 = arith.constant 1 : i32
      %shift_right_logical3A_1923 = arith.shrui %bitcast_convert_type3A_1921, %shift_right_logical3A_1922 : i32
      %sub3A_1924 = arith.constant 1597463007 : i32
      %sub3A_1925 = arith.subi %sub3A_1924, %shift_right_logical3A_1923 : i32
      %bitcast_convert_type3A_1926 = arith.bitcast %sub3A_1925 : i32 to f32
      %mul3A_1927 = arith.constant 5.000000e-01 : f32
      %mul3A_1928 = arith.mulf %mul3A_1927, %reduce_sum3A_1920 : f32
      %mul3A_1929 = arith.mulf %mul3A_1928, %bitcast_convert_type3A_1926 : f32
      %mul3A_1930 = arith.mulf %mul3A_1929, %bitcast_convert_type3A_1926 : f32
      %sub3A_1931 = arith.constant 1.500000e+00 : f32
      %sub3A_1932 = arith.subf %sub3A_1931, %mul3A_1930 : f32
      %mul3A_1933 = arith.mulf %bitcast_convert_type3A_1926, %sub3A_1932 : f32
      %mul3A_1934 = arith.constant 5.000000e-01 : f32
      %mul3A_1935 = arith.mulf %mul3A_1934, %reduce_sum3A_1920 : f32
      %mul3A_1936 = arith.mulf %mul3A_1935, %mul3A_1933 : f32
      %mul3A_1937 = arith.mulf %mul3A_1936, %mul3A_1933 : f32
      %sub3A_1938 = arith.constant 1.500000e+00 : f32
      %sub3A_1939 = arith.subf %sub3A_1938, %mul3A_1937 : f32
      %mul3A_1940 = arith.mulf %mul3A_1933, %sub3A_1939 : f32
      %mul3A_1941 = arith.constant 5.000000e-01 : f32
      %mul3A_1942 = arith.mulf %mul3A_1941, %reduce_sum3A_1920 : f32
      %mul3A_1943 = arith.mulf %mul3A_1942, %mul3A_1940 : f32
      %mul3A_1944 = arith.mulf %mul3A_1943, %mul3A_1940 : f32
      %sub3A_1945 = arith.constant 1.500000e+00 : f32
      %sub3A_1946 = arith.subf %sub3A_1945, %mul3A_1944 : f32
      %mul3A_1947 = arith.mulf %mul3A_1940, %sub3A_1946 : f32
      %mul3A_1948 = arith.mulf %reduce_sum3A_1916, %mul3A_1947 : f32
      %add3A_1949 = arith.constant 0 : i32
      %add3A_1950 = arith.addi %add3A_1573, %add3A_1949 : i32
      %add3A_1951 = arith.constant 7 : i32
      %add3A_1952 = arith.addi %add3A_1950, %add3A_1951 : i32
      %gt3A_1953 = arith.cmpf ogt, %mul3A_1948, %select_n3A_1911 : f32
      %select_n3A_1954 = arith.select %gt3A_1953, %mul3A_1948, %select_n3A_1911 : f32
      %select_n3A_1955 = arith.select %gt3A_1953, %add3A_1952, %select_n3A_1912 : i32
      %reduce_sum3A_1956 = arith.constant true
      %reduce_sum3A_1957 = vector.broadcast %reduce_sum3A_1956 : i1 to vector<16xi1>
      %reduce_sum3A_1958 = tpu.scan <sum>, %scan3A_1610#8 masked %reduce_sum3A_1957 : vector<16xf32>, vector<16xi1> -> vector<16xf32>
      %reduce_sum3A_1959 = vector.extract %reduce_sum3A_1958[15] : f32 from vector<16xf32>
      %reduce_sum3A_1960 = arith.constant true
      %reduce_sum3A_1961 = vector.broadcast %reduce_sum3A_1960 : i1 to vector<16xi1>
      %reduce_sum3A_1962 = tpu.scan <sum>, %scan3A_1610#24 masked %reduce_sum3A_1961 : vector<16xf32>, vector<16xi1> -> vector<16xf32>
      %reduce_sum3A_1963 = vector.extract %reduce_sum3A_1962[15] : f32 from vector<16xf32>
      %bitcast_convert_type3A_1964 = arith.bitcast %reduce_sum3A_1963 : f32 to i32
      %shift_right_logical3A_1965 = arith.constant 1 : i32
      %shift_right_logical3A_1966 = arith.shrui %bitcast_convert_type3A_1964, %shift_right_logical3A_1965 : i32
      %sub3A_1967 = arith.constant 1597463007 : i32
      %sub3A_1968 = arith.subi %sub3A_1967, %shift_right_logical3A_1966 : i32
      %bitcast_convert_type3A_1969 = arith.bitcast %sub3A_1968 : i32 to f32
      %mul3A_1970 = arith.constant 5.000000e-01 : f32
      %mul3A_1971 = arith.mulf %mul3A_1970, %reduce_sum3A_1963 : f32
      %mul3A_1972 = arith.mulf %mul3A_1971, %bitcast_convert_type3A_1969 : f32
      %mul3A_1973 = arith.mulf %mul3A_1972, %bitcast_convert_type3A_1969 : f32
      %sub3A_1974 = arith.constant 1.500000e+00 : f32
      %sub3A_1975 = arith.subf %sub3A_1974, %mul3A_1973 : f32
      %mul3A_1976 = arith.mulf %bitcast_convert_type3A_1969, %sub3A_1975 : f32
      %mul3A_1977 = arith.constant 5.000000e-01 : f32
      %mul3A_1978 = arith.mulf %mul3A_1977, %reduce_sum3A_1963 : f32
      %mul3A_1979 = arith.mulf %mul3A_1978, %mul3A_1976 : f32
      %mul3A_1980 = arith.mulf %mul3A_1979, %mul3A_1976 : f32
      %sub3A_1981 = arith.constant 1.500000e+00 : f32
      %sub3A_1982 = arith.subf %sub3A_1981, %mul3A_1980 : f32
      %mul3A_1983 = arith.mulf %mul3A_1976, %sub3A_1982 : f32
      %mul3A_1984 = arith.constant 5.000000e-01 : f32
      %mul3A_1985 = arith.mulf %mul3A_1984, %reduce_sum3A_1963 : f32
      %mul3A_1986 = arith.mulf %mul3A_1985, %mul3A_1983 : f32
      %mul3A_1987 = arith.mulf %mul3A_1986, %mul3A_1983 : f32
      %sub3A_1988 = arith.constant 1.500000e+00 : f32
      %sub3A_1989 = arith.subf %sub3A_1988, %mul3A_1987 : f32
      %mul3A_1990 = arith.mulf %mul3A_1983, %sub3A_1989 : f32
      %mul3A_1991 = arith.mulf %reduce_sum3A_1959, %mul3A_1990 : f32
      %add3A_1992 = arith.constant 0 : i32
      %add3A_1993 = arith.addi %add3A_1573, %add3A_1992 : i32
      %add3A_1994 = arith.constant 8 : i32
      %add3A_1995 = arith.addi %add3A_1993, %add3A_1994 : i32
      %gt3A_1996 = arith.cmpf ogt, %mul3A_1991, %select_n3A_1954 : f32
      %select_n3A_1997 = arith.select %gt3A_1996, %mul3A_1991, %select_n3A_1954 : f32
      %select_n3A_1998 = arith.select %gt3A_1996, %add3A_1995, %select_n3A_1955 : i32
      %reduce_sum3A_1999 = arith.constant true
      %reduce_sum3A_2000 = vector.broadcast %reduce_sum3A_1999 : i1 to vector<16xi1>
      %reduce_sum3A_2001 = tpu.scan <sum>, %scan3A_1610#9 masked %reduce_sum3A_2000 : vector<16xf32>, vector<16xi1> -> vector<16xf32>
      %reduce_sum3A_2002 = vector.extract %reduce_sum3A_2001[15] : f32 from vector<16xf32>
      %reduce_sum3A_2003 = arith.constant true
      %reduce_sum3A_2004 = vector.broadcast %reduce_sum3A_2003 : i1 to vector<16xi1>
      %reduce_sum3A_2005 = tpu.scan <sum>, %scan3A_1610#25 masked %reduce_sum3A_2004 : vector<16xf32>, vector<16xi1> -> vector<16xf32>
      %reduce_sum3A_2006 = vector.extract %reduce_sum3A_2005[15] : f32 from vector<16xf32>
      %bitcast_convert_type3A_2007 = arith.bitcast %reduce_sum3A_2006 : f32 to i32
      %shift_right_logical3A_2008 = arith.constant 1 : i32
      %shift_right_logical3A_2009 = arith.shrui %bitcast_convert_type3A_2007, %shift_right_logical3A_2008 : i32
      %sub3A_2010 = arith.constant 1597463007 : i32
      %sub3A_2011 = arith.subi %sub3A_2010, %shift_right_logical3A_2009 : i32
      %bitcast_convert_type3A_2012 = arith.bitcast %sub3A_2011 : i32 to f32
      %mul3A_2013 = arith.constant 5.000000e-01 : f32
      %mul3A_2014 = arith.mulf %mul3A_2013, %reduce_sum3A_2006 : f32
      %mul3A_2015 = arith.mulf %mul3A_2014, %bitcast_convert_type3A_2012 : f32
      %mul3A_2016 = arith.mulf %mul3A_2015, %bitcast_convert_type3A_2012 : f32
      %sub3A_2017 = arith.constant 1.500000e+00 : f32
      %sub3A_2018 = arith.subf %sub3A_2017, %mul3A_2016 : f32
      %mul3A_2019 = arith.mulf %bitcast_convert_type3A_2012, %sub3A_2018 : f32
      %mul3A_2020 = arith.constant 5.000000e-01 : f32
      %mul3A_2021 = arith.mulf %mul3A_2020, %reduce_sum3A_2006 : f32
      %mul3A_2022 = arith.mulf %mul3A_2021, %mul3A_2019 : f32
      %mul3A_2023 = arith.mulf %mul3A_2022, %mul3A_2019 : f32
      %sub3A_2024 = arith.constant 1.500000e+00 : f32
      %sub3A_2025 = arith.subf %sub3A_2024, %mul3A_2023 : f32
      %mul3A_2026 = arith.mulf %mul3A_2019, %sub3A_2025 : f32
      %mul3A_2027 = arith.constant 5.000000e-01 : f32
      %mul3A_2028 = arith.mulf %mul3A_2027, %reduce_sum3A_2006 : f32
      %mul3A_2029 = arith.mulf %mul3A_2028, %mul3A_2026 : f32
      %mul3A_2030 = arith.mulf %mul3A_2029, %mul3A_2026 : f32
      %sub3A_2031 = arith.constant 1.500000e+00 : f32
      %sub3A_2032 = arith.subf %sub3A_2031, %mul3A_2030 : f32
      %mul3A_2033 = arith.mulf %mul3A_2026, %sub3A_2032 : f32
      %mul3A_2034 = arith.mulf %reduce_sum3A_2002, %mul3A_2033 : f32
      %add3A_2035 = arith.constant 0 : i32
      %add3A_2036 = arith.addi %add3A_1573, %add3A_2035 : i32
      %add3A_2037 = arith.constant 9 : i32
      %add3A_2038 = arith.addi %add3A_2036, %add3A_2037 : i32
      %gt3A_2039 = arith.cmpf ogt, %mul3A_2034, %select_n3A_1997 : f32
      %select_n3A_2040 = arith.select %gt3A_2039, %mul3A_2034, %select_n3A_1997 : f32
      %select_n3A_2041 = arith.select %gt3A_2039, %add3A_2038, %select_n3A_1998 : i32
      %reduce_sum3A_2042 = arith.constant true
      %reduce_sum3A_2043 = vector.broadcast %reduce_sum3A_2042 : i1 to vector<16xi1>
      %reduce_sum3A_2044 = tpu.scan <sum>, %scan3A_1610#10 masked %reduce_sum3A_2043 : vector<16xf32>, vector<16xi1> -> vector<16xf32>
      %reduce_sum3A_2045 = vector.extract %reduce_sum3A_2044[15] : f32 from vector<16xf32>
      %reduce_sum3A_2046 = arith.constant true
      %reduce_sum3A_2047 = vector.broadcast %reduce_sum3A_2046 : i1 to vector<16xi1>
      %reduce_sum3A_2048 = tpu.scan <sum>, %scan3A_1610#26 masked %reduce_sum3A_2047 : vector<16xf32>, vector<16xi1> -> vector<16xf32>
      %reduce_sum3A_2049 = vector.extract %reduce_sum3A_2048[15] : f32 from vector<16xf32>
      %bitcast_convert_type3A_2050 = arith.bitcast %reduce_sum3A_2049 : f32 to i32
      %shift_right_logical3A_2051 = arith.constant 1 : i32
      %shift_right_logical3A_2052 = arith.shrui %bitcast_convert_type3A_2050, %shift_right_logical3A_2051 : i32
      %sub3A_2053 = arith.constant 1597463007 : i32
      %sub3A_2054 = arith.subi %sub3A_2053, %shift_right_logical3A_2052 : i32
      %bitcast_convert_type3A_2055 = arith.bitcast %sub3A_2054 : i32 to f32
      %mul3A_2056 = arith.constant 5.000000e-01 : f32
      %mul3A_2057 = arith.mulf %mul3A_2056, %reduce_sum3A_2049 : f32
      %mul3A_2058 = arith.mulf %mul3A_2057, %bitcast_convert_type3A_2055 : f32
      %mul3A_2059 = arith.mulf %mul3A_2058, %bitcast_convert_type3A_2055 : f32
      %sub3A_2060 = arith.constant 1.500000e+00 : f32
      %sub3A_2061 = arith.subf %sub3A_2060, %mul3A_2059 : f32
      %mul3A_2062 = arith.mulf %bitcast_convert_type3A_2055, %sub3A_2061 : f32
      %mul3A_2063 = arith.constant 5.000000e-01 : f32
      %mul3A_2064 = arith.mulf %mul3A_2063, %reduce_sum3A_2049 : f32
      %mul3A_2065 = arith.mulf %mul3A_2064, %mul3A_2062 : f32
      %mul3A_2066 = arith.mulf %mul3A_2065, %mul3A_2062 : f32
      %sub3A_2067 = arith.constant 1.500000e+00 : f32
      %sub3A_2068 = arith.subf %sub3A_2067, %mul3A_2066 : f32
      %mul3A_2069 = arith.mulf %mul3A_2062, %sub3A_2068 : f32
      %mul3A_2070 = arith.constant 5.000000e-01 : f32
      %mul3A_2071 = arith.mulf %mul3A_2070, %reduce_sum3A_2049 : f32
      %mul3A_2072 = arith.mulf %mul3A_2071, %mul3A_2069 : f32
      %mul3A_2073 = arith.mulf %mul3A_2072, %mul3A_2069 : f32
      %sub3A_2074 = arith.constant 1.500000e+00 : f32
      %sub3A_2075 = arith.subf %sub3A_2074, %mul3A_2073 : f32
      %mul3A_2076 = arith.mulf %mul3A_2069, %sub3A_2075 : f32
      %mul3A_2077 = arith.mulf %reduce_sum3A_2045, %mul3A_2076 : f32
      %add3A_2078 = arith.constant 0 : i32
      %add3A_2079 = arith.addi %add3A_1573, %add3A_2078 : i32
      %add3A_2080 = arith.constant 10 : i32
      %add3A_2081 = arith.addi %add3A_2079, %add3A_2080 : i32
      %gt3A_2082 = arith.cmpf ogt, %mul3A_2077, %select_n3A_2040 : f32
      %select_n3A_2083 = arith.select %gt3A_2082, %mul3A_2077, %select_n3A_2040 : f32
      %select_n3A_2084 = arith.select %gt3A_2082, %add3A_2081, %select_n3A_2041 : i32
      %reduce_sum3A_2085 = arith.constant true
      %reduce_sum3A_2086 = vector.broadcast %reduce_sum3A_2085 : i1 to vector<16xi1>
      %reduce_sum3A_2087 = tpu.scan <sum>, %scan3A_1610#11 masked %reduce_sum3A_2086 : vector<16xf32>, vector<16xi1> -> vector<16xf32>
      %reduce_sum3A_2088 = vector.extract %reduce_sum3A_2087[15] : f32 from vector<16xf32>
      %reduce_sum3A_2089 = arith.constant true
      %reduce_sum3A_2090 = vector.broadcast %reduce_sum3A_2089 : i1 to vector<16xi1>
      %reduce_sum3A_2091 = tpu.scan <sum>, %scan3A_1610#27 masked %reduce_sum3A_2090 : vector<16xf32>, vector<16xi1> -> vector<16xf32>
      %reduce_sum3A_2092 = vector.extract %reduce_sum3A_2091[15] : f32 from vector<16xf32>
      %bitcast_convert_type3A_2093 = arith.bitcast %reduce_sum3A_2092 : f32 to i32
      %shift_right_logical3A_2094 = arith.constant 1 : i32
      %shift_right_logical3A_2095 = arith.shrui %bitcast_convert_type3A_2093, %shift_right_logical3A_2094 : i32
      %sub3A_2096 = arith.constant 1597463007 : i32
      %sub3A_2097 = arith.subi %sub3A_2096, %shift_right_logical3A_2095 : i32
      %bitcast_convert_type3A_2098 = arith.bitcast %sub3A_2097 : i32 to f32
      %mul3A_2099 = arith.constant 5.000000e-01 : f32
      %mul3A_2100 = arith.mulf %mul3A_2099, %reduce_sum3A_2092 : f32
      %mul3A_2101 = arith.mulf %mul3A_2100, %bitcast_convert_type3A_2098 : f32
      %mul3A_2102 = arith.mulf %mul3A_2101, %bitcast_convert_type3A_2098 : f32
      %sub3A_2103 = arith.constant 1.500000e+00 : f32
      %sub3A_2104 = arith.subf %sub3A_2103, %mul3A_2102 : f32
      %mul3A_2105 = arith.mulf %bitcast_convert_type3A_2098, %sub3A_2104 : f32
      %mul3A_2106 = arith.constant 5.000000e-01 : f32
      %mul3A_2107 = arith.mulf %mul3A_2106, %reduce_sum3A_2092 : f32
      %mul3A_2108 = arith.mulf %mul3A_2107, %mul3A_2105 : f32
      %mul3A_2109 = arith.mulf %mul3A_2108, %mul3A_2105 : f32
      %sub3A_2110 = arith.constant 1.500000e+00 : f32
      %sub3A_2111 = arith.subf %sub3A_2110, %mul3A_2109 : f32
      %mul3A_2112 = arith.mulf %mul3A_2105, %sub3A_2111 : f32
      %mul3A_2113 = arith.constant 5.000000e-01 : f32
      %mul3A_2114 = arith.mulf %mul3A_2113, %reduce_sum3A_2092 : f32
      %mul3A_2115 = arith.mulf %mul3A_2114, %mul3A_2112 : f32
      %mul3A_2116 = arith.mulf %mul3A_2115, %mul3A_2112 : f32
      %sub3A_2117 = arith.constant 1.500000e+00 : f32
      %sub3A_2118 = arith.subf %sub3A_2117, %mul3A_2116 : f32
      %mul3A_2119 = arith.mulf %mul3A_2112, %sub3A_2118 : f32
      %mul3A_2120 = arith.mulf %reduce_sum3A_2088, %mul3A_2119 : f32
      %add3A_2121 = arith.constant 0 : i32
      %add3A_2122 = arith.addi %add3A_1573, %add3A_2121 : i32
      %add3A_2123 = arith.constant 11 : i32
      %add3A_2124 = arith.addi %add3A_2122, %add3A_2123 : i32
      %gt3A_2125 = arith.cmpf ogt, %mul3A_2120, %select_n3A_2083 : f32
      %select_n3A_2126 = arith.select %gt3A_2125, %mul3A_2120, %select_n3A_2083 : f32
      %select_n3A_2127 = arith.select %gt3A_2125, %add3A_2124, %select_n3A_2084 : i32
      %reduce_sum3A_2128 = arith.constant true
      %reduce_sum3A_2129 = vector.broadcast %reduce_sum3A_2128 : i1 to vector<16xi1>
      %reduce_sum3A_2130 = tpu.scan <sum>, %scan3A_1610#12 masked %reduce_sum3A_2129 : vector<16xf32>, vector<16xi1> -> vector<16xf32>
      %reduce_sum3A_2131 = vector.extract %reduce_sum3A_2130[15] : f32 from vector<16xf32>
      %reduce_sum3A_2132 = arith.constant true
      %reduce_sum3A_2133 = vector.broadcast %reduce_sum3A_2132 : i1 to vector<16xi1>
      %reduce_sum3A_2134 = tpu.scan <sum>, %scan3A_1610#28 masked %reduce_sum3A_2133 : vector<16xf32>, vector<16xi1> -> vector<16xf32>
      %reduce_sum3A_2135 = vector.extract %reduce_sum3A_2134[15] : f32 from vector<16xf32>
      %bitcast_convert_type3A_2136 = arith.bitcast %reduce_sum3A_2135 : f32 to i32
      %shift_right_logical3A_2137 = arith.constant 1 : i32
      %shift_right_logical3A_2138 = arith.shrui %bitcast_convert_type3A_2136, %shift_right_logical3A_2137 : i32
      %sub3A_2139 = arith.constant 1597463007 : i32
      %sub3A_2140 = arith.subi %sub3A_2139, %shift_right_logical3A_2138 : i32
      %bitcast_convert_type3A_2141 = arith.bitcast %sub3A_2140 : i32 to f32
      %mul3A_2142 = arith.constant 5.000000e-01 : f32
      %mul3A_2143 = arith.mulf %mul3A_2142, %reduce_sum3A_2135 : f32
      %mul3A_2144 = arith.mulf %mul3A_2143, %bitcast_convert_type3A_2141 : f32
      %mul3A_2145 = arith.mulf %mul3A_2144, %bitcast_convert_type3A_2141 : f32
      %sub3A_2146 = arith.constant 1.500000e+00 : f32
      %sub3A_2147 = arith.subf %sub3A_2146, %mul3A_2145 : f32
      %mul3A_2148 = arith.mulf %bitcast_convert_type3A_2141, %sub3A_2147 : f32
      %mul3A_2149 = arith.constant 5.000000e-01 : f32
      %mul3A_2150 = arith.mulf %mul3A_2149, %reduce_sum3A_2135 : f32
      %mul3A_2151 = arith.mulf %mul3A_2150, %mul3A_2148 : f32
      %mul3A_2152 = arith.mulf %mul3A_2151, %mul3A_2148 : f32
      %sub3A_2153 = arith.constant 1.500000e+00 : f32
      %sub3A_2154 = arith.subf %sub3A_2153, %mul3A_2152 : f32
      %mul3A_2155 = arith.mulf %mul3A_2148, %sub3A_2154 : f32
      %mul3A_2156 = arith.constant 5.000000e-01 : f32
      %mul3A_2157 = arith.mulf %mul3A_2156, %reduce_sum3A_2135 : f32
      %mul3A_2158 = arith.mulf %mul3A_2157, %mul3A_2155 : f32
      %mul3A_2159 = arith.mulf %mul3A_2158, %mul3A_2155 : f32
      %sub3A_2160 = arith.constant 1.500000e+00 : f32
      %sub3A_2161 = arith.subf %sub3A_2160, %mul3A_2159 : f32
      %mul3A_2162 = arith.mulf %mul3A_2155, %sub3A_2161 : f32
      %mul3A_2163 = arith.mulf %reduce_sum3A_2131, %mul3A_2162 : f32
      %add3A_2164 = arith.constant 0 : i32
      %add3A_2165 = arith.addi %add3A_1573, %add3A_2164 : i32
      %add3A_2166 = arith.constant 12 : i32
      %add3A_2167 = arith.addi %add3A_2165, %add3A_2166 : i32
      %gt3A_2168 = arith.cmpf ogt, %mul3A_2163, %select_n3A_2126 : f32
      %select_n3A_2169 = arith.select %gt3A_2168, %mul3A_2163, %select_n3A_2126 : f32
      %select_n3A_2170 = arith.select %gt3A_2168, %add3A_2167, %select_n3A_2127 : i32
      %reduce_sum3A_2171 = arith.constant true
      %reduce_sum3A_2172 = vector.broadcast %reduce_sum3A_2171 : i1 to vector<16xi1>
      %reduce_sum3A_2173 = tpu.scan <sum>, %scan3A_1610#13 masked %reduce_sum3A_2172 : vector<16xf32>, vector<16xi1> -> vector<16xf32>
      %reduce_sum3A_2174 = vector.extract %reduce_sum3A_2173[15] : f32 from vector<16xf32>
      %reduce_sum3A_2175 = arith.constant true
      %reduce_sum3A_2176 = vector.broadcast %reduce_sum3A_2175 : i1 to vector<16xi1>
      %reduce_sum3A_2177 = tpu.scan <sum>, %scan3A_1610#29 masked %reduce_sum3A_2176 : vector<16xf32>, vector<16xi1> -> vector<16xf32>
      %reduce_sum3A_2178 = vector.extract %reduce_sum3A_2177[15] : f32 from vector<16xf32>
      %bitcast_convert_type3A_2179 = arith.bitcast %reduce_sum3A_2178 : f32 to i32
      %shift_right_logical3A_2180 = arith.constant 1 : i32
      %shift_right_logical3A_2181 = arith.shrui %bitcast_convert_type3A_2179, %shift_right_logical3A_2180 : i32
      %sub3A_2182 = arith.constant 1597463007 : i32
      %sub3A_2183 = arith.subi %sub3A_2182, %shift_right_logical3A_2181 : i32
      %bitcast_convert_type3A_2184 = arith.bitcast %sub3A_2183 : i32 to f32
      %mul3A_2185 = arith.constant 5.000000e-01 : f32
      %mul3A_2186 = arith.mulf %mul3A_2185, %reduce_sum3A_2178 : f32
      %mul3A_2187 = arith.mulf %mul3A_2186, %bitcast_convert_type3A_2184 : f32
      %mul3A_2188 = arith.mulf %mul3A_2187, %bitcast_convert_type3A_2184 : f32
      %sub3A_2189 = arith.constant 1.500000e+00 : f32
      %sub3A_2190 = arith.subf %sub3A_2189, %mul3A_2188 : f32
      %mul3A_2191 = arith.mulf %bitcast_convert_type3A_2184, %sub3A_2190 : f32
      %mul3A_2192 = arith.constant 5.000000e-01 : f32
      %mul3A_2193 = arith.mulf %mul3A_2192, %reduce_sum3A_2178 : f32
      %mul3A_2194 = arith.mulf %mul3A_2193, %mul3A_2191 : f32
      %mul3A_2195 = arith.mulf %mul3A_2194, %mul3A_2191 : f32
      %sub3A_2196 = arith.constant 1.500000e+00 : f32
      %sub3A_2197 = arith.subf %sub3A_2196, %mul3A_2195 : f32
      %mul3A_2198 = arith.mulf %mul3A_2191, %sub3A_2197 : f32
      %mul3A_2199 = arith.constant 5.000000e-01 : f32
      %mul3A_2200 = arith.mulf %mul3A_2199, %reduce_sum3A_2178 : f32
      %mul3A_2201 = arith.mulf %mul3A_2200, %mul3A_2198 : f32
      %mul3A_2202 = arith.mulf %mul3A_2201, %mul3A_2198 : f32
      %sub3A_2203 = arith.constant 1.500000e+00 : f32
      %sub3A_2204 = arith.subf %sub3A_2203, %mul3A_2202 : f32
      %mul3A_2205 = arith.mulf %mul3A_2198, %sub3A_2204 : f32
      %mul3A_2206 = arith.mulf %reduce_sum3A_2174, %mul3A_2205 : f32
      %add3A_2207 = arith.constant 0 : i32
      %add3A_2208 = arith.addi %add3A_1573, %add3A_2207 : i32
      %add3A_2209 = arith.constant 13 : i32
      %add3A_2210 = arith.addi %add3A_2208, %add3A_2209 : i32
      %gt3A_2211 = arith.cmpf ogt, %mul3A_2206, %select_n3A_2169 : f32
      %select_n3A_2212 = arith.select %gt3A_2211, %mul3A_2206, %select_n3A_2169 : f32
      %select_n3A_2213 = arith.select %gt3A_2211, %add3A_2210, %select_n3A_2170 : i32
      %reduce_sum3A_2214 = arith.constant true
      %reduce_sum3A_2215 = vector.broadcast %reduce_sum3A_2214 : i1 to vector<16xi1>
      %reduce_sum3A_2216 = tpu.scan <sum>, %scan3A_1610#14 masked %reduce_sum3A_2215 : vector<16xf32>, vector<16xi1> -> vector<16xf32>
      %reduce_sum3A_2217 = vector.extract %reduce_sum3A_2216[15] : f32 from vector<16xf32>
      %reduce_sum3A_2218 = arith.constant true
      %reduce_sum3A_2219 = vector.broadcast %reduce_sum3A_2218 : i1 to vector<16xi1>
      %reduce_sum3A_2220 = tpu.scan <sum>, %scan3A_1610#30 masked %reduce_sum3A_2219 : vector<16xf32>, vector<16xi1> -> vector<16xf32>
      %reduce_sum3A_2221 = vector.extract %reduce_sum3A_2220[15] : f32 from vector<16xf32>
      %bitcast_convert_type3A_2222 = arith.bitcast %reduce_sum3A_2221 : f32 to i32
      %shift_right_logical3A_2223 = arith.constant 1 : i32
      %shift_right_logical3A_2224 = arith.shrui %bitcast_convert_type3A_2222, %shift_right_logical3A_2223 : i32
      %sub3A_2225 = arith.constant 1597463007 : i32
      %sub3A_2226 = arith.subi %sub3A_2225, %shift_right_logical3A_2224 : i32
      %bitcast_convert_type3A_2227 = arith.bitcast %sub3A_2226 : i32 to f32
      %mul3A_2228 = arith.constant 5.000000e-01 : f32
      %mul3A_2229 = arith.mulf %mul3A_2228, %reduce_sum3A_2221 : f32
      %mul3A_2230 = arith.mulf %mul3A_2229, %bitcast_convert_type3A_2227 : f32
      %mul3A_2231 = arith.mulf %mul3A_2230, %bitcast_convert_type3A_2227 : f32
      %sub3A_2232 = arith.constant 1.500000e+00 : f32
      %sub3A_2233 = arith.subf %sub3A_2232, %mul3A_2231 : f32
      %mul3A_2234 = arith.mulf %bitcast_convert_type3A_2227, %sub3A_2233 : f32
      %mul3A_2235 = arith.constant 5.000000e-01 : f32
      %mul3A_2236 = arith.mulf %mul3A_2235, %reduce_sum3A_2221 : f32
      %mul3A_2237 = arith.mulf %mul3A_2236, %mul3A_2234 : f32
      %mul3A_2238 = arith.mulf %mul3A_2237, %mul3A_2234 : f32
      %sub3A_2239 = arith.constant 1.500000e+00 : f32
      %sub3A_2240 = arith.subf %sub3A_2239, %mul3A_2238 : f32
      %mul3A_2241 = arith.mulf %mul3A_2234, %sub3A_2240 : f32
      %mul3A_2242 = arith.constant 5.000000e-01 : f32
      %mul3A_2243 = arith.mulf %mul3A_2242, %reduce_sum3A_2221 : f32
      %mul3A_2244 = arith.mulf %mul3A_2243, %mul3A_2241 : f32
      %mul3A_2245 = arith.mulf %mul3A_2244, %mul3A_2241 : f32
      %sub3A_2246 = arith.constant 1.500000e+00 : f32
      %sub3A_2247 = arith.subf %sub3A_2246, %mul3A_2245 : f32
      %mul3A_2248 = arith.mulf %mul3A_2241, %sub3A_2247 : f32
      %mul3A_2249 = arith.mulf %reduce_sum3A_2217, %mul3A_2248 : f32
      %add3A_2250 = arith.constant 0 : i32
      %add3A_2251 = arith.addi %add3A_1573, %add3A_2250 : i32
      %add3A_2252 = arith.constant 14 : i32
      %add3A_2253 = arith.addi %add3A_2251, %add3A_2252 : i32
      %gt3A_2254 = arith.cmpf ogt, %mul3A_2249, %select_n3A_2212 : f32
      %select_n3A_2255 = arith.select %gt3A_2254, %mul3A_2249, %select_n3A_2212 : f32
      %select_n3A_2256 = arith.select %gt3A_2254, %add3A_2253, %select_n3A_2213 : i32
      %reduce_sum3A_2257 = arith.constant true
      %reduce_sum3A_2258 = vector.broadcast %reduce_sum3A_2257 : i1 to vector<16xi1>
      %reduce_sum3A_2259 = tpu.scan <sum>, %scan3A_1610#15 masked %reduce_sum3A_2258 : vector<16xf32>, vector<16xi1> -> vector<16xf32>
      %reduce_sum3A_2260 = vector.extract %reduce_sum3A_2259[15] : f32 from vector<16xf32>
      %reduce_sum3A_2261 = arith.constant true
      %reduce_sum3A_2262 = vector.broadcast %reduce_sum3A_2261 : i1 to vector<16xi1>
      %reduce_sum3A_2263 = tpu.scan <sum>, %scan3A_1610#31 masked %reduce_sum3A_2262 : vector<16xf32>, vector<16xi1> -> vector<16xf32>
      %reduce_sum3A_2264 = vector.extract %reduce_sum3A_2263[15] : f32 from vector<16xf32>
      %bitcast_convert_type3A_2265 = arith.bitcast %reduce_sum3A_2264 : f32 to i32
      %shift_right_logical3A_2266 = arith.constant 1 : i32
      %shift_right_logical3A_2267 = arith.shrui %bitcast_convert_type3A_2265, %shift_right_logical3A_2266 : i32
      %sub3A_2268 = arith.constant 1597463007 : i32
      %sub3A_2269 = arith.subi %sub3A_2268, %shift_right_logical3A_2267 : i32
      %bitcast_convert_type3A_2270 = arith.bitcast %sub3A_2269 : i32 to f32
      %mul3A_2271 = arith.constant 5.000000e-01 : f32
      %mul3A_2272 = arith.mulf %mul3A_2271, %reduce_sum3A_2264 : f32
      %mul3A_2273 = arith.mulf %mul3A_2272, %bitcast_convert_type3A_2270 : f32
      %mul3A_2274 = arith.mulf %mul3A_2273, %bitcast_convert_type3A_2270 : f32
      %sub3A_2275 = arith.constant 1.500000e+00 : f32
      %sub3A_2276 = arith.subf %sub3A_2275, %mul3A_2274 : f32
      %mul3A_2277 = arith.mulf %bitcast_convert_type3A_2270, %sub3A_2276 : f32
      %mul3A_2278 = arith.constant 5.000000e-01 : f32
      %mul3A_2279 = arith.mulf %mul3A_2278, %reduce_sum3A_2264 : f32
      %mul3A_2280 = arith.mulf %mul3A_2279, %mul3A_2277 : f32
      %mul3A_2281 = arith.mulf %mul3A_2280, %mul3A_2277 : f32
      %sub3A_2282 = arith.constant 1.500000e+00 : f32
      %sub3A_2283 = arith.subf %sub3A_2282, %mul3A_2281 : f32
      %mul3A_2284 = arith.mulf %mul3A_2277, %sub3A_2283 : f32
      %mul3A_2285 = arith.constant 5.000000e-01 : f32
      %mul3A_2286 = arith.mulf %mul3A_2285, %reduce_sum3A_2264 : f32
      %mul3A_2287 = arith.mulf %mul3A_2286, %mul3A_2284 : f32
      %mul3A_2288 = arith.mulf %mul3A_2287, %mul3A_2284 : f32
      %sub3A_2289 = arith.constant 1.500000e+00 : f32
      %sub3A_2290 = arith.subf %sub3A_2289, %mul3A_2288 : f32
      %mul3A_2291 = arith.mulf %mul3A_2284, %sub3A_2290 : f32
      %mul3A_2292 = arith.mulf %reduce_sum3A_2260, %mul3A_2291 : f32
      %add3A_2293 = arith.constant 0 : i32
      %add3A_2294 = arith.addi %add3A_1573, %add3A_2293 : i32
      %add3A_2295 = arith.constant 15 : i32
      %add3A_2296 = arith.addi %add3A_2294, %add3A_2295 : i32
      %gt3A_2297 = arith.cmpf ogt, %mul3A_2292, %select_n3A_2255 : f32
      %select_n3A_2298 = arith.select %gt3A_2297, %mul3A_2292, %select_n3A_2255 : f32
      %select_n3A_2299 = arith.select %gt3A_2297, %add3A_2296, %select_n3A_2256 : i32
      %mul3A_2300 = arith.constant 16 : i32
      %mul3A_2301 = arith.muli %add3A_1563, %mul3A_2300 : i32
      %add3A_2302 = arith.addi %mul3A_2, %mul3A_2301 : i32
      %dma_start3A_2303 = arith.constant 0 : i32
      %dma_start3A_2304 = tpu.memref_slice %arg4[%add3A_2302, %dma_start3A_2303] : memref<8192x1152xf32, #tpu.memory_space<hbm>> -> memref<16x1152xf32, #tpu.memory_space<hbm>>
      %dma_start3A_2305 = arith.constant 0 : i32
      %dma_start3A_2306 = tpu.memref_slice %arg4[%add3A_2302, %dma_start3A_2305] : memref<8192x1152xf32, #tpu.memory_space<hbm>> -> memref<16x1152xf32, #tpu.memory_space<hbm>>
      tpu.enqueue_dma source(%arg10 : memref<16x1152xf32, #tpu.memory_space<vmem>>) target(%dma_start3A_2306 : memref<16x1152xf32, #tpu.memory_space<hbm>>) target_semaphore(%arg20 : memref<!tpu.dma_semaphore, #tpu.memory_space<semaphore_mem>>)
      %add3A_2307 = arith.constant 2 : i32
      %add3A_2308 = arith.addi %add3A_1563, %add3A_2307 : i32
      %lt3A_2309 = arith.constant 16 : i32
      %lt3A_2310 = arith.cmpi slt, %add3A_2308, %lt3A_2309 : i32
      %convert_element_type3A_2311 = arith.extui %lt3A_2310 : i1 to i32
      %cond3A_2312 = arith.constant 0 : i32
      %cond3A_2313 = arith.cmpi ne, %convert_element_type3A_2311, %cond3A_2312 : i32
      scf.if %cond3A_2313 {
        %ge3A = arith.constant 2 : i32
        %ge3A_3068 = arith.cmpi sge, %add3A_1563, %ge3A : i32
        %convert_element_type3A_3069 = arith.extui %ge3A_3068 : i1 to i32
        %cond3A_3070 = arith.constant 0 : i32
        %cond3A_3071 = arith.cmpi ne, %convert_element_type3A_3069, %cond3A_3070 : i32
        scf.if %cond3A_3071 {
          %sub3A_3079 = arith.constant 2 : i32
          %sub3A_3080 = arith.subi %add3A_1563, %sub3A_3079 : i32
          %mul3A_3081 = arith.constant 16 : i32
          %mul3A_3082 = arith.muli %sub3A_3080, %mul3A_3081 : i32
          %add3A_3083 = arith.addi %mul3A_2, %mul3A_3082 : i32
          %dma_wait3A_3084 = arith.constant 0 : i32
          %dma_wait3A_3085 = tpu.memref_slice %arg4[%add3A_3083, %dma_wait3A_3084] : memref<8192x1152xf32, #tpu.memory_space<hbm>> -> memref<16x1152xf32, #tpu.memory_space<hbm>>
          %dma_wait3A_3086 = arith.constant 0 : i32
          %dma_wait3A_3087 = tpu.memref_slice %arg4[%add3A_3083, %dma_wait3A_3086] : memref<8192x1152xf32, #tpu.memory_space<hbm>> -> memref<16x1152xf32, #tpu.memory_space<hbm>>
          tpu.wait_dma2 semaphore(%arg18 : memref<!tpu.dma_semaphore, #tpu.memory_space<semaphore_mem>>) src(%arg8 : memref<16x1152xf32, #tpu.memory_space<vmem>>) dst(%dma_wait3A_3087 : memref<16x1152xf32, #tpu.memory_space<hbm>>)
        } else {
        }
        %mul3A_3072 = arith.constant 16 : i32
        %mul3A_3073 = arith.muli %add3A_2308, %mul3A_3072 : i32
        %add3A_3074 = arith.addi %mul3A_2, %mul3A_3073 : i32
        %dma_start3A_3075 = arith.constant 0 : i32
        %dma_start3A_3076 = tpu.memref_slice %arg3[%add3A_3074, %dma_start3A_3075] : memref<8192x1152xf32, #tpu.memory_space<hbm>> -> memref<16x1152xf32, #tpu.memory_space<hbm>>
        %dma_start3A_3077 = arith.constant 0 : i32
        %dma_start3A_3078 = tpu.memref_slice %arg3[%add3A_3074, %dma_start3A_3077] : memref<8192x1152xf32, #tpu.memory_space<hbm>> -> memref<16x1152xf32, #tpu.memory_space<hbm>>
        tpu.enqueue_dma source(%dma_start3A_3078 : memref<16x1152xf32, #tpu.memory_space<hbm>>) target(%arg8 : memref<16x1152xf32, #tpu.memory_space<vmem>>) target_semaphore(%arg14 : memref<!tpu.dma_semaphore, #tpu.memory_space<semaphore_mem>>)
      } else {
      }
      %mul3A_2314 = arith.constant 4 : i32
      %mul3A_2315 = arith.muli %mul3A_2314, %scan3A_57 : i32
      %add3A_2316 = arith.constant 3 : i32
      %add3A_2317 = arith.addi %mul3A_2315, %add3A_2316 : i32
      %mul3A_2318 = arith.constant 16 : i32
      %mul3A_2319 = arith.muli %add3A_2317, %mul3A_2318 : i32
      %add3A_2320 = arith.addi %mul3A_2, %mul3A_2319 : i32
      %dma_wait3A_2321 = arith.constant 0 : i32
      %dma_wait3A_2322 = tpu.memref_slice %arg3[%add3A_2320, %dma_wait3A_2321] : memref<8192x1152xf32, #tpu.memory_space<hbm>> -> memref<16x1152xf32, #tpu.memory_space<hbm>>
      %dma_wait3A_2323 = arith.constant 0 : i32
      %dma_wait3A_2324 = tpu.memref_slice %arg3[%add3A_2320, %dma_wait3A_2323] : memref<8192x1152xf32, #tpu.memory_space<hbm>> -> memref<16x1152xf32, #tpu.memory_space<hbm>>
      tpu.wait_dma2 semaphore(%arg17 : memref<!tpu.dma_semaphore, #tpu.memory_space<semaphore_mem>>) src(%dma_wait3A_2324 : memref<16x1152xf32, #tpu.memory_space<hbm>>) dst(%arg11 : memref<16x1152xf32, #tpu.memory_space<vmem>>)
      %mul3A_2325 = arith.constant 16 : i32
      %mul3A_2326 = arith.muli %add3A_2317, %mul3A_2325 : i32
      %add3A_2327 = arith.addi %mul3A_2, %mul3A_2326 : i32
      %broadcast_in_dim3A_2328 = arith.constant 0.000000e+00 : f32
      %broadcast_in_dim3A_2329 = vector.broadcast %broadcast_in_dim3A_2328 : f32 to vector<16xf32>
      %broadcast_in_dim3A_2330 = arith.constant 0.000000e+00 : f32
      %broadcast_in_dim3A_2331 = vector.broadcast %broadcast_in_dim3A_2330 : f32 to vector<16xf32>
      %broadcast_in_dim3A_2332 = arith.constant 0.000000e+00 : f32
      %broadcast_in_dim3A_2333 = vector.broadcast %broadcast_in_dim3A_2332 : f32 to vector<16xf32>
      %broadcast_in_dim3A_2334 = arith.constant 0.000000e+00 : f32
      %broadcast_in_dim3A_2335 = vector.broadcast %broadcast_in_dim3A_2334 : f32 to vector<16xf32>
      %broadcast_in_dim3A_2336 = arith.constant 0.000000e+00 : f32
      %broadcast_in_dim3A_2337 = vector.broadcast %broadcast_in_dim3A_2336 : f32 to vector<16xf32>
      %broadcast_in_dim3A_2338 = arith.constant 0.000000e+00 : f32
      %broadcast_in_dim3A_2339 = vector.broadcast %broadcast_in_dim3A_2338 : f32 to vector<16xf32>
      %broadcast_in_dim3A_2340 = arith.constant 0.000000e+00 : f32
      %broadcast_in_dim3A_2341 = vector.broadcast %broadcast_in_dim3A_2340 : f32 to vector<16xf32>
      %broadcast_in_dim3A_2342 = arith.constant 0.000000e+00 : f32
      %broadcast_in_dim3A_2343 = vector.broadcast %broadcast_in_dim3A_2342 : f32 to vector<16xf32>
      %broadcast_in_dim3A_2344 = arith.constant 0.000000e+00 : f32
      %broadcast_in_dim3A_2345 = vector.broadcast %broadcast_in_dim3A_2344 : f32 to vector<16xf32>
      %broadcast_in_dim3A_2346 = arith.constant 0.000000e+00 : f32
      %broadcast_in_dim3A_2347 = vector.broadcast %broadcast_in_dim3A_2346 : f32 to vector<16xf32>
      %broadcast_in_dim3A_2348 = arith.constant 0.000000e+00 : f32
      %broadcast_in_dim3A_2349 = vector.broadcast %broadcast_in_dim3A_2348 : f32 to vector<16xf32>
      %broadcast_in_dim3A_2350 = arith.constant 0.000000e+00 : f32
      %broadcast_in_dim3A_2351 = vector.broadcast %broadcast_in_dim3A_2350 : f32 to vector<16xf32>
      %broadcast_in_dim3A_2352 = arith.constant 0.000000e+00 : f32
      %broadcast_in_dim3A_2353 = vector.broadcast %broadcast_in_dim3A_2352 : f32 to vector<16xf32>
      %broadcast_in_dim3A_2354 = arith.constant 0.000000e+00 : f32
      %broadcast_in_dim3A_2355 = vector.broadcast %broadcast_in_dim3A_2354 : f32 to vector<16xf32>
      %broadcast_in_dim3A_2356 = arith.constant 0.000000e+00 : f32
      %broadcast_in_dim3A_2357 = vector.broadcast %broadcast_in_dim3A_2356 : f32 to vector<16xf32>
      %broadcast_in_dim3A_2358 = arith.constant 0.000000e+00 : f32
      %broadcast_in_dim3A_2359 = vector.broadcast %broadcast_in_dim3A_2358 : f32 to vector<16xf32>
      %scan3A_2360 = arith.constant 0 : i32
      %scan3A_2361 = arith.constant 72 : i32
      %scan3A_2362 = arith.addi %scan3A_2360, %scan3A_2361 : i32
      %scan3A_2363 = arith.constant 1 : i32
      %scan3A_2364:32 = scf.for %scan3A_3068 = %scan3A_2360 to %scan3A_2362 step %scan3A_2363 iter_args(%scan3A_3069 = %broadcast_in_dim3A_2329, %scan3A_3070 = %broadcast_in_dim3A_2331, %scan3A_3071 = %broadcast_in_dim3A_2333, %scan3A_3072 = %broadcast_in_dim3A_2335, %scan3A_3073 = %broadcast_in_dim3A_2337, %scan3A_3074 = %broadcast_in_dim3A_2339, %scan3A_3075 = %broadcast_in_dim3A_2341, %scan3A_3076 = %broadcast_in_dim3A_2343, %scan3A_3077 = %broadcast_in_dim3A_2345, %scan3A_3078 = %broadcast_in_dim3A_2347, %scan3A_3079 = %broadcast_in_dim3A_2349, %scan3A_3080 = %broadcast_in_dim3A_2351, %scan3A_3081 = %broadcast_in_dim3A_2353, %scan3A_3082 = %broadcast_in_dim3A_2355, %scan3A_3083 = %broadcast_in_dim3A_2357, %scan3A_3084 = %broadcast_in_dim3A_2359, %scan3A_3085 = %broadcast_in_dim3A_2329, %scan3A_3086 = %broadcast_in_dim3A_2331, %scan3A_3087 = %broadcast_in_dim3A_2333, %scan3A_3088 = %broadcast_in_dim3A_2335, %scan3A_3089 = %broadcast_in_dim3A_2337, %scan3A_3090 = %broadcast_in_dim3A_2339, %scan3A_3091 = %broadcast_in_dim3A_2341, %scan3A_3092 = %broadcast_in_dim3A_2343, %scan3A_3093 = %broadcast_in_dim3A_2345, %scan3A_3094 = %broadcast_in_dim3A_2347, %scan3A_3095 = %broadcast_in_dim3A_2349, %scan3A_3096 = %broadcast_in_dim3A_2351, %scan3A_3097 = %broadcast_in_dim3A_2353, %scan3A_3098 = %broadcast_in_dim3A_2355, %scan3A_3099 = %broadcast_in_dim3A_2357, %scan3A_3100 = %broadcast_in_dim3A_2359) -> (vector<16xf32>, vector<16xf32>, vector<16xf32>, vector<16xf32>, vector<16xf32>, vector<16xf32>, vector<16xf32>, vector<16xf32>, vector<16xf32>, vector<16xf32>, vector<16xf32>, vector<16xf32>, vector<16xf32>, vector<16xf32>, vector<16xf32>, vector<16xf32>, vector<16xf32>, vector<16xf32>, vector<16xf32>, vector<16xf32>, vector<16xf32>, vector<16xf32>, vector<16xf32>, vector<16xf32>, vector<16xf32>, vector<16xf32>, vector<16xf32>, vector<16xf32>, vector<16xf32>, vector<16xf32>, vector<16xf32>, vector<16xf32>)  : i32 {
        %mul3A_3101 = arith.constant 16 : i32
        %mul3A_3102 = arith.muli %scan3A_3068, %mul3A_3101 : i32
        %get3A = arith.index_cast %mul3A_3102 : i32 to index
        %get3A_3103 = tpu.vector_load %arg7[%get3A] {strides = array<i32>} : memref<1152xf32, #tpu.memory_space<vmem>>, vector<16xf32>,
        %mul3A_3104 = arith.constant 16 : i32
        %mul3A_3105 = arith.muli %scan3A_3068, %mul3A_3104 : i32
        %get3A_3106 = arith.constant 0 : i32
        %get3A_3107 = arith.index_cast %get3A_3106 : i32 to index
        %get3A_3108 = arith.index_cast %mul3A_3105 : i32 to index
        %get3A_3109 = tpu.vector_load %arg11[%get3A_3107, %get3A_3108] {strides = array<i32>} : memref<16x1152xf32, #tpu.memory_space<vmem>>, vector<16xf32>,
        %mul3A_3110 = arith.mulf %get3A_3109, %get3A_3103 : vector<16xf32>
        %add3A_3111 = arith.addf %scan3A_3069, %mul3A_3110 : vector<16xf32>
        %mul3A_3112 = arith.mulf %get3A_3109, %get3A_3109 : vector<16xf32>
        %add3A_3113 = arith.addf %scan3A_3085, %mul3A_3112 : vector<16xf32>
        %mul3A_3114 = arith.constant 16 : i32
        %mul3A_3115 = arith.muli %scan3A_3068, %mul3A_3114 : i32
        %get3A_3116 = arith.constant 1 : i32
        %get3A_3117 = arith.index_cast %get3A_3116 : i32 to index
        %get3A_3118 = arith.index_cast %mul3A_3115 : i32 to index
        %get3A_3119 = tpu.vector_load %arg11[%get3A_3117, %get3A_3118] {strides = array<i32>} : memref<16x1152xf32, #tpu.memory_space<vmem>>, vector<16xf32>,
        %mul3A_3120 = arith.mulf %get3A_3119, %get3A_3103 : vector<16xf32>
        %add3A_3121 = arith.addf %scan3A_3070, %mul3A_3120 : vector<16xf32>
        %mul3A_3122 = arith.mulf %get3A_3119, %get3A_3119 : vector<16xf32>
        %add3A_3123 = arith.addf %scan3A_3086, %mul3A_3122 : vector<16xf32>
        %mul3A_3124 = arith.constant 16 : i32
        %mul3A_3125 = arith.muli %scan3A_3068, %mul3A_3124 : i32
        %get3A_3126 = arith.constant 2 : i32
        %get3A_3127 = arith.index_cast %get3A_3126 : i32 to index
        %get3A_3128 = arith.index_cast %mul3A_3125 : i32 to index
        %get3A_3129 = tpu.vector_load %arg11[%get3A_3127, %get3A_3128] {strides = array<i32>} : memref<16x1152xf32, #tpu.memory_space<vmem>>, vector<16xf32>,
        %mul3A_3130 = arith.mulf %get3A_3129, %get3A_3103 : vector<16xf32>
        %add3A_3131 = arith.addf %scan3A_3071, %mul3A_3130 : vector<16xf32>
        %mul3A_3132 = arith.mulf %get3A_3129, %get3A_3129 : vector<16xf32>
        %add3A_3133 = arith.addf %scan3A_3087, %mul3A_3132 : vector<16xf32>
        %mul3A_3134 = arith.constant 16 : i32
        %mul3A_3135 = arith.muli %scan3A_3068, %mul3A_3134 : i32
        %get3A_3136 = arith.constant 3 : i32
        %get3A_3137 = arith.index_cast %get3A_3136 : i32 to index
        %get3A_3138 = arith.index_cast %mul3A_3135 : i32 to index
        %get3A_3139 = tpu.vector_load %arg11[%get3A_3137, %get3A_3138] {strides = array<i32>} : memref<16x1152xf32, #tpu.memory_space<vmem>>, vector<16xf32>,
        %mul3A_3140 = arith.mulf %get3A_3139, %get3A_3103 : vector<16xf32>
        %add3A_3141 = arith.addf %scan3A_3072, %mul3A_3140 : vector<16xf32>
        %mul3A_3142 = arith.mulf %get3A_3139, %get3A_3139 : vector<16xf32>
        %add3A_3143 = arith.addf %scan3A_3088, %mul3A_3142 : vector<16xf32>
        %mul3A_3144 = arith.constant 16 : i32
        %mul3A_3145 = arith.muli %scan3A_3068, %mul3A_3144 : i32
        %get3A_3146 = arith.constant 4 : i32
        %get3A_3147 = arith.index_cast %get3A_3146 : i32 to index
        %get3A_3148 = arith.index_cast %mul3A_3145 : i32 to index
        %get3A_3149 = tpu.vector_load %arg11[%get3A_3147, %get3A_3148] {strides = array<i32>} : memref<16x1152xf32, #tpu.memory_space<vmem>>, vector<16xf32>,
        %mul3A_3150 = arith.mulf %get3A_3149, %get3A_3103 : vector<16xf32>
        %add3A_3151 = arith.addf %scan3A_3073, %mul3A_3150 : vector<16xf32>
        %mul3A_3152 = arith.mulf %get3A_3149, %get3A_3149 : vector<16xf32>
        %add3A_3153 = arith.addf %scan3A_3089, %mul3A_3152 : vector<16xf32>
        %mul3A_3154 = arith.constant 16 : i32
        %mul3A_3155 = arith.muli %scan3A_3068, %mul3A_3154 : i32
        %get3A_3156 = arith.constant 5 : i32
        %get3A_3157 = arith.index_cast %get3A_3156 : i32 to index
        %get3A_3158 = arith.index_cast %mul3A_3155 : i32 to index
        %get3A_3159 = tpu.vector_load %arg11[%get3A_3157, %get3A_3158] {strides = array<i32>} : memref<16x1152xf32, #tpu.memory_space<vmem>>, vector<16xf32>,
        %mul3A_3160 = arith.mulf %get3A_3159, %get3A_3103 : vector<16xf32>
        %add3A_3161 = arith.addf %scan3A_3074, %mul3A_3160 : vector<16xf32>
        %mul3A_3162 = arith.mulf %get3A_3159, %get3A_3159 : vector<16xf32>
        %add3A_3163 = arith.addf %scan3A_3090, %mul3A_3162 : vector<16xf32>
        %mul3A_3164 = arith.constant 16 : i32
        %mul3A_3165 = arith.muli %scan3A_3068, %mul3A_3164 : i32
        %get3A_3166 = arith.constant 6 : i32
        %get3A_3167 = arith.index_cast %get3A_3166 : i32 to index
        %get3A_3168 = arith.index_cast %mul3A_3165 : i32 to index
        %get3A_3169 = tpu.vector_load %arg11[%get3A_3167, %get3A_3168] {strides = array<i32>} : memref<16x1152xf32, #tpu.memory_space<vmem>>, vector<16xf32>,
        %mul3A_3170 = arith.mulf %get3A_3169, %get3A_3103 : vector<16xf32>
        %add3A_3171 = arith.addf %scan3A_3075, %mul3A_3170 : vector<16xf32>
        %mul3A_3172 = arith.mulf %get3A_3169, %get3A_3169 : vector<16xf32>
        %add3A_3173 = arith.addf %scan3A_3091, %mul3A_3172 : vector<16xf32>
        %mul3A_3174 = arith.constant 16 : i32
        %mul3A_3175 = arith.muli %scan3A_3068, %mul3A_3174 : i32
        %get3A_3176 = arith.constant 7 : i32
        %get3A_3177 = arith.index_cast %get3A_3176 : i32 to index
        %get3A_3178 = arith.index_cast %mul3A_3175 : i32 to index
        %get3A_3179 = tpu.vector_load %arg11[%get3A_3177, %get3A_3178] {strides = array<i32>} : memref<16x1152xf32, #tpu.memory_space<vmem>>, vector<16xf32>,
        %mul3A_3180 = arith.mulf %get3A_3179, %get3A_3103 : vector<16xf32>
        %add3A_3181 = arith.addf %scan3A_3076, %mul3A_3180 : vector<16xf32>
        %mul3A_3182 = arith.mulf %get3A_3179, %get3A_3179 : vector<16xf32>
        %add3A_3183 = arith.addf %scan3A_3092, %mul3A_3182 : vector<16xf32>
        %mul3A_3184 = arith.constant 16 : i32
        %mul3A_3185 = arith.muli %scan3A_3068, %mul3A_3184 : i32
        %get3A_3186 = arith.constant 8 : i32
        %get3A_3187 = arith.index_cast %get3A_3186 : i32 to index
        %get3A_3188 = arith.index_cast %mul3A_3185 : i32 to index
        %get3A_3189 = tpu.vector_load %arg11[%get3A_3187, %get3A_3188] {strides = array<i32>} : memref<16x1152xf32, #tpu.memory_space<vmem>>, vector<16xf32>,
        %mul3A_3190 = arith.mulf %get3A_3189, %get3A_3103 : vector<16xf32>
        %add3A_3191 = arith.addf %scan3A_3077, %mul3A_3190 : vector<16xf32>
        %mul3A_3192 = arith.mulf %get3A_3189, %get3A_3189 : vector<16xf32>
        %add3A_3193 = arith.addf %scan3A_3093, %mul3A_3192 : vector<16xf32>
        %mul3A_3194 = arith.constant 16 : i32
        %mul3A_3195 = arith.muli %scan3A_3068, %mul3A_3194 : i32
        %get3A_3196 = arith.constant 9 : i32
        %get3A_3197 = arith.index_cast %get3A_3196 : i32 to index
        %get3A_3198 = arith.index_cast %mul3A_3195 : i32 to index
        %get3A_3199 = tpu.vector_load %arg11[%get3A_3197, %get3A_3198] {strides = array<i32>} : memref<16x1152xf32, #tpu.memory_space<vmem>>, vector<16xf32>,
        %mul3A_3200 = arith.mulf %get3A_3199, %get3A_3103 : vector<16xf32>
        %add3A_3201 = arith.addf %scan3A_3078, %mul3A_3200 : vector<16xf32>
        %mul3A_3202 = arith.mulf %get3A_3199, %get3A_3199 : vector<16xf32>
        %add3A_3203 = arith.addf %scan3A_3094, %mul3A_3202 : vector<16xf32>
        %mul3A_3204 = arith.constant 16 : i32
        %mul3A_3205 = arith.muli %scan3A_3068, %mul3A_3204 : i32
        %get3A_3206 = arith.constant 10 : i32
        %get3A_3207 = arith.index_cast %get3A_3206 : i32 to index
        %get3A_3208 = arith.index_cast %mul3A_3205 : i32 to index
        %get3A_3209 = tpu.vector_load %arg11[%get3A_3207, %get3A_3208] {strides = array<i32>} : memref<16x1152xf32, #tpu.memory_space<vmem>>, vector<16xf32>,
        %mul3A_3210 = arith.mulf %get3A_3209, %get3A_3103 : vector<16xf32>
        %add3A_3211 = arith.addf %scan3A_3079, %mul3A_3210 : vector<16xf32>
        %mul3A_3212 = arith.mulf %get3A_3209, %get3A_3209 : vector<16xf32>
        %add3A_3213 = arith.addf %scan3A_3095, %mul3A_3212 : vector<16xf32>
        %mul3A_3214 = arith.constant 16 : i32
        %mul3A_3215 = arith.muli %scan3A_3068, %mul3A_3214 : i32
        %get3A_3216 = arith.constant 11 : i32
        %get3A_3217 = arith.index_cast %get3A_3216 : i32 to index
        %get3A_3218 = arith.index_cast %mul3A_3215 : i32 to index
        %get3A_3219 = tpu.vector_load %arg11[%get3A_3217, %get3A_3218] {strides = array<i32>} : memref<16x1152xf32, #tpu.memory_space<vmem>>, vector<16xf32>,
        %mul3A_3220 = arith.mulf %get3A_3219, %get3A_3103 : vector<16xf32>
        %add3A_3221 = arith.addf %scan3A_3080, %mul3A_3220 : vector<16xf32>
        %mul3A_3222 = arith.mulf %get3A_3219, %get3A_3219 : vector<16xf32>
        %add3A_3223 = arith.addf %scan3A_3096, %mul3A_3222 : vector<16xf32>
        %mul3A_3224 = arith.constant 16 : i32
        %mul3A_3225 = arith.muli %scan3A_3068, %mul3A_3224 : i32
        %get3A_3226 = arith.constant 12 : i32
        %get3A_3227 = arith.index_cast %get3A_3226 : i32 to index
        %get3A_3228 = arith.index_cast %mul3A_3225 : i32 to index
        %get3A_3229 = tpu.vector_load %arg11[%get3A_3227, %get3A_3228] {strides = array<i32>} : memref<16x1152xf32, #tpu.memory_space<vmem>>, vector<16xf32>,
        %mul3A_3230 = arith.mulf %get3A_3229, %get3A_3103 : vector<16xf32>
        %add3A_3231 = arith.addf %scan3A_3081, %mul3A_3230 : vector<16xf32>
        %mul3A_3232 = arith.mulf %get3A_3229, %get3A_3229 : vector<16xf32>
        %add3A_3233 = arith.addf %scan3A_3097, %mul3A_3232 : vector<16xf32>
        %mul3A_3234 = arith.constant 16 : i32
        %mul3A_3235 = arith.muli %scan3A_3068, %mul3A_3234 : i32
        %get3A_3236 = arith.constant 13 : i32
        %get3A_3237 = arith.index_cast %get3A_3236 : i32 to index
        %get3A_3238 = arith.index_cast %mul3A_3235 : i32 to index
        %get3A_3239 = tpu.vector_load %arg11[%get3A_3237, %get3A_3238] {strides = array<i32>} : memref<16x1152xf32, #tpu.memory_space<vmem>>, vector<16xf32>,
        %mul3A_3240 = arith.mulf %get3A_3239, %get3A_3103 : vector<16xf32>
        %add3A_3241 = arith.addf %scan3A_3082, %mul3A_3240 : vector<16xf32>
        %mul3A_3242 = arith.mulf %get3A_3239, %get3A_3239 : vector<16xf32>
        %add3A_3243 = arith.addf %scan3A_3098, %mul3A_3242 : vector<16xf32>
        %mul3A_3244 = arith.constant 16 : i32
        %mul3A_3245 = arith.muli %scan3A_3068, %mul3A_3244 : i32
        %get3A_3246 = arith.constant 14 : i32
        %get3A_3247 = arith.index_cast %get3A_3246 : i32 to index
        %get3A_3248 = arith.index_cast %mul3A_3245 : i32 to index
        %get3A_3249 = tpu.vector_load %arg11[%get3A_3247, %get3A_3248] {strides = array<i32>} : memref<16x1152xf32, #tpu.memory_space<vmem>>, vector<16xf32>,
        %mul3A_3250 = arith.mulf %get3A_3249, %get3A_3103 : vector<16xf32>
        %add3A_3251 = arith.addf %scan3A_3083, %mul3A_3250 : vector<16xf32>
        %mul3A_3252 = arith.mulf %get3A_3249, %get3A_3249 : vector<16xf32>
        %add3A_3253 = arith.addf %scan3A_3099, %mul3A_3252 : vector<16xf32>
        %mul3A_3254 = arith.constant 16 : i32
        %mul3A_3255 = arith.muli %scan3A_3068, %mul3A_3254 : i32
        %get3A_3256 = arith.constant 15 : i32
        %get3A_3257 = arith.index_cast %get3A_3256 : i32 to index
        %get3A_3258 = arith.index_cast %mul3A_3255 : i32 to index
        %get3A_3259 = tpu.vector_load %arg11[%get3A_3257, %get3A_3258] {strides = array<i32>} : memref<16x1152xf32, #tpu.memory_space<vmem>>, vector<16xf32>,
        %mul3A_3260 = arith.mulf %get3A_3259, %get3A_3103 : vector<16xf32>
        %add3A_3261 = arith.addf %scan3A_3084, %mul3A_3260 : vector<16xf32>
        %mul3A_3262 = arith.mulf %get3A_3259, %get3A_3259 : vector<16xf32>
        %add3A_3263 = arith.addf %scan3A_3100, %mul3A_3262 : vector<16xf32>
        scf.yield %add3A_3111, %add3A_3121, %add3A_3131, %add3A_3141, %add3A_3151, %add3A_3161, %add3A_3171, %add3A_3181, %add3A_3191, %add3A_3201, %add3A_3211, %add3A_3221, %add3A_3231, %add3A_3241, %add3A_3251, %add3A_3261, %add3A_3113, %add3A_3123, %add3A_3133, %add3A_3143, %add3A_3153, %add3A_3163, %add3A_3173, %add3A_3183, %add3A_3193, %add3A_3203, %add3A_3213, %add3A_3223, %add3A_3233, %add3A_3243, %add3A_3253, %add3A_3263 : vector<16xf32>, vector<16xf32>, vector<16xf32>, vector<16xf32>, vector<16xf32>, vector<16xf32>, vector<16xf32>, vector<16xf32>, vector<16xf32>, vector<16xf32>, vector<16xf32>, vector<16xf32>, vector<16xf32>, vector<16xf32>, vector<16xf32>, vector<16xf32>, vector<16xf32>, vector<16xf32>, vector<16xf32>, vector<16xf32>, vector<16xf32>, vector<16xf32>, vector<16xf32>, vector<16xf32>, vector<16xf32>, vector<16xf32>, vector<16xf32>, vector<16xf32>, vector<16xf32>, vector<16xf32>, vector<16xf32>, vector<16xf32>
      }
      %scan3A_2365 = arith.constant 72 : i32
      %reduce_sum3A_2366 = arith.constant true
      %reduce_sum3A_2367 = vector.broadcast %reduce_sum3A_2366 : i1 to vector<16xi1>
      %reduce_sum3A_2368 = tpu.scan <sum>, %scan3A_2364#0 masked %reduce_sum3A_2367 : vector<16xf32>, vector<16xi1> -> vector<16xf32>
      %reduce_sum3A_2369 = vector.extract %reduce_sum3A_2368[15] : f32 from vector<16xf32>
      %reduce_sum3A_2370 = arith.constant true
      %reduce_sum3A_2371 = vector.broadcast %reduce_sum3A_2370 : i1 to vector<16xi1>
      %reduce_sum3A_2372 = tpu.scan <sum>, %scan3A_2364#16 masked %reduce_sum3A_2371 : vector<16xf32>, vector<16xi1> -> vector<16xf32>
      %reduce_sum3A_2373 = vector.extract %reduce_sum3A_2372[15] : f32 from vector<16xf32>
      %bitcast_convert_type3A_2374 = arith.bitcast %reduce_sum3A_2373 : f32 to i32
      %shift_right_logical3A_2375 = arith.constant 1 : i32
      %shift_right_logical3A_2376 = arith.shrui %bitcast_convert_type3A_2374, %shift_right_logical3A_2375 : i32
      %sub3A_2377 = arith.constant 1597463007 : i32
      %sub3A_2378 = arith.subi %sub3A_2377, %shift_right_logical3A_2376 : i32
      %bitcast_convert_type3A_2379 = arith.bitcast %sub3A_2378 : i32 to f32
      %mul3A_2380 = arith.constant 5.000000e-01 : f32
      %mul3A_2381 = arith.mulf %mul3A_2380, %reduce_sum3A_2373 : f32
      %mul3A_2382 = arith.mulf %mul3A_2381, %bitcast_convert_type3A_2379 : f32
      %mul3A_2383 = arith.mulf %mul3A_2382, %bitcast_convert_type3A_2379 : f32
      %sub3A_2384 = arith.constant 1.500000e+00 : f32
      %sub3A_2385 = arith.subf %sub3A_2384, %mul3A_2383 : f32
      %mul3A_2386 = arith.mulf %bitcast_convert_type3A_2379, %sub3A_2385 : f32
      %mul3A_2387 = arith.constant 5.000000e-01 : f32
      %mul3A_2388 = arith.mulf %mul3A_2387, %reduce_sum3A_2373 : f32
      %mul3A_2389 = arith.mulf %mul3A_2388, %mul3A_2386 : f32
      %mul3A_2390 = arith.mulf %mul3A_2389, %mul3A_2386 : f32
      %sub3A_2391 = arith.constant 1.500000e+00 : f32
      %sub3A_2392 = arith.subf %sub3A_2391, %mul3A_2390 : f32
      %mul3A_2393 = arith.mulf %mul3A_2386, %sub3A_2392 : f32
      %mul3A_2394 = arith.constant 5.000000e-01 : f32
      %mul3A_2395 = arith.mulf %mul3A_2394, %reduce_sum3A_2373 : f32
      %mul3A_2396 = arith.mulf %mul3A_2395, %mul3A_2393 : f32
      %mul3A_2397 = arith.mulf %mul3A_2396, %mul3A_2393 : f32
      %sub3A_2398 = arith.constant 1.500000e+00 : f32
      %sub3A_2399 = arith.subf %sub3A_2398, %mul3A_2397 : f32
      %mul3A_2400 = arith.mulf %mul3A_2393, %sub3A_2399 : f32
      %mul3A_2401 = arith.mulf %reduce_sum3A_2369, %mul3A_2400 : f32
      %add3A_2402 = arith.constant 0 : i32
      %add3A_2403 = arith.addi %add3A_2327, %add3A_2402 : i32
      %add3A_2404 = arith.constant 0 : i32
      %add3A_2405 = arith.addi %add3A_2403, %add3A_2404 : i32
      %gt3A_2406 = arith.cmpf ogt, %mul3A_2401, %select_n3A_2298 : f32
      %select_n3A_2407 = arith.select %gt3A_2406, %mul3A_2401, %select_n3A_2298 : f32
      %select_n3A_2408 = arith.select %gt3A_2406, %add3A_2405, %select_n3A_2299 : i32
      %reduce_sum3A_2409 = arith.constant true
      %reduce_sum3A_2410 = vector.broadcast %reduce_sum3A_2409 : i1 to vector<16xi1>
      %reduce_sum3A_2411 = tpu.scan <sum>, %scan3A_2364#1 masked %reduce_sum3A_2410 : vector<16xf32>, vector<16xi1> -> vector<16xf32>
      %reduce_sum3A_2412 = vector.extract %reduce_sum3A_2411[15] : f32 from vector<16xf32>
      %reduce_sum3A_2413 = arith.constant true
      %reduce_sum3A_2414 = vector.broadcast %reduce_sum3A_2413 : i1 to vector<16xi1>
      %reduce_sum3A_2415 = tpu.scan <sum>, %scan3A_2364#17 masked %reduce_sum3A_2414 : vector<16xf32>, vector<16xi1> -> vector<16xf32>
      %reduce_sum3A_2416 = vector.extract %reduce_sum3A_2415[15] : f32 from vector<16xf32>
      %bitcast_convert_type3A_2417 = arith.bitcast %reduce_sum3A_2416 : f32 to i32
      %shift_right_logical3A_2418 = arith.constant 1 : i32
      %shift_right_logical3A_2419 = arith.shrui %bitcast_convert_type3A_2417, %shift_right_logical3A_2418 : i32
      %sub3A_2420 = arith.constant 1597463007 : i32
      %sub3A_2421 = arith.subi %sub3A_2420, %shift_right_logical3A_2419 : i32
      %bitcast_convert_type3A_2422 = arith.bitcast %sub3A_2421 : i32 to f32
      %mul3A_2423 = arith.constant 5.000000e-01 : f32
      %mul3A_2424 = arith.mulf %mul3A_2423, %reduce_sum3A_2416 : f32
      %mul3A_2425 = arith.mulf %mul3A_2424, %bitcast_convert_type3A_2422 : f32
      %mul3A_2426 = arith.mulf %mul3A_2425, %bitcast_convert_type3A_2422 : f32
      %sub3A_2427 = arith.constant 1.500000e+00 : f32
      %sub3A_2428 = arith.subf %sub3A_2427, %mul3A_2426 : f32
      %mul3A_2429 = arith.mulf %bitcast_convert_type3A_2422, %sub3A_2428 : f32
      %mul3A_2430 = arith.constant 5.000000e-01 : f32
      %mul3A_2431 = arith.mulf %mul3A_2430, %reduce_sum3A_2416 : f32
      %mul3A_2432 = arith.mulf %mul3A_2431, %mul3A_2429 : f32
      %mul3A_2433 = arith.mulf %mul3A_2432, %mul3A_2429 : f32
      %sub3A_2434 = arith.constant 1.500000e+00 : f32
      %sub3A_2435 = arith.subf %sub3A_2434, %mul3A_2433 : f32
      %mul3A_2436 = arith.mulf %mul3A_2429, %sub3A_2435 : f32
      %mul3A_2437 = arith.constant 5.000000e-01 : f32
      %mul3A_2438 = arith.mulf %mul3A_2437, %reduce_sum3A_2416 : f32
      %mul3A_2439 = arith.mulf %mul3A_2438, %mul3A_2436 : f32
      %mul3A_2440 = arith.mulf %mul3A_2439, %mul3A_2436 : f32
      %sub3A_2441 = arith.constant 1.500000e+00 : f32
      %sub3A_2442 = arith.subf %sub3A_2441, %mul3A_2440 : f32
      %mul3A_2443 = arith.mulf %mul3A_2436, %sub3A_2442 : f32
      %mul3A_2444 = arith.mulf %reduce_sum3A_2412, %mul3A_2443 : f32
      %add3A_2445 = arith.constant 0 : i32
      %add3A_2446 = arith.addi %add3A_2327, %add3A_2445 : i32
      %add3A_2447 = arith.constant 1 : i32
      %add3A_2448 = arith.addi %add3A_2446, %add3A_2447 : i32
      %gt3A_2449 = arith.cmpf ogt, %mul3A_2444, %select_n3A_2407 : f32
      %select_n3A_2450 = arith.select %gt3A_2449, %mul3A_2444, %select_n3A_2407 : f32
      %select_n3A_2451 = arith.select %gt3A_2449, %add3A_2448, %select_n3A_2408 : i32
      %reduce_sum3A_2452 = arith.constant true
      %reduce_sum3A_2453 = vector.broadcast %reduce_sum3A_2452 : i1 to vector<16xi1>
      %reduce_sum3A_2454 = tpu.scan <sum>, %scan3A_2364#2 masked %reduce_sum3A_2453 : vector<16xf32>, vector<16xi1> -> vector<16xf32>
      %reduce_sum3A_2455 = vector.extract %reduce_sum3A_2454[15] : f32 from vector<16xf32>
      %reduce_sum3A_2456 = arith.constant true
      %reduce_sum3A_2457 = vector.broadcast %reduce_sum3A_2456 : i1 to vector<16xi1>
      %reduce_sum3A_2458 = tpu.scan <sum>, %scan3A_2364#18 masked %reduce_sum3A_2457 : vector<16xf32>, vector<16xi1> -> vector<16xf32>
      %reduce_sum3A_2459 = vector.extract %reduce_sum3A_2458[15] : f32 from vector<16xf32>
      %bitcast_convert_type3A_2460 = arith.bitcast %reduce_sum3A_2459 : f32 to i32
      %shift_right_logical3A_2461 = arith.constant 1 : i32
      %shift_right_logical3A_2462 = arith.shrui %bitcast_convert_type3A_2460, %shift_right_logical3A_2461 : i32
      %sub3A_2463 = arith.constant 1597463007 : i32
      %sub3A_2464 = arith.subi %sub3A_2463, %shift_right_logical3A_2462 : i32
      %bitcast_convert_type3A_2465 = arith.bitcast %sub3A_2464 : i32 to f32
      %mul3A_2466 = arith.constant 5.000000e-01 : f32
      %mul3A_2467 = arith.mulf %mul3A_2466, %reduce_sum3A_2459 : f32
      %mul3A_2468 = arith.mulf %mul3A_2467, %bitcast_convert_type3A_2465 : f32
      %mul3A_2469 = arith.mulf %mul3A_2468, %bitcast_convert_type3A_2465 : f32
      %sub3A_2470 = arith.constant 1.500000e+00 : f32
      %sub3A_2471 = arith.subf %sub3A_2470, %mul3A_2469 : f32
      %mul3A_2472 = arith.mulf %bitcast_convert_type3A_2465, %sub3A_2471 : f32
      %mul3A_2473 = arith.constant 5.000000e-01 : f32
      %mul3A_2474 = arith.mulf %mul3A_2473, %reduce_sum3A_2459 : f32
      %mul3A_2475 = arith.mulf %mul3A_2474, %mul3A_2472 : f32
      %mul3A_2476 = arith.mulf %mul3A_2475, %mul3A_2472 : f32
      %sub3A_2477 = arith.constant 1.500000e+00 : f32
      %sub3A_2478 = arith.subf %sub3A_2477, %mul3A_2476 : f32
      %mul3A_2479 = arith.mulf %mul3A_2472, %sub3A_2478 : f32
      %mul3A_2480 = arith.constant 5.000000e-01 : f32
      %mul3A_2481 = arith.mulf %mul3A_2480, %reduce_sum3A_2459 : f32
      %mul3A_2482 = arith.mulf %mul3A_2481, %mul3A_2479 : f32
      %mul3A_2483 = arith.mulf %mul3A_2482, %mul3A_2479 : f32
      %sub3A_2484 = arith.constant 1.500000e+00 : f32
      %sub3A_2485 = arith.subf %sub3A_2484, %mul3A_2483 : f32
      %mul3A_2486 = arith.mulf %mul3A_2479, %sub3A_2485 : f32
      %mul3A_2487 = arith.mulf %reduce_sum3A_2455, %mul3A_2486 : f32
      %add3A_2488 = arith.constant 0 : i32
      %add3A_2489 = arith.addi %add3A_2327, %add3A_2488 : i32
      %add3A_2490 = arith.constant 2 : i32
      %add3A_2491 = arith.addi %add3A_2489, %add3A_2490 : i32
      %gt3A_2492 = arith.cmpf ogt, %mul3A_2487, %select_n3A_2450 : f32
      %select_n3A_2493 = arith.select %gt3A_2492, %mul3A_2487, %select_n3A_2450 : f32
      %select_n3A_2494 = arith.select %gt3A_2492, %add3A_2491, %select_n3A_2451 : i32
      %reduce_sum3A_2495 = arith.constant true
      %reduce_sum3A_2496 = vector.broadcast %reduce_sum3A_2495 : i1 to vector<16xi1>
      %reduce_sum3A_2497 = tpu.scan <sum>, %scan3A_2364#3 masked %reduce_sum3A_2496 : vector<16xf32>, vector<16xi1> -> vector<16xf32>
      %reduce_sum3A_2498 = vector.extract %reduce_sum3A_2497[15] : f32 from vector<16xf32>
      %reduce_sum3A_2499 = arith.constant true
      %reduce_sum3A_2500 = vector.broadcast %reduce_sum3A_2499 : i1 to vector<16xi1>
      %reduce_sum3A_2501 = tpu.scan <sum>, %scan3A_2364#19 masked %reduce_sum3A_2500 : vector<16xf32>, vector<16xi1> -> vector<16xf32>
      %reduce_sum3A_2502 = vector.extract %reduce_sum3A_2501[15] : f32 from vector<16xf32>
      %bitcast_convert_type3A_2503 = arith.bitcast %reduce_sum3A_2502 : f32 to i32
      %shift_right_logical3A_2504 = arith.constant 1 : i32
      %shift_right_logical3A_2505 = arith.shrui %bitcast_convert_type3A_2503, %shift_right_logical3A_2504 : i32
      %sub3A_2506 = arith.constant 1597463007 : i32
      %sub3A_2507 = arith.subi %sub3A_2506, %shift_right_logical3A_2505 : i32
      %bitcast_convert_type3A_2508 = arith.bitcast %sub3A_2507 : i32 to f32
      %mul3A_2509 = arith.constant 5.000000e-01 : f32
      %mul3A_2510 = arith.mulf %mul3A_2509, %reduce_sum3A_2502 : f32
      %mul3A_2511 = arith.mulf %mul3A_2510, %bitcast_convert_type3A_2508 : f32
      %mul3A_2512 = arith.mulf %mul3A_2511, %bitcast_convert_type3A_2508 : f32
      %sub3A_2513 = arith.constant 1.500000e+00 : f32
      %sub3A_2514 = arith.subf %sub3A_2513, %mul3A_2512 : f32
      %mul3A_2515 = arith.mulf %bitcast_convert_type3A_2508, %sub3A_2514 : f32
      %mul3A_2516 = arith.constant 5.000000e-01 : f32
      %mul3A_2517 = arith.mulf %mul3A_2516, %reduce_sum3A_2502 : f32
      %mul3A_2518 = arith.mulf %mul3A_2517, %mul3A_2515 : f32
      %mul3A_2519 = arith.mulf %mul3A_2518, %mul3A_2515 : f32
      %sub3A_2520 = arith.constant 1.500000e+00 : f32
      %sub3A_2521 = arith.subf %sub3A_2520, %mul3A_2519 : f32
      %mul3A_2522 = arith.mulf %mul3A_2515, %sub3A_2521 : f32
      %mul3A_2523 = arith.constant 5.000000e-01 : f32
      %mul3A_2524 = arith.mulf %mul3A_2523, %reduce_sum3A_2502 : f32
      %mul3A_2525 = arith.mulf %mul3A_2524, %mul3A_2522 : f32
      %mul3A_2526 = arith.mulf %mul3A_2525, %mul3A_2522 : f32
      %sub3A_2527 = arith.constant 1.500000e+00 : f32
      %sub3A_2528 = arith.subf %sub3A_2527, %mul3A_2526 : f32
      %mul3A_2529 = arith.mulf %mul3A_2522, %sub3A_2528 : f32
      %mul3A_2530 = arith.mulf %reduce_sum3A_2498, %mul3A_2529 : f32
      %add3A_2531 = arith.constant 0 : i32
      %add3A_2532 = arith.addi %add3A_2327, %add3A_2531 : i32
      %add3A_2533 = arith.constant 3 : i32
      %add3A_2534 = arith.addi %add3A_2532, %add3A_2533 : i32
      %gt3A_2535 = arith.cmpf ogt, %mul3A_2530, %select_n3A_2493 : f32
      %select_n3A_2536 = arith.select %gt3A_2535, %mul3A_2530, %select_n3A_2493 : f32
      %select_n3A_2537 = arith.select %gt3A_2535, %add3A_2534, %select_n3A_2494 : i32
      %reduce_sum3A_2538 = arith.constant true
      %reduce_sum3A_2539 = vector.broadcast %reduce_sum3A_2538 : i1 to vector<16xi1>
      %reduce_sum3A_2540 = tpu.scan <sum>, %scan3A_2364#4 masked %reduce_sum3A_2539 : vector<16xf32>, vector<16xi1> -> vector<16xf32>
      %reduce_sum3A_2541 = vector.extract %reduce_sum3A_2540[15] : f32 from vector<16xf32>
      %reduce_sum3A_2542 = arith.constant true
      %reduce_sum3A_2543 = vector.broadcast %reduce_sum3A_2542 : i1 to vector<16xi1>
      %reduce_sum3A_2544 = tpu.scan <sum>, %scan3A_2364#20 masked %reduce_sum3A_2543 : vector<16xf32>, vector<16xi1> -> vector<16xf32>
      %reduce_sum3A_2545 = vector.extract %reduce_sum3A_2544[15] : f32 from vector<16xf32>
      %bitcast_convert_type3A_2546 = arith.bitcast %reduce_sum3A_2545 : f32 to i32
      %shift_right_logical3A_2547 = arith.constant 1 : i32
      %shift_right_logical3A_2548 = arith.shrui %bitcast_convert_type3A_2546, %shift_right_logical3A_2547 : i32
      %sub3A_2549 = arith.constant 1597463007 : i32
      %sub3A_2550 = arith.subi %sub3A_2549, %shift_right_logical3A_2548 : i32
      %bitcast_convert_type3A_2551 = arith.bitcast %sub3A_2550 : i32 to f32
      %mul3A_2552 = arith.constant 5.000000e-01 : f32
      %mul3A_2553 = arith.mulf %mul3A_2552, %reduce_sum3A_2545 : f32
      %mul3A_2554 = arith.mulf %mul3A_2553, %bitcast_convert_type3A_2551 : f32
      %mul3A_2555 = arith.mulf %mul3A_2554, %bitcast_convert_type3A_2551 : f32
      %sub3A_2556 = arith.constant 1.500000e+00 : f32
      %sub3A_2557 = arith.subf %sub3A_2556, %mul3A_2555 : f32
      %mul3A_2558 = arith.mulf %bitcast_convert_type3A_2551, %sub3A_2557 : f32
      %mul3A_2559 = arith.constant 5.000000e-01 : f32
      %mul3A_2560 = arith.mulf %mul3A_2559, %reduce_sum3A_2545 : f32
      %mul3A_2561 = arith.mulf %mul3A_2560, %mul3A_2558 : f32
      %mul3A_2562 = arith.mulf %mul3A_2561, %mul3A_2558 : f32
      %sub3A_2563 = arith.constant 1.500000e+00 : f32
      %sub3A_2564 = arith.subf %sub3A_2563, %mul3A_2562 : f32
      %mul3A_2565 = arith.mulf %mul3A_2558, %sub3A_2564 : f32
      %mul3A_2566 = arith.constant 5.000000e-01 : f32
      %mul3A_2567 = arith.mulf %mul3A_2566, %reduce_sum3A_2545 : f32
      %mul3A_2568 = arith.mulf %mul3A_2567, %mul3A_2565 : f32
      %mul3A_2569 = arith.mulf %mul3A_2568, %mul3A_2565 : f32
      %sub3A_2570 = arith.constant 1.500000e+00 : f32
      %sub3A_2571 = arith.subf %sub3A_2570, %mul3A_2569 : f32
      %mul3A_2572 = arith.mulf %mul3A_2565, %sub3A_2571 : f32
      %mul3A_2573 = arith.mulf %reduce_sum3A_2541, %mul3A_2572 : f32
      %add3A_2574 = arith.constant 0 : i32
      %add3A_2575 = arith.addi %add3A_2327, %add3A_2574 : i32
      %add3A_2576 = arith.constant 4 : i32
      %add3A_2577 = arith.addi %add3A_2575, %add3A_2576 : i32
      %gt3A_2578 = arith.cmpf ogt, %mul3A_2573, %select_n3A_2536 : f32
      %select_n3A_2579 = arith.select %gt3A_2578, %mul3A_2573, %select_n3A_2536 : f32
      %select_n3A_2580 = arith.select %gt3A_2578, %add3A_2577, %select_n3A_2537 : i32
      %reduce_sum3A_2581 = arith.constant true
      %reduce_sum3A_2582 = vector.broadcast %reduce_sum3A_2581 : i1 to vector<16xi1>
      %reduce_sum3A_2583 = tpu.scan <sum>, %scan3A_2364#5 masked %reduce_sum3A_2582 : vector<16xf32>, vector<16xi1> -> vector<16xf32>
      %reduce_sum3A_2584 = vector.extract %reduce_sum3A_2583[15] : f32 from vector<16xf32>
      %reduce_sum3A_2585 = arith.constant true
      %reduce_sum3A_2586 = vector.broadcast %reduce_sum3A_2585 : i1 to vector<16xi1>
      %reduce_sum3A_2587 = tpu.scan <sum>, %scan3A_2364#21 masked %reduce_sum3A_2586 : vector<16xf32>, vector<16xi1> -> vector<16xf32>
      %reduce_sum3A_2588 = vector.extract %reduce_sum3A_2587[15] : f32 from vector<16xf32>
      %bitcast_convert_type3A_2589 = arith.bitcast %reduce_sum3A_2588 : f32 to i32
      %shift_right_logical3A_2590 = arith.constant 1 : i32
      %shift_right_logical3A_2591 = arith.shrui %bitcast_convert_type3A_2589, %shift_right_logical3A_2590 : i32
      %sub3A_2592 = arith.constant 1597463007 : i32
      %sub3A_2593 = arith.subi %sub3A_2592, %shift_right_logical3A_2591 : i32
      %bitcast_convert_type3A_2594 = arith.bitcast %sub3A_2593 : i32 to f32
      %mul3A_2595 = arith.constant 5.000000e-01 : f32
      %mul3A_2596 = arith.mulf %mul3A_2595, %reduce_sum3A_2588 : f32
      %mul3A_2597 = arith.mulf %mul3A_2596, %bitcast_convert_type3A_2594 : f32
      %mul3A_2598 = arith.mulf %mul3A_2597, %bitcast_convert_type3A_2594 : f32
      %sub3A_2599 = arith.constant 1.500000e+00 : f32
      %sub3A_2600 = arith.subf %sub3A_2599, %mul3A_2598 : f32
      %mul3A_2601 = arith.mulf %bitcast_convert_type3A_2594, %sub3A_2600 : f32
      %mul3A_2602 = arith.constant 5.000000e-01 : f32
      %mul3A_2603 = arith.mulf %mul3A_2602, %reduce_sum3A_2588 : f32
      %mul3A_2604 = arith.mulf %mul3A_2603, %mul3A_2601 : f32
      %mul3A_2605 = arith.mulf %mul3A_2604, %mul3A_2601 : f32
      %sub3A_2606 = arith.constant 1.500000e+00 : f32
      %sub3A_2607 = arith.subf %sub3A_2606, %mul3A_2605 : f32
      %mul3A_2608 = arith.mulf %mul3A_2601, %sub3A_2607 : f32
      %mul3A_2609 = arith.constant 5.000000e-01 : f32
      %mul3A_2610 = arith.mulf %mul3A_2609, %reduce_sum3A_2588 : f32
      %mul3A_2611 = arith.mulf %mul3A_2610, %mul3A_2608 : f32
      %mul3A_2612 = arith.mulf %mul3A_2611, %mul3A_2608 : f32
      %sub3A_2613 = arith.constant 1.500000e+00 : f32
      %sub3A_2614 = arith.subf %sub3A_2613, %mul3A_2612 : f32
      %mul3A_2615 = arith.mulf %mul3A_2608, %sub3A_2614 : f32
      %mul3A_2616 = arith.mulf %reduce_sum3A_2584, %mul3A_2615 : f32
      %add3A_2617 = arith.constant 0 : i32
      %add3A_2618 = arith.addi %add3A_2327, %add3A_2617 : i32
      %add3A_2619 = arith.constant 5 : i32
      %add3A_2620 = arith.addi %add3A_2618, %add3A_2619 : i32
      %gt3A_2621 = arith.cmpf ogt, %mul3A_2616, %select_n3A_2579 : f32
      %select_n3A_2622 = arith.select %gt3A_2621, %mul3A_2616, %select_n3A_2579 : f32
      %select_n3A_2623 = arith.select %gt3A_2621, %add3A_2620, %select_n3A_2580 : i32
      %reduce_sum3A_2624 = arith.constant true
      %reduce_sum3A_2625 = vector.broadcast %reduce_sum3A_2624 : i1 to vector<16xi1>
      %reduce_sum3A_2626 = tpu.scan <sum>, %scan3A_2364#6 masked %reduce_sum3A_2625 : vector<16xf32>, vector<16xi1> -> vector<16xf32>
      %reduce_sum3A_2627 = vector.extract %reduce_sum3A_2626[15] : f32 from vector<16xf32>
      %reduce_sum3A_2628 = arith.constant true
      %reduce_sum3A_2629 = vector.broadcast %reduce_sum3A_2628 : i1 to vector<16xi1>
      %reduce_sum3A_2630 = tpu.scan <sum>, %scan3A_2364#22 masked %reduce_sum3A_2629 : vector<16xf32>, vector<16xi1> -> vector<16xf32>
      %reduce_sum3A_2631 = vector.extract %reduce_sum3A_2630[15] : f32 from vector<16xf32>
      %bitcast_convert_type3A_2632 = arith.bitcast %reduce_sum3A_2631 : f32 to i32
      %shift_right_logical3A_2633 = arith.constant 1 : i32
      %shift_right_logical3A_2634 = arith.shrui %bitcast_convert_type3A_2632, %shift_right_logical3A_2633 : i32
      %sub3A_2635 = arith.constant 1597463007 : i32
      %sub3A_2636 = arith.subi %sub3A_2635, %shift_right_logical3A_2634 : i32
      %bitcast_convert_type3A_2637 = arith.bitcast %sub3A_2636 : i32 to f32
      %mul3A_2638 = arith.constant 5.000000e-01 : f32
      %mul3A_2639 = arith.mulf %mul3A_2638, %reduce_sum3A_2631 : f32
      %mul3A_2640 = arith.mulf %mul3A_2639, %bitcast_convert_type3A_2637 : f32
      %mul3A_2641 = arith.mulf %mul3A_2640, %bitcast_convert_type3A_2637 : f32
      %sub3A_2642 = arith.constant 1.500000e+00 : f32
      %sub3A_2643 = arith.subf %sub3A_2642, %mul3A_2641 : f32
      %mul3A_2644 = arith.mulf %bitcast_convert_type3A_2637, %sub3A_2643 : f32
      %mul3A_2645 = arith.constant 5.000000e-01 : f32
      %mul3A_2646 = arith.mulf %mul3A_2645, %reduce_sum3A_2631 : f32
      %mul3A_2647 = arith.mulf %mul3A_2646, %mul3A_2644 : f32
      %mul3A_2648 = arith.mulf %mul3A_2647, %mul3A_2644 : f32
      %sub3A_2649 = arith.constant 1.500000e+00 : f32
      %sub3A_2650 = arith.subf %sub3A_2649, %mul3A_2648 : f32
      %mul3A_2651 = arith.mulf %mul3A_2644, %sub3A_2650 : f32
      %mul3A_2652 = arith.constant 5.000000e-01 : f32
      %mul3A_2653 = arith.mulf %mul3A_2652, %reduce_sum3A_2631 : f32
      %mul3A_2654 = arith.mulf %mul3A_2653, %mul3A_2651 : f32
      %mul3A_2655 = arith.mulf %mul3A_2654, %mul3A_2651 : f32
      %sub3A_2656 = arith.constant 1.500000e+00 : f32
      %sub3A_2657 = arith.subf %sub3A_2656, %mul3A_2655 : f32
      %mul3A_2658 = arith.mulf %mul3A_2651, %sub3A_2657 : f32
      %mul3A_2659 = arith.mulf %reduce_sum3A_2627, %mul3A_2658 : f32
      %add3A_2660 = arith.constant 0 : i32
      %add3A_2661 = arith.addi %add3A_2327, %add3A_2660 : i32
      %add3A_2662 = arith.constant 6 : i32
      %add3A_2663 = arith.addi %add3A_2661, %add3A_2662 : i32
      %gt3A_2664 = arith.cmpf ogt, %mul3A_2659, %select_n3A_2622 : f32
      %select_n3A_2665 = arith.select %gt3A_2664, %mul3A_2659, %select_n3A_2622 : f32
      %select_n3A_2666 = arith.select %gt3A_2664, %add3A_2663, %select_n3A_2623 : i32
      %reduce_sum3A_2667 = arith.constant true
      %reduce_sum3A_2668 = vector.broadcast %reduce_sum3A_2667 : i1 to vector<16xi1>
      %reduce_sum3A_2669 = tpu.scan <sum>, %scan3A_2364#7 masked %reduce_sum3A_2668 : vector<16xf32>, vector<16xi1> -> vector<16xf32>
      %reduce_sum3A_2670 = vector.extract %reduce_sum3A_2669[15] : f32 from vector<16xf32>
      %reduce_sum3A_2671 = arith.constant true
      %reduce_sum3A_2672 = vector.broadcast %reduce_sum3A_2671 : i1 to vector<16xi1>
      %reduce_sum3A_2673 = tpu.scan <sum>, %scan3A_2364#23 masked %reduce_sum3A_2672 : vector<16xf32>, vector<16xi1> -> vector<16xf32>
      %reduce_sum3A_2674 = vector.extract %reduce_sum3A_2673[15] : f32 from vector<16xf32>
      %bitcast_convert_type3A_2675 = arith.bitcast %reduce_sum3A_2674 : f32 to i32
      %shift_right_logical3A_2676 = arith.constant 1 : i32
      %shift_right_logical3A_2677 = arith.shrui %bitcast_convert_type3A_2675, %shift_right_logical3A_2676 : i32
      %sub3A_2678 = arith.constant 1597463007 : i32
      %sub3A_2679 = arith.subi %sub3A_2678, %shift_right_logical3A_2677 : i32
      %bitcast_convert_type3A_2680 = arith.bitcast %sub3A_2679 : i32 to f32
      %mul3A_2681 = arith.constant 5.000000e-01 : f32
      %mul3A_2682 = arith.mulf %mul3A_2681, %reduce_sum3A_2674 : f32
      %mul3A_2683 = arith.mulf %mul3A_2682, %bitcast_convert_type3A_2680 : f32
      %mul3A_2684 = arith.mulf %mul3A_2683, %bitcast_convert_type3A_2680 : f32
      %sub3A_2685 = arith.constant 1.500000e+00 : f32
      %sub3A_2686 = arith.subf %sub3A_2685, %mul3A_2684 : f32
      %mul3A_2687 = arith.mulf %bitcast_convert_type3A_2680, %sub3A_2686 : f32
      %mul3A_2688 = arith.constant 5.000000e-01 : f32
      %mul3A_2689 = arith.mulf %mul3A_2688, %reduce_sum3A_2674 : f32
      %mul3A_2690 = arith.mulf %mul3A_2689, %mul3A_2687 : f32
      %mul3A_2691 = arith.mulf %mul3A_2690, %mul3A_2687 : f32
      %sub3A_2692 = arith.constant 1.500000e+00 : f32
      %sub3A_2693 = arith.subf %sub3A_2692, %mul3A_2691 : f32
      %mul3A_2694 = arith.mulf %mul3A_2687, %sub3A_2693 : f32
      %mul3A_2695 = arith.constant 5.000000e-01 : f32
      %mul3A_2696 = arith.mulf %mul3A_2695, %reduce_sum3A_2674 : f32
      %mul3A_2697 = arith.mulf %mul3A_2696, %mul3A_2694 : f32
      %mul3A_2698 = arith.mulf %mul3A_2697, %mul3A_2694 : f32
      %sub3A_2699 = arith.constant 1.500000e+00 : f32
      %sub3A_2700 = arith.subf %sub3A_2699, %mul3A_2698 : f32
      %mul3A_2701 = arith.mulf %mul3A_2694, %sub3A_2700 : f32
      %mul3A_2702 = arith.mulf %reduce_sum3A_2670, %mul3A_2701 : f32
      %add3A_2703 = arith.constant 0 : i32
      %add3A_2704 = arith.addi %add3A_2327, %add3A_2703 : i32
      %add3A_2705 = arith.constant 7 : i32
      %add3A_2706 = arith.addi %add3A_2704, %add3A_2705 : i32
      %gt3A_2707 = arith.cmpf ogt, %mul3A_2702, %select_n3A_2665 : f32
      %select_n3A_2708 = arith.select %gt3A_2707, %mul3A_2702, %select_n3A_2665 : f32
      %select_n3A_2709 = arith.select %gt3A_2707, %add3A_2706, %select_n3A_2666 : i32
      %reduce_sum3A_2710 = arith.constant true
      %reduce_sum3A_2711 = vector.broadcast %reduce_sum3A_2710 : i1 to vector<16xi1>
      %reduce_sum3A_2712 = tpu.scan <sum>, %scan3A_2364#8 masked %reduce_sum3A_2711 : vector<16xf32>, vector<16xi1> -> vector<16xf32>
      %reduce_sum3A_2713 = vector.extract %reduce_sum3A_2712[15] : f32 from vector<16xf32>
      %reduce_sum3A_2714 = arith.constant true
      %reduce_sum3A_2715 = vector.broadcast %reduce_sum3A_2714 : i1 to vector<16xi1>
      %reduce_sum3A_2716 = tpu.scan <sum>, %scan3A_2364#24 masked %reduce_sum3A_2715 : vector<16xf32>, vector<16xi1> -> vector<16xf32>
      %reduce_sum3A_2717 = vector.extract %reduce_sum3A_2716[15] : f32 from vector<16xf32>
      %bitcast_convert_type3A_2718 = arith.bitcast %reduce_sum3A_2717 : f32 to i32
      %shift_right_logical3A_2719 = arith.constant 1 : i32
      %shift_right_logical3A_2720 = arith.shrui %bitcast_convert_type3A_2718, %shift_right_logical3A_2719 : i32
      %sub3A_2721 = arith.constant 1597463007 : i32
      %sub3A_2722 = arith.subi %sub3A_2721, %shift_right_logical3A_2720 : i32
      %bitcast_convert_type3A_2723 = arith.bitcast %sub3A_2722 : i32 to f32
      %mul3A_2724 = arith.constant 5.000000e-01 : f32
      %mul3A_2725 = arith.mulf %mul3A_2724, %reduce_sum3A_2717 : f32
      %mul3A_2726 = arith.mulf %mul3A_2725, %bitcast_convert_type3A_2723 : f32
      %mul3A_2727 = arith.mulf %mul3A_2726, %bitcast_convert_type3A_2723 : f32
      %sub3A_2728 = arith.constant 1.500000e+00 : f32
      %sub3A_2729 = arith.subf %sub3A_2728, %mul3A_2727 : f32
      %mul3A_2730 = arith.mulf %bitcast_convert_type3A_2723, %sub3A_2729 : f32
      %mul3A_2731 = arith.constant 5.000000e-01 : f32
      %mul3A_2732 = arith.mulf %mul3A_2731, %reduce_sum3A_2717 : f32
      %mul3A_2733 = arith.mulf %mul3A_2732, %mul3A_2730 : f32
      %mul3A_2734 = arith.mulf %mul3A_2733, %mul3A_2730 : f32
      %sub3A_2735 = arith.constant 1.500000e+00 : f32
      %sub3A_2736 = arith.subf %sub3A_2735, %mul3A_2734 : f32
      %mul3A_2737 = arith.mulf %mul3A_2730, %sub3A_2736 : f32
      %mul3A_2738 = arith.constant 5.000000e-01 : f32
      %mul3A_2739 = arith.mulf %mul3A_2738, %reduce_sum3A_2717 : f32
      %mul3A_2740 = arith.mulf %mul3A_2739, %mul3A_2737 : f32
      %mul3A_2741 = arith.mulf %mul3A_2740, %mul3A_2737 : f32
      %sub3A_2742 = arith.constant 1.500000e+00 : f32
      %sub3A_2743 = arith.subf %sub3A_2742, %mul3A_2741 : f32
      %mul3A_2744 = arith.mulf %mul3A_2737, %sub3A_2743 : f32
      %mul3A_2745 = arith.mulf %reduce_sum3A_2713, %mul3A_2744 : f32
      %add3A_2746 = arith.constant 0 : i32
      %add3A_2747 = arith.addi %add3A_2327, %add3A_2746 : i32
      %add3A_2748 = arith.constant 8 : i32
      %add3A_2749 = arith.addi %add3A_2747, %add3A_2748 : i32
      %gt3A_2750 = arith.cmpf ogt, %mul3A_2745, %select_n3A_2708 : f32
      %select_n3A_2751 = arith.select %gt3A_2750, %mul3A_2745, %select_n3A_2708 : f32
      %select_n3A_2752 = arith.select %gt3A_2750, %add3A_2749, %select_n3A_2709 : i32
      %reduce_sum3A_2753 = arith.constant true
      %reduce_sum3A_2754 = vector.broadcast %reduce_sum3A_2753 : i1 to vector<16xi1>
      %reduce_sum3A_2755 = tpu.scan <sum>, %scan3A_2364#9 masked %reduce_sum3A_2754 : vector<16xf32>, vector<16xi1> -> vector<16xf32>
      %reduce_sum3A_2756 = vector.extract %reduce_sum3A_2755[15] : f32 from vector<16xf32>
      %reduce_sum3A_2757 = arith.constant true
      %reduce_sum3A_2758 = vector.broadcast %reduce_sum3A_2757 : i1 to vector<16xi1>
      %reduce_sum3A_2759 = tpu.scan <sum>, %scan3A_2364#25 masked %reduce_sum3A_2758 : vector<16xf32>, vector<16xi1> -> vector<16xf32>
      %reduce_sum3A_2760 = vector.extract %reduce_sum3A_2759[15] : f32 from vector<16xf32>
      %bitcast_convert_type3A_2761 = arith.bitcast %reduce_sum3A_2760 : f32 to i32
      %shift_right_logical3A_2762 = arith.constant 1 : i32
      %shift_right_logical3A_2763 = arith.shrui %bitcast_convert_type3A_2761, %shift_right_logical3A_2762 : i32
      %sub3A_2764 = arith.constant 1597463007 : i32
      %sub3A_2765 = arith.subi %sub3A_2764, %shift_right_logical3A_2763 : i32
      %bitcast_convert_type3A_2766 = arith.bitcast %sub3A_2765 : i32 to f32
      %mul3A_2767 = arith.constant 5.000000e-01 : f32
      %mul3A_2768 = arith.mulf %mul3A_2767, %reduce_sum3A_2760 : f32
      %mul3A_2769 = arith.mulf %mul3A_2768, %bitcast_convert_type3A_2766 : f32
      %mul3A_2770 = arith.mulf %mul3A_2769, %bitcast_convert_type3A_2766 : f32
      %sub3A_2771 = arith.constant 1.500000e+00 : f32
      %sub3A_2772 = arith.subf %sub3A_2771, %mul3A_2770 : f32
      %mul3A_2773 = arith.mulf %bitcast_convert_type3A_2766, %sub3A_2772 : f32
      %mul3A_2774 = arith.constant 5.000000e-01 : f32
      %mul3A_2775 = arith.mulf %mul3A_2774, %reduce_sum3A_2760 : f32
      %mul3A_2776 = arith.mulf %mul3A_2775, %mul3A_2773 : f32
      %mul3A_2777 = arith.mulf %mul3A_2776, %mul3A_2773 : f32
      %sub3A_2778 = arith.constant 1.500000e+00 : f32
      %sub3A_2779 = arith.subf %sub3A_2778, %mul3A_2777 : f32
      %mul3A_2780 = arith.mulf %mul3A_2773, %sub3A_2779 : f32
      %mul3A_2781 = arith.constant 5.000000e-01 : f32
      %mul3A_2782 = arith.mulf %mul3A_2781, %reduce_sum3A_2760 : f32
      %mul3A_2783 = arith.mulf %mul3A_2782, %mul3A_2780 : f32
      %mul3A_2784 = arith.mulf %mul3A_2783, %mul3A_2780 : f32
      %sub3A_2785 = arith.constant 1.500000e+00 : f32
      %sub3A_2786 = arith.subf %sub3A_2785, %mul3A_2784 : f32
      %mul3A_2787 = arith.mulf %mul3A_2780, %sub3A_2786 : f32
      %mul3A_2788 = arith.mulf %reduce_sum3A_2756, %mul3A_2787 : f32
      %add3A_2789 = arith.constant 0 : i32
      %add3A_2790 = arith.addi %add3A_2327, %add3A_2789 : i32
      %add3A_2791 = arith.constant 9 : i32
      %add3A_2792 = arith.addi %add3A_2790, %add3A_2791 : i32
      %gt3A_2793 = arith.cmpf ogt, %mul3A_2788, %select_n3A_2751 : f32
      %select_n3A_2794 = arith.select %gt3A_2793, %mul3A_2788, %select_n3A_2751 : f32
      %select_n3A_2795 = arith.select %gt3A_2793, %add3A_2792, %select_n3A_2752 : i32
      %reduce_sum3A_2796 = arith.constant true
      %reduce_sum3A_2797 = vector.broadcast %reduce_sum3A_2796 : i1 to vector<16xi1>
      %reduce_sum3A_2798 = tpu.scan <sum>, %scan3A_2364#10 masked %reduce_sum3A_2797 : vector<16xf32>, vector<16xi1> -> vector<16xf32>
      %reduce_sum3A_2799 = vector.extract %reduce_sum3A_2798[15] : f32 from vector<16xf32>
      %reduce_sum3A_2800 = arith.constant true
      %reduce_sum3A_2801 = vector.broadcast %reduce_sum3A_2800 : i1 to vector<16xi1>
      %reduce_sum3A_2802 = tpu.scan <sum>, %scan3A_2364#26 masked %reduce_sum3A_2801 : vector<16xf32>, vector<16xi1> -> vector<16xf32>
      %reduce_sum3A_2803 = vector.extract %reduce_sum3A_2802[15] : f32 from vector<16xf32>
      %bitcast_convert_type3A_2804 = arith.bitcast %reduce_sum3A_2803 : f32 to i32
      %shift_right_logical3A_2805 = arith.constant 1 : i32
      %shift_right_logical3A_2806 = arith.shrui %bitcast_convert_type3A_2804, %shift_right_logical3A_2805 : i32
      %sub3A_2807 = arith.constant 1597463007 : i32
      %sub3A_2808 = arith.subi %sub3A_2807, %shift_right_logical3A_2806 : i32
      %bitcast_convert_type3A_2809 = arith.bitcast %sub3A_2808 : i32 to f32
      %mul3A_2810 = arith.constant 5.000000e-01 : f32
      %mul3A_2811 = arith.mulf %mul3A_2810, %reduce_sum3A_2803 : f32
      %mul3A_2812 = arith.mulf %mul3A_2811, %bitcast_convert_type3A_2809 : f32
      %mul3A_2813 = arith.mulf %mul3A_2812, %bitcast_convert_type3A_2809 : f32
      %sub3A_2814 = arith.constant 1.500000e+00 : f32
      %sub3A_2815 = arith.subf %sub3A_2814, %mul3A_2813 : f32
      %mul3A_2816 = arith.mulf %bitcast_convert_type3A_2809, %sub3A_2815 : f32
      %mul3A_2817 = arith.constant 5.000000e-01 : f32
      %mul3A_2818 = arith.mulf %mul3A_2817, %reduce_sum3A_2803 : f32
      %mul3A_2819 = arith.mulf %mul3A_2818, %mul3A_2816 : f32
      %mul3A_2820 = arith.mulf %mul3A_2819, %mul3A_2816 : f32
      %sub3A_2821 = arith.constant 1.500000e+00 : f32
      %sub3A_2822 = arith.subf %sub3A_2821, %mul3A_2820 : f32
      %mul3A_2823 = arith.mulf %mul3A_2816, %sub3A_2822 : f32
      %mul3A_2824 = arith.constant 5.000000e-01 : f32
      %mul3A_2825 = arith.mulf %mul3A_2824, %reduce_sum3A_2803 : f32
      %mul3A_2826 = arith.mulf %mul3A_2825, %mul3A_2823 : f32
      %mul3A_2827 = arith.mulf %mul3A_2826, %mul3A_2823 : f32
      %sub3A_2828 = arith.constant 1.500000e+00 : f32
      %sub3A_2829 = arith.subf %sub3A_2828, %mul3A_2827 : f32
      %mul3A_2830 = arith.mulf %mul3A_2823, %sub3A_2829 : f32
      %mul3A_2831 = arith.mulf %reduce_sum3A_2799, %mul3A_2830 : f32
      %add3A_2832 = arith.constant 0 : i32
      %add3A_2833 = arith.addi %add3A_2327, %add3A_2832 : i32
      %add3A_2834 = arith.constant 10 : i32
      %add3A_2835 = arith.addi %add3A_2833, %add3A_2834 : i32
      %gt3A_2836 = arith.cmpf ogt, %mul3A_2831, %select_n3A_2794 : f32
      %select_n3A_2837 = arith.select %gt3A_2836, %mul3A_2831, %select_n3A_2794 : f32
      %select_n3A_2838 = arith.select %gt3A_2836, %add3A_2835, %select_n3A_2795 : i32
      %reduce_sum3A_2839 = arith.constant true
      %reduce_sum3A_2840 = vector.broadcast %reduce_sum3A_2839 : i1 to vector<16xi1>
      %reduce_sum3A_2841 = tpu.scan <sum>, %scan3A_2364#11 masked %reduce_sum3A_2840 : vector<16xf32>, vector<16xi1> -> vector<16xf32>
      %reduce_sum3A_2842 = vector.extract %reduce_sum3A_2841[15] : f32 from vector<16xf32>
      %reduce_sum3A_2843 = arith.constant true
      %reduce_sum3A_2844 = vector.broadcast %reduce_sum3A_2843 : i1 to vector<16xi1>
      %reduce_sum3A_2845 = tpu.scan <sum>, %scan3A_2364#27 masked %reduce_sum3A_2844 : vector<16xf32>, vector<16xi1> -> vector<16xf32>
      %reduce_sum3A_2846 = vector.extract %reduce_sum3A_2845[15] : f32 from vector<16xf32>
      %bitcast_convert_type3A_2847 = arith.bitcast %reduce_sum3A_2846 : f32 to i32
      %shift_right_logical3A_2848 = arith.constant 1 : i32
      %shift_right_logical3A_2849 = arith.shrui %bitcast_convert_type3A_2847, %shift_right_logical3A_2848 : i32
      %sub3A_2850 = arith.constant 1597463007 : i32
      %sub3A_2851 = arith.subi %sub3A_2850, %shift_right_logical3A_2849 : i32
      %bitcast_convert_type3A_2852 = arith.bitcast %sub3A_2851 : i32 to f32
      %mul3A_2853 = arith.constant 5.000000e-01 : f32
      %mul3A_2854 = arith.mulf %mul3A_2853, %reduce_sum3A_2846 : f32
      %mul3A_2855 = arith.mulf %mul3A_2854, %bitcast_convert_type3A_2852 : f32
      %mul3A_2856 = arith.mulf %mul3A_2855, %bitcast_convert_type3A_2852 : f32
      %sub3A_2857 = arith.constant 1.500000e+00 : f32
      %sub3A_2858 = arith.subf %sub3A_2857, %mul3A_2856 : f32
      %mul3A_2859 = arith.mulf %bitcast_convert_type3A_2852, %sub3A_2858 : f32
      %mul3A_2860 = arith.constant 5.000000e-01 : f32
      %mul3A_2861 = arith.mulf %mul3A_2860, %reduce_sum3A_2846 : f32
      %mul3A_2862 = arith.mulf %mul3A_2861, %mul3A_2859 : f32
      %mul3A_2863 = arith.mulf %mul3A_2862, %mul3A_2859 : f32
      %sub3A_2864 = arith.constant 1.500000e+00 : f32
      %sub3A_2865 = arith.subf %sub3A_2864, %mul3A_2863 : f32
      %mul3A_2866 = arith.mulf %mul3A_2859, %sub3A_2865 : f32
      %mul3A_2867 = arith.constant 5.000000e-01 : f32
      %mul3A_2868 = arith.mulf %mul3A_2867, %reduce_sum3A_2846 : f32
      %mul3A_2869 = arith.mulf %mul3A_2868, %mul3A_2866 : f32
      %mul3A_2870 = arith.mulf %mul3A_2869, %mul3A_2866 : f32
      %sub3A_2871 = arith.constant 1.500000e+00 : f32
      %sub3A_2872 = arith.subf %sub3A_2871, %mul3A_2870 : f32
      %mul3A_2873 = arith.mulf %mul3A_2866, %sub3A_2872 : f32
      %mul3A_2874 = arith.mulf %reduce_sum3A_2842, %mul3A_2873 : f32
      %add3A_2875 = arith.constant 0 : i32
      %add3A_2876 = arith.addi %add3A_2327, %add3A_2875 : i32
      %add3A_2877 = arith.constant 11 : i32
      %add3A_2878 = arith.addi %add3A_2876, %add3A_2877 : i32
      %gt3A_2879 = arith.cmpf ogt, %mul3A_2874, %select_n3A_2837 : f32
      %select_n3A_2880 = arith.select %gt3A_2879, %mul3A_2874, %select_n3A_2837 : f32
      %select_n3A_2881 = arith.select %gt3A_2879, %add3A_2878, %select_n3A_2838 : i32
      %reduce_sum3A_2882 = arith.constant true
      %reduce_sum3A_2883 = vector.broadcast %reduce_sum3A_2882 : i1 to vector<16xi1>
      %reduce_sum3A_2884 = tpu.scan <sum>, %scan3A_2364#12 masked %reduce_sum3A_2883 : vector<16xf32>, vector<16xi1> -> vector<16xf32>
      %reduce_sum3A_2885 = vector.extract %reduce_sum3A_2884[15] : f32 from vector<16xf32>
      %reduce_sum3A_2886 = arith.constant true
      %reduce_sum3A_2887 = vector.broadcast %reduce_sum3A_2886 : i1 to vector<16xi1>
      %reduce_sum3A_2888 = tpu.scan <sum>, %scan3A_2364#28 masked %reduce_sum3A_2887 : vector<16xf32>, vector<16xi1> -> vector<16xf32>
      %reduce_sum3A_2889 = vector.extract %reduce_sum3A_2888[15] : f32 from vector<16xf32>
      %bitcast_convert_type3A_2890 = arith.bitcast %reduce_sum3A_2889 : f32 to i32
      %shift_right_logical3A_2891 = arith.constant 1 : i32
      %shift_right_logical3A_2892 = arith.shrui %bitcast_convert_type3A_2890, %shift_right_logical3A_2891 : i32
      %sub3A_2893 = arith.constant 1597463007 : i32
      %sub3A_2894 = arith.subi %sub3A_2893, %shift_right_logical3A_2892 : i32
      %bitcast_convert_type3A_2895 = arith.bitcast %sub3A_2894 : i32 to f32
      %mul3A_2896 = arith.constant 5.000000e-01 : f32
      %mul3A_2897 = arith.mulf %mul3A_2896, %reduce_sum3A_2889 : f32
      %mul3A_2898 = arith.mulf %mul3A_2897, %bitcast_convert_type3A_2895 : f32
      %mul3A_2899 = arith.mulf %mul3A_2898, %bitcast_convert_type3A_2895 : f32
      %sub3A_2900 = arith.constant 1.500000e+00 : f32
      %sub3A_2901 = arith.subf %sub3A_2900, %mul3A_2899 : f32
      %mul3A_2902 = arith.mulf %bitcast_convert_type3A_2895, %sub3A_2901 : f32
      %mul3A_2903 = arith.constant 5.000000e-01 : f32
      %mul3A_2904 = arith.mulf %mul3A_2903, %reduce_sum3A_2889 : f32
      %mul3A_2905 = arith.mulf %mul3A_2904, %mul3A_2902 : f32
      %mul3A_2906 = arith.mulf %mul3A_2905, %mul3A_2902 : f32
      %sub3A_2907 = arith.constant 1.500000e+00 : f32
      %sub3A_2908 = arith.subf %sub3A_2907, %mul3A_2906 : f32
      %mul3A_2909 = arith.mulf %mul3A_2902, %sub3A_2908 : f32
      %mul3A_2910 = arith.constant 5.000000e-01 : f32
      %mul3A_2911 = arith.mulf %mul3A_2910, %reduce_sum3A_2889 : f32
      %mul3A_2912 = arith.mulf %mul3A_2911, %mul3A_2909 : f32
      %mul3A_2913 = arith.mulf %mul3A_2912, %mul3A_2909 : f32
      %sub3A_2914 = arith.constant 1.500000e+00 : f32
      %sub3A_2915 = arith.subf %sub3A_2914, %mul3A_2913 : f32
      %mul3A_2916 = arith.mulf %mul3A_2909, %sub3A_2915 : f32
      %mul3A_2917 = arith.mulf %reduce_sum3A_2885, %mul3A_2916 : f32
      %add3A_2918 = arith.constant 0 : i32
      %add3A_2919 = arith.addi %add3A_2327, %add3A_2918 : i32
      %add3A_2920 = arith.constant 12 : i32
      %add3A_2921 = arith.addi %add3A_2919, %add3A_2920 : i32
      %gt3A_2922 = arith.cmpf ogt, %mul3A_2917, %select_n3A_2880 : f32
      %select_n3A_2923 = arith.select %gt3A_2922, %mul3A_2917, %select_n3A_2880 : f32
      %select_n3A_2924 = arith.select %gt3A_2922, %add3A_2921, %select_n3A_2881 : i32
      %reduce_sum3A_2925 = arith.constant true
      %reduce_sum3A_2926 = vector.broadcast %reduce_sum3A_2925 : i1 to vector<16xi1>
      %reduce_sum3A_2927 = tpu.scan <sum>, %scan3A_2364#13 masked %reduce_sum3A_2926 : vector<16xf32>, vector<16xi1> -> vector<16xf32>
      %reduce_sum3A_2928 = vector.extract %reduce_sum3A_2927[15] : f32 from vector<16xf32>
      %reduce_sum3A_2929 = arith.constant true
      %reduce_sum3A_2930 = vector.broadcast %reduce_sum3A_2929 : i1 to vector<16xi1>
      %reduce_sum3A_2931 = tpu.scan <sum>, %scan3A_2364#29 masked %reduce_sum3A_2930 : vector<16xf32>, vector<16xi1> -> vector<16xf32>
      %reduce_sum3A_2932 = vector.extract %reduce_sum3A_2931[15] : f32 from vector<16xf32>
      %bitcast_convert_type3A_2933 = arith.bitcast %reduce_sum3A_2932 : f32 to i32
      %shift_right_logical3A_2934 = arith.constant 1 : i32
      %shift_right_logical3A_2935 = arith.shrui %bitcast_convert_type3A_2933, %shift_right_logical3A_2934 : i32
      %sub3A_2936 = arith.constant 1597463007 : i32
      %sub3A_2937 = arith.subi %sub3A_2936, %shift_right_logical3A_2935 : i32
      %bitcast_convert_type3A_2938 = arith.bitcast %sub3A_2937 : i32 to f32
      %mul3A_2939 = arith.constant 5.000000e-01 : f32
      %mul3A_2940 = arith.mulf %mul3A_2939, %reduce_sum3A_2932 : f32
      %mul3A_2941 = arith.mulf %mul3A_2940, %bitcast_convert_type3A_2938 : f32
      %mul3A_2942 = arith.mulf %mul3A_2941, %bitcast_convert_type3A_2938 : f32
      %sub3A_2943 = arith.constant 1.500000e+00 : f32
      %sub3A_2944 = arith.subf %sub3A_2943, %mul3A_2942 : f32
      %mul3A_2945 = arith.mulf %bitcast_convert_type3A_2938, %sub3A_2944 : f32
      %mul3A_2946 = arith.constant 5.000000e-01 : f32
      %mul3A_2947 = arith.mulf %mul3A_2946, %reduce_sum3A_2932 : f32
      %mul3A_2948 = arith.mulf %mul3A_2947, %mul3A_2945 : f32
      %mul3A_2949 = arith.mulf %mul3A_2948, %mul3A_2945 : f32
      %sub3A_2950 = arith.constant 1.500000e+00 : f32
      %sub3A_2951 = arith.subf %sub3A_2950, %mul3A_2949 : f32
      %mul3A_2952 = arith.mulf %mul3A_2945, %sub3A_2951 : f32
      %mul3A_2953 = arith.constant 5.000000e-01 : f32
      %mul3A_2954 = arith.mulf %mul3A_2953, %reduce_sum3A_2932 : f32
      %mul3A_2955 = arith.mulf %mul3A_2954, %mul3A_2952 : f32
      %mul3A_2956 = arith.mulf %mul3A_2955, %mul3A_2952 : f32
      %sub3A_2957 = arith.constant 1.500000e+00 : f32
      %sub3A_2958 = arith.subf %sub3A_2957, %mul3A_2956 : f32
      %mul3A_2959 = arith.mulf %mul3A_2952, %sub3A_2958 : f32
      %mul3A_2960 = arith.mulf %reduce_sum3A_2928, %mul3A_2959 : f32
      %add3A_2961 = arith.constant 0 : i32
      %add3A_2962 = arith.addi %add3A_2327, %add3A_2961 : i32
      %add3A_2963 = arith.constant 13 : i32
      %add3A_2964 = arith.addi %add3A_2962, %add3A_2963 : i32
      %gt3A_2965 = arith.cmpf ogt, %mul3A_2960, %select_n3A_2923 : f32
      %select_n3A_2966 = arith.select %gt3A_2965, %mul3A_2960, %select_n3A_2923 : f32
      %select_n3A_2967 = arith.select %gt3A_2965, %add3A_2964, %select_n3A_2924 : i32
      %reduce_sum3A_2968 = arith.constant true
      %reduce_sum3A_2969 = vector.broadcast %reduce_sum3A_2968 : i1 to vector<16xi1>
      %reduce_sum3A_2970 = tpu.scan <sum>, %scan3A_2364#14 masked %reduce_sum3A_2969 : vector<16xf32>, vector<16xi1> -> vector<16xf32>
      %reduce_sum3A_2971 = vector.extract %reduce_sum3A_2970[15] : f32 from vector<16xf32>
      %reduce_sum3A_2972 = arith.constant true
      %reduce_sum3A_2973 = vector.broadcast %reduce_sum3A_2972 : i1 to vector<16xi1>
      %reduce_sum3A_2974 = tpu.scan <sum>, %scan3A_2364#30 masked %reduce_sum3A_2973 : vector<16xf32>, vector<16xi1> -> vector<16xf32>
      %reduce_sum3A_2975 = vector.extract %reduce_sum3A_2974[15] : f32 from vector<16xf32>
      %bitcast_convert_type3A_2976 = arith.bitcast %reduce_sum3A_2975 : f32 to i32
      %shift_right_logical3A_2977 = arith.constant 1 : i32
      %shift_right_logical3A_2978 = arith.shrui %bitcast_convert_type3A_2976, %shift_right_logical3A_2977 : i32
      %sub3A_2979 = arith.constant 1597463007 : i32
      %sub3A_2980 = arith.subi %sub3A_2979, %shift_right_logical3A_2978 : i32
      %bitcast_convert_type3A_2981 = arith.bitcast %sub3A_2980 : i32 to f32
      %mul3A_2982 = arith.constant 5.000000e-01 : f32
      %mul3A_2983 = arith.mulf %mul3A_2982, %reduce_sum3A_2975 : f32
      %mul3A_2984 = arith.mulf %mul3A_2983, %bitcast_convert_type3A_2981 : f32
      %mul3A_2985 = arith.mulf %mul3A_2984, %bitcast_convert_type3A_2981 : f32
      %sub3A_2986 = arith.constant 1.500000e+00 : f32
      %sub3A_2987 = arith.subf %sub3A_2986, %mul3A_2985 : f32
      %mul3A_2988 = arith.mulf %bitcast_convert_type3A_2981, %sub3A_2987 : f32
      %mul3A_2989 = arith.constant 5.000000e-01 : f32
      %mul3A_2990 = arith.mulf %mul3A_2989, %reduce_sum3A_2975 : f32
      %mul3A_2991 = arith.mulf %mul3A_2990, %mul3A_2988 : f32
      %mul3A_2992 = arith.mulf %mul3A_2991, %mul3A_2988 : f32
      %sub3A_2993 = arith.constant 1.500000e+00 : f32
      %sub3A_2994 = arith.subf %sub3A_2993, %mul3A_2992 : f32
      %mul3A_2995 = arith.mulf %mul3A_2988, %sub3A_2994 : f32
      %mul3A_2996 = arith.constant 5.000000e-01 : f32
      %mul3A_2997 = arith.mulf %mul3A_2996, %reduce_sum3A_2975 : f32
      %mul3A_2998 = arith.mulf %mul3A_2997, %mul3A_2995 : f32
      %mul3A_2999 = arith.mulf %mul3A_2998, %mul3A_2995 : f32
      %sub3A_3000 = arith.constant 1.500000e+00 : f32
      %sub3A_3001 = arith.subf %sub3A_3000, %mul3A_2999 : f32
      %mul3A_3002 = arith.mulf %mul3A_2995, %sub3A_3001 : f32
      %mul3A_3003 = arith.mulf %reduce_sum3A_2971, %mul3A_3002 : f32
      %add3A_3004 = arith.constant 0 : i32
      %add3A_3005 = arith.addi %add3A_2327, %add3A_3004 : i32
      %add3A_3006 = arith.constant 14 : i32
      %add3A_3007 = arith.addi %add3A_3005, %add3A_3006 : i32
      %gt3A_3008 = arith.cmpf ogt, %mul3A_3003, %select_n3A_2966 : f32
      %select_n3A_3009 = arith.select %gt3A_3008, %mul3A_3003, %select_n3A_2966 : f32
      %select_n3A_3010 = arith.select %gt3A_3008, %add3A_3007, %select_n3A_2967 : i32
      %reduce_sum3A_3011 = arith.constant true
      %reduce_sum3A_3012 = vector.broadcast %reduce_sum3A_3011 : i1 to vector<16xi1>
      %reduce_sum3A_3013 = tpu.scan <sum>, %scan3A_2364#15 masked %reduce_sum3A_3012 : vector<16xf32>, vector<16xi1> -> vector<16xf32>
      %reduce_sum3A_3014 = vector.extract %reduce_sum3A_3013[15] : f32 from vector<16xf32>
      %reduce_sum3A_3015 = arith.constant true
      %reduce_sum3A_3016 = vector.broadcast %reduce_sum3A_3015 : i1 to vector<16xi1>
      %reduce_sum3A_3017 = tpu.scan <sum>, %scan3A_2364#31 masked %reduce_sum3A_3016 : vector<16xf32>, vector<16xi1> -> vector<16xf32>
      %reduce_sum3A_3018 = vector.extract %reduce_sum3A_3017[15] : f32 from vector<16xf32>
      %bitcast_convert_type3A_3019 = arith.bitcast %reduce_sum3A_3018 : f32 to i32
      %shift_right_logical3A_3020 = arith.constant 1 : i32
      %shift_right_logical3A_3021 = arith.shrui %bitcast_convert_type3A_3019, %shift_right_logical3A_3020 : i32
      %sub3A_3022 = arith.constant 1597463007 : i32
      %sub3A_3023 = arith.subi %sub3A_3022, %shift_right_logical3A_3021 : i32
      %bitcast_convert_type3A_3024 = arith.bitcast %sub3A_3023 : i32 to f32
      %mul3A_3025 = arith.constant 5.000000e-01 : f32
      %mul3A_3026 = arith.mulf %mul3A_3025, %reduce_sum3A_3018 : f32
      %mul3A_3027 = arith.mulf %mul3A_3026, %bitcast_convert_type3A_3024 : f32
      %mul3A_3028 = arith.mulf %mul3A_3027, %bitcast_convert_type3A_3024 : f32
      %sub3A_3029 = arith.constant 1.500000e+00 : f32
      %sub3A_3030 = arith.subf %sub3A_3029, %mul3A_3028 : f32
      %mul3A_3031 = arith.mulf %bitcast_convert_type3A_3024, %sub3A_3030 : f32
      %mul3A_3032 = arith.constant 5.000000e-01 : f32
      %mul3A_3033 = arith.mulf %mul3A_3032, %reduce_sum3A_3018 : f32
      %mul3A_3034 = arith.mulf %mul3A_3033, %mul3A_3031 : f32
      %mul3A_3035 = arith.mulf %mul3A_3034, %mul3A_3031 : f32
      %sub3A_3036 = arith.constant 1.500000e+00 : f32
      %sub3A_3037 = arith.subf %sub3A_3036, %mul3A_3035 : f32
      %mul3A_3038 = arith.mulf %mul3A_3031, %sub3A_3037 : f32
      %mul3A_3039 = arith.constant 5.000000e-01 : f32
      %mul3A_3040 = arith.mulf %mul3A_3039, %reduce_sum3A_3018 : f32
      %mul3A_3041 = arith.mulf %mul3A_3040, %mul3A_3038 : f32
      %mul3A_3042 = arith.mulf %mul3A_3041, %mul3A_3038 : f32
      %sub3A_3043 = arith.constant 1.500000e+00 : f32
      %sub3A_3044 = arith.subf %sub3A_3043, %mul3A_3042 : f32
      %mul3A_3045 = arith.mulf %mul3A_3038, %sub3A_3044 : f32
      %mul3A_3046 = arith.mulf %reduce_sum3A_3014, %mul3A_3045 : f32
      %add3A_3047 = arith.constant 0 : i32
      %add3A_3048 = arith.addi %add3A_2327, %add3A_3047 : i32
      %add3A_3049 = arith.constant 15 : i32
      %add3A_3050 = arith.addi %add3A_3048, %add3A_3049 : i32
      %gt3A_3051 = arith.cmpf ogt, %mul3A_3046, %select_n3A_3009 : f32
      %select_n3A_3052 = arith.select %gt3A_3051, %mul3A_3046, %select_n3A_3009 : f32
      %select_n3A_3053 = arith.select %gt3A_3051, %add3A_3050, %select_n3A_3010 : i32
      %mul3A_3054 = arith.constant 16 : i32
      %mul3A_3055 = arith.muli %add3A_2317, %mul3A_3054 : i32
      %add3A_3056 = arith.addi %mul3A_2, %mul3A_3055 : i32
      %dma_start3A_3057 = arith.constant 0 : i32
      %dma_start3A_3058 = tpu.memref_slice %arg4[%add3A_3056, %dma_start3A_3057] : memref<8192x1152xf32, #tpu.memory_space<hbm>> -> memref<16x1152xf32, #tpu.memory_space<hbm>>
      %dma_start3A_3059 = arith.constant 0 : i32
      %dma_start3A_3060 = tpu.memref_slice %arg4[%add3A_3056, %dma_start3A_3059] : memref<8192x1152xf32, #tpu.memory_space<hbm>> -> memref<16x1152xf32, #tpu.memory_space<hbm>>
      tpu.enqueue_dma source(%arg11 : memref<16x1152xf32, #tpu.memory_space<vmem>>) target(%dma_start3A_3060 : memref<16x1152xf32, #tpu.memory_space<hbm>>) target_semaphore(%arg21 : memref<!tpu.dma_semaphore, #tpu.memory_space<semaphore_mem>>)
      %add3A_3061 = arith.constant 2 : i32
      %add3A_3062 = arith.addi %add3A_2317, %add3A_3061 : i32
      %lt3A_3063 = arith.constant 16 : i32
      %lt3A_3064 = arith.cmpi slt, %add3A_3062, %lt3A_3063 : i32
      %convert_element_type3A_3065 = arith.extui %lt3A_3064 : i1 to i32
      %cond3A_3066 = arith.constant 0 : i32
      %cond3A_3067 = arith.cmpi ne, %convert_element_type3A_3065, %cond3A_3066 : i32
      scf.if %cond3A_3067 {
        %ge3A = arith.constant 2 : i32
        %ge3A_3068 = arith.cmpi sge, %add3A_2317, %ge3A : i32
        %convert_element_type3A_3069 = arith.extui %ge3A_3068 : i1 to i32
        %cond3A_3070 = arith.constant 0 : i32
        %cond3A_3071 = arith.cmpi ne, %convert_element_type3A_3069, %cond3A_3070 : i32
        scf.if %cond3A_3071 {
          %sub3A_3079 = arith.constant 2 : i32
          %sub3A_3080 = arith.subi %add3A_2317, %sub3A_3079 : i32
          %mul3A_3081 = arith.constant 16 : i32
          %mul3A_3082 = arith.muli %sub3A_3080, %mul3A_3081 : i32
          %add3A_3083 = arith.addi %mul3A_2, %mul3A_3082 : i32
          %dma_wait3A_3084 = arith.constant 0 : i32
          %dma_wait3A_3085 = tpu.memref_slice %arg4[%add3A_3083, %dma_wait3A_3084] : memref<8192x1152xf32, #tpu.memory_space<hbm>> -> memref<16x1152xf32, #tpu.memory_space<hbm>>
          %dma_wait3A_3086 = arith.constant 0 : i32
          %dma_wait3A_3087 = tpu.memref_slice %arg4[%add3A_3083, %dma_wait3A_3086] : memref<8192x1152xf32, #tpu.memory_space<hbm>> -> memref<16x1152xf32, #tpu.memory_space<hbm>>
          tpu.wait_dma2 semaphore(%arg19 : memref<!tpu.dma_semaphore, #tpu.memory_space<semaphore_mem>>) src(%arg9 : memref<16x1152xf32, #tpu.memory_space<vmem>>) dst(%dma_wait3A_3087 : memref<16x1152xf32, #tpu.memory_space<hbm>>)
        } else {
        }
        %mul3A_3072 = arith.constant 16 : i32
        %mul3A_3073 = arith.muli %add3A_3062, %mul3A_3072 : i32
        %add3A_3074 = arith.addi %mul3A_2, %mul3A_3073 : i32
        %dma_start3A_3075 = arith.constant 0 : i32
        %dma_start3A_3076 = tpu.memref_slice %arg3[%add3A_3074, %dma_start3A_3075] : memref<8192x1152xf32, #tpu.memory_space<hbm>> -> memref<16x1152xf32, #tpu.memory_space<hbm>>
        %dma_start3A_3077 = arith.constant 0 : i32
        %dma_start3A_3078 = tpu.memref_slice %arg3[%add3A_3074, %dma_start3A_3077] : memref<8192x1152xf32, #tpu.memory_space<hbm>> -> memref<16x1152xf32, #tpu.memory_space<hbm>>
        tpu.enqueue_dma source(%dma_start3A_3078 : memref<16x1152xf32, #tpu.memory_space<hbm>>) target(%arg9 : memref<16x1152xf32, #tpu.memory_space<vmem>>) target_semaphore(%arg15 : memref<!tpu.dma_semaphore, #tpu.memory_space<semaphore_mem>>)
      } else {
      }
      scf.yield %select_n3A_3052, %select_n3A_3053 : f32, i32
    }
    %scan3A_20 = arith.constant 4 : i32
    %add3A_21 = arith.constant 192 : i32
    %add3A_22 = arith.addi %mul3A_2, %add3A_21 : i32
    %dma_wait3A = arith.constant 0 : i32
    %dma_wait3A_23 = tpu.memref_slice %arg4[%add3A_22, %dma_wait3A] : memref<8192x1152xf32, #tpu.memory_space<hbm>> -> memref<16x1152xf32, #tpu.memory_space<hbm>>
    %dma_wait3A_24 = arith.constant 0 : i32
    %dma_wait3A_25 = tpu.memref_slice %arg4[%add3A_22, %dma_wait3A_24] : memref<8192x1152xf32, #tpu.memory_space<hbm>> -> memref<16x1152xf32, #tpu.memory_space<hbm>>
    tpu.wait_dma2 semaphore(%arg18 : memref<!tpu.dma_semaphore, #tpu.memory_space<semaphore_mem>>) src(%arg8 : memref<16x1152xf32, #tpu.memory_space<vmem>>) dst(%dma_wait3A_25 : memref<16x1152xf32, #tpu.memory_space<hbm>>)
    %add3A_26 = arith.constant 208 : i32
    %add3A_27 = arith.addi %mul3A_2, %add3A_26 : i32
    %dma_wait3A_28 = arith.constant 0 : i32
    %dma_wait3A_29 = tpu.memref_slice %arg4[%add3A_27, %dma_wait3A_28] : memref<8192x1152xf32, #tpu.memory_space<hbm>> -> memref<16x1152xf32, #tpu.memory_space<hbm>>
    %dma_wait3A_30 = arith.constant 0 : i32
    %dma_wait3A_31 = tpu.memref_slice %arg4[%add3A_27, %dma_wait3A_30] : memref<8192x1152xf32, #tpu.memory_space<hbm>> -> memref<16x1152xf32, #tpu.memory_space<hbm>>
    tpu.wait_dma2 semaphore(%arg19 : memref<!tpu.dma_semaphore, #tpu.memory_space<semaphore_mem>>) src(%arg9 : memref<16x1152xf32, #tpu.memory_space<vmem>>) dst(%dma_wait3A_31 : memref<16x1152xf32, #tpu.memory_space<hbm>>)
    %add3A_32 = arith.constant 224 : i32
    %add3A_33 = arith.addi %mul3A_2, %add3A_32 : i32
    %dma_wait3A_34 = arith.constant 0 : i32
    %dma_wait3A_35 = tpu.memref_slice %arg4[%add3A_33, %dma_wait3A_34] : memref<8192x1152xf32, #tpu.memory_space<hbm>> -> memref<16x1152xf32, #tpu.memory_space<hbm>>
    %dma_wait3A_36 = arith.constant 0 : i32
    %dma_wait3A_37 = tpu.memref_slice %arg4[%add3A_33, %dma_wait3A_36] : memref<8192x1152xf32, #tpu.memory_space<hbm>> -> memref<16x1152xf32, #tpu.memory_space<hbm>>
    tpu.wait_dma2 semaphore(%arg20 : memref<!tpu.dma_semaphore, #tpu.memory_space<semaphore_mem>>) src(%arg10 : memref<16x1152xf32, #tpu.memory_space<vmem>>) dst(%dma_wait3A_37 : memref<16x1152xf32, #tpu.memory_space<hbm>>)
    %add3A_38 = arith.constant 240 : i32
    %add3A_39 = arith.addi %mul3A_2, %add3A_38 : i32
    %dma_wait3A_40 = arith.constant 0 : i32
    %dma_wait3A_41 = tpu.memref_slice %arg4[%add3A_39, %dma_wait3A_40] : memref<8192x1152xf32, #tpu.memory_space<hbm>> -> memref<16x1152xf32, #tpu.memory_space<hbm>>
    %dma_wait3A_42 = arith.constant 0 : i32
    %dma_wait3A_43 = tpu.memref_slice %arg4[%add3A_39, %dma_wait3A_42] : memref<8192x1152xf32, #tpu.memory_space<hbm>> -> memref<16x1152xf32, #tpu.memory_space<hbm>>
    tpu.wait_dma2 semaphore(%arg21 : memref<!tpu.dma_semaphore, #tpu.memory_space<semaphore_mem>>) src(%arg11 : memref<16x1152xf32, #tpu.memory_space<vmem>>) dst(%dma_wait3A_43 : memref<16x1152xf32, #tpu.memory_space<hbm>>)
    %iota3A = tpu.iota {dimensions = array<i32: 0>} : vector<16xi32>
    %eq3A = arith.constant 0 : i32
    %eq3A_44 = vector.broadcast %eq3A : i32 to vector<16xi32>
    %eq3A_45 = arith.cmpi eq, %iota3A, %eq3A_44 : vector<16xi32>
    %jit3A = arith.constant 0xFF800000 : f32
    %broadcast_in_dim3A = vector.broadcast %scan3A_19#0 : f32 to vector<16xf32>
    %broadcast_in_dim3A_46 = vector.broadcast %jit3A : f32 to vector<16xf32>
    %select_n3A = arith.select %eq3A_45, %broadcast_in_dim3A, %broadcast_in_dim3A_46 : vector<16xi1>, vector<16xf32>
    %swap3A = arith.constant 0 : index
    %swap3A_47 = tpu.vector_load %arg12[%swap3A] {strides = array<i32>} : memref<16xf32, #tpu.memory_space<vmem>>, vector<16xf32>,
    tpu.vector_store %arg12[%swap3A], %select_n3A {strides = array<i32>} : memref<16xf32, #tpu.memory_space<vmem>>, vector<16xf32>,
    %eq3A_48 = arith.constant 0 : i32
    %eq3A_49 = vector.broadcast %eq3A_48 : i32 to vector<16xi32>
    %eq3A_50 = arith.cmpi eq, %iota3A, %eq3A_49 : vector<16xi32>
    %jit3A_51 = arith.constant 1073741824 : i32
    %broadcast_in_dim3A_52 = vector.broadcast %scan3A_19#1 : i32 to vector<16xi32>
    %broadcast_in_dim3A_53 = vector.broadcast %jit3A_51 : i32 to vector<16xi32>
    %select_n3A_54 = arith.select %eq3A_50, %broadcast_in_dim3A_52, %broadcast_in_dim3A_53 : vector<16xi1>, vector<16xi32>
    %swap3A_55 = arith.constant 0 : index
    %swap3A_56 = tpu.vector_load %arg13[%swap3A_55] {strides = array<i32>} : memref<16xi32, #tpu.memory_space<vmem>>, vector<16xi32>,
    tpu.vector_store %arg13[%swap3A_55], %select_n3A_54 {strides = array<i32>} : memref<16xi32, #tpu.memory_space<vmem>>, vector<16xi32>,
    "tpu.region"() ({
      %run_scoped3A = tpu.sem_alloc : memref<!tpu.dma_semaphore, #tpu.memory_space<semaphore_mem>>
      %dma_start3A_57 = arith.constant 0 : i32
      %dma_start3A_58 = tpu.memref_slice %arg5[%add3A, %dma_start3A_57] : memref<32x16xf32, #tpu.memory_space<hbm>> -> memref<1x16xf32, #tpu.memory_space<hbm>>
      %dma_start3A_59 = tpu.memref_squeeze %dma_start3A_58 : memref<1x16xf32, #tpu.memory_space<hbm>> -> memref<16xf32, #tpu.memory_space<hbm>>
      %dma_start3A_60 = arith.constant 0 : i32
      %dma_start3A_61 = tpu.memref_slice %arg5[%add3A, %dma_start3A_60] : memref<32x16xf32, #tpu.memory_space<hbm>> -> memref<1x16xf32, #tpu.memory_space<hbm>>
      %dma_start3A_62 = tpu.memref_squeeze %dma_start3A_61 : memref<1x16xf32, #tpu.memory_space<hbm>> -> memref<16xf32, #tpu.memory_space<hbm>>
      tpu.enqueue_dma source(%arg12 : memref<16xf32, #tpu.memory_space<vmem>>) target(%dma_start3A_62 : memref<16xf32, #tpu.memory_space<hbm>>) target_semaphore(%run_scoped3A : memref<!tpu.dma_semaphore, #tpu.memory_space<semaphore_mem>>)
      %dma_wait3A_63 = arith.constant 0 : i32
      %dma_wait3A_64 = tpu.memref_slice %arg5[%add3A, %dma_wait3A_63] : memref<32x16xf32, #tpu.memory_space<hbm>> -> memref<1x16xf32, #tpu.memory_space<hbm>>
      %dma_wait3A_65 = tpu.memref_squeeze %dma_wait3A_64 : memref<1x16xf32, #tpu.memory_space<hbm>> -> memref<16xf32, #tpu.memory_space<hbm>>
      %dma_wait3A_66 = arith.constant 0 : i32
      %dma_wait3A_67 = tpu.memref_slice %arg5[%add3A, %dma_wait3A_66] : memref<32x16xf32, #tpu.memory_space<hbm>> -> memref<1x16xf32, #tpu.memory_space<hbm>>
      %dma_wait3A_68 = tpu.memref_squeeze %dma_wait3A_67 : memref<1x16xf32, #tpu.memory_space<hbm>> -> memref<16xf32, #tpu.memory_space<hbm>>
      tpu.wait_dma2 semaphore(%run_scoped3A : memref<!tpu.dma_semaphore, #tpu.memory_space<semaphore_mem>>) src(%arg12 : memref<16xf32, #tpu.memory_space<vmem>>) dst(%dma_wait3A_68 : memref<16xf32, #tpu.memory_space<hbm>>)
      tpu.yield
    }) : () -> ()
    "tpu.region"() ({
      %run_scoped3A = tpu.sem_alloc : memref<!tpu.dma_semaphore, #tpu.memory_space<semaphore_mem>>
      %dma_start3A_57 = arith.constant 0 : i32
      %dma_start3A_58 = tpu.memref_slice %arg6[%add3A, %dma_start3A_57] : memref<32x16xi32, #tpu.memory_space<hbm>> -> memref<1x16xi32, #tpu.memory_space<hbm>>
      %dma_start3A_59 = tpu.memref_squeeze %dma_start3A_58 : memref<1x16xi32, #tpu.memory_space<hbm>> -> memref<16xi32, #tpu.memory_space<hbm>>
      %dma_start3A_60 = arith.constant 0 : i32
      %dma_start3A_61 = tpu.memref_slice %arg6[%add3A, %dma_start3A_60] : memref<32x16xi32, #tpu.memory_space<hbm>> -> memref<1x16xi32, #tpu.memory_space<hbm>>
      %dma_start3A_62 = tpu.memref_squeeze %dma_start3A_61 : memref<1x16xi32, #tpu.memory_space<hbm>> -> memref<16xi32, #tpu.memory_space<hbm>>
      tpu.enqueue_dma source(%arg13 : memref<16xi32, #tpu.memory_space<vmem>>) target(%dma_start3A_62 : memref<16xi32, #tpu.memory_space<hbm>>) target_semaphore(%run_scoped3A : memref<!tpu.dma_semaphore, #tpu.memory_space<semaphore_mem>>)
      %dma_wait3A_63 = arith.constant 0 : i32
      %dma_wait3A_64 = tpu.memref_slice %arg6[%add3A, %dma_wait3A_63] : memref<32x16xi32, #tpu.memory_space<hbm>> -> memref<1x16xi32, #tpu.memory_space<hbm>>
      %dma_wait3A_65 = tpu.memref_squeeze %dma_wait3A_64 : memref<1x16xi32, #tpu.memory_space<hbm>> -> memref<16xi32, #tpu.memory_space<hbm>>
      %dma_wait3A_66 = arith.constant 0 : i32
      %dma_wait3A_67 = tpu.memref_slice %arg6[%add3A, %dma_wait3A_66] : memref<32x16xi32, #tpu.memory_space<hbm>> -> memref<1x16xi32, #tpu.memory_space<hbm>>
      %dma_wait3A_68 = tpu.memref_squeeze %dma_wait3A_67 : memref<1x16xi32, #tpu.memory_space<hbm>> -> memref<16xi32, #tpu.memory_space<hbm>>
      tpu.wait_dma2 semaphore(%run_scoped3A : memref<!tpu.dma_semaphore, #tpu.memory_space<semaphore_mem>>) src(%arg13 : memref<16xi32, #tpu.memory_space<vmem>>) dst(%dma_wait3A_68 : memref<16xi32, #tpu.memory_space<hbm>>)
      tpu.yield
    }) : () -> ()
    return
  }
}

module attributes {stable_mosaic.version = 14 : i64} {
  func.func @_fixup_body(%arg0: memref<4x128xf32, #tpu.memory_space<vmem>>, %arg1: memref<4x128xi32, #tpu.memory_space<vmem>>, %arg2: memref<1x1152xf32, #tpu.memory_space<vmem>>, %arg3: memref<8192x1152xf32, #tpu.memory_space<any>>, %arg4: memref<8192x1152xf32, #tpu.memory_space<any>>, %arg5: memref<!tpu.dma_semaphore, #tpu.memory_space<semaphore_mem>>) attributes {dimension_semantics = [], scalar_prefetch = 0 : i64, scratch_operands = 1 : i64, tpu.core_type = #tpu.core_type<tc>} {
    %get3A = arith.constant 0 : index
    %get3A_0 = arith.constant 0 : index
    %get3A_1 = vector.load %arg0[%get3A, %get3A_0] : memref<4x128xf32, #tpu.memory_space<vmem>>, vector<4x128xf32>
    %get3A_2 = arith.constant 0 : index
    %get3A_3 = arith.constant 0 : index
    %get3A_4 = vector.load %arg1[%get3A_2, %get3A_3] : memref<4x128xi32, #tpu.memory_space<vmem>>, vector<4x128xi32>
    %reduce_max3A = vector.shape_cast %get3A_1 : vector<4x128xf32> to vector<1x4x128xf32>
    %reduce_max3A_5 = arith.constant dense<0xFF800000> : vector<1xf32>
    %reduce_max3A_6 = vector.multi_reduction <maximumf>, %reduce_max3A, %reduce_max3A_5 [1, 2] : vector<1x4x128xf32> to vector<1xf32>
    %reduce_max3A_7 = vector.shape_cast %reduce_max3A_6 : vector<1xf32> to vector<1x1x1xf32>
    %reduce_max3A_8 = vector.extract %reduce_max3A_7[0, 0, 0] : f32 from vector<1x1x1xf32>
    %eq3A = vector.broadcast %reduce_max3A_8 : f32 to vector<4x128xf32>
    %eq3A_9 = arith.cmpf oeq, %get3A_1, %eq3A : vector<4x128xf32>
    %jit3A = arith.constant 1073741824 : i32
    %broadcast_in_dim3A = vector.broadcast %jit3A : i32 to vector<4x128xi32>
    %select_n3A = arith.select %eq3A_9, %get3A_4, %broadcast_in_dim3A : vector<4x128xi1>, vector<4x128xi32>
    %reduce_min3A = vector.shape_cast %select_n3A : vector<4x128xi32> to vector<1x4x128xi32>
    %reduce_min3A_10 = arith.constant dense<2147483647> : vector<1xi32>
    %reduce_min3A_11 = vector.multi_reduction <minsi>, %reduce_min3A, %reduce_min3A_10 [1, 2] : vector<1x4x128xi32> to vector<1xi32>
    %reduce_min3A_12 = vector.shape_cast %reduce_min3A_11 : vector<1xi32> to vector<1x1x1xi32>
    %reduce_min3A_13 = vector.extract %reduce_min3A_12[0, 0, 0] : i32 from vector<1x1x1xi32>
    %dma_start3A = arith.constant 0 : i32
    %dma_start3A_14 = tpu.memref_slice %arg4[%reduce_min3A_13, %dma_start3A] : memref<8192x1152xf32, #tpu.memory_space<any>> -> memref<1x1152xf32, #tpu.memory_space<any>>
    tpu.enqueue_dma source(%arg2 : memref<1x1152xf32, #tpu.memory_space<vmem>>) target(%dma_start3A_14 : memref<1x1152xf32, #tpu.memory_space<any>>) target_semaphore(%arg5 : memref<!tpu.dma_semaphore, #tpu.memory_space<semaphore_mem>>)
    %dma_wait3A = arith.constant 0 : i32
    %dma_wait3A_15 = tpu.memref_slice %arg4[%reduce_min3A_13, %dma_wait3A] : memref<8192x1152xf32, #tpu.memory_space<any>> -> memref<1x1152xf32, #tpu.memory_space<any>>
    tpu.wait_dma2 semaphore(%arg5 : memref<!tpu.dma_semaphore, #tpu.memory_space<semaphore_mem>>) src(%arg2 : memref<1x1152xf32, #tpu.memory_space<vmem>>) dst(%dma_wait3A_15 : memref<1x1152xf32, #tpu.memory_space<any>>)
    return
  }
}

</mosaic_0001>

<sc_bundles>
// kernel: kernel.4.cloned.1.call-start
scs
__scs_entry_jumppad:
0x0: {  	(pc) =	sbr.rel $0x88, $3  }
0x1: {  	(tag) =	ssettag $0x0;
	lr =	simm.s32 $0x1  }
0x2: {  	[smem:$0x3F9F] =	sst lr;
	_ =	strace $0xD0000000  }
0x3: {  	_ = 	snop  }
0x4: {  	_ = 	snop  }
0x5: {  	_ = 	snop  }
0x6: {  	_ = 	snop  }
0x7: {  	_ = 	snop  }
__scs_overlays_trampoline_lowered:
0x8: {  	[smem:$0x3FAE] =	sst s0  }
0x9: {  	[smem:$0x3FAF] =	sst s1  }
0xa: {  	[smem:$0x3FB0] =	sst s2  }
0xb: {  	[smem:$0x3FB1] =	sst s3  }
0xc: {  	[smem:$0x3FB2] =	sst s4  }
0xd: {  	[smem:$0x3FB3] =	sst s5  }
0xe: {  	[smem:$0x3FB4] =	sst s6  }
0xf: {  	[smem:$0x3FB5] =	sst s7  }
0x10: {  	[smem:$0x3FB6] =	sst s8  }
0x11: {  	[smem:$0x3FB7] =	sst s9;
	s0 =	simm.s32 @!p0 $0x0  }
0x12: {  	s1 =	sld [smem:$0x3F9D];
	s0 =	simm.s32 @p0 $0x1  }
0x13: {  	[smem:$0x3FB8] =	sst s0;
	s0 =	simm.s32 @!p1 $0x0  }
0x14: {  	s2 =	sld [smem:$0x3F9C];
	s0 =	simm.s32 @p1 $0x1  }
0x15: {  	[smem:$0x3FB9] =	sst s0;
	s0 =	simm.s32 @!p2 $0x0  }
0x16: {  	s3 =	sld [smem:$0x3FDB];
	s0 =	simm.s32 @p2 $0x1  }
0x17: {  	s4 =	simm.s32 $0x1BF5;
	[smem:$0x3FBB] =	sst s0  }
0x18: {  	s0 =	sld [smem:$0x3F9E];
	_ =	swait.ge [sflag:s4], $0x0  }
0x19: {  	s7 =	sld [smem:$0x3F9F]  }
0x1a: {  	s8 =	sadd.s32 $0xFFFFE003, lr  }
0x1b: {  	s9 =	sadd.s32 $0xFFFFFEF7, lr;
	s5 =	simm.s32 $0xFFFFFFFF;
	p2 =	slt.u32 s8, $0xFFFFF086  }
0x1c: {  	p1 =	slt.u32 s9, $0xF7A;
	s5 =	simm.s32 @!p2 $0x0  }
0x1d: {  	s5 =	simm.s32 @p1 $0x1;
	p0 =	seq.s32 s7, s2  }
0x1e: {  	s7 =	smul.u32 @!p0 $0xF7A, s2;
	p2 =	seq.s32 @!p0 s5, $0x0  }
0x1f: {  	s9 =	smul.u32 $0xF7A, s1;
	s8 =	simm.s32 @!p0 $0x1BF5;
	p2 =	por !p2, p0  }
0x20: {  	[sflag:s8] =	ssyncset.s32 @!p0 $0xFFFFF086;
	s6 =	sadd.s32 @!p0 s3, s7;
	s7 =	simm.s32 @!p0 $0x108  }
0x21: {  	s3 =	sadd.s32 s3, s9;
	s6 =	sadd.s32 @!p0 $0x88, s6;
	s7 =	simm.s32 @p2 $0x1082  }
0x22: {  	[simem:s7], [sflag:s8] =	dma.local @!p0 [hbm:s6], $0xF7A  }
0x23: {  	s9 =	sor.u32 $0xD0000000, s2;
	s6 =	simm.s32 $0x108;
	_ =	swait.ge @!p0 [sflag:s8], $0x0  }
0x24: {  	s3 =	sadd.s32 $0x88, s3;
	s6 =	simm.s32 @!p1 $0x1082;
	[sflag:s4] =	ssyncset.s32 $0xFFFFF086  }
0x25: {  	[simem:s6], [sflag:s4] =	dma.local [hbm:s3], $0xF7A  }
0x26: {  	[smem:$0x3F9F] =	sst s1;
	(tag) =	ssettag s2;
	_ =	strace s9  }
0x27: {  	s1 =	sld [smem:$0x3FAF]  }
0x28: {  	s2 =	sld [smem:$0x3FB0]  }
0x29: {  	s4 =	sld [smem:$0x3FB2]  }
0x2a: {  	p0 =	seq.s32 s5, $0x0;
	s5 =	sld [smem:$0x3FB3]  }
0x2b: {  	s6 =	sld [smem:$0x3FB4]  }
0x2c: {  	s7 =	sld [smem:$0x3FB5]  }
0x2d: {  	s3 =	simm.s32 $0x108;
	s8 =	sld [smem:$0x3FB6]  }
0x2e: {  	s3 =	simm.s32 @!p0 $0x1082;
	s9 =	sld [smem:$0x3FB7]  }
0x2f: {  	lr =	sadd.s32 s0, s3;
	s0 =	sld [smem:$0x3FAE]  }
0x30: {  	s3 =	sld [smem:$0x3FB1]  }
0x31: {  	[smem:$0x3FBA] =	sst s10  }
0x32: {  	s10 =	sld [smem:$0x3FB8];
	_ =	sdelay $0x3  }
0x33: {  	p0 =	seq.s32 s10, $0x1;
	s10 =	sld [smem:$0x3FBA];
	_ =	sdelay $0x3  }
0x34: {  	[smem:$0x3FBA] =	sst s10  }
0x35: {  	s10 =	sld [smem:$0x3FB9];
	_ =	sdelay $0x3  }
0x36: {  	p1 =	seq.s32 s10, $0x1;
	s10 =	sld [smem:$0x3FBA];
	_ =	sdelay $0x3  }
0x37: {  	[smem:$0x3FBA] =	sst s10  }
0x38: {  	s10 =	sld [smem:$0x3FBB]  }
0x39: {  	_ = 	snop;
	(pc) =	sbr.ind lr, $3  }
0x3a: {  	_ = 	snop  }
0x3b: {  	_ = 	snop  }
0x3c: {  	p2 =	seq.s32 s10, $0x1;
	s10 =	sld [smem:$0x3FBA]  }
0x3d: {  	_ =	shalt  }
0x3e: {  	_ =	shalt  }
0x3f: {  	_ =	shalt  }
0x40: {  	_ =	shalt  }
0x41: {  	_ =	shalt  }
0x42: {  	_ =	shalt  }
0x43: {  	_ =	shalt  }
0x44: {  	_ =	shalt  }
0x45: {  	_ =	shalt  }
0x46: {  	_ =	shalt  }
0x47: {  	_ =	shalt  }
0x48: {  	_ =	shalt  }
0x49: {  	_ =	shalt  }
0x4a: {  	_ =	shalt  }
0x4b: {  	_ =	shalt  }
0x4c: {  	_ =	shalt  }
0x4d: {  	_ =	shalt  }
0x4e: {  	_ =	shalt  }
0x4f: {  	_ =	shalt  }
0x50: {  	_ =	shalt  }
0x51: {  	_ =	shalt  }
0x52: {  	_ =	shalt  }
0x53: {  	_ =	shalt  }
0x54: {  	_ =	shalt  }
0x55: {  	_ =	shalt  }
0x56: {  	_ =	shalt  }
0x57: {  	_ =	shalt  }
0x58: {  	_ =	shalt  }
0x59: {  	_ =	shalt  }
0x5a: {  	_ =	shalt  }
0x5b: {  	_ =	shalt  }
0x5c: {  	_ =	shalt  }
0x5d: {  	_ =	shalt  }
0x5e: {  	_ =	shalt  }
0x5f: {  	_ =	shalt  }
0x60: {  	_ =	shalt  }
0x61: {  	_ =	shalt  }
0x62: {  	_ =	shalt  }
0x63: {  	_ =	shalt  }
0x64: {  	_ =	shalt  }
0x65: {  	_ =	shalt  }
0x66: {  	_ =	shalt  }
0x67: {  	_ =	shalt  }
0x68: {  	_ =	shalt  }
0x69: {  	_ =	shalt  }
0x6a: {  	_ =	shalt  }
0x6b: {  	_ =	shalt  }
0x6c: {  	_ =	shalt  }
0x6d: {  	_ =	shalt  }
0x6e: {  	_ =	shalt  }
0x6f: {  	_ =	shalt  }
0x70: {  	_ =	shalt  }
0x71: {  	_ =	shalt  }
0x72: {  	_ =	shalt  }
0x73: {  	_ =	shalt  }
0x74: {  	_ =	shalt  }
0x75: {  	_ =	shalt  }
0x76: {  	_ =	shalt  }
0x77: {  	_ =	shalt  }
0x78: {  	_ =	shalt  }
0x79: {  	_ =	shalt  }
0x7a: {  	_ =	shalt  }
0x7b: {  	_ =	shalt  }
0x7c: {  	_ =	shalt  }
0x7d: {  	_ =	shalt  }
0x7e: {  	_ =	shalt  }
0x7f: {  	_ =	shalt  }
0x80: {  	_ =	shalt  }
0x81: {  	_ =	shalt  }
0x82: {  	_ =	shalt  }
0x83: {  	_ =	shalt  }
0x84: {  	_ =	shalt  }
0x85: {  	_ =	shalt  }
0x86: {  	_ =	shalt  }
0x87: {  	_ =	shalt  }
.Lfunc_end0:
.L_simem_size_0:
called_computation_lowered:
.L_overlay_start_0:
0x88: {  	s2 =	sld [smem:$0x3FD9]  }
0x89: {  	s3 =	sld [smem:$0x3FFE];
	_ =	sdelay $0x1  }
0x8a: {  	s1 =	srdreg.scid  }
0x8b: {  	s0 =	sand.u32 $0x1, s1  }
0x8c: {  	s17 =	sshll.u32 s0, $0xA;
	s2 =	sadd.s32 s3, s2  }
0x8d: {  	s2 =	sadd.s32 s2, s17  }
0x8e: {  	[smem:$0x3FC6] =	sst s2  }
0x8f: {  	_ = 	snop  }
0x90: {  	s2 =	sld [smem:$0x3FC9]  }
0x91: {  	s18 =	sld [smem:$0x3FC8]  }
0x92: {  	s4 =	sld [smem:$0x3FD0];
	(tm) =	ssettm $0x1  }
0x93: {  	s5 =	sld [smem:$0x3FFB];
	_ =	sdelay $0x3  }
0x94: {  	_ =	strace s5  }
0x95: {  	s5 =	sld [smem:$0x3FFC];
	_ =	sdelay $0x3  }
0x96: {  	_ =	strace s5  }
0x97: {  	s5 =	sld [smem:$0x3FFD];
	_ =	sdelay $0x3  }
0x98: {  	_ =	strace s5  }
0x99: {  	_ =	strace $0x8FFFFFFF  }
0x9a: {  	s19 =	sld [smem:$0x3FDB];
	_ =	sdelay $0x1  }
0x9b: {  	s6 =	simm.s32 $_scs_section_size  }
0x9c: {  	s7 =	simm.s32 $_size__tile_overlayer_lowered;
	s8 =	simm.s32 $_tile_overlayer_lowered  }
0x9d: {  	s22 =	simm.s32 $0x1BFF;
	s21 =	sshll.u32 s8, $0x1;
	s5 =	sadd.s32 s6, s19  }
0x9e: {  	s9 =	simm.s32 $0x0;
	s20 =	sshll.u32 s7, $0x1;
	s7 =	sadd.s32 s21, s5  }
0x9f: {  	[timem:s9], [sflag:s22] =	dma.local [hbm:s7], s20  }
0xa0: {  	_ =	swait.ge [sflag:s22], s20  }
0xa1: {  	s6 =	ssub.s32 $0x0, s20;
	[sflag:s22] =	ssyncset.done $0x0  }
0xa2: {  	[sflag:s22] =	ssyncadd.s32 s6;
	_ =	sdelay $0x1  }
0xa3: {  	s23 =	simm.s32 $0x1B8B  }
0xa4: {  	_ =	swait.ge [sflag:s23], $0x1  }
0xa5: {  	[sflag:s23] =	ssyncset.done $0x0  }
0xa6: {  	s25 =	simm.s32 $0x1B8E;
	s24 =	sld [smem:$0x3FFE];
	[sflag:s23] =	ssyncadd.s32 $0xFFFFFFFF  }
0xa7: {  	s26 =	simm.s32 $execute0_lowered;
	[smem:$0x3FD2] =	sst s25  }
0xa8: {  	s7 =	sshll.u32 s26, $0x1;
	_ =	strace $0x80000046;
	[dreg:$0x1] =	wrdreg $0xFFFFFFFF  }
0xa9: {  	s28 =	simm.s32 $_size_execute0_lowered;
	s5 =	sadd.s32 s5, s7;
	[dreg:$0x0] =	wrdreg $0x0  }
0xaa: {  	s7 =	sshll.u32 s28, $0x1;
	[dreg:$0x2] =	wrdreg s5  }
0xab: {  	[dreg:$0x3] =	wrdreg s7  }
0xac: {  	[dreg:$0x4] =	wrdreg $0xC0  }
0xad: {  	_ =	task [dreg:s9], $0x5FFFF  }
0xae: {  	[dreg:$0x1] =	wrdreg $0xFFFFFFFF  }
0xaf: {  	[dreg:$0x0] =	wrdreg $0x60  }
0xb0: {  	[dreg:$0x2] =	wrdreg s2  }
0xb1: {  	[dreg:$0x3] =	wrdreg s18  }
0xb2: {  	[dreg:$0x4] =	wrdreg s4  }
0xb3: {  	[dreg:$0x5] =	wrdreg s24  }
0xb4: {  	[dreg:$0x6] =	wrdreg $0x9  }
0xb5: {  	_ =	task.clear_ibuf [dreg:s9], $0x7FFFF;
	_ =	strace $0x90000046  }
0xb6: {  	s29 =	simm.s32 $0x9;
	_ =	strace $0x80000048  }
0xb7: {  	_ =	swait.ge [sflag:s29], $0x1  }
0xb8: {  	[sflag:s29] =	ssyncadd.s32 $0xFFFFFFFF  }
0xb9: {  	_ =	strace $0x90000048  }
0xba: {  	_ =	sfence  }
0xbb: {  	s30 =	sld [smem:$0x0];
	_ =	sdelay $0x2  }
0xbc: {  	s31 =	sshll.u32 s1, $0xD;
	s1 =	sshrl.u32 s1, $0x2  }
0xbd: {  	s3 =	sand.u32 $0x4000, s31;
	s1 =	sadd.s32 s1, s30  }
0xbe: {  	s0 =	sor.u32 s3, s0;
	s1 =	sshll.u32 s1, $0x11  }
0xbf: {  	s0 =	sor.u32 s1, s0  }
0xc0: {  	s0 =	sadd.s32 $0x8F2B, s0  }
0xc1: {  	[sflag:s0] =	ssyncadd.remote.s32 $0x1  }
0xc2: {  	_ =	sfence.sel $0xFFFF  }
0xc3: {  	[dreg:$0x0] =	wrdreg $0xFFFFFFFF;
	(pc) =	sbr.abs _section_cstart, $3  }
0xc4: {  	[dreg:$0x1] =	wrdreg $0xFFFFFFFF  }
0xc5: {  	_ =	task.clear_ibuf [dreg:s9], $0x2FFFF;
	_ =	strace $0x9FFFFFFF  }
0xc6: {  	(tm) =	ssettm $0x7FFFFFFF  }
0xc7: {  	_ =	shalt  }
tec
execute0_lowered:
.L_overlay_start_1:
0x0: {  	(tag) =	ssettag $0x1  }
0x1: {  	s5 =	rddreg [dreg:$0x1]  }
0x2: {  	s28 =	rddreg [dreg:$0x2]  }
0x3: {  	s0 =	srdreg.scid;
	s1 =	rddreg [dreg:$0x3]  }
0x4: {  	s4 =	stileid.u32;
	s30 =	simm.s32 $0x0;
	s0 =	sand.u32 $0x1, s0  }
0x5: {  	[smem:$0x7FF] =	sst s30;
	s2 =	sshll.u32 s0, $0x4;
	s0 =	ssub.s32 $0x2, s0  }
0x6: {  	_ =	strace $0x80000047;
	s2 =	sor.u32 s4, s2;
	s4 =	sshll.u32 s4, $0x4  }
0x7: {  	s3 =	sshll.u32 s2, $0x4;
	s22 =	smul.u32 $0x9000, s2;
	s2 =	sshll.u32 s2, $0x8  }
0x8: {  	s23 =	sshrl.u32 s0, $0x1;
	s24 =	sor.u32 $0x20, s2;
	[dreg:$0x5] =	wrdreg s2  }
0x9: {  	s4 =	sand.u32 $0x70, s4;
	s25 =	sor.u32 $0x30, s2;
	[dreg:$0x8] =	wrdreg s24  }
0xa: {  	s0 =	ssub.s32 s0, s23;
	s26 =	sor.u32 $0x40, s2;
	[dreg:$0x9] =	wrdreg s25  }
0xb: {  	s3 =	sand.u32 $0x180, s3;
	s2 =	sor.u32 $0x50, s2;
	[dreg:$0xa] =	wrdreg s26  }
0xc: {  	s0 =	smax.u32 s0, $0x1;
	s3 =	sor.u32 s4, s3;
	[dreg:$0xb] =	wrdreg s2  }
.Ltmp0:
0xd: {  	s4 =	sadd.s32 s5, s22;
	[dreg:$0xe] =	wrdreg s0;
	(pc) =	sbr.rel .LBB2_1-.Ltmp0, $4  }
0xe: {  	s1 =	sadd.s32 s3, s1;
	[dreg:$0x6] =	wrdreg s4;
	s4 =	sadd.s32 $0x900, s4  }
0xf: {  	[dreg:$0x7] =	wrdreg s4;
	s29 =	sadd.s32 $0xA00, s1  }
0x10: {  	s31 =	simm.s32 $0x4C80;
	s1 =	sadd.s32 $0xC00, s1;
	[dreg:$0xc] =	wrdreg s29  }
0x11: {  	vm0 =	vcmask $0x300;
	s2 =	simm.s32 $0x0;
	[dreg:$0xd] =	wrdreg s1;
	s1 =	simm.s32 $0x9  }
.LBB2_12:
0x12: {  	s1 =	simm.s32 $0x5  }
0x13: {  	_ =	swait.ge [sflag:s1], $0x4800  }
0x14: {  	[sflag:s1] =	ssyncset.done $0x0  }
0x15: {  	s20 =	simm.s32 $0x6;
	[sflag:s1] =	ssyncadd.s32 $0xFFFFB800  }
0x16: {  	_ =	swait.ge [sflag:s20], $0x4800  }
0x17: {  	[sflag:s20] =	ssyncset.done $0x0  }
0x18: {  	s21 =	simm.s32 $0x7;
	[sflag:s20] =	ssyncadd.s32 $0xFFFFB800  }
0x19: {  	_ =	swait.ge [sflag:s21], $0x4800  }
0x1a: {  	[sflag:s21] =	ssyncset.done $0x0  }
0x1b: {  	s22 =	simm.s32 $0x8;
	[sflag:s21] =	ssyncadd.s32 $0xFFFFB800  }
0x1c: {  	_ =	swait.ge [sflag:s22], $0x4800  }
0x1d: {  	v0 =	vmov s0;
	[sflag:s22] =	ssyncset.done $0x0  }
0x1e: {  	v1 =	vmov s26;
	v0 =	vnsel vm0, $0xFF800000, v0;
	[sflag:s22] =	ssyncadd.s32 $0xFFFFB800  }
0x1f: {  	v63 =	vnsel vm0, $0x40000000, v1;
	[tilespmem:$0x12480] =	vst v0  }
0x20: {  	s24 =	simm.s32 $0x12480;
	s1 =	simm.s32 $0x9;
	s23 =	rddreg [dreg:$0xc];
	[tilespmem:$0x12500] =	vst v63  }
0x21: {  	[hbm4b:s23+s30] =	stream.linear.scatter [tilespmem:s24], [sflag:$0x9], $0x80, $0x38;
	[tilespmem:$0x12580] =	vst v63  }
0x22: {  	_ =	swait.ge [sflag:s1], $0x80  }
0x23: {  	[sflag:s1] =	ssyncset.done $0x0  }
0x24: {  	s2 =	simm.s32 $0x12500;
	s25 =	rddreg [dreg:$0xd];
	[sflag:s1] =	ssyncadd.s32 $0xFFFFFF80  }
0x25: {  	[hbm4b:s25+s30] =	stream.linear.scatter [tilespmem:s2], [sflag:$0x9], $0x80, $0x38;
	[tilespmem:$0x12580] =	vst v63  }
0x26: {  	_ =	swait.ge [sflag:s1], $0x80  }
0x27: {  	s26 =	rddreg [dreg:$0xf]  }
0x28: {  	s29 =	rddreg [dreg:$0xe];
	s2 =	sadd.s32 $0x1, s26  }
0x29: {  	p0 =	sne.s32 s2, s29  }
.Ltmp1:
0x2a: {  	_ = 	snop;
	(pc) =	sbr.rel @!p0 .LBB2_13-.Ltmp1, $3  }
0x2b: {  	_ =	sdelay $0x1  }
0x2c: {  	[sflag:s1] =	ssyncset.done $0x0  }
0x2d: {  	[sflag:s1] =	ssyncadd.s32 $0xFFFFFF80  }
.LBB2_1:
0x2e: {  	[dreg:$0xf] =	wrdreg s2  }
0x2f: {  	s0 =	rddreg [dreg:$0x0]  }
0x30: {  	[tilespmem:s30], [sflag:$0x9] =	stream.linear.gather [hbm4b:s0+s30], $0x480, $0x38;
	[tilespmem:$0x12580] =	vst v63  }
0x31: {  	_ =	swait.ge [sflag:s1], $0x480  }
0x32: {  	[sflag:s1] =	ssyncset.done $0x0  }
0x33: {  	s25 =	simm.s32 $0x480;
	s24 =	rddreg [dreg:$0x6];
	[sflag:s1] =	ssyncadd.s32 $0xFFFFFB80  }
0x34: {  	[tilespmem:s25], [sflag:$0x1] =	stream.linear.gather [hbm4b:s24+s30], $0x4800, $0x38;
	[tilespmem:$0x12580] =	vst v63  }
0x35: {  	s29 =	simm.s32 $0x0;
	s26 =	rddreg [dreg:$0x7]  }
0x36: {  	[tilespmem:s31], [sflag:$0x2] =	stream.linear.gather [hbm4b:s26+s30], $0x4800, $0x38;
	[tilespmem:$0x12580] =	vst v63  }
0x37: {  	s0 =	simm.f32 $-Inf;
	[dreg:$0x10] =	wrdreg s29;
	s26 =	simm.s32 $0x0  }
.LBB2_2:
0x38: {  	s1 =	simm.s32 $0x1  }
0x39: {  	_ =	swait.ge [sflag:s1], $0x4800  }
0x3a: {  	s2 =	simm.s32 $0x0;
	[sflag:s1] =	ssyncset.done $0x0  }
0x3b: {  	s29 =	sand.u32 $0x70, s2;
	s4 =	sand.u32 $0x3C00, s2;
	[sflag:s1] =	ssyncadd.s32 $0xFFFFB800  }
0x3c: {  	s1 =	sor.u32 s29, s4;
	v11 =	vld [tilespmem:s2+$0x0]  }
0x3d: {  	v0 =	vld [tilespmem:s1+$0x2C00]  }
0x3e: {  	v1 =	vld [tilespmem:s1+$0x2B80]  }
0x3f: {  	v2 =	vld [tilespmem:s1+$0x2B00]  }
0x40: {  	v25 =	vld [tilespmem:s1+$0x700]  }
0x41: {  	v5 =	vld [tilespmem:s1+$0x680]  }
0x42: {  	v9 =	vld [tilespmem:s1+$0x780]  }
0x43: {  	v17 =	vimm.f32 $0.0e+00;
	v36 =	vimm.f32 $0.0e+00;
	v22 =	vimm.f32 $0.0e+00;
	v8 =	vld [tilespmem:s1+$0x2900]  }
0x44: {  	v21 =	vimm.f32 $0.0e+00;
	v33 =	vimm.f32 $0.0e+00;
	v13 =	vld [tilespmem:s1+$0x500];
	v3 =	vmul.f32 v0, v11  }
0x45: {  	v28 =	vimm.f32 $0.0e+00;
	v15 =	vld [tilespmem:s1+$0x2A00];
	v4 =	vmul.f32 v1, v11;
	v6 =	vmul.f32 v1, v1  }
0x46: {  	v40 =	vimm.f32 $0.0e+00;
	v14 =	vld [tilespmem:s1+$0x2980];
	v10 =	vmul.f32 v2, v11;
	v12 =	vmul.f32 v2, v2  }
0x47: {  	v37 =	vimm.f32 $0.0e+00;
	v0 =	vmul.f32 v0, v0;
	v16 =	vmul.f32 v25, v11  }
0x48: {  	v35 =	vimm.f32 $0.0e+00;
	v7 =	vld [tilespmem:s1+$0x2A80];
	v19 =	vmul.f32 v5, v5;
	v30 =	vmul.f32 v9, v11  }
0x49: {  	v38 =	vimm.f32 $0.0e+00;
	v23 =	vmul.f32 v8, v11;
	v46 =	vmul.f32 v13, v11  }
0x4a: {  	v42 =	vimm.f32 $0.0e+00;
	s2 =	sand.u32 $0x7, s2;
	v8 =	vmul.f32 v8, v8;
	v43 =	vmul.f32 v13, v13  }
0x4b: {  	v39 =	vimm.f32 $0.0e+00;
	s2 =	sshll.u32 s2, $0x4;
	v18 =	vmul.f32 v14, v11;
	v13 =	vmul.f32 v15, v15  }
0x4c: {  	s2 =	sadd.s32 $0x0, s2;
	v34 =	vmul.f32 v9, v9;
	v1 =	vadd.f32 v3, v17;
	v2 =	vadd.f32 v4, v17  }
0x4d: {  	s2 =	sor.u32 $0x380, s2;
	v3 =	vadd.f32 v6, v17;
	v6 =	vmul.f32 v7, v11;
	v4 =	vadd.f32 v10, v17  }
0x4e: {  	v20 =	vld [tilespmem:s2+$0x480];
	v10 =	vmul.f32 v5, v11;
	v5 =	vadd.f32 v12, v17;
	v24 =	vadd.f32 v16, v17  }
0x4f: {  	v7 =	vmul.f32 v7, v7;
	v0 =	vadd.f32 v0, v17;
	v12 =	vadd.f32 v8, v17  }
0x50: {  	v29 =	vadd.f32 v19, v17;
	v9 =	vadd.f32 v13, v17;
	v16 =	vimm.f32 $0.0e+00  }
0x51: {  	v26 =	vld [tilespmem:s1+$0x2880];
	v19 =	vimm.f32 $0.0e+00;
	v13 =	vimm.f32 $0.0e+00;
	v6 =	vadd.f32 v6, v17  }
0x52: {  	v45 =	vld [tilespmem:s1+$0x600];
	v27 =	vadd.f32 v10, v17;
	v10 =	vmul.f32 v15, v11;
	v7 =	vadd.f32 v7, v17  }
0x53: {  	s7 =	simm.s32 $0x10;
	v41 =	vld [tilespmem:s1+$0x580];
	v32 =	vmul.f32 v20, v20;
	v31 =	vmul.f32 v20, v11;
	v15 =	vimm.f32 $0.0e+00  }
0x54: {  	s4 =	simm.s32 $0x10;
	v44 =	vld [tilespmem:s1+$0x480];
	s1 =	simm.s32 $0x80;
	s2 =	simm.s32 $0x1;
	v20 =	vimm.f32 $0.0e+00;
	v8 =	vadd.f32 v10, v17;
	v10 =	vimm.f32 $0.0e+00  }
.LBB2_3:
0x55: {  	s5 =	sand.u32 $0x7, s2  }
0x56: {  	s6 =	sand.u32 $0x70, s7;
	s8 =	sand.u32 $0x3C00, s1;
	v17 =	vadd.f32 v30, v17;
	v30 =	vmul.f32 v26, v11;
	v15 =	vadd.f32 v23, v15;
	s9 =	smov.u32 s7  }
0x57: {  	v25 =	vmul.f32 v25, v25;
	v20 =	vadd.f32 v32, v20;
	s9 =	sshll.u32 s5, $0x4;
	v23 =	vld [tilespmem:s4+$0x0];
	s6 =	sor.u32 s6, s8;
	s5 =	sadd.s32 $0x10, s7;
	v47 =	vmul.f32 v45, v11  }
0x58: {  	p0 =	sne.s32 s7, $0x470;
	v36 =	vadd.f32 v46, v36;
	v26 =	vmul.f32 v26, v26;
	v22 =	vadd.f32 v34, v22;
	s8 =	sadd.s32 s9, s1;
	v32 =	vld [tilespmem:s6+$0x2A00]  }
0x59: {  	v46 =	vmul.f32 v44, v11;
	v14 =	vmul.f32 v14, v14;
	v21 =	vadd.f32 v31, v21;
	s7 =	sor.u32 $0x380, s8;
	v34 =	vld [tilespmem:s6+$0x2900]  }
0x5a: {  	v48 =	vmul.f32 v41, v11;
	v10 =	vadd.f32 v18, v10;
	v16 =	vadd.f32 v26, v16;
	v31 =	vld [tilespmem:s6+$0x2C00]  }
0x5b: {  	v26 =	vmul.f32 v45, v45;
	v28 =	vadd.f32 v25, v28;
	v33 =	vadd.f32 v47, v33;
	v18 =	vld [tilespmem:s6+$0x2B80]  }
0x5c: {  	v44 =	vmul.f32 v44, v44;
	v41 =	vmul.f32 v41, v41;
	v40 =	vadd.f32 v46, v40;
	v45 =	vld [tilespmem:s6+$0x2B00];
	v11 =	vmovc v23  }
0x5d: {  	v37 =	vadd.f32 v43, v37;
	v35 =	vadd.f32 v26, v35;
	v23 =	vld [tilespmem:s6+$0x2A80]  }
0x5e: {  	v38 =	vadd.f32 v48, v38;
	v19 =	vadd.f32 v30, v19;
	v25 =	vld [tilespmem:s6+$0x700]  }
0x5f: {  	v42 =	vadd.f32 v44, v42;
	v39 =	vadd.f32 v41, v39;
	v26 =	vld [tilespmem:s6+$0x680];
	v30 =	vmul.f32 v31, v11  }
0x60: {  	v13 =	vadd.f32 v14, v13;
	v47 =	vld [tilespmem:s6+$0x780];
	v43 =	vmul.f32 v18, v11;
	v18 =	vmul.f32 v18, v18  }
0x61: {  	v48 =	vld [tilespmem:s6+$0x500];
	v14 =	vmul.f32 v45, v11;
	v45 =	vmul.f32 v45, v45;
	v1 =	vadd.f32 v30, v1  }
0x62: {  	v41 =	vld [tilespmem:s6+$0x580];
	v2 =	vadd.f32 v43, v2;
	v3 =	vadd.f32 v18, v3;
	v18 =	vmul.f32 v31, v31  }
0x63: {  	v43 =	vmul.f32 v23, v11;
	v44 =	vld [tilespmem:s6+$0x480];
	v31 =	vmul.f32 v25, v11;
	v4 =	vadd.f32 v14, v4  }
0x64: {  	v5 =	vadd.f32 v45, v5;
	v46 =	vmul.f32 v26, v11;
	v49 =	vmul.f32 v26, v26;
	v14 =	vld [tilespmem:s6+$0x2980]  }
0x65: {  	v51 =	vmul.f32 v23, v23;
	v6 =	vadd.f32 v43, v6;
	v30 =	vmul.f32 v47, v11;
	v50 =	vld [tilespmem:s7+$0x480]  }
0x66: {  	v23 =	vmul.f32 v34, v11;
	v24 =	vadd.f32 v31, v24;
	v27 =	vadd.f32 v46, v27  }
.Ltmp2:
0x67: {  	v0 =	vadd.f32 v18, v0;
	v31 =	vmul.f32 v34, v34;
	v46 =	vmul.f32 v48, v11;
	v26 =	vld [tilespmem:s6+$0x2880];
	(pc) =	sbr.rel @p0 .LBB2_3-.Ltmp2, $4  }
0x68: {  	v7 =	vadd.f32 v51, v7;
	v34 =	vmul.f32 v32, v11;
	v43 =	vmul.f32 v48, v48;
	v45 =	vld [tilespmem:s6+$0x600]  }
0x69: {  	v48 =	vmul.f32 v32, v32;
	v12 =	vadd.f32 v31, v12;
	v18 =	vmul.f32 v14, v11  }
0x6a: {  	s2 =	sadd.s32 $0x1, s2;
	v29 =	vadd.f32 v49, v29;
	v8 =	vadd.f32 v34, v8;
	v32 =	vmul.f32 v50, v50  }
0x6b: {  	s4 =	sadd.s32 $0x10, s4;
	s1 =	sadd.s32 $0x80, s1;
	s7 =	smov.u32 s5;
	v34 =	vmul.f32 v47, v47;
	v9 =	vadd.f32 v48, v9;
	v31 =	vmul.f32 v50, v11  }
0x6c: {  	v47 =	vmul.f32 v44, v11  }
0x6d: {  	v52 =	vmul.f32 v44, v44  }
0x6e: {  	v40 =	vadd.f32 v47, v40  }
0x6f: {  	v42 =	vadd.f32 v52, v42  }
0x70: {  	(xrf2) =	vadd.scan.msk.f32 $0xffff, v40  }
0x71: {  	(xrf2) =	vadd.scan.msk.f32 $0xffff, v42;
	_ =	sdelay $0x8  }
0x72: {  	v40, _, _ =	vpop (xrf2)  }
0x73: {  	(v2sf) =	vpush v40, $0xF;
	v53, _, _ =	vpop (xrf2)  }
0x74: {  	(v2sf) =	vpush v53, $0xF  }
0x75: {  	v36 =	vadd.f32 v46, v36  }
0x76: {  	v54 =	vmul.f32 v41, v11;
	v37 =	vadd.f32 v43, v37  }
0x77: {  	v55 =	vmul.f32 v41, v41;
	(xrf2) =	vadd.scan.msk.f32 $0xffff, v36  }
0x78: {  	v56 =	vadd.f32 v54, v38;
	(xrf2) =	vadd.scan.msk.f32 $0xffff, v37  }
0x79: {  	v57 =	vadd.f32 v55, v39  }
0x7a: {  	(xrf2) =	vadd.scan.msk.f32 $0xffff, v56  }
0x7b: {  	(xrf2) =	vadd.scan.msk.f32 $0xffff, v57;
	_ =	sdelay $0x5  }
0x7c: {  	v58, _, _ =	vpop (xrf2)  }
0x7d: {  	v59, _, _ =	vpop (xrf2);
	s4 =	spop (v2sf);
	(v2sf) =	vpush v58, $0xF  }
0x7e: {  	s1 =	spop (v2sf);
	(v2sf) =	vpush v59, $0xF  }
0x7f: {  	v60, _, _ =	vpop (xrf2);
	s2 =	sshrl.u32 s1, $0x1;
	s5 =	smul.f32 $5.000000000e-01, s1  }
0x80: {  	v61, _, _ =	vpop (xrf2);
	(v2sf) =	vpush v60, $0xF;
	s16 =	ssub.s32 $0x5F3759DF, s2  }
0x81: {  	(v2sf) =	vpush v61, $0xF;
	s2 =	smul.f32 s16, s5;
	_ =	sdelay $0x1  }
0x82: {  	s2 =	smul.f32 s16, s2  }
0x83: {  	v62 =	vmul.f32 v45, v11  }
0x84: {  	v63 =	vmul.f32 v45, v45;
	s2 =	ssub.f32 $1.500000000e+00, s2  }
0x85: {  	v33 =	vadd.f32 v62, v33  }
0x86: {  	v35 =	vadd.f32 v63, v35;
	s2 =	smul.f32 s16, s2  }
0x87: {  	(xrf2) =	vadd.scan.msk.f32 $0xffff, v33  }
0x88: {  	(xrf2) =	vadd.scan.msk.f32 $0xffff, v35;
	s1 =	smul.f32 s2, s5;
	_ =	sdelay $0x1  }
0x89: {  	s6 =	smul.f32 s1, s2  }
0x8a: {  	(xrf2) =	vadd.scan.msk.f32 $0xffff, v27;
	s1 =	spop (v2sf)  }
0x8b: {  	(xrf2) =	vadd.scan.msk.f32 $0xffff, v29;
	s6 =	ssub.f32 $1.500000000e+00, s6;
	s7 =	spop (v2sf)  }
0x8c: {  	s8 =	sshrl.u32 s7, $0x1;
	s9 =	smul.f32 $5.000000000e-01, s7  }
0x8d: {  	s6 =	smul.f32 s6, s2;
	s17 =	ssub.s32 $0x5F3759DF, s8;
	s2 =	spop (v2sf)  }
0x8e: {  	s8 =	smul.f32 s17, s9;
	s10 =	spop (v2sf)  }
0x8f: {  	s11 =	sshrl.u32 s10, $0x1;
	s10 =	smul.f32 $5.000000000e-01, s10  }
0x90: {  	v27, _, _ =	vpop (xrf2);
	s8 =	smul.f32 s17, s8;
	s11 =	ssub.s32 $0x5F3759DF, s11  }
0x91: {  	(v2sf) =	vpush v27, $0xF;
	v27, _, _ =	vpop (xrf2);
	s12 =	smul.f32 s11, s10  }
0x92: {  	v25 =	vmul.f32 v25, v25;
	(v2sf) =	vpush v27, $0xF;
	s5 =	smul.f32 s6, s5;
	s8 =	ssub.f32 $1.500000000e+00, s8  }
0x93: {  	s12 =	smul.f32 s11, s12  }
0x94: {  	v25 =	vadd.f32 v25, v28;
	v27, _, _ =	vpop (xrf2);
	s7 =	smul.f32 s17, s8  }
0x95: {  	(xrf2) =	vadd.scan.msk.f32 $0xffff, v24;
	(v2sf) =	vpush v27, $0xF;
	v27, _, _ =	vpop (xrf2);
	s5 =	smul.f32 s5, s6;
	s18 =	ssub.f32 $1.500000000e+00, s12  }
0x96: {  	(xrf2) =	vadd.scan.msk.f32 $0xffff, v25;
	(v2sf) =	vpush v27, $0xF;
	s19 =	smul.f32 s7, s9  }
0x97: {  	s8 =	smul.f32 s11, s18  }
0x98: {  	s5 =	ssub.f32 $1.500000000e+00, s5;
	s20 =	smul.f32 s19, s7  }
0x99: {  	s21 =	smul.f32 s8, s10  }
0x9a: {  	s5 =	smul.f32 s5, s6;
	s22 =	ssub.f32 $1.500000000e+00, s20  }
0x9b: {  	s23 =	smul.f32 s21, s8  }
0x9c: {  	s6 =	smul.f32 s22, s7  }
0x9d: {  	s7 =	smul.f32 s5, s4;
	s24 =	ssub.f32 $1.500000000e+00, s23  }
0x9e: {  	s25 =	smul.f32 s6, s9  }
0x9f: {  	v24, _, _ =	vpop (xrf2);
	s8 =	smul.f32 s24, s8  }
0xa0: {  	s4 =	spop (v2sf);
	(v2sf) =	vpush v24, $0xF;
	v24, _, _ =	vpop (xrf2);
	s5 =	smul.f32 s25, s6  }
0xa1: {  	s11 =	spop (v2sf);
	(v2sf) =	vpush v24, $0xF;
	s3 =	smul.f32 s8, s10  }
0xa2: {  	s12 =	sshrl.u32 s11, $0x1;
	s10 =	smul.f32 $5.000000000e-01, s11  }
0xa3: {  	s11 =	ssub.s32 $0x5F3759DF, s12;
	s5 =	ssub.f32 $1.500000000e+00, s5;
	s9 =	smul.f32 s3, s8  }
0xa4: {  	s12 =	spop (v2sf);
	s13 =	smul.f32 s11, s10  }
0xa5: {  	s17 =	spop (v2sf);
	s5 =	smul.f32 s5, s6  }
0xa6: {  	v17 =	vadd.f32 v30, v17;
	s14 =	ssub.f32 $1.500000000e+00, s9;
	s15 =	smul.f32 s11, s13  }
0xa7: {  	v22 =	vadd.f32 v34, v22;
	s13 =	sshrl.u32 s17, $0x1;
	s9 =	smul.f32 $5.000000000e-01, s17  }
0xa8: {  	(xrf2) =	vadd.scan.msk.f32 $0xffff, v17;
	s13 =	ssub.s32 $0x5F3759DF, s13;
	s6 =	smul.f32 s14, s8  }
0xa9: {  	v17 =	vadd.f32 v31, v21;
	(xrf2) =	vadd.scan.msk.f32 $0xffff, v22;
	s16 =	ssub.f32 $1.500000000e+00, s15;
	s18 =	smul.f32 s13, s9  }
0xaa: {  	v20 =	vadd.f32 v32, v20;
	s8 =	smul.f32 s5, s1  }
0xab: {  	(xrf2) =	vadd.scan.msk.f32 $0xffff, v17;
	s11 =	smul.f32 s11, s16  }
0xac: {  	(xrf2) =	vadd.scan.msk.f32 $0xffff, v20;
	s15 =	smul.f32 s13, s18  }
0xad: {  	s14 =	smul.f32 s11, s10  }
0xae: {  	s2 =	smul.f32 s6, s2;
	s19 =	ssub.f32 $1.500000000e+00, s15  }
0xaf: {  	s1 =	spop (v2sf);
	s14 =	smul.f32 s14, s11  }
0xb0: {  	s23 =	spop (v2sf);
	s21 =	smul.f32 s13, s19  }
0xb1: {  	s25 =	smul.f32 $5.000000000e-01, s23;
	s20 =	ssub.f32 $1.500000000e+00, s14  }
0xb2: {  	v17, _, _ =	vpop (xrf2);
	s22 =	smul.f32 s21, s9  }
0xb3: {  	(v2sf) =	vpush v17, $0xF;
	v17, _, _ =	vpop (xrf2);
	s5 =	smul.f32 s20, s11  }
0xb4: {  	(v2sf) =	vpush v17, $0xF;
	s24 =	sshrl.u32 s23, $0x1;
	s11 =	smul.f32 s22, s21  }
0xb5: {  	v17, _, _ =	vpop (xrf2);
	s3 =	ssub.s32 $0x5F3759DF, s24;
	s10 =	smul.f32 s5, s10  }
0xb6: {  	(v2sf) =	vpush v17, $0xF;
	v17, _, _ =	vpop (xrf2);
	s14 =	smul.f32 s3, s25;
	s11 =	ssub.f32 $1.500000000e+00, s11  }
0xb7: {  	(v2sf) =	vpush v17, $0xF;
	s10 =	smul.f32 s10, s5  }
0xb8: {  	v11 =	vmul.f32 v26, v11;
	s6 =	smul.f32 s11, s21  }
0xb9: {  	v17 =	vmul.f32 v26, v26;
	s14 =	smul.f32 s3, s14;
	s10 =	ssub.f32 $1.500000000e+00, s10  }
0xba: {  	v11 =	vadd.f32 v11, v19;
	s9 =	smul.f32 s6, s9  }
0xbb: {  	v16 =	vadd.f32 v17, v16;
	s16 =	ssub.f32 $1.500000000e+00, s14;
	s5 =	smul.f32 s10, s5  }
0xbc: {  	(xrf2) =	vadd.scan.msk.f32 $0xffff, v11;
	s9 =	smul.f32 s9, s6  }
0xbd: {  	(xrf2) =	vadd.scan.msk.f32 $0xffff, v16;
	s10 =	smul.f32 s3, s16  }
0xbe: {  	s14 =	smul.f32 s5, s4;
	s17 =	ssub.f32 $1.500000000e+00, s9  }
0xbf: {  	s18 =	smul.f32 s10, s25  }
0xc0: {  	s4 =	smul.f32 s17, s6  }
0xc1: {  	s5 =	smul.f32 s18, s10  }
0xc2: {  	v11 =	vadd.f32 v23, v15;
	s13 =	smul.f32 s4, s12;
	s4 =	spop (v2sf)  }
0xc3: {  	s5 =	ssub.f32 $1.500000000e+00, s5;
	s19 =	spop (v2sf)  }
0xc4: {  	s20 =	sshrl.u32 s19, $0x1;
	s11 =	smul.f32 $5.000000000e-01, s19  }
0xc5: {  	(xrf2) =	vadd.scan.msk.f32 $0xffff, v11;
	s21 =	smul.f32 s5, s10;
	s5 =	spop (v2sf);
	s9 =	ssub.s32 $0x5F3759DF, s20  }
0xc6: {  	v11, _, _ =	vpop (xrf2);
	(xrf2) =	vadd.scan.msk.f32 $0xffff, v12;
	s23 =	spop (v2sf);
	s22 =	smul.f32 s9, s11  }
0xc7: {  	(v2sf) =	vpush v11, $0xF;
	v11, _, _ =	vpop (xrf2);
	s16 =	sshrl.u32 s23, $0x1;
	s12 =	smul.f32 $5.000000000e-01, s23  }
0xc8: {  	(v2sf) =	vpush v11, $0xF;
	s16 =	ssub.s32 $0x5F3759DF, s16;
	s10 =	smul.f32 s9, s22  }
0xc9: {  	s17 =	smul.f32 s16, s12  }
0xca: {  	s15 =	smul.f32 s21, s25;
	s10 =	ssub.f32 $1.500000000e+00, s10  }
0xcb: {  	s17 =	smul.f32 s16, s17  }
0xcc: {  	s9 =	smul.f32 s9, s10  }
0xcd: {  	s24 =	smul.f32 s15, s21;
	s25 =	ssub.f32 $1.500000000e+00, s17  }
0xce: {  	s3 =	smul.f32 s9, s11  }
0xcf: {  	v11, _, _ =	vpop (xrf2);
	s15 =	smul.f32 s16, s25  }
0xd0: {  	(v2sf) =	vpush v11, $0xF;
	v11, _, _ =	vpop (xrf2);
	s10 =	ssub.f32 $1.500000000e+00, s24;
	s18 =	smul.f32 s3, s9  }
0xd1: {  	v12 =	vmul.f32 v14, v14;
	(v2sf) =	vpush v11, $0xF;
	s19 =	smul.f32 s15, s12  }
0xd2: {  	v10 =	vadd.f32 v18, v10;
	s6 =	smul.f32 s10, s21;
	s20 =	ssub.f32 $1.500000000e+00, s18  }
0xd3: {  	v11 =	vadd.f32 v12, v13;
	s21 =	smul.f32 s19, s15  }
0xd4: {  	(xrf2) =	vadd.scan.msk.f32 $0xffff, v10;
	s9 =	smul.f32 s20, s9  }
0xd5: {  	(xrf2) =	vadd.scan.msk.f32 $0xffff, v11;
	s6 =	smul.f32 s6, s1;
	s22 =	ssub.f32 $1.500000000e+00, s21  }
0xd6: {  	s1 =	spop (v2sf);
	s10 =	smul.f32 s9, s11  }
0xd7: {  	s24 =	spop (v2sf);
	s23 =	smul.f32 s22, s15  }
0xd8: {  	s15 =	smul.f32 $5.000000000e-01, s24  }
0xd9: {  	(xrf2) =	vadd.scan.msk.f32 $0xffff, v8;
	s25 =	sshrl.u32 s24, $0x1;
	s10 =	smul.f32 s10, s9  }
0xda: {  	(xrf2) =	vadd.scan.msk.f32 $0xffff, v9;
	s16 =	ssub.s32 $0x5F3759DF, s25;
	s12 =	smul.f32 s23, s12  }
0xdb: {  	s3 =	smul.f32 s16, s15  }
0xdc: {  	s10 =	ssub.f32 $1.500000000e+00, s10;
	s12 =	smul.f32 s12, s23  }
0xdd: {  	s19 =	smul.f32 s16, s3  }
0xde: {  	v8, _, _ =	vpop (xrf2);
	s9 =	smul.f32 s10, s9;
	s18 =	ssub.f32 $1.500000000e+00, s12  }
0xdf: {  	(v2sf) =	vpush v8, $0xF;
	v8, _, _ =	vpop (xrf2);
	s10 =	spop (v2sf);
	s20 =	ssub.f32 $1.500000000e+00, s19  }
0xe0: {  	(v2sf) =	vpush v8, $0xF;
	s21 =	spop (v2sf);
	s17 =	smul.f32 s18, s23  }
0xe1: {  	s18 =	sshrl.u32 s21, $0x1;
	s19 =	smul.f32 $5.000000000e-01, s21  }
0xe2: {  	s22 =	smul.f32 s16, s20;
	s23 =	ssub.s32 $0x5F3759DF, s18  }
0xe3: {  	v8, _, _ =	vpop (xrf2);
	s24 =	smul.f32 s23, s19  }
0xe4: {  	(v2sf) =	vpush v8, $0xF;
	v8, _, _ =	vpop (xrf2);
	s25 =	smul.f32 s22, s15  }
0xe5: {  	(v2sf) =	vpush v8, $0xF;
	s20 =	smul.f32 s23, s24  }
0xe6: {  	s18 =	smul.f32 s25, s22  }
0xe7: {  	s11 =	smul.f32 s9, s4;
	s3 =	ssub.f32 $1.500000000e+00, s20  }
0xe8: {  	s9 =	smul.f32 s17, s5;
	s20 =	ssub.f32 $1.500000000e+00, s18  }
0xe9: {  	s4 =	smul.f32 s23, s3  }
0xea: {  	s16 =	smul.f32 s20, s22  }
0xeb: {  	s21 =	smul.f32 s4, s19  }
0xec: {  	s12 =	smul.f32 s16, s15  }
0xed: {  	(xrf2) =	vadd.scan.msk.f32 $0xffff, v6;
	s5 =	smul.f32 s21, s4  }
0xee: {  	(xrf2) =	vadd.scan.msk.f32 $0xffff, v7;
	s15 =	smul.f32 s12, s16;
	s12 =	spop (v2sf)  }
0xef: {  	s22 =	spop (v2sf);
	s5 =	ssub.f32 $1.500000000e+00, s5  }
0xf0: {  	(xrf2) =	vadd.scan.msk.f32 $0xffff, v4;
	s23 =	sshrl.u32 s22, $0x1;
	s17 =	smul.f32 $5.000000000e-01, s22  }
0xf1: {  	(xrf2) =	vadd.scan.msk.f32 $0xffff, v5;
	s18 =	ssub.s32 $0x5F3759DF, s23;
	s4 =	smul.f32 s5, s4  }
0xf2: {  	s24 =	smul.f32 s18, s17  }
0xf3: {  	s5 =	spop (v2sf);
	s19 =	smul.f32 s4, s19  }
0xf4: {  	s21 =	spop (v2sf);
	s25 =	smul.f32 s18, s24  }
0xf5: {  	s22 =	sshrl.u32 s21, $0x1;
	s21 =	smul.f32 $5.000000000e-01, s21  }
0xf6: {  	s3 =	ssub.s32 $0x5F3759DF, s22;
	s19 =	smul.f32 s19, s4;
	s20 =	ssub.f32 $1.500000000e+00, s25  }
0xf7: {  	v4, _, _ =	vpop (xrf2);
	s22 =	smul.f32 s3, s21  }
0xf8: {  	(v2sf) =	vpush v4, $0xF;
	v4, _, _ =	vpop (xrf2);
	s18 =	smul.f32 s18, s20  }
0xf9: {  	(v2sf) =	vpush v4, $0xF;
	s15 =	ssub.f32 $1.500000000e+00, s15;
	s22 =	smul.f32 s3, s22  }
0xfa: {  	v4, _, _ =	vpop (xrf2);
	s23 =	smul.f32 s18, s17  }
0xfb: {  	(v2sf) =	vpush v4, $0xF;
	v4, _, _ =	vpop (xrf2);
	s15 =	smul.f32 s15, s16;
	s22 =	ssub.f32 $1.500000000e+00, s22  }
0xfc: {  	(v2sf) =	vpush v4, $0xF;
	s19 =	ssub.f32 $1.500000000e+00, s19;
	s23 =	smul.f32 s23, s18  }
0xfd: {  	s16 =	smul.f32 s3, s22  }
0xfe: {  	s19 =	smul.f32 s19, s4;
	s24 =	ssub.f32 $1.500000000e+00, s23  }
0xff: {  	s25 =	smul.f32 s16, s21  }
0x100: {  	s18 =	smul.f32 s24, s18  }
0x101: {  	(xrf2) =	vadd.scan.msk.f32 $0xffff, v2;
	s20 =	smul.f32 s25, s16  }
0x102: {  	s17 =	smul.f32 s18, s17  }
0x103: {  	(xrf2) =	vadd.scan.msk.f32 $0xffff, v3;
	s4 =	smul.f32 s15, s1;
	s3 =	ssub.f32 $1.500000000e+00, s20  }
0x104: {  	s17 =	smul.f32 s17, s18  }
0x105: {  	s15 =	smul.f32 s3, s16  }
0x106: {  	s1 =	smul.f32 s19, s10;
	s20 =	ssub.f32 $1.500000000e+00, s17  }
0x107: {  	(xrf2) =	vadd.scan.msk.f32 $0xffff, v1;
	s17 =	spop (v2sf);
	s16 =	smul.f32 s15, s21  }
0x108: {  	s22 =	spop (v2sf);
	s10 =	smul.f32 s20, s18  }
0x109: {  	p1 =	sgt.f32 s7, s0;
	s23 =	sshrl.u32 s22, $0x1;
	s20 =	smul.f32 $5.000000000e-01, s22  }
0x10a: {  	s21 =	smul.f32 s16, s15;
	s18 =	spop (v2sf);
	s19 =	ssub.s32 $0x5F3759DF, s23  }
0x10b: {  	v1, _, _ =	vpop (xrf2);
	s25 =	spop (v2sf);
	s24 =	smul.f32 s19, s20  }
0x10c: {  	(v2sf) =	vpush v1, $0xF;
	s3 =	sshrl.u32 s25, $0x1;
	s22 =	smul.f32 $5.000000000e-01, s25  }
0x10d: {  	s0 =	smov.u32 @p1 s7;
	v1, _, _ =	vpop (xrf2);
	s23 =	ssub.s32 $0x5F3759DF, s3;
	s24 =	smul.f32 s19, s24  }
0x10e: {  	p0 =	sgt.f32 s8, s0;
	(v2sf) =	vpush v1, $0xF;
	s25 =	smul.f32 s23, s22  }
0x10f: {  	s16 =	smul.f32 s10, s12;
	s12 =	ssub.f32 $1.500000000e+00, s24  }
0x110: {  	s0 =	smov.u32 @p0 s8;
	(xrf2) =	vadd.scan.msk.f32 $0xffff, v0;
	s24 =	ssub.f32 $1.500000000e+00, s21;
	s3 =	smul.f32 s23, s25  }
0x111: {  	p5 =	sgt.f32 s2, s0;
	v1, _, _ =	vpop (xrf2);
	s10 =	smul.f32 s19, s12  }
0x112: {  	(v2sf) =	vpush v1, $0xF;
	s15 =	smul.f32 s24, s15;
	s21 =	ssub.f32 $1.500000000e+00, s3  }
0x113: {  	s19 =	smul.f32 s10, s20  }
0x114: {  	s0 =	smov.u32 @p5 s2;
	s21 =	smul.f32 s23, s21  }
0x115: {  	p3 =	sgt.f32 s14, s0;
	s24 =	smul.f32 s19, s10  }
0x116: {  	s25 =	smul.f32 s21, s22  }
0x117: {  	s0 =	smov.u32 @p3 s14;
	s7 =	ssub.f32 $1.500000000e+00, s24  }
0x118: {  	p2 =	sgt.f32 s13, s0;
	s3 =	smul.f32 s25, s21  }
0x119: {  	s23 =	rddreg [dreg:$0x10];
	s19 =	smul.f32 s7, s10  }
0x11a: {  	v0, _, _ =	vpop (xrf2);
	s14 =	smul.f32 s15, s5;
	s8 =	ssub.f32 $1.500000000e+00, s3  }
0x11b: {  	s0 =	smov.u32 @p2 s13;
	s12 =	spop (v2sf);
	(v2sf) =	vpush v0, $0xF;
	s20 =	smul.f32 s19, s20  }
0x11c: {  	s25 =	rddreg [dreg:$0x5];
	s3 =	sshll.u32 s23, $0x6;
	s2 =	smul.f32 s8, s21  }
0x11d: {  	s24 =	spop (v2sf);
	s7 =	sor.u32 s25, s3;
	s20 =	smul.f32 s20, s19  }
0x11e: {  	s26 =	smov.u32 @p1 s7;
	p1 =	sgt.f32 s6, s0;
	s21 =	smul.f32 s2, s22  }
0x11f: {  	s15 =	smul.f32 $5.000000000e-01, s24  }
0x120: {  	s0 =	smov.u32 @p1 s6;
	s20 =	ssub.f32 $1.500000000e+00, s20;
	s21 =	smul.f32 s21, s2  }
0x121: {  	s10 =	spop (v2sf);
	s22 =	sshrl.u32 s24, $0x1;
	p4 =	sgt.f32 s11, s0  }
0x122: {  	s5 =	smul.f32 s20, s19;
	s24 =	ssub.f32 $1.500000000e+00, s21;
	s19 =	ssub.s32 $0x5F3759DF, s22  }
0x123: {  	[dreg:$0x11] =	wrdreg s3;
	s13 =	sor.u32 $0x3, s7;
	s25 =	smul.f32 s19, s15  }
0x124: {  	s0 =	smov.u32 @p4 s11;
	s20 =	sor.u32 $0x1, s7;
	s2 =	smul.f32 s24, s2  }
0x125: {  	s26 =	smov.u32 @p0 s20;
	p0 =	seq.s32 s23, $0x0;
	s6 =	smul.f32 s5, s17  }
0x126: {  	s24 =	sshrl.u32 s7, $0x3;
	s17 =	sor.u32 $0x2, s7;
	s21 =	smul.f32 s19, s25  }
0x127: {  	s25 =	smul.u32 $0x480, s24;
	s24 =	rddreg [dreg:$0x8];
	s26 =	smov.u32 @p5 s17  }
0x128: {  	s17 =	simm.s32 $0x0;
	s3 =	sadd.s32 s24, s3;
	s22 =	ssub.f32 $1.500000000e+00, s21  }
0x129: {  	s5 =	smul.f32 s2, s18;
	s21 =	sadd.s32 s28, s25;
	[dreg:$0x12] =	wrdreg s3  }
0x12a: {  	s18 =	smul.f32 s19, s22;
	s19 =	spop (v2sf);
	s22 =	simm.s32 $0x480  }
0x12b: {  	[hbm4b:s21+s30] =	stream.linear.scatter [tilespmem:s22], [sflag:$0x5], $0x4800, $0x38;
	[tilespmem:$0x12580] =	vst v63  }
0x12c: {  	s20 =	sshrl.u32 s19, $0x1;
	s8 =	smul.f32 $5.000000000e-01, s19;
	s19 =	simm.s32 @!p0 $0x7  }
0x12d: {  	p5 =	sgt.f32 s9, s0;
	s3 =	sshrl.u32 s3, $0x3;
	_ =	swait.ge @!p0 [sflag:s19], $0x4800  }
0x12e: {  	s29 =	smul.u32 $0x480, s3;
	s2 =	ssub.s32 $0x5F3759DF, s20;
	[sflag:s19] =	ssyncset.done @!p0 $0x0  }
0x12f: {  	s26 =	smov.u32 @p3 s13;
	s25 =	smul.f32 s2, s8;
	[sflag:s19] =	ssyncadd.s32 @!p0 $0xFFFFB800  }
0x130: {  	s24 =	simm.s32 $0x2;
	s0 =	smov.u32 @p5 s9;
	s3 =	rddreg [dreg:$0x1]  }
0x131: {  	s22 =	simm.s32 $0x9480;
	s20 =	smul.f32 s2, s25;
	s21 =	sadd.s32 s3, s29  }
0x132: {  	[tilespmem:s22], [sflag:$0x3] =	stream.linear.gather [hbm4b:s21+s17], $0x4800, $0x38;
	[tilespmem:$0x12580] =	vst v63  }
0x133: {  	p3 =	sgt.f32 s4, s0;
	s23 =	smul.f32 s18, s15;
	_ =	swait.ge [sflag:s24], $0x4800  }
0x134: {  	s19 =	sand.u32 $0x70, s17;
	s11 =	ssub.f32 $1.500000000e+00, s20;
	[sflag:s24] =	ssyncset.done $0x0  }
0x135: {  	s20 =	sand.u32 $0x3C00, s17;
	s21 =	smul.f32 s23, s18;
	[sflag:s24] =	ssyncadd.s32 $0xFFFFB800  }
0x136: {  	s25 =	smul.f32 s2, s11;
	s2 =	sor.u32 s19, s20;
	s11 =	sor.u32 $0x4, s7;
	v10 =	vld [tilespmem:s17+$0x0]  }
0x137: {  	s0 =	smov.u32 @p3 s4;
	s26 =	smov.u32 @p2 s11;
	s11 =	ssub.f32 $1.500000000e+00, s21;
	v2 =	vld [tilespmem:s2+$0x7400]  }
0x138: {  	p2 =	sgt.f32 s1, s0;
	s22 =	smul.f32 s25, s8;
	v0 =	vld [tilespmem:s2+$0x7380]  }
0x139: {  	v1 =	vld [tilespmem:s2+$0x7300];
	s23 =	smul.f32 s11, s18  }
0x13a: {  	s13 =	sor.u32 $0x5, s7;
	v5 =	vld [tilespmem:s2+$0x4E80];
	s0 =	smov.u32 @p2 s1;
	s4 =	smul.f32 s22, s25  }
0x13b: {  	s26 =	smov.u32 @p1 s13;
	v9 =	vld [tilespmem:s2+$0x4F80];
	p1 =	sgt.f32 s16, s0;
	s24 =	smul.f32 s23, s15  }
0x13c: {  	v43 =	vimm.f32 $0.0e+00;
	v34 =	vimm.f32 $0.0e+00;
	v28 =	vimm.f32 $0.0e+00;
	v8 =	vld [tilespmem:s2+$0x7100];
	s11 =	sor.u32 $0x6, s7;
	s4 =	ssub.f32 $1.500000000e+00, s4  }
0x13d: {  	v39 =	vimm.f32 $0.0e+00;
	v38 =	vimm.f32 $0.0e+00;
	v36 =	vimm.f32 $0.0e+00;
	v14 =	vld [tilespmem:s2+$0x4D00];
	s26 =	smov.u32 @p4 s11;
	s0 =	smov.u32 @p1 s16;
	s11 =	smul.f32 s24, s23  }
0x13e: {  	v40 =	vimm.f32 $0.0e+00;
	s13 =	sor.u32 $0x7, s7;
	v18 =	vld [tilespmem:s2+$0x7200];
	v4 =	vmul.f32 v2, v10;
	v6 =	vmul.f32 v0, v10;
	p4 =	sgt.f32 s14, s0;
	s4 =	smul.f32 s4, s25  }
0x13f: {  	v37 =	vimm.f32 $0.0e+00;
	v12 =	vld [tilespmem:s2+$0x7180];
	s26 =	smov.u32 @p5 s13;
	v7 =	vmul.f32 v0, v0;
	v11 =	vmul.f32 v1, v10;
	s25 =	sand.u32 $0x7, s17;
	s11 =	ssub.f32 $1.500000000e+00, s11  }
0x140: {  	v35 =	vimm.f32 $0.0e+00;
	v3 =	vld [tilespmem:s2+$0x7280];
	v13 =	vmul.f32 v1, v1;
	v15 =	vmul.f32 v2, v2;
	s9 =	sshll.u32 s25, $0x4;
	s0 =	smov.u32 @p4 s14;
	s8 =	smul.f32 s4, s8  }
0x141: {  	v23 =	vimm.f32 $0.0e+00;
	v21 =	vld [tilespmem:s2+$0x4F00];
	v19 =	vmul.f32 v5, v5;
	v31 =	vmul.f32 v9, v10;
	s9 =	sadd.s32 $0x0, s9;
	p5 =	sgt.f32 s6, s0;
	s1 =	smul.f32 s11, s23  }
0x142: {  	v26 =	vimm.f32 $0.0e+00;
	v20 =	vmul.f32 v8, v10;
	v44 =	vmul.f32 v14, v10;
	s9 =	sor.u32 $0x380, s9;
	s8 =	smul.f32 s8, s4  }
0x143: {  	v16 =	vimm.f32 $0.0e+00;
	v8 =	vmul.f32 v8, v8;
	v42 =	vmul.f32 v14, v14;
	v22 =	vld [tilespmem:s9+$0x4C80];
	s9 =	sor.u32 $0x8, s7;
	s0 =	smov.u32 @p5 s6;
	s6 =	sor.u32 $0x9, s7  }
0x144: {  	v14 =	vmul.f32 v18, v10;
	v17 =	vmul.f32 v12, v10;
	v0 =	vadd.f32 v4, v16;
	s26 =	smov.u32 @p3 s9;
	p3 =	sgt.f32 s5, s0;
	s8 =	ssub.f32 $1.500000000e+00, s8  }
0x145: {  	v41 =	vld [tilespmem:s2+$0x4D80];
	v33 =	vmul.f32 v9, v9;
	v1 =	vadd.f32 v6, v16;
	v2 =	vadd.f32 v7, v16;
	s1 =	smul.f32 s1, s12;
	s26 =	smov.u32 @p2 s6  }
0x146: {  	v45 =	vld [tilespmem:s2+$0x4C80];
	v7 =	vmul.f32 v21, v10;
	v6 =	vmul.f32 v3, v10;
	v4 =	vadd.f32 v11, v16;
	s0 =	smov.u32 @p3 s5;
	s5 =	sor.u32 $0xA, s7;
	s4 =	smul.f32 s8, s4  }
0x147: {  	v32 =	vld [tilespmem:s2+$0x7080];
	v11 =	vmul.f32 v5, v10;
	v5 =	vadd.f32 v13, v16;
	v13 =	vmul.f32 v3, v3;
	s26 =	smov.u32 @p1 s5;
	p1 =	sgt.f32 s1, s0  }
0x148: {  	v46 =	vld [tilespmem:s2+$0x4E00];
	s2 =	simm.s32 $0x1;
	v3 =	vadd.f32 v15, v16;
	v27 =	vadd.f32 v19, v16;
	v19 =	vimm.f32 $0.0e+00;
	s5 =	sor.u32 $0xB, s7;
	s4 =	smul.f32 s4, s10  }
0x149: {  	v15 =	vimm.f32 $0.0e+00;
	v6 =	vadd.f32 v6, v16;
	v25 =	vadd.f32 v11, v16;
	s26 =	smov.u32 @p4 s5;
	s5 =	sor.u32 $0xC, s7;
	s0 =	smov.u32 @p1 s1  }
0x14a: {  	v24 =	vadd.f32 v7, v16;
	v7 =	vadd.f32 v13, v16;
	v13 =	vmul.f32 v18, v18;
	s26 =	smov.u32 @p5 s5;
	s5 =	sor.u32 $0xD, s7;
	p2 =	sgt.f32 s4, s0  }
0x14b: {  	v11 =	vadd.f32 v8, v16;
	v8 =	vadd.f32 v14, v16;
	v14 =	vimm.f32 $0.0e+00;
	s8 =	simm.s32 $0x10;
	s1 =	sor.u32 $0xE, s7;
	s26 =	smov.u32 @p3 s5  }
0x14c: {  	v18 =	vimm.f32 $0.0e+00;
	v9 =	vadd.f32 v13, v16;
	v13 =	vimm.f32 $0.0e+00;
	s26 =	smov.u32 @p1 s1;
	s1 =	sor.u32 $0xF, s7;
	s0 =	smov.u32 @p2 s4  }
0x14d: {  	v29 =	vmul.f32 v22, v22;
	v30 =	vmul.f32 v22, v10;
	v22 =	vimm.f32 $0.0e+00;
	s26 =	smov.u32 @p2 s1;
	s1 =	simm.s32 $0x80;
	s4 =	simm.s32 $0x10  }
.LBB2_5:
0x14e: {  	s5 =	sand.u32 $0x7, s2  }
0x14f: {  	s6 =	sand.u32 $0x70, s8;
	s9 =	sand.u32 $0x3C00, s1;
	v16 =	vadd.f32 v31, v16;
	v31 =	vmul.f32 v32, v10;
	v14 =	vadd.f32 v20, v14;
	s10 =	smov.u32 s8  }
0x150: {  	v21 =	vmul.f32 v21, v21;
	v19 =	vadd.f32 v29, v19;
	s10 =	sshll.u32 s5, $0x4;
	v20 =	vld [tilespmem:s4+$0x0];
	s6 =	sor.u32 s6, s9;
	s5 =	sadd.s32 $0x10, s8;
	v47 =	vmul.f32 v46, v10  }
0x151: {  	p1 =	sne.s32 s8, $0x470;
	v36 =	vadd.f32 v44, v36;
	v32 =	vmul.f32 v32, v32;
	v26 =	vadd.f32 v33, v26;
	s9 =	sadd.s32 s10, s1;
	v29 =	vld [tilespmem:s6+$0x7200]  }
0x152: {  	v44 =	vmul.f32 v45, v10;
	v12 =	vmul.f32 v12, v12;
	v22 =	vadd.f32 v30, v22;
	s8 =	sor.u32 $0x380, s9;
	v33 =	vld [tilespmem:s6+$0x7100]  }
0x153: {  	v48 =	vmul.f32 v41, v10;
	v13 =	vadd.f32 v17, v13;
	v18 =	vadd.f32 v32, v18;
	v30 =	vld [tilespmem:s6+$0x7400]  }
0x154: {  	v32 =	vmul.f32 v46, v46;
	v28 =	vadd.f32 v21, v28;
	v34 =	vadd.f32 v47, v34;
	v17 =	vld [tilespmem:s6+$0x7380]  }
0x155: {  	v41 =	vmul.f32 v41, v41;
	v40 =	vadd.f32 v44, v40;
	v44 =	vmul.f32 v45, v45;
	v46 =	vld [tilespmem:s6+$0x7300];
	v10 =	vmovc v20  }
0x156: {  	v39 =	vadd.f32 v42, v39;
	v35 =	vadd.f32 v32, v35;
	v20 =	vld [tilespmem:s6+$0x7280]  }
0x157: {  	v37 =	vadd.f32 v48, v37;
	v23 =	vadd.f32 v31, v23;
	v21 =	vld [tilespmem:s6+$0x4F00]  }
0x158: {  	v38 =	vadd.f32 v41, v38;
	v43 =	vadd.f32 v44, v43;
	v31 =	vld [tilespmem:s6+$0x4E80];
	v32 =	vmul.f32 v30, v10  }
0x159: {  	v15 =	vadd.f32 v12, v15;
	v47 =	vld [tilespmem:s6+$0x4F80];
	v42 =	vmul.f32 v17, v10;
	v17 =	vmul.f32 v17, v17  }
0x15a: {  	v48 =	vld [tilespmem:s6+$0x4D00];
	v12 =	vmul.f32 v46, v10;
	v44 =	vmul.f32 v46, v46;
	v0 =	vadd.f32 v32, v0  }
0x15b: {  	v41 =	vld [tilespmem:s6+$0x4D80];
	v1 =	vadd.f32 v42, v1;
	v2 =	vadd.f32 v17, v2;
	v17 =	vmul.f32 v30, v30  }
0x15c: {  	v32 =	vmul.f32 v20, v10;
	v45 =	vld [tilespmem:s6+$0x4C80];
	v30 =	vmul.f32 v21, v10;
	v4 =	vadd.f32 v12, v4  }
0x15d: {  	v5 =	vadd.f32 v44, v5;
	v42 =	vmul.f32 v31, v10;
	v49 =	vmul.f32 v31, v31;
	v12 =	vld [tilespmem:s6+$0x7180]  }
0x15e: {  	v51 =	vmul.f32 v20, v20;
	v6 =	vadd.f32 v32, v6;
	v31 =	vmul.f32 v47, v10;
	v50 =	vld [tilespmem:s8+$0x4C80]  }
0x15f: {  	v20 =	vmul.f32 v33, v10;
	v24 =	vadd.f32 v30, v24;
	v25 =	vadd.f32 v42, v25  }
.Ltmp3:
0x160: {  	v3 =	vadd.f32 v17, v3;
	v30 =	vmul.f32 v33, v33;
	v44 =	vmul.f32 v48, v10;
	v32 =	vld [tilespmem:s6+$0x7080];
	(pc) =	sbr.rel @p1 .LBB2_5-.Ltmp3, $4  }
0x161: {  	v7 =	vadd.f32 v51, v7;
	v33 =	vmul.f32 v29, v10;
	v42 =	vmul.f32 v48, v48;
	v46 =	vld [tilespmem:s6+$0x4E00]  }
0x162: {  	v48 =	vmul.f32 v29, v29;
	v11 =	vadd.f32 v30, v11;
	v17 =	vmul.f32 v12, v10  }
0x163: {  	s2 =	sadd.s32 $0x1, s2;
	v27 =	vadd.f32 v49, v27;
	v8 =	vadd.f32 v33, v8;
	v29 =	vmul.f32 v50, v50  }
0x164: {  	s4 =	sadd.s32 $0x10, s4;
	s1 =	sadd.s32 $0x80, s1;
	s8 =	smov.u32 s5;
	v33 =	vmul.f32 v47, v47;
	v9 =	vadd.f32 v48, v9;
	v30 =	vmul.f32 v50, v10  }
0x165: {  	v47 =	vmul.f32 v45, v10  }
0x166: {  	v50 =	vmul.f32 v45, v45  }
0x167: {  	v40 =	vadd.f32 v47, v40  }
0x168: {  	v43 =	vadd.f32 v50, v43  }
0x169: {  	(xrf2) =	vadd.scan.msk.f32 $0xffff, v40  }
0x16a: {  	v36 =	vadd.f32 v44, v36;
	(xrf2) =	vadd.scan.msk.f32 $0xffff, v43  }
0x16b: {  	v39 =	vadd.f32 v42, v39  }
0x16c: {  	(xrf2) =	vadd.scan.msk.f32 $0xffff, v36  }
0x16d: {  	(xrf2) =	vadd.scan.msk.f32 $0xffff, v39;
	_ =	sdelay $0x5  }
0x16e: {  	v51, _, _ =	vpop (xrf2)  }
0x16f: {  	(v2sf) =	vpush v51, $0xF;
	v52, _, _ =	vpop (xrf2)  }
0x170: {  	(v2sf) =	vpush v52, $0xF  }
0x171: {  	v53, _, _ =	vpop (xrf2)  }
0x172: {  	(v2sf) =	vpush v53, $0xF;
	v54, _, _ =	vpop (xrf2)  }
0x173: {  	(v2sf) =	vpush v54, $0xF  }
0x174: {  	v55 =	vmul.f32 v41, v10  }
0x175: {  	v56 =	vmul.f32 v41, v41  }
0x176: {  	v36 =	vadd.f32 v55, v37  }
0x177: {  	v57 =	vadd.f32 v56, v38  }
0x178: {  	(xrf2) =	vadd.scan.msk.f32 $0xffff, v36  }
0x179: {  	(xrf2) =	vadd.scan.msk.f32 $0xffff, v57;
	_ =	sdelay $0x4  }
0x17a: {  	v58 =	vmul.f32 v46, v10;
	s1 =	spop (v2sf)  }
0x17b: {  	v59 =	vmul.f32 v46, v46;
	s2 =	spop (v2sf)  }
0x17c: {  	v34 =	vadd.f32 v58, v34;
	s4 =	sshrl.u32 s2, $0x1;
	s5 =	smul.f32 $5.000000000e-01, s2  }
0x17d: {  	v35 =	vadd.f32 v59, v35;
	s16 =	spop (v2sf);
	s4 =	ssub.s32 $0x5F3759DF, s4  }
0x17e: {  	(xrf2) =	vadd.scan.msk.f32 $0xffff, v34;
	v60, _, _ =	vpop (xrf2);
	s8 =	spop (v2sf);
	s6 =	smul.f32 s4, s5  }
0x17f: {  	(xrf2) =	vadd.scan.msk.f32 $0xffff, v35;
	v61, _, _ =	vpop (xrf2);
	(v2sf) =	vpush v60, $0xF;
	s9 =	sshrl.u32 s8, $0x1;
	s8 =	smul.f32 $5.000000000e-01, s8  }
0x180: {  	(v2sf) =	vpush v61, $0xF;
	s9 =	ssub.s32 $0x5F3759DF, s9;
	s6 =	smul.f32 s4, s6  }
0x181: {  	s10 =	smul.f32 s9, s8  }
0x182: {  	s6 =	ssub.f32 $1.500000000e+00, s6  }
0x183: {  	s10 =	smul.f32 s9, s10  }
0x184: {  	s4 =	smul.f32 s4, s6  }
0x185: {  	s17 =	ssub.f32 $1.500000000e+00, s10  }
0x186: {  	s18 =	smul.f32 s4, s5  }
0x187: {  	s6 =	smul.f32 s9, s17  }
0x188: {  	v62, _, _ =	vpop (xrf2);
	s19 =	smul.f32 s18, s4  }
0x189: {  	v63, _, _ =	vpop (xrf2);
	(v2sf) =	vpush v62, $0xF;
	s20 =	smul.f32 s6, s8  }
0x18a: {  	(xrf2) =	vadd.scan.msk.f32 $0xffff, v25;
	(v2sf) =	vpush v63, $0xF;
	s9 =	ssub.f32 $1.500000000e+00, s19  }
0x18b: {  	(xrf2) =	vadd.scan.msk.f32 $0xffff, v27;
	s10 =	smul.f32 s20, s6  }
0x18c: {  	s9 =	smul.f32 s9, s4  }
0x18d: {  	s21 =	ssub.f32 $1.500000000e+00, s10  }
0x18e: {  	s4 =	spop (v2sf);
	s5 =	smul.f32 s9, s5  }
0x18f: {  	s22 =	spop (v2sf);
	s6 =	smul.f32 s21, s6  }
0x190: {  	s10 =	smul.f32 $5.000000000e-01, s22  }
0x191: {  	s11 =	sshrl.u32 s22, $0x1;
	s5 =	smul.f32 s5, s9  }
0x192: {  	s11 =	ssub.s32 $0x5F3759DF, s11;
	s8 =	smul.f32 s6, s8  }
0x193: {  	s12 =	smul.f32 s11, s10  }
0x194: {  	v25, _, _ =	vpop (xrf2);
	s8 =	smul.f32 s8, s6  }
0x195: {  	(v2sf) =	vpush v25, $0xF;
	v25, _, _ =	vpop (xrf2);
	s5 =	ssub.f32 $1.500000000e+00, s5  }
0x196: {  	(v2sf) =	vpush v25, $0xF;
	s23 =	smul.f32 s11, s12;
	s8 =	ssub.f32 $1.500000000e+00, s8  }
0x197: {  	s5 =	smul.f32 s5, s9  }
0x198: {  	v21 =	vmul.f32 v21, v21;
	s6 =	smul.f32 s8, s6;
	s8 =	spop (v2sf)  }
0x199: {  	s9 =	ssub.f32 $1.500000000e+00, s23;
	s24 =	spop (v2sf)  }
0x19a: {  	v21 =	vadd.f32 v21, v28;
	s13 =	sshrl.u32 s24, $0x1;
	s12 =	smul.f32 $5.000000000e-01, s24  }
0x19b: {  	(xrf2) =	vadd.scan.msk.f32 $0xffff, v24;
	s9 =	smul.f32 s11, s9;
	s25 =	ssub.s32 $0x5F3759DF, s13  }
0x19c: {  	v16 =	vadd.f32 v31, v16;
	(xrf2) =	vadd.scan.msk.f32 $0xffff, v21;
	s13 =	smul.f32 s25, s12  }
0x19d: {  	v21 =	vadd.f32 v33, v26;
	s14 =	smul.f32 s9, s10  }
0x19e: {  	(xrf2) =	vadd.scan.msk.f32 $0xffff, v16;
	s13 =	smul.f32 s25, s13  }
0x19f: {  	(xrf2) =	vadd.scan.msk.f32 $0xffff, v21;
	s15 =	smul.f32 s14, s9  }
0x1a0: {  	s14 =	smul.f32 s5, s1;
	s5 =	ssub.f32 $1.500000000e+00, s13  }
0x1a1: {  	s13 =	smul.f32 s6, s16;
	s16 =	ssub.f32 $1.500000000e+00, s15  }
0x1a2: {  	s17 =	smul.f32 s25, s5  }
0x1a3: {  	s2 =	smul.f32 s16, s9  }
0x1a4: {  	s1 =	spop (v2sf);
	s18 =	smul.f32 s17, s12  }
0x1a5: {  	v16, _, _ =	vpop (xrf2);
	s19 =	spop (v2sf);
	s9 =	smul.f32 s2, s10  }
0x1a6: {  	(v2sf) =	vpush v16, $0xF;
	v16, _, _ =	vpop (xrf2);
	s10 =	smul.f32 $5.000000000e-01, s19  }
0x1a7: {  	(v2sf) =	vpush v16, $0xF;
	s20 =	sshrl.u32 s19, $0x1;
	s6 =	smul.f32 s18, s17  }
0x1a8: {  	v16, _, _ =	vpop (xrf2);
	s11 =	ssub.s32 $0x5F3759DF, s20;
	s9 =	smul.f32 s9, s2  }
0x1a9: {  	(v2sf) =	vpush v16, $0xF;
	v16, _, _ =	vpop (xrf2);
	s21 =	smul.f32 s11, s10  }
0x1aa: {  	(v2sf) =	vpush v16, $0xF;
	s6 =	ssub.f32 $1.500000000e+00, s6  }
0x1ab: {  	s22 =	ssub.f32 $1.500000000e+00, s9;
	s23 =	smul.f32 s11, s21  }
0x1ac: {  	s5 =	smul.f32 s6, s17  }
0x1ad: {  	s2 =	smul.f32 s22, s2;
	s24 =	ssub.f32 $1.500000000e+00, s23  }
0x1ae: {  	s12 =	smul.f32 s5, s12  }
0x1af: {  	v16 =	vadd.f32 v30, v22;
	s6 =	smul.f32 s11, s24  }
0x1b0: {  	v19 =	vadd.f32 v29, v19;
	s25 =	smul.f32 s12, s5  }
0x1b1: {  	v10 =	vmul.f32 v32, v10;
	(xrf2) =	vadd.scan.msk.f32 $0xffff, v16;
	s9 =	smul.f32 s6, s10  }
0x1b2: {  	v16 =	vmul.f32 v32, v32;
	(xrf2) =	vadd.scan.msk.f32 $0xffff, v19;
	s16 =	smul.f32 s2, s4;
	s4 =	ssub.f32 $1.500000000e+00, s25  }
0x1b3: {  	v10 =	vadd.f32 v10, v23;
	s11 =	smul.f32 s9, s6  }
0x1b4: {  	v16 =	vadd.f32 v16, v18;
	s2 =	smul.f32 s4, s5  }
0x1b5: {  	(xrf2) =	vadd.scan.msk.f32 $0xffff, v10;
	s4 =	spop (v2sf);
	s5 =	ssub.f32 $1.500000000e+00, s11  }
0x1b6: {  	(xrf2) =	vadd.scan.msk.f32 $0xffff, v16;
	s12 =	spop (v2sf);
	s2 =	smul.f32 s2, s8  }
0x1b7: {  	s15 =	sshrl.u32 s12, $0x1;
	s8 =	smul.f32 $5.000000000e-01, s12  }
0x1b8: {  	s6 =	smul.f32 s5, s6;
	s5 =	spop (v2sf);
	s9 =	ssub.s32 $0x5F3759DF, s15  }
0x1b9: {  	s18 =	spop (v2sf);
	s17 =	smul.f32 s9, s8  }
0x1ba: {  	s19 =	sshrl.u32 s18, $0x1;
	s12 =	smul.f32 $5.000000000e-01, s18  }
0x1bb: {  	v10, _, _ =	vpop (xrf2);
	s15 =	ssub.s32 $0x5F3759DF, s19;
	s11 =	smul.f32 s9, s17  }
0x1bc: {  	(v2sf) =	vpush v10, $0xF;
	v10, _, _ =	vpop (xrf2);
	s17 =	smul.f32 s15, s12  }
0x1bd: {  	(v2sf) =	vpush v10, $0xF;
	s10 =	smul.f32 s6, s10;
	s11 =	ssub.f32 $1.500000000e+00, s11  }
0x1be: {  	s17 =	smul.f32 s15, s17  }
0x1bf: {  	v10, _, _ =	vpop (xrf2);
	s9 =	smul.f32 s9, s11  }
0x1c0: {  	(v2sf) =	vpush v10, $0xF;
	v10, _, _ =	vpop (xrf2);
	s10 =	smul.f32 s10, s6;
	s20 =	ssub.f32 $1.500000000e+00, s17  }
0x1c1: {  	(v2sf) =	vpush v10, $0xF;
	s21 =	smul.f32 s9, s8  }
0x1c2: {  	s11 =	smul.f32 s15, s20  }
0x1c3: {  	v10 =	vadd.f32 v20, v14;
	s10 =	ssub.f32 $1.500000000e+00, s10;
	s22 =	smul.f32 s21, s9  }
0x1c4: {  	s23 =	smul.f32 s11, s12  }
0x1c5: {  	(xrf2) =	vadd.scan.msk.f32 $0xffff, v10;
	s6 =	smul.f32 s10, s6;
	s24 =	ssub.f32 $1.500000000e+00, s22  }
0x1c6: {  	(xrf2) =	vadd.scan.msk.f32 $0xffff, v11;
	s25 =	smul.f32 s23, s11  }
0x1c7: {  	s10 =	smul.f32 s24, s9  }
0x1c8: {  	v10 =	vmul.f32 v12, v12;
	s9 =	smul.f32 s6, s1;
	s17 =	ssub.f32 $1.500000000e+00, s25  }
0x1c9: {  	v11 =	vadd.f32 v17, v13;
	s18 =	smul.f32 s10, s8  }
0x1ca: {  	v10 =	vadd.f32 v10, v15;
	s19 =	smul.f32 s17, s11  }
0x1cb: {  	(xrf2) =	vadd.scan.msk.f32 $0xffff, v11;
	s1 =	spop (v2sf);
	s6 =	smul.f32 s18, s10  }
0x1cc: {  	(xrf2) =	vadd.scan.msk.f32 $0xffff, v10;
	s20 =	spop (v2sf);
	s11 =	smul.f32 s19, s12  }
0x1cd: {  	s21 =	sshrl.u32 s20, $0x1;
	s12 =	smul.f32 $5.000000000e-01, s20  }
0x1ce: {  	s15 =	ssub.s32 $0x5F3759DF, s21;
	s6 =	ssub.f32 $1.500000000e+00, s6;
	s11 =	smul.f32 s11, s19  }
0x1cf: {  	v10, _, _ =	vpop (xrf2);
	s8 =	spop (v2sf);
	s22 =	smul.f32 s15, s12  }
0x1d0: {  	(v2sf) =	vpush v10, $0xF;
	v10, _, _ =	vpop (xrf2);
	s21 =	spop (v2sf);
	s6 =	smul.f32 s6, s10  }
0x1d1: {  	(v2sf) =	vpush v10, $0xF;
	s23 =	ssub.f32 $1.500000000e+00, s11;
	s24 =	smul.f32 s15, s22  }
0x1d2: {  	s18 =	sshrl.u32 s21, $0x1;
	s11 =	smul.f32 $5.000000000e-01, s21  }
0x1d3: {  	s18 =	ssub.s32 $0x5F3759DF, s18;
	s25 =	smul.f32 s23, s19  }
0x1d4: {  	s20 =	ssub.f32 $1.500000000e+00, s24;
	s22 =	smul.f32 s18, s11  }
0x1d5: {  	v10, _, _ =	vpop (xrf2);
	s10 =	smul.f32 s6, s4  }
0x1d6: {  	(v2sf) =	vpush v10, $0xF;
	v10, _, _ =	vpop (xrf2);
	s15 =	smul.f32 s15, s20  }
0x1d7: {  	(v2sf) =	vpush v10, $0xF;
	s20 =	smul.f32 s18, s22  }
0x1d8: {  	s19 =	smul.f32 s15, s12  }
0x1d9: {  	s6 =	smul.f32 s25, s5;
	s23 =	ssub.f32 $1.500000000e+00, s20  }
0x1da: {  	s19 =	smul.f32 s19, s15  }
0x1db: {  	s25 =	smul.f32 s18, s23  }
0x1dc: {  	s24 =	ssub.f32 $1.500000000e+00, s19  }
0x1dd: {  	(xrf2) =	vadd.scan.msk.f32 $0xffff, v8;
	s4 =	smul.f32 s25, s11  }
0x1de: {  	(xrf2) =	vadd.scan.msk.f32 $0xffff, v9;
	s15 =	smul.f32 s24, s15  }
0x1df: {  	s19 =	smul.f32 s4, s25;
	s4 =	spop (v2sf)  }
0x1e0: {  	s21 =	spop (v2sf);
	s5 =	smul.f32 s15, s12  }
0x1e1: {  	s20 =	ssub.f32 $1.500000000e+00, s19;
	s12 =	smul.f32 $5.000000000e-01, s21  }
0x1e2: {  	(xrf2) =	vadd.scan.msk.f32 $0xffff, v6;
	s22 =	sshrl.u32 s21, $0x1;
	s18 =	smul.f32 s5, s15  }
0x1e3: {  	(xrf2) =	vadd.scan.msk.f32 $0xffff, v7;
	s19 =	ssub.s32 $0x5F3759DF, s22;
	s17 =	smul.f32 s20, s25  }
0x1e4: {  	s23 =	smul.f32 s19, s12  }
0x1e5: {  	s5 =	spop (v2sf);
	s11 =	smul.f32 s17, s11  }
0x1e6: {  	s21 =	spop (v2sf);
	s24 =	smul.f32 s19, s23  }
0x1e7: {  	v6, _, _ =	vpop (xrf2);
	s22 =	sshrl.u32 s21, $0x1;
	s21 =	smul.f32 $5.000000000e-01, s21  }
0x1e8: {  	(v2sf) =	vpush v6, $0xF;
	v6, _, _ =	vpop (xrf2);
	s18 =	ssub.f32 $1.500000000e+00, s18;
	s25 =	ssub.s32 $0x5F3759DF, s22;
	s11 =	smul.f32 s11, s17  }
0x1e9: {  	(v2sf) =	vpush v6, $0xF;
	s20 =	ssub.f32 $1.500000000e+00, s24;
	s22 =	smul.f32 s25, s21  }
0x1ea: {  	s15 =	smul.f32 s18, s15  }
0x1eb: {  	s19 =	smul.f32 s19, s20  }
0x1ec: {  	v6, _, _ =	vpop (xrf2);
	s22 =	smul.f32 s25, s22;
	s11 =	ssub.f32 $1.500000000e+00, s11  }
0x1ed: {  	(xrf2) =	vadd.scan.msk.f32 $0xffff, v4;
	(v2sf) =	vpush v6, $0xF;
	v4, _, _ =	vpop (xrf2);
	s23 =	smul.f32 s19, s12  }
0x1ee: {  	(xrf2) =	vadd.scan.msk.f32 $0xffff, v5;
	(v2sf) =	vpush v4, $0xF;
	s22 =	ssub.f32 $1.500000000e+00, s22;
	s11 =	smul.f32 s11, s17  }
0x1ef: {  	s23 =	smul.f32 s23, s19  }
0x1f0: {  	s18 =	smul.f32 s25, s22  }
0x1f1: {  	s17 =	smul.f32 s15, s1;
	s23 =	ssub.f32 $1.500000000e+00, s23  }
0x1f2: {  	s24 =	smul.f32 s18, s21  }
0x1f3: {  	s19 =	smul.f32 s23, s19  }
0x1f4: {  	s20 =	smul.f32 s24, s18  }
0x1f5: {  	s12 =	smul.f32 s19, s12  }
0x1f6: {  	s1 =	smul.f32 s11, s8;
	s25 =	ssub.f32 $1.500000000e+00, s20  }
0x1f7: {  	v4, _, _ =	vpop (xrf2);
	s8 =	spop (v2sf);
	s12 =	smul.f32 s12, s19  }
0x1f8: {  	(v2sf) =	vpush v4, $0xF;
	v4, _, _ =	vpop (xrf2);
	s20 =	spop (v2sf);
	s11 =	smul.f32 s25, s18  }
0x1f9: {  	(v2sf) =	vpush v4, $0xF;
	s22 =	sshrl.u32 s20, $0x1;
	s20 =	smul.f32 $5.000000000e-01, s20;
	s12 =	ssub.f32 $1.500000000e+00, s12  }
0x1fa: {  	s18 =	smul.f32 s11, s21  }
0x1fb: {  	s12 =	smul.f32 s12, s19  }
0x1fc: {  	s15 =	spop (v2sf);
	s18 =	smul.f32 s18, s11;
	s19 =	ssub.s32 $0x5F3759DF, s22  }
0x1fd: {  	s22 =	spop (v2sf);
	s23 =	smul.f32 s19, s20  }
0x1fe: {  	s21 =	smul.f32 $5.000000000e-01, s22  }
0x1ff: {  	s24 =	ssub.f32 $1.500000000e+00, s18;
	s25 =	smul.f32 s19, s23  }
0x200: {  	s4 =	smul.f32 s12, s4;
	s23 =	sshrl.u32 s22, $0x1  }
0x201: {  	s11 =	smul.f32 s24, s11;
	s22 =	ssub.s32 $0x5F3759DF, s23;
	s24 =	ssub.f32 $1.500000000e+00, s25  }
0x202: {  	(xrf2) =	vadd.scan.msk.f32 $0xffff, v1;
	s25 =	smul.f32 s22, s21  }
0x203: {  	s12 =	smul.f32 s19, s24  }
0x204: {  	(xrf2) =	vadd.scan.msk.f32 $0xffff, v2;
	s18 =	smul.f32 s22, s25  }
0x205: {  	s19 =	smul.f32 s12, s20  }
0x206: {  	s5 =	smul.f32 s11, s5;
	s23 =	ssub.f32 $1.500000000e+00, s18  }
0x207: {  	s18 =	spop (v2sf);
	s19 =	smul.f32 s19, s12  }
0x208: {  	s24 =	spop (v2sf);
	s11 =	smul.f32 s22, s23  }
0x209: {  	s25 =	sshrl.u32 s24, $0x1;
	s22 =	smul.f32 $5.000000000e-01, s24  }
0x20a: {  	s23 =	ssub.s32 $0x5F3759DF, s25;
	s24 =	smul.f32 s11, s21  }
0x20b: {  	s25 =	smul.f32 s23, s22  }
0x20c: {  	(xrf2) =	vadd.scan.msk.f32 $0xffff, v0;
	v0, _, _ =	vpop (xrf2);
	s24 =	smul.f32 s24, s11  }
0x20d: {  	(v2sf) =	vpush v0, $0xF;
	s19 =	ssub.f32 $1.500000000e+00, s19;
	s25 =	smul.f32 s23, s25  }
0x20e: {  	p4 =	sgt.f32 s14, s0;
	v0, _, _ =	vpop (xrf2);
	s24 =	ssub.f32 $1.500000000e+00, s24  }
0x20f: {  	(v2sf) =	vpush v0, $0xF;
	s19 =	smul.f32 s19, s12;
	s25 =	ssub.f32 $1.500000000e+00, s25  }
0x210: {  	s0 =	smov.u32 @p4 s14;
	s14 =	smul.f32 s24, s11  }
0x211: {  	(xrf2) =	vadd.scan.msk.f32 $0xffff, v3;
	s11 =	smul.f32 s23, s25  }
0x212: {  	p3 =	sgt.f32 s13, s0;
	s24 =	smul.f32 s19, s20  }
0x213: {  	s25 =	smul.f32 s11, s22  }
0x214: {  	s0 =	smov.u32 @p3 s13;
	s20 =	smul.f32 s24, s19  }
0x215: {  	p2 =	sgt.f32 s16, s0;
	s24 =	smul.f32 s14, s21  }
0x216: {  	v0, _, _ =	vpop (xrf2);
	s23 =	smul.f32 s25, s11  }
0x217: {  	s0 =	smov.u32 @p2 s16;
	(v2sf) =	vpush v0, $0xF;
	s20 =	ssub.f32 $1.500000000e+00, s20;
	s13 =	smul.f32 s24, s14  }
0x218: {  	p6 =	sgt.f32 s2, s0;
	s25 =	ssub.f32 $1.500000000e+00, s23  }
0x219: {  	s20 =	smul.f32 s20, s19;
	s13 =	ssub.f32 $1.500000000e+00, s13  }
0x21a: {  	s0 =	smov.u32 @p6 s2;
	s21 =	smul.f32 s25, s11  }
0x21b: {  	p1 =	sgt.f32 s9, s0;
	v0, _, _ =	vpop (xrf2);
	s13 =	smul.f32 s13, s14  }
0x21c: {  	s12 =	spop (v2sf);
	(v2sf) =	vpush v0, $0xF;
	s16 =	smul.f32 s20, s8  }
0x21d: {  	s0 =	smov.u32 @p1 s9;
	s24 =	smul.f32 s21, s22  }
0x21e: {  	s23 =	spop (v2sf);
	s8 =	sor.u32 $0x10, s7;
	s14 =	smul.f32 s13, s15  }
0x21f: {  	s26 =	smov.u32 @p4 s8;
	s8 =	sshrl.u32 s8, $0x3;
	s15 =	smul.f32 $5.000000000e-01, s23  }
0x220: {  	s19 =	sshrl.u32 s23, $0x1;
	p4 =	sgt.f32 s10, s0;
	s22 =	smul.u32 $0x480, s8  }
0x221: {  	s9 =	sor.u32 $0x11, s7;
	s13 =	ssub.s32 $0x5F3759DF, s19;
	s25 =	smul.f32 s24, s21  }
0x222: {  	s26 =	smov.u32 @p3 s9;
	s0 =	smov.u32 @p4 s10;
	s20 =	smul.f32 s13, s15  }
0x223: {  	p3 =	sgt.f32 s6, s0;
	s10 =	sadd.s32 s28, s22;
	s2 =	ssub.f32 $1.500000000e+00, s25  }
0x224: {  	[hbm4b:s10+s30] =	stream.linear.scatter [tilespmem:s31], [sflag:$0x6], $0x4800, $0x38;
	[tilespmem:$0x12580] =	vst v63  }
0x225: {  	s2 =	smul.f32 s2, s21  }
0x226: {  	s11 =	spop (v2sf);
	s0 =	smov.u32 @p3 s6;
	s21 =	smul.f32 s13, s20  }
0x227: {  	s30 =	rddreg [dreg:$0x11];
	p5 =	sgt.f32 s17, s0  }
0x228: {  	s9 =	smul.f32 s2, s18;
	s2 =	ssub.f32 $1.500000000e+00, s21  }
0x229: {  	s25 =	rddreg [dreg:$0x9];
	s20 =	simm.s32 @!p0 $0x8;
	s18 =	sor.u32 $0x12, s7  }
0x22a: {  	s0 =	smov.u32 @p5 s17;
	s26 =	smov.u32 @p2 s18;
	s10 =	smul.f32 s13, s2  }
0x22b: {  	s13 =	sadd.s32 s25, s30;
	s25 =	simm.s32 $0x0;
	s23 =	spop (v2sf)  }
0x22c: {  	[dreg:$0x13] =	wrdreg s13;
	s22 =	sshrl.u32 s13, $0x3;
	s8 =	smul.f32 $5.000000000e-01, s23  }
0x22d: {  	s24 =	sshrl.u32 s23, $0x1;
	_ =	swait.ge @!p0 [sflag:s20], $0x4800;
	s13 =	smul.u32 $0x480, s22  }
0x22e: {  	s30 =	simm.s32 $0xDC80;
	s2 =	ssub.s32 $0x5F3759DF, s24;
	[sflag:s20] =	ssyncset.done @!p0 $0x0  }
0x22f: {  	s31 =	smul.f32 s2, s8;
	[sflag:s20] =	ssyncadd.s32 @!p0 $0xFFFFB800;
	s24 =	sadd.s32 s3, s13  }
0x230: {  	[tilespmem:s30], [sflag:$0x4] =	stream.linear.gather [hbm4b:s24+s25], $0x4800, $0x38;
	[tilespmem:$0x12580] =	vst v63  }
0x231: {  	[dreg:$0x14] =	wrdreg s13;
	s3 =	simm.s32 $0x3;
	s23 =	smul.f32 s2, s31  }
0x232: {  	s18 =	sor.u32 $0x13, s7;
	p2 =	sgt.f32 s1, s0;
	_ =	swait.ge [sflag:s3], $0x4800  }
0x233: {  	s17 =	sand.u32 $0x70, s25;
	[sflag:s3] =	ssyncset.done $0x0;
	s6 =	ssub.f32 $1.500000000e+00, s23  }
0x234: {  	s20 =	sand.u32 $0x3C00, s25;
	s31 =	smul.f32 s10, s15;
	[sflag:s3] =	ssyncadd.s32 $0xFFFFB800  }
0x235: {  	s26 =	smov.u32 @p6 s18;
	v7 =	vld [tilespmem:s25+$0x0];
	s6 =	smul.f32 s2, s6;
	s2 =	sor.u32 s17, s20  }
0x236: {  	s0 =	smov.u32 @p2 s1;
	s21 =	smul.f32 s31, s10;
	s17 =	sor.u32 $0x14, s7;
	v2 =	vld [tilespmem:s2+$0xBC00]  }
0x237: {  	s26 =	smov.u32 @p1 s17;
	v0 =	vld [tilespmem:s2+$0xBB80];
	p1 =	sgt.f32 s4, s0;
	s22 =	smul.f32 s6, s8  }
0x238: {  	s17 =	ssub.f32 $1.500000000e+00, s21;
	v1 =	vld [tilespmem:s2+$0xBB00]  }
0x239: {  	s18 =	sor.u32 $0x15, s7;
	v5 =	vld [tilespmem:s2+$0xBA80];
	s0 =	smov.u32 @p1 s4;
	s1 =	smul.f32 s22, s6  }
0x23a: {  	s25 =	sand.u32 $0x7, s25;
	v4 =	vld [tilespmem:s2+$0x9680];
	s23 =	smul.f32 s17, s10;
	p0 =	sgt.f32 s5, s0  }
0x23b: {  	v31 =	vimm.f32 $0.0e+00;
	v28 =	vimm.f32 $0.0e+00;
	v38 =	vimm.f32 $0.0e+00;
	v12 =	vld [tilespmem:s2+$0x9780];
	s26 =	smov.u32 @p4 s18;
	s10 =	sor.u32 $0x16, s7;
	s1 =	ssub.f32 $1.500000000e+00, s1  }
0x23c: {  	v23 =	vimm.f32 $0.0e+00;
	v36 =	vimm.f32 $0.0e+00;
	v34 =	vimm.f32 $0.0e+00;
	v10 =	vld [tilespmem:s2+$0xB900];
	s26 =	smov.u32 @p3 s10;
	s24 =	smul.f32 s23, s15;
	s0 =	smov.u32 @p0 s5  }
0x23d: {  	v35 =	vimm.f32 $0.0e+00;
	v16 =	vld [tilespmem:s2+$0x9500];
	v3 =	vmul.f32 v2, v7;
	v6 =	vmul.f32 v0, v7;
	s5 =	sshll.u32 s25, $0x4;
	p3 =	sgt.f32 s16, s0;
	s1 =	smul.f32 s1, s6  }
0x23e: {  	v24 =	vimm.f32 $0.0e+00;
	v17 =	vld [tilespmem:s2+$0xB980];
	v8 =	vmul.f32 v0, v0;
	v11 =	vmul.f32 v1, v7;
	s30 =	smul.f32 s24, s23;
	s5 =	sadd.s32 $0x0, s5;
	s6 =	sor.u32 $0x17, s7  }
0x23f: {  	v26 =	vimm.f32 $0.0e+00;
	v19 =	vld [tilespmem:s2+$0xBA00];
	v14 =	vmul.f32 v1, v1;
	v18 =	vmul.f32 v2, v2;
	s5 =	sor.u32 $0x380, s5;
	s0 =	smov.u32 @p3 s16;
	s8 =	smul.f32 s1, s8  }
0x240: {  	v25 =	vimm.f32 $0.0e+00;
	v13 =	vld [tilespmem:s2+$0x9700];
	v20 =	vmul.f32 v4, v4;
	v33 =	vmul.f32 v12, v7;
	s26 =	smov.u32 @p5 s6;
	s6 =	ssub.f32 $1.500000000e+00, s30;
	p4 =	sgt.f32 s14, s0  }
0x241: {  	v30 =	vimm.f32 $0.0e+00;
	v22 =	vmul.f32 v5, v5;
	v29 =	vmul.f32 v10, v7;
	v21 =	vld [tilespmem:s5+$0x9480];
	s5 =	sor.u32 $0x18, s7;
	s31 =	smul.f32 s8, s1  }
0x242: {  	v32 =	vimm.f32 $0.0e+00;
	v40 =	vmul.f32 v16, v7;
	v10 =	vmul.f32 v10, v10;
	s26 =	smov.u32 @p2 s5;
	s4 =	smul.f32 s6, s23;
	s0 =	smov.u32 @p4 s14  }
0x243: {  	v9 =	vimm.f32 $0.0e+00;
	v37 =	vmul.f32 v16, v16;
	v27 =	vmul.f32 v17, v7;
	s6 =	sor.u32 $0x19, s7;
	p2 =	sgt.f32 s9, s0;
	s5 =	ssub.f32 $1.500000000e+00, s31  }
0x244: {  	v16 =	vmul.f32 v19, v19;
	v44 =	vmul.f32 v12, v12;
	v0 =	vadd.f32 v3, v9;
	s26 =	smov.u32 @p1 s6;
	s4 =	smul.f32 s4, s12  }
0x245: {  	v1 =	vadd.f32 v6, v9;
	v2 =	vadd.f32 v8, v9;
	v8 =	vmul.f32 v13, v7;
	s0 =	smov.u32 @p2 s9;
	s1 =	smul.f32 s5, s1;
	s5 =	sor.u32 $0x1A, s7  }
0x246: {  	v3 =	vadd.f32 v11, v9;
	v11 =	vmul.f32 v4, v7;
	v4 =	vadd.f32 v14, v9;
	s26 =	smov.u32 @p0 s5;
	s5 =	sor.u32 $0x1B, s7;
	p0 =	sgt.f32 s4, s0  }
0x247: {  	v39 =	vld [tilespmem:s2+$0x9580];
	v6 =	vmul.f32 v5, v7;
	v5 =	vadd.f32 v18, v9;
	v10 =	vadd.f32 v10, v9;
	s26 =	smov.u32 @p3 s5;
	s1 =	smul.f32 s1, s11;
	s5 =	sor.u32 $0x1C, s7  }
0x248: {  	v43 =	vld [tilespmem:s2+$0x9480];
	v20 =	vadd.f32 v20, v9;
	v12 =	vadd.f32 v16, v9;
	v16 =	vimm.f32 $0.0e+00;
	s26 =	smov.u32 @p4 s5;
	s0 =	smov.u32 @p0 s4;
	s4 =	sor.u32 $0x1D, s7  }
0x249: {  	v45 =	vld [tilespmem:s2+$0xB880];
	v6 =	vadd.f32 v6, v9;
	v15 =	vadd.f32 v11, v9;
	v11 =	vmul.f32 v19, v7;
	s26 =	smov.u32 @p2 s4;
	s4 =	sor.u32 $0x1E, s7;
	p1 =	sgt.f32 s1, s0  }
0x24a: {  	v46 =	vld [tilespmem:s2+$0x9600];
	s2 =	simm.s32 $0x1;
	v18 =	vimm.f32 $0.0e+00;
	v14 =	vadd.f32 v8, v9;
	v8 =	vadd.f32 v22, v9;
	s26 =	smov.u32 @p0 s4  }
0x24b: {  	v19 =	vimm.f32 $0.0e+00;
	v22 =	vimm.f32 $0.0e+00;
	v11 =	vadd.f32 v11, v9;
	s4 =	sor.u32 $0x1F, s7;
	s7 =	simm.s32 $0x10;
	s0 =	smov.u32 @p1 s1  }
0x24c: {  	v41 =	vmul.f32 v21, v21;
	v42 =	vmul.f32 v21, v7;
	v21 =	vimm.f32 $0.0e+00;
	s26 =	smov.u32 @p1 s4;
	s1 =	simm.s32 $0x80;
	s4 =	simm.s32 $0x10  }
.LBB2_7:
0x24d: {  	s5 =	sand.u32 $0x7, s2  }
0x24e: {  	s6 =	sand.u32 $0x70, s7;
	s8 =	sand.u32 $0x3C00, s1;
	v9 =	vadd.f32 v33, v9;
	v33 =	vmul.f32 v45, v7;
	v16 =	vadd.f32 v29, v16;
	s9 =	smov.u32 s7  }
0x24f: {  	v13 =	vmul.f32 v13, v13;
	v19 =	vadd.f32 v41, v19;
	s9 =	sshll.u32 s5, $0x4;
	v29 =	vld [tilespmem:s4+$0x0];
	s6 =	sor.u32 s6, s8;
	s5 =	sadd.s32 $0x10, s7;
	v47 =	vmul.f32 v46, v7  }
0x250: {  	p0 =	sne.s32 s7, $0x470;
	v30 =	vadd.f32 v40, v30;
	v40 =	vmul.f32 v45, v45;
	v24 =	vadd.f32 v44, v24;
	s8 =	sadd.s32 s9, s1;
	v41 =	vld [tilespmem:s6+$0xBA00]  }
0x251: {  	v45 =	vmul.f32 v43, v7;
	v17 =	vmul.f32 v17, v17;
	v23 =	vadd.f32 v42, v23;
	s7 =	sor.u32 $0x380, s8;
	v44 =	vld [tilespmem:s6+$0xB900]  }
0x252: {  	v48 =	vmul.f32 v39, v7;
	v18 =	vadd.f32 v27, v18;
	v21 =	vadd.f32 v40, v21;
	v42 =	vld [tilespmem:s6+$0xBC00]  }
0x253: {  	v40 =	vmul.f32 v46, v46;
	v26 =	vadd.f32 v13, v26;
	v28 =	vadd.f32 v47, v28;
	v27 =	vld [tilespmem:s6+$0xBB80]  }
0x254: {  	v43 =	vmul.f32 v43, v43;
	v39 =	vmul.f32 v39, v39;
	v35 =	vadd.f32 v45, v35;
	v46 =	vld [tilespmem:s6+$0xBB00];
	v7 =	vmovc v29  }
0x255: {  	v32 =	vadd.f32 v37, v32;
	v31 =	vadd.f32 v40, v31;
	v29 =	vld [tilespmem:s6+$0xBA80]  }
0x256: {  	v34 =	vadd.f32 v48, v34;
	v25 =	vadd.f32 v33, v25;
	v13 =	vld [tilespmem:s6+$0x9700]  }
0x257: {  	v38 =	vadd.f32 v43, v38;
	v36 =	vadd.f32 v39, v36;
	v33 =	vld [tilespmem:s6+$0x9680];
	v37 =	vmul.f32 v42, v7  }
0x258: {  	v22 =	vadd.f32 v17, v22;
	v47 =	vld [tilespmem:s6+$0x9780];
	v40 =	vmul.f32 v27, v7;
	v27 =	vmul.f32 v27, v27  }
0x259: {  	v48 =	vld [tilespmem:s6+$0x9500];
	v17 =	vmul.f32 v46, v7;
	v45 =	vmul.f32 v46, v46;
	v0 =	vadd.f32 v37, v0  }
0x25a: {  	v39 =	vld [tilespmem:s6+$0x9580];
	v1 =	vadd.f32 v40, v1;
	v2 =	vadd.f32 v27, v2;
	v27 =	vmul.f32 v42, v42  }
0x25b: {  	v40 =	vmul.f32 v29, v7;
	v43 =	vld [tilespmem:s6+$0x9480];
	v37 =	vmul.f32 v13, v7;
	v3 =	vadd.f32 v17, v3  }
0x25c: {  	v4 =	vadd.f32 v45, v4;
	v42 =	vmul.f32 v33, v7;
	v49 =	vmul.f32 v33, v33;
	v17 =	vld [tilespmem:s6+$0xB980]  }
0x25d: {  	v51 =	vmul.f32 v29, v29;
	v6 =	vadd.f32 v40, v6;
	v33 =	vmul.f32 v47, v7;
	v50 =	vld [tilespmem:s7+$0x9480]  }
0x25e: {  	v29 =	vmul.f32 v44, v7;
	v14 =	vadd.f32 v37, v14;
	v15 =	vadd.f32 v42, v15  }
.Ltmp4:
0x25f: {  	v5 =	vadd.f32 v27, v5;
	v40 =	vmul.f32 v48, v7;
	v42 =	vmul.f32 v44, v44;
	v45 =	vld [tilespmem:s6+$0xB880];
	(pc) =	sbr.rel @p0 .LBB2_7-.Ltmp4, $4  }
0x260: {  	v8 =	vadd.f32 v51, v8;
	v37 =	vmul.f32 v48, v48;
	v44 =	vmul.f32 v41, v7;
	v46 =	vld [tilespmem:s6+$0x9600]  }
0x261: {  	v48 =	vmul.f32 v41, v41;
	v10 =	vadd.f32 v42, v10;
	v27 =	vmul.f32 v17, v7  }
0x262: {  	s2 =	sadd.s32 $0x1, s2;
	v20 =	vadd.f32 v49, v20;
	v11 =	vadd.f32 v44, v11;
	v41 =	vmul.f32 v50, v50  }
0x263: {  	s4 =	sadd.s32 $0x10, s4;
	s1 =	sadd.s32 $0x80, s1;
	s7 =	smov.u32 s5;
	v44 =	vmul.f32 v47, v47;
	v12 =	vadd.f32 v48, v12;
	v42 =	vmul.f32 v50, v7  }
0x264: {  	v47 =	vmul.f32 v43, v7  }
0x265: {  	v60 =	vmul.f32 v43, v43  }
0x266: {  	v35 =	vadd.f32 v47, v35  }
0x267: {  	v38 =	vadd.f32 v60, v38  }
0x268: {  	v30 =	vadd.f32 v40, v30;
	v61 =	vmul.f32 v39, v7;
	(xrf2) =	vadd.scan.msk.f32 $0xffff, v35  }
0x269: {  	v62 =	vmul.f32 v39, v39;
	v32 =	vadd.f32 v37, v32;
	(xrf2) =	vadd.scan.msk.f32 $0xffff, v38  }
0x26a: {  	v63 =	vmul.f32 v46, v7;
	v34 =	vadd.f32 v61, v34;
	(xrf2) =	vadd.scan.msk.f32 $0xffff, v30  }
0x26b: {  	v35 =	vadd.f32 v62, v36;
	v30 =	vmul.f32 v46, v46;
	(xrf2) =	vadd.scan.msk.f32 $0xffff, v32  }
0x26c: {  	v28 =	vadd.f32 v63, v28;
	(xrf2) =	vadd.scan.msk.f32 $0xffff, v34  }
0x26d: {  	v30 =	vadd.f32 v30, v31;
	(xrf2) =	vadd.scan.msk.f32 $0xffff, v35  }
0x26e: {  	(xrf2) =	vadd.scan.msk.f32 $0xffff, v28  }
0x26f: {  	v13 =	vmul.f32 v13, v13;
	(xrf2) =	vadd.scan.msk.f32 $0xffff, v30  }
0x270: {  	(xrf2) =	vadd.scan.msk.f32 $0xffff, v15  }
0x271: {  	v13 =	vadd.f32 v13, v26;
	(xrf2) =	vadd.scan.msk.f32 $0xffff, v20  }
0x272: {  	v9 =	vadd.f32 v33, v9;
	v15, _, _ =	vpop (xrf2);
	(xrf2) =	vadd.scan.msk.f32 $0xffff, v14;
	v14 =	vadd.f32 v44, v24  }
0x273: {  	v7 =	vmul.f32 v45, v7;
	(v2sf) =	vpush v15, $0xF;
	v15, _, _ =	vpop (xrf2);
	(xrf2) =	vadd.scan.msk.f32 $0xffff, v13;
	v13 =	vadd.f32 v42, v23  }
0x274: {  	(v2sf) =	vpush v15, $0xF;
	v15, _, _ =	vpop (xrf2);
	(xrf2) =	vadd.scan.msk.f32 $0xffff, v9;
	v9 =	vadd.f32 v41, v19;
	v19 =	vmul.f32 v45, v45  }
0x275: {  	v7 =	vadd.f32 v7, v25;
	(v2sf) =	vpush v15, $0xF;
	v15, _, _ =	vpop (xrf2);
	(xrf2) =	vadd.scan.msk.f32 $0xffff, v14  }
0x276: {  	(v2sf) =	vpush v15, $0xF;
	v14, _, _ =	vpop (xrf2);
	(xrf2) =	vadd.scan.msk.f32 $0xffff, v13;
	v13 =	vadd.f32 v19, v21  }
0x277: {  	(v2sf) =	vpush v14, $0xF;
	v14, _, _ =	vpop (xrf2);
	(xrf2) =	vadd.scan.msk.f32 $0xffff, v9;
	v9 =	vadd.f32 v29, v16  }
0x278: {  	(v2sf) =	vpush v14, $0xF;
	v14, _, _ =	vpop (xrf2);
	(xrf2) =	vadd.scan.msk.f32 $0xffff, v7;
	v7 =	vmul.f32 v17, v17  }
0x279: {  	(v2sf) =	vpush v14, $0xF;
	v14, _, _ =	vpop (xrf2);
	(xrf2) =	vadd.scan.msk.f32 $0xffff, v13;
	v13 =	vadd.f32 v27, v18  }
0x27a: {  	(v2sf) =	vpush v14, $0xF;
	v14, _, _ =	vpop (xrf2);
	(xrf2) =	vadd.scan.msk.f32 $0xffff, v9;
	v7 =	vadd.f32 v7, v22  }
0x27b: {  	(v2sf) =	vpush v14, $0xF;
	v9, _, _ =	vpop (xrf2);
	(xrf2) =	vadd.scan.msk.f32 $0xffff, v10  }
0x27c: {  	(v2sf) =	vpush v9, $0xF;
	v9, _, _ =	vpop (xrf2);
	(xrf2) =	vadd.scan.msk.f32 $0xffff, v13  }
0x27d: {  	(v2sf) =	vpush v9, $0xF;
	v9, _, _ =	vpop (xrf2)  }
0x27e: {  	(xrf2) =	vadd.scan.msk.f32 $0xffff, v7;
	(v2sf) =	vpush v9, $0xF;
	v7, _, _ =	vpop (xrf2)  }
0x27f: {  	(xrf2) =	vadd.scan.msk.f32 $0xffff, v11;
	(v2sf) =	vpush v7, $0xF;
	v7, _, _ =	vpop (xrf2)  }
0x280: {  	(xrf2) =	vadd.scan.msk.f32 $0xffff, v12;
	v9, _, _ =	vpop (xrf2);
	(v2sf) =	vpush v7, $0xF  }
0x281: {  	(xrf2) =	vadd.scan.msk.f32 $0xffff, v6;
	(v2sf) =	vpush v9, $0xF;
	v7, _, _ =	vpop (xrf2)  }
0x282: {  	(xrf2) =	vadd.scan.msk.f32 $0xffff, v8;
	s21 =	spop (v2sf);
	(v2sf) =	vpush v7, $0xF;
	v6, _, _ =	vpop (xrf2)  }
0x283: {  	(xrf2) =	vadd.scan.msk.f32 $0xffff, v3;
	s12 =	spop (v2sf);
	(v2sf) =	vpush v6, $0xF;
	v6, _, _ =	vpop (xrf2)  }
0x284: {  	(xrf2) =	vadd.scan.msk.f32 $0xffff, v4;
	s5 =	spop (v2sf);
	(v2sf) =	vpush v6, $0xF;
	v3, _, _ =	vpop (xrf2)  }
0x285: {  	(xrf2) =	vadd.scan.msk.f32 $0xffff, v1;
	s25 =	spop (v2sf);
	(v2sf) =	vpush v3, $0xF;
	v3, _, _ =	vpop (xrf2)  }
0x286: {  	s11 =	spop (v2sf);
	(v2sf) =	vpush v3, $0xF;
	v1, _, _ =	vpop (xrf2)  }
0x287: {  	s15 =	spop (v2sf);
	(v2sf) =	vpush v1, $0xF  }
0x288: {  	(xrf2) =	vadd.scan.msk.f32 $0xffff, v2;
	v1, _, _ =	vpop (xrf2);
	s17 =	spop (v2sf)  }
0x289: {  	(xrf2) =	vadd.scan.msk.f32 $0xffff, v0;
	(v2sf) =	vpush v1, $0xF;
	v0, _, _ =	vpop (xrf2);
	s8 =	spop (v2sf)  }
0x28a: {  	(xrf2) =	vadd.scan.msk.f32 $0xffff, v5;
	v1, _, _ =	vpop (xrf2);
	(v2sf) =	vpush v0, $0xF;
	s23 =	spop (v2sf)  }
0x28b: {  	(v2sf) =	vpush v1, $0xF;
	v0, _, _ =	vpop (xrf2);
	s4 =	spop (v2sf)  }
0x28c: {  	v1, _, _ =	vpop (xrf2);
	(v2sf) =	vpush v0, $0xF;
	s19 =	spop (v2sf)  }
0x28d: {  	v0, _, _ =	vpop (xrf2);
	(v2sf) =	vpush v1, $0xF;
	s31 =	spop (v2sf)  }
0x28e: {  	v1, _, _ =	vpop (xrf2);
	(v2sf) =	vpush v0, $0xF;
	s20 =	spop (v2sf)  }
0x28f: {  	v0, _, _ =	vpop (xrf2);
	(v2sf) =	vpush v1, $0xF;
	s14 =	spop (v2sf)  }
0x290: {  	(v2sf) =	vpush v0, $0xF;
	s18 =	spop (v2sf)  }
0x291: {  	s30 =	spop (v2sf)  }
0x292: {  	v1, _, _ =	vpop (xrf2);
	s1 =	spop (v2sf)  }
0x293: {  	v0, _, _ =	vpop (xrf2);
	(v2sf) =	vpush v1, $0xF;
	s6 =	spop (v2sf)  }
0x294: {  	(v2sf) =	vpush v0, $0xF;
	v0, _, _ =	vpop (xrf2);
	s10 =	spop (v2sf)  }
0x295: {  	s2 =	simm.s32 $0x9480;
	(v2sf) =	vpush v0, $0xF;
	[dreg:$0x1b] =	wrdreg s10;
	s24 =	spop (v2sf)  }
0x296: {  	s10 =	sadd.s32 s28, s29;
	s28 =	simm.s32 $0x0;
	s13 =	spop (v2sf)  }
0x297: {  	[hbm4b:s10+s28] =	stream.linear.scatter [tilespmem:s2], [sflag:$0x7], $0x4800, $0x38;
	[tilespmem:$0x12580] =	vst v63  }
0x298: {  	s22 =	spop (v2sf)  }
0x299: {  	[dreg:$0x1c] =	wrdreg s1;
	s16 =	spop (v2sf)  }
0x29a: {  	s1 =	rddreg [dreg:$0xa];
	s9 =	spop (v2sf)  }
0x29b: {  	[dreg:$0x19] =	wrdreg s16;
	s29 =	spop (v2sf)  }
0x29c: {  	[dreg:$0x18] =	wrdreg s29;
	s10 =	spop (v2sf)  }
0x29d: {  	s16 =	sshrl.u32 s12, $0x1;
	s29 =	smul.f32 $5.000000000e-01, s12;
	s2 =	spop (v2sf)  }
0x29e: {  	[dreg:$0x1a] =	wrdreg s13;
	s28 =	ssub.s32 $0x5F3759DF, s16;
	s12 =	spop (v2sf)  }
0x29f: {  	s7 =	smul.f32 s28, s29;
	s3 =	spop (v2sf)  }
0x2a0: {  	[dreg:$0x16] =	wrdreg s3  }
0x2a1: {  	s13 =	smul.f32 s28, s7;
	s7 =	rddreg [dreg:$0x10]  }
0x2a2: {  	s3 =	rddreg [dreg:$0x11];
	s16 =	spop (v2sf);
	p0 =	seq.s32 s7, $0x3  }
0x2a3: {  	[dreg:$0x17] =	wrdreg s2;
	s2 =	spop (v2sf);
	s1 =	sadd.s32 @!p0 s3, s1  }
0x2a4: {  	[dreg:$0x15] =	wrdreg s2;
	s7 =	spop (v2sf);
	s2 =	simm.s32 @!p0 $0x5  }
0x2a5: {  	s13 =	ssub.f32 $1.500000000e+00, s13;
	s1 =	sshrl.u32 @!p0 s1, $0x3;
	_ =	swait.ge @!p0 [sflag:s2], $0x4800  }
0x2a6: {  	s1 =	smul.u32 @!p0 $0x480, s1;
	[sflag:s2] =	ssyncset.done @!p0 $0x0  }
0x2a7: {  	s13 =	smul.f32 s28, s13;
	[sflag:s2] =	ssyncadd.s32 @!p0 $0xFFFFB800  }
0x2a8: {  	s28 =	simm.s32 @!p0 $0x480;
	s2 =	rddreg [dreg:$0x1]  }
0x2a9: {  	s3 =	smul.f32 s13, s29;
	s1 =	sadd.s32 @!p0 s2, s1;
	s2 =	simm.s32 @!p0 $0x0  }
0x2aa: {  	[tilespmem:s28], [sflag:$0x1] =	stream.linear.gather @!p0 [hbm4b:s1+s2], $0x4800, $0x38;
	[tilespmem:$0x12580] =	vst v63  }
0x2ab: {  	s28 =	sshrl.u32 s25, $0x1;
	s25 =	smul.f32 $5.000000000e-01, s25  }
0x2ac: {  	s1 =	smul.f32 s3, s13;
	s2 =	ssub.s32 $0x5F3759DF, s28  }
0x2ad: {  	s3 =	smul.f32 s2, s25  }
0x2ae: {  	s1 =	ssub.f32 $1.500000000e+00, s1  }
0x2af: {  	s28 =	smul.f32 s2, s3  }
0x2b0: {  	s1 =	smul.f32 s1, s13  }
0x2b1: {  	s3 =	ssub.f32 $1.500000000e+00, s28  }
0x2b2: {  	s29 =	smul.f32 s1, s29  }
0x2b3: {  	s2 =	smul.f32 s2, s3  }
0x2b4: {  	s13 =	smul.f32 s29, s1  }
0x2b5: {  	s3 =	sshrl.u32 s15, $0x1;
	s15 =	smul.f32 $5.000000000e-01, s15  }
0x2b6: {  	s29 =	ssub.s32 $0x5F3759DF, s3;
	s28 =	smul.f32 s2, s25  }
0x2b7: {  	s3 =	smul.f32 s29, s15  }
0x2b8: {  	s28 =	smul.f32 s28, s2  }
0x2b9: {  	s13 =	ssub.f32 $1.500000000e+00, s13;
	s3 =	smul.f32 s29, s3  }
0x2ba: {  	s28 =	ssub.f32 $1.500000000e+00, s28  }
0x2bb: {  	s1 =	smul.f32 s13, s1;
	s3 =	ssub.f32 $1.500000000e+00, s3  }
0x2bc: {  	s2 =	smul.f32 s28, s2  }
0x2bd: {  	s3 =	smul.f32 s29, s3  }
0x2be: {  	s29 =	sshrl.u32 s8, $0x1;
	s8 =	smul.f32 $5.000000000e-01, s8  }
0x2bf: {  	s28 =	smul.f32 s2, s25  }
0x2c0: {  	s25 =	smul.f32 s3, s15  }
0x2c1: {  	s13 =	smul.f32 s28, s2  }
0x2c2: {  	s25 =	smul.f32 s25, s3;
	s28 =	ssub.s32 $0x5F3759DF, s29  }
0x2c3: {  	s29 =	smul.f32 s28, s8  }
0x2c4: {  	s21 =	smul.f32 s1, s21;
	s25 =	ssub.f32 $1.500000000e+00, s25  }
0x2c5: {  	s13 =	ssub.f32 $1.500000000e+00, s13;
	s29 =	smul.f32 s28, s29  }
0x2c6: {  	s1 =	smul.f32 s25, s3  }
0x2c7: {  	s2 =	smul.f32 s13, s2;
	s13 =	ssub.f32 $1.500000000e+00, s29  }
0x2c8: {  	s15 =	smul.f32 s1, s15  }
0x2c9: {  	s3 =	smul.f32 s28, s13  }
0x2ca: {  	s28 =	sshrl.u32 s4, $0x1;
	s4 =	smul.f32 $5.000000000e-01, s4  }
0x2cb: {  	s25 =	smul.f32 s3, s8  }
0x2cc: {  	s13 =	smul.f32 s15, s1  }
0x2cd: {  	s15 =	smul.f32 s25, s3;
	s25 =	ssub.s32 $0x5F3759DF, s28  }
0x2ce: {  	s29 =	smul.f32 s25, s4  }
0x2cf: {  	s2 =	smul.f32 s2, s5;
	s15 =	ssub.f32 $1.500000000e+00, s15  }
0x2d0: {  	s13 =	ssub.f32 $1.500000000e+00, s13;
	s29 =	smul.f32 s25, s29  }
0x2d1: {  	s3 =	smul.f32 s15, s3  }
0x2d2: {  	s1 =	smul.f32 s13, s1  }
0x2d3: {  	s28 =	ssub.f32 $1.500000000e+00, s29;
	s29 =	sshrl.u32 s31, $0x1;
	s8 =	smul.f32 s3, s8  }
0x2d4: {  	s15 =	ssub.s32 $0x5F3759DF, s29;
	s29 =	sshrl.u32 s14, $0x1;
	s14 =	smul.f32 $5.000000000e-01, s14  }
0x2d5: {  	s13 =	smul.f32 s25, s28  }
0x2d6: {  	s25 =	smul.f32 $5.000000000e-01, s31  }
0x2d7: {  	s8 =	smul.f32 s8, s3  }
0x2d8: {  	s5 =	smul.f32 s13, s4  }
0x2d9: {  	s31 =	smul.f32 s15, s25  }
0x2da: {  	s28 =	smul.f32 s5, s13  }
0x2db: {  	s8 =	ssub.f32 $1.500000000e+00, s8;
	s31 =	smul.f32 s15, s31  }
0x2dc: {  	s5 =	smul.f32 s1, s11;
	s28 =	ssub.f32 $1.500000000e+00, s28  }
0x2dd: {  	s1 =	smul.f32 s8, s3;
	s11 =	ssub.f32 $1.500000000e+00, s31  }
0x2de: {  	s13 =	smul.f32 s28, s13  }
0x2df: {  	s3 =	smul.f32 s15, s11;
	s11 =	ssub.s32 $0x5F3759DF, s29  }
0x2e0: {  	s31 =	smul.f32 s11, s14  }
0x2e1: {  	s28 =	smul.f32 s3, s25  }
0x2e2: {  	s4 =	smul.f32 s13, s4  }
0x2e3: {  	s8 =	smul.f32 s28, s3  }
0x2e4: {  	s4 =	smul.f32 s4, s13  }
0x2e5: {  	s15 =	smul.f32 s11, s31;
	s8 =	ssub.f32 $1.500000000e+00, s8  }
0x2e6: {  	s1 =	smul.f32 s1, s17;
	s4 =	ssub.f32 $1.500000000e+00, s4  }
0x2e7: {  	s15 =	ssub.f32 $1.500000000e+00, s15;
	s3 =	smul.f32 s8, s3  }
0x2e8: {  	s4 =	smul.f32 s4, s13  }
0x2e9: {  	s8 =	smul.f32 s11, s15  }
0x2ea: {  	s17 =	smul.f32 s3, s25  }
0x2eb: {  	s28 =	smul.f32 s8, s14  }
0x2ec: {  	s23 =	smul.f32 s4, s23  }
0x2ed: {  	s25 =	smul.f32 s17, s3  }
0x2ee: {  	s29 =	sshrl.u32 s30, $0x1;
	s17 =	smul.f32 $5.000000000e-01, s30  }
0x2ef: {  	s15 =	ssub.s32 $0x5F3759DF, s29;
	s13 =	smul.f32 s28, s8  }
0x2f0: {  	s31 =	smul.f32 s15, s17  }
0x2f1: {  	s30 =	sshrl.u32 s6, $0x1;
	s6 =	smul.f32 $5.000000000e-01, s6;
	s13 =	ssub.f32 $1.500000000e+00, s13  }
0x2f2: {  	s11 =	ssub.f32 $1.500000000e+00, s25;
	s25 =	smul.f32 s15, s31  }
0x2f3: {  	s8 =	smul.f32 s13, s8  }
0x2f4: {  	s3 =	smul.f32 s11, s3  }
0x2f5: {  	s28 =	ssub.f32 $1.500000000e+00, s25;
	s29 =	smul.f32 s8, s14;
	s14 =	ssub.s32 $0x5F3759DF, s30  }
0x2f6: {  	s31 =	smul.f32 s14, s6  }
0x2f7: {  	s13 =	smul.f32 s15, s28  }
0x2f8: {  	s11 =	smul.f32 s29, s8  }
0x2f9: {  	s28 =	smul.f32 s14, s31  }
0x2fa: {  	s4 =	smul.f32 s13, s17  }
0x2fb: {  	s11 =	ssub.f32 $1.500000000e+00, s11  }
0x2fc: {  	s29 =	ssub.f32 $1.500000000e+00, s28;
	s15 =	smul.f32 s4, s13  }
0x2fd: {  	s8 =	smul.f32 s11, s8  }
0x2fe: {  	s11 =	smul.f32 s14, s29  }
0x2ff: {  	s4 =	smul.f32 s3, s19;
	s19 =	ssub.f32 $1.500000000e+00, s15  }
0x300: {  	s14 =	smul.f32 s11, s6  }
0x301: {  	s3 =	smul.f32 s19, s13  }
0x302: {  	s19 =	smul.f32 $5.000000000e-01, s22  }
0x303: {  	s31 =	smul.f32 s14, s11  }
0x304: {  	s14 =	smul.f32 s8, s20  }
0x305: {  	s13 =	smul.f32 s3, s17  }
0x306: {  	s30 =	sshrl.u32 s24, $0x1;
	s17 =	smul.f32 $5.000000000e-01, s24  }
0x307: {  	s15 =	ssub.s32 $0x5F3759DF, s30;
	s20 =	ssub.f32 $1.500000000e+00, s31;
	s13 =	smul.f32 s13, s3  }
0x308: {  	s24 =	smul.f32 s15, s17  }
0x309: {  	s8 =	smul.f32 s20, s11  }
0x30a: {  	s13 =	ssub.f32 $1.500000000e+00, s13;
	s25 =	smul.f32 s15, s24  }
0x30b: {  	s6 =	smul.f32 s8, s6  }
0x30c: {  	s3 =	smul.f32 s13, s3;
	s28 =	ssub.f32 $1.500000000e+00, s25  }
0x30d: {  	s6 =	smul.f32 s6, s8  }
0x30e: {  	s30 =	sshrl.u32 s22, $0x1;
	s11 =	smul.f32 s15, s28  }
0x30f: {  	s15 =	ssub.s32 $0x5F3759DF, s30;
	s18 =	smul.f32 s3, s18  }
0x310: {  	s31 =	smul.f32 s15, s19  }
0x311: {  	s6 =	ssub.f32 $1.500000000e+00, s6;
	s29 =	smul.f32 s11, s17  }
0x312: {  	s24 =	smul.f32 s15, s31  }
0x313: {  	s6 =	smul.f32 s6, s8  }
0x314: {  	s31 =	rddreg [dreg:$0x1c];
	s13 =	smul.f32 s29, s11  }
0x315: {  	s29 =	sshrl.u32 s9, $0x1;
	s9 =	smul.f32 $5.000000000e-01, s9;
	s25 =	ssub.f32 $1.500000000e+00, s24  }
0x316: {  	s6 =	smul.f32 s6, s31;
	s22 =	ssub.f32 $1.500000000e+00, s13  }
0x317: {  	s8 =	smul.f32 s15, s25  }
0x318: {  	s15 =	ssub.s32 $0x5F3759DF, s29;
	s3 =	smul.f32 s22, s11  }
0x319: {  	s30 =	smul.f32 s15, s9  }
0x31a: {  	s28 =	smul.f32 s8, s19  }
0x31b: {  	s11 =	smul.f32 s3, s17  }
0x31c: {  	s17 =	smul.f32 s15, s30  }
0x31d: {  	s25 =	sshrl.u32 s10, $0x1;
	s10 =	smul.f32 $5.000000000e-01, s10  }
0x31e: {  	s13 =	smul.f32 s28, s8;
	s17 =	ssub.f32 $1.500000000e+00, s17  }
0x31f: {  	s11 =	smul.f32 s11, s3  }
0x320: {  	s29 =	ssub.s32 $0x5F3759DF, s25;
	s13 =	ssub.f32 $1.500000000e+00, s13;
	s15 =	smul.f32 s15, s17  }
0x321: {  	s11 =	ssub.f32 $1.500000000e+00, s11;
	s17 =	smul.f32 s29, s10  }
0x322: {  	s8 =	smul.f32 s13, s8  }
0x323: {  	s3 =	smul.f32 s11, s3  }
0x324: {  	s30 =	smul.f32 s29, s17  }
0x325: {  	s13 =	smul.f32 s8, s19  }
0x326: {  	s19 =	smul.f32 s15, s9  }
0x327: {  	s13 =	smul.f32 s13, s8  }
0x328: {  	s20 =	rddreg [dreg:$0x1b];
	s24 =	smul.f32 s19, s15  }
0x329: {  	s11 =	smul.f32 s3, s20;
	s22 =	ssub.f32 $1.500000000e+00, s13  }
0x32a: {  	s28 =	ssub.f32 $1.500000000e+00, s24;
	s24 =	sshrl.u32 s12, $0x1;
	s12 =	smul.f32 $5.000000000e-01, s12  }
0x32b: {  	s13 =	ssub.s32 $0x5F3759DF, s24;
	s24 =	smul.f32 $5.000000000e-01, s16  }
0x32c: {  	s3 =	smul.f32 s22, s8  }
0x32d: {  	p2 =	sgt.f32 s21, s0;
	s8 =	smul.f32 s28, s15  }
0x32e: {  	s20 =	ssub.f32 $1.500000000e+00, s30;
	s28 =	smul.f32 s13, s12  }
0x32f: {  	s19 =	rddreg [dreg:$0x1a];
	s31 =	smul.f32 s8, s9  }
0x330: {  	s0 =	smov.u32 @p2 s21;
	s9 =	smul.f32 s3, s19  }
0x331: {  	p4 =	sgt.f32 s2, s0;
	s3 =	smul.f32 s29, s20  }
0x332: {  	s19 =	smul.f32 s13, s28  }
0x333: {  	s0 =	smov.u32 @p4 s2;
	s25 =	smul.f32 s3, s10  }
0x334: {  	p1 =	sgt.f32 s5, s0;
	s22 =	smul.f32 s31, s8  }
0x335: {  	s30 =	ssub.f32 $1.500000000e+00, s19;
	s17 =	smul.f32 s25, s3  }
0x336: {  	s28 =	sshrl.u32 s7, $0x1;
	s7 =	smul.f32 $5.000000000e-01, s7;
	s15 =	ssub.f32 $1.500000000e+00, s22  }
0x337: {  	s31 =	smul.f32 s13, s30;
	s29 =	ssub.f32 $1.500000000e+00, s17  }
0x338: {  	s8 =	smul.f32 s15, s8  }
0x339: {  	s21 =	rddreg [dreg:$0x18];
	s0 =	smov.u32 @p1 s5;
	s3 =	smul.f32 s29, s3  }
0x33a: {  	p3 =	sgt.f32 s1, s0;
	s13 =	smul.f32 s31, s12  }
0x33b: {  	s15 =	rddreg [dreg:$0x12];
	s10 =	smul.f32 s3, s10  }
0x33c: {  	s0 =	smov.u32 @p3 s1;
	s17 =	rddreg [dreg:$0x19];
	s13 =	smul.f32 s13, s31  }
0x33d: {  	s26 =	smov.u32 @p2 s15;
	p2 =	sgt.f32 s23, s0;
	s10 =	smul.f32 s10, s3  }
0x33e: {  	s5 =	smul.f32 s8, s17;
	s13 =	ssub.f32 $1.500000000e+00, s13  }
0x33f: {  	s8 =	sor.u32 $0x2, s15;
	s19 =	ssub.f32 $1.500000000e+00, s10;
	s10 =	sor.u32 $0x1, s15  }
0x340: {  	s0 =	smov.u32 @p2 s23;
	s20 =	smul.f32 s13, s31;
	s26 =	smov.u32 @p4 s10  }
0x341: {  	s23 =	sshrl.u32 s16, $0x1;
	s26 =	smov.u32 @p1 s8;
	p1 =	sgt.f32 s4, s0  }
0x342: {  	s16 =	simm.s32 $0x4;
	s31 =	rddreg [dreg:$0x17];
	s22 =	smul.f32 s20, s12  }
0x343: {  	_ =	swait.ge [sflag:s16], $0x4800;
	s3 =	smul.f32 s19, s3;
	s0 =	smov.u32 @p1 s4  }
0x344: {  	s10 =	ssub.s32 $0x5F3759DF, s23;
	s8 =	smul.f32 s22, s20;
	p4 =	sgt.f32 s14, s0  }
0x345: {  	s29 =	ssub.s32 $0x5F3759DF, s28;
	[sflag:s16] =	ssyncset.done $0x0;
	s25 =	smul.f32 s10, s24  }
0x346: {  	s2 =	smul.f32 s3, s21;
	s8 =	ssub.f32 $1.500000000e+00, s8;
	s0 =	smov.u32 @p4 s14  }
0x347: {  	s3 =	sor.u32 $0x3, s15;
	s4 =	smul.f32 s29, s7;
	p5 =	sgt.f32 s18, s0  }
0x348: {  	[sflag:s16] =	ssyncadd.s32 $0xFFFFB800;
	s26 =	smov.u32 @p3 s3;
	s3 =	smul.f32 s10, s25  }
0x349: {  	s1 =	smul.f32 s8, s20;
	s0 =	smov.u32 @p5 s18;
	s18 =	simm.s32 $0x0  }
0x34a: {  	s30 =	smul.f32 s29, s4;
	s19 =	sand.u32 $0x70, s18;
	s20 =	sand.u32 $0x3C00, s18  }
0x34b: {  	s4 =	smul.f32 s1, s31;
	v10 =	vld [tilespmem:s18+$0x0];
	s1 =	sor.u32 s19, s20  }
0x34c: {  	s3 =	ssub.f32 $1.500000000e+00, s3;
	v2 =	vld [tilespmem:s1+$0x10400]  }
0x34d: {  	v0 =	vld [tilespmem:s1+$0x10380]  }
0x34e: {  	s3 =	smul.f32 s10, s3;
	v1 =	vld [tilespmem:s1+$0x10300]  }
0x34f: {  	s8 =	ssub.f32 $1.500000000e+00, s30;
	v3 =	vld [tilespmem:s1+$0x10280]  }
0x350: {  	s10 =	smul.f32 s3, s24;
	p3 =	sgt.f32 s6, s0;
	v23 =	vld [tilespmem:s1+$0xDF00]  }
0x351: {  	s14 =	sor.u32 $0x4, s15;
	s17 =	smul.f32 s29, s8;
	v5 =	vld [tilespmem:s1+$0xDE80]  }
0x352: {  	s31 =	rddreg [dreg:$0x15];
	s8 =	smul.f32 s10, s3;
	s0 =	smov.u32 @p3 s6;
	v9 =	vld [tilespmem:s1+$0xDF80]  }
0x353: {  	s26 =	smov.u32 @p2 s14;
	s21 =	smul.f32 s17, s7;
	v8 =	vld [tilespmem:s1+$0x10100];
	p2 =	sgt.f32 s11, s0  }
0x354: {  	s14 =	sor.u32 $0x5, s15;
	v14 =	vld [tilespmem:s1+$0xDD00];
	s8 =	ssub.f32 $1.500000000e+00, s8  }
0x355: {  	s29 =	rddreg [dreg:$0x16];
	v18 =	vld [tilespmem:s1+$0x10200];
	s6 =	smul.f32 s21, s17;
	s0 =	smov.u32 @p2 s11  }
0x356: {  	v40 =	vimm.f32 $0.0e+00;
	v37 =	vimm.f32 $0.0e+00;
	v43 =	vimm.f32 $0.0e+00;
	s26 =	smov.u32 @p1 s14;
	v12 =	vld [tilespmem:s1+$0x10180];
	s3 =	smul.f32 s8, s3;
	p1 =	sgt.f32 s9, s0  }
0x357: {  	v39 =	vimm.f32 $0.0e+00;
	v25 =	vimm.f32 $0.0e+00;
	v36 =	vimm.f32 $0.0e+00;
	s23 =	sand.u32 $0x7, s18;
	s10 =	sor.u32 $0x7, s15;
	v42 =	vld [tilespmem:s1+$0xDD80];
	s6 =	ssub.f32 $1.500000000e+00, s6  }
0x358: {  	v38 =	vimm.f32 $0.0e+00;
	v45 =	vld [tilespmem:s1+$0xDC80];
	s8 =	sor.u32 $0x6, s15;
	v4 =	vmul.f32 v2, v10;
	v6 =	vmul.f32 v0, v10;
	s22 =	smul.f32 s3, s24;
	s0 =	smov.u32 @p1 s9  }
0x359: {  	v34 =	vimm.f32 $0.0e+00;
	v32 =	vld [tilespmem:s1+$0x10080];
	s26 =	smov.u32 @p4 s8;
	v7 =	vmul.f32 v0, v0;
	s6 =	smul.f32 s6, s17;
	v11 =	vmul.f32 v1, v10;
	p4 =	sgt.f32 s5, s0  }
0x35a: {  	v31 =	vimm.f32 $0.0e+00;
	v46 =	vld [tilespmem:s1+$0xDE00];
	s1 =	simm.s32 $0x80;
	v13 =	vmul.f32 v1, v1;
	v16 =	vmul.f32 v2, v2;
	s9 =	sshll.u32 s23, $0x4;
	s8 =	smul.f32 s22, s3  }
0x35b: {  	v35 =	vimm.f32 $0.0e+00;
	v19 =	vmul.f32 v5, v5;
	v28 =	vmul.f32 v9, v10;
	s26 =	smov.u32 @p5 s10;
	s24 =	smul.f32 s6, s7;
	s0 =	smov.u32 @p4 s5  }
0x35c: {  	v15 =	vimm.f32 $0.0e+00;
	v21 =	vmul.f32 v8, v10;
	v44 =	vmul.f32 v14, v10;
	s9 =	sadd.s32 $0x0, s9;
	p5 =	sgt.f32 s2, s0;
	s8 =	ssub.f32 $1.500000000e+00, s8  }
0x35d: {  	v22 =	vimm.f32 $0.0e+00;
	v8 =	vmul.f32 v8, v8;
	v41 =	vmul.f32 v14, v14;
	s7 =	sor.u32 $0x8, s15;
	s25 =	sor.u32 $0x380, s9;
	s5 =	smul.f32 s24, s6  }
0x35e: {  	v14 =	vmul.f32 v18, v10;
	v17 =	vmul.f32 v12, v10;
	v0 =	vadd.f32 v4, v15;
	s26 =	smov.u32 @p3 s7;
	s0 =	smov.u32 @p5 s2;
	s28 =	smul.f32 s8, s3  }
0x35f: {  	v33 =	vmul.f32 v9, v9;
	v1 =	vadd.f32 v6, v15;
	v2 =	vadd.f32 v7, v15;
	s5 =	ssub.f32 $1.500000000e+00, s5;
	s3 =	sor.u32 $0x9, s15;
	p3 =	sgt.f32 s4, s0  }
0x360: {  	v7 =	vmul.f32 v23, v10;
	v6 =	vmul.f32 v3, v10;
	v4 =	vadd.f32 v11, v15;
	s7 =	simm.s32 $0x10;
	s26 =	smov.u32 @p2 s3;
	s2 =	smul.f32 s28, s29  }
0x361: {  	v11 =	vmul.f32 v5, v10;
	v5 =	vadd.f32 v13, v15;
	v13 =	vmul.f32 v3, v3;
	s30 =	smul.f32 s5, s6;
	s0 =	smov.u32 @p3 s4;
	s4 =	sor.u32 $0xA, s15  }
0x362: {  	v3 =	vadd.f32 v16, v15;
	v27 =	vadd.f32 v19, v15;
	v19 =	vimm.f32 $0.0e+00;
	v20 =	vld [tilespmem:s25+$0xDC80];
	s26 =	smov.u32 @p1 s4;
	s4 =	sor.u32 $0xB, s15;
	p1 =	sgt.f32 s2, s0  }
0x363: {  	v16 =	vimm.f32 $0.0e+00;
	v6 =	vadd.f32 v6, v15;
	v26 =	vadd.f32 v11, v15;
	s3 =	smul.f32 s30, s31;
	s26 =	smov.u32 @p4 s4;
	s4 =	sor.u32 $0xC, s15  }
0x364: {  	v24 =	vadd.f32 v7, v15;
	v7 =	vadd.f32 v13, v15;
	v13 =	vmul.f32 v18, v18;
	s26 =	smov.u32 @p5 s4;
	s4 =	sor.u32 $0xD, s15;
	s0 =	smov.u32 @p1 s2  }
0x365: {  	v11 =	vadd.f32 v8, v15;
	v8 =	vadd.f32 v14, v15;
	v14 =	vimm.f32 $0.0e+00;
	s2 =	sor.u32 $0xE, s15;
	s26 =	smov.u32 @p3 s4;
	p2 =	sgt.f32 s3, s0  }
0x366: {  	v18 =	vimm.f32 $0.0e+00;
	v9 =	vadd.f32 v13, v15;
	v13 =	vimm.f32 $0.0e+00;
	s4 =	simm.s32 $0x10;
	s26 =	smov.u32 @p1 s2;
	s2 =	sor.u32 $0xF, s15  }
0x367: {  	v29 =	vmul.f32 v20, v20;
	v30 =	vmul.f32 v20, v10;
	v20 =	vimm.f32 $0.0e+00;
	s0 =	smov.u32 @p2 s3;
	s26 =	smov.u32 @p2 s2;
	s2 =	simm.s32 $0x1  }
.LBB2_9:
0x368: {  	s3 =	sand.u32 $0x7, s2  }
0x369: {  	s5 =	sand.u32 $0x70, s7;
	s6 =	sand.u32 $0x3C00, s1;
	v15 =	vadd.f32 v28, v15;
	v28 =	vmul.f32 v32, v10;
	v14 =	vadd.f32 v21, v14;
	s8 =	smov.u32 s7  }
0x36a: {  	v23 =	vmul.f32 v23, v23;
	v19 =	vadd.f32 v29, v19;
	s3 =	sshll.u32 s3, $0x4;
	v21 =	vld [tilespmem:s4+$0x0];
	s6 =	sor.u32 s5, s6;
	s5 =	sadd.s32 $0x10, s7;
	v47 =	vmul.f32 v46, v10  }
0x36b: {  	p1 =	sne.s32 s7, $0x470;
	v36 =	vadd.f32 v44, v36;
	v32 =	vmul.f32 v32, v32;
	v25 =	vadd.f32 v33, v25;
	s3 =	sadd.s32 s3, s1;
	v29 =	vld [tilespmem:s6+$0x10200]  }
0x36c: {  	v44 =	vmul.f32 v45, v10;
	v12 =	vmul.f32 v12, v12;
	v20 =	vadd.f32 v30, v20;
	s3 =	sor.u32 $0x380, s3;
	v33 =	vld [tilespmem:s6+$0x10100]  }
0x36d: {  	v48 =	vmul.f32 v42, v10;
	v13 =	vadd.f32 v17, v13;
	v18 =	vadd.f32 v32, v18;
	v30 =	vld [tilespmem:s6+$0x10400]  }
0x36e: {  	v32 =	vmul.f32 v46, v46;
	v31 =	vadd.f32 v23, v31;
	v34 =	vadd.f32 v47, v34;
	v17 =	vld [tilespmem:s6+$0x10380]  }
0x36f: {  	v42 =	vmul.f32 v42, v42;
	v40 =	vadd.f32 v44, v40;
	v44 =	vmul.f32 v45, v45;
	v46 =	vld [tilespmem:s6+$0x10300];
	v10 =	vmovc v21  }
0x370: {  	v38 =	vadd.f32 v41, v38;
	v35 =	vadd.f32 v32, v35;
	v21 =	vld [tilespmem:s6+$0x10280]  }
0x371: {  	v37 =	vadd.f32 v48, v37;
	v22 =	vadd.f32 v28, v22;
	v23 =	vld [tilespmem:s6+$0xDF00]  }
0x372: {  	v39 =	vadd.f32 v42, v39;
	v43 =	vadd.f32 v44, v43;
	v28 =	vld [tilespmem:s6+$0xDE80];
	v32 =	vmul.f32 v30, v10  }
0x373: {  	v16 =	vadd.f32 v12, v16;
	v47 =	vld [tilespmem:s6+$0xDF80];
	v41 =	vmul.f32 v17, v10;
	v17 =	vmul.f32 v17, v17  }
0x374: {  	v48 =	vld [tilespmem:s6+$0xDD00];
	v12 =	vmul.f32 v46, v10;
	v44 =	vmul.f32 v46, v46;
	v0 =	vadd.f32 v32, v0  }
0x375: {  	v42 =	vld [tilespmem:s6+$0xDD80];
	v1 =	vadd.f32 v41, v1;
	v2 =	vadd.f32 v17, v2;
	v17 =	vmul.f32 v30, v30  }
0x376: {  	v32 =	vmul.f32 v21, v10;
	v45 =	vld [tilespmem:s6+$0xDC80];
	v30 =	vmul.f32 v23, v10;
	v4 =	vadd.f32 v12, v4  }
0x377: {  	v5 =	vadd.f32 v44, v5;
	v41 =	vmul.f32 v28, v10;
	v49 =	vmul.f32 v28, v28;
	v12 =	vld [tilespmem:s6+$0x10180]  }
0x378: {  	v51 =	vmul.f32 v21, v21;
	v6 =	vadd.f32 v32, v6;
	v28 =	vmul.f32 v47, v10;
	v50 =	vld [tilespmem:s3+$0xDC80]  }
0x379: {  	v21 =	vmul.f32 v33, v10;
	v24 =	vadd.f32 v30, v24;
	v26 =	vadd.f32 v41, v26  }
.Ltmp5:
0x37a: {  	v3 =	vadd.f32 v17, v3;
	v30 =	vmul.f32 v33, v33;
	v44 =	vmul.f32 v48, v10;
	v32 =	vld [tilespmem:s6+$0x10080];
	(pc) =	sbr.rel @p1 .LBB2_9-.Ltmp5, $4  }
0x37b: {  	v7 =	vadd.f32 v51, v7;
	v33 =	vmul.f32 v29, v10;
	v41 =	vmul.f32 v48, v48;
	v46 =	vld [tilespmem:s6+$0xDE00]  }
0x37c: {  	v48 =	vmul.f32 v29, v29;
	v11 =	vadd.f32 v30, v11;
	v17 =	vmul.f32 v12, v10  }
0x37d: {  	s2 =	sadd.s32 $0x1, s2;
	v27 =	vadd.f32 v49, v27;
	v8 =	vadd.f32 v33, v8;
	v29 =	vmul.f32 v50, v50  }
0x37e: {  	s4 =	sadd.s32 $0x10, s4;
	s1 =	sadd.s32 $0x80, s1;
	s7 =	smov.u32 s5;
	v33 =	vmul.f32 v47, v47;
	v9 =	vadd.f32 v48, v9;
	v30 =	vmul.f32 v50, v10  }
0x37f: {  	v47 =	vmul.f32 v45, v10  }
0x380: {  	v51 =	vmul.f32 v45, v45  }
0x381: {  	v40 =	vadd.f32 v47, v40  }
0x382: {  	v43 =	vadd.f32 v51, v43  }
0x383: {  	(xrf2) =	vadd.scan.msk.f32 $0xffff, v40  }
0x384: {  	(xrf2) =	vadd.scan.msk.f32 $0xffff, v43;
	_ =	sdelay $0x8  }
0x385: {  	v40, _, _ =	vpop (xrf2)  }
0x386: {  	v36 =	vadd.f32 v44, v36;
	(v2sf) =	vpush v40, $0xF;
	v52, _, _ =	vpop (xrf2)  }
0x387: {  	v38 =	vadd.f32 v41, v38;
	(v2sf) =	vpush v52, $0xF  }
0x388: {  	(xrf2) =	vadd.scan.msk.f32 $0xffff, v36  }
0x389: {  	(xrf2) =	vadd.scan.msk.f32 $0xffff, v38;
	_ =	sdelay $0x8  }
0x38a: {  	v36, _, _ =	vpop (xrf2)  }
0x38b: {  	v53 =	vmul.f32 v42, v10;
	(v2sf) =	vpush v36, $0xF;
	v54, _, _ =	vpop (xrf2)  }
0x38c: {  	v55 =	vmul.f32 v42, v42;
	(v2sf) =	vpush v54, $0xF  }
0x38d: {  	v56 =	vadd.f32 v53, v37;
	s1 =	spop (v2sf)  }
0x38e: {  	v57 =	vmul.f32 v46, v10;
	v58 =	vadd.f32 v55, v39;
	s2 =	spop (v2sf)  }
0x38f: {  	v59 =	vmul.f32 v46, v46;
	(xrf2) =	vadd.scan.msk.f32 $0xffff, v56;
	s3 =	sshrl.u32 s2, $0x1;
	s4 =	smul.f32 $5.000000000e-01, s2  }
0x390: {  	v34 =	vadd.f32 v57, v34;
	(xrf2) =	vadd.scan.msk.f32 $0xffff, v58;
	s12 =	ssub.s32 $0x5F3759DF, s3  }
0x391: {  	v35 =	vadd.f32 v59, v35;
	s3 =	smul.f32 s12, s4  }
0x392: {  	(xrf2) =	vadd.scan.msk.f32 $0xffff, v34  }
0x393: {  	(xrf2) =	vadd.scan.msk.f32 $0xffff, v35;
	s3 =	smul.f32 s12, s3;
	_ =	sdelay $0x1  }
0x394: {  	s3 =	ssub.f32 $1.500000000e+00, s3;
	_ =	sdelay $0x1  }
0x395: {  	s3 =	smul.f32 s12, s3;
	_ =	sdelay $0x1  }
0x396: {  	v60, _, _ =	vpop (xrf2);
	s5 =	smul.f32 s3, s4  }
0x397: {  	v61, _, _ =	vpop (xrf2);
	(v2sf) =	vpush v60, $0xF;
	s13 =	spop (v2sf)  }
0x398: {  	(v2sf) =	vpush v61, $0xF;
	s6 =	spop (v2sf);
	s5 =	smul.f32 s5, s3  }
0x399: {  	v62, _, _ =	vpop (xrf2);
	s7 =	sshrl.u32 s6, $0x1;
	s6 =	smul.f32 $5.000000000e-01, s6  }
0x39a: {  	v63, _, _ =	vpop (xrf2);
	(v2sf) =	vpush v62, $0xF;
	s7 =	ssub.s32 $0x5F3759DF, s7;
	s5 =	ssub.f32 $1.500000000e+00, s5  }
0x39b: {  	(v2sf) =	vpush v63, $0xF;
	s8 =	smul.f32 s7, s6  }
0x39c: {  	s3 =	smul.f32 s5, s3  }
0x39d: {  	s14 =	smul.f32 s7, s8  }
0x39e: {  	s4 =	smul.f32 s3, s4  }
0x39f: {  	s5 =	ssub.f32 $1.500000000e+00, s14  }
0x3a0: {  	s4 =	smul.f32 s4, s3  }
0x3a1: {  	s5 =	smul.f32 s7, s5  }
0x3a2: {  	(xrf2) =	vadd.scan.msk.f32 $0xffff, v26;
	s4 =	ssub.f32 $1.500000000e+00, s4  }
0x3a3: {  	(xrf2) =	vadd.scan.msk.f32 $0xffff, v27;
	s7 =	smul.f32 s5, s6  }
0x3a4: {  	s3 =	smul.f32 s4, s3  }
0x3a5: {  	v23 =	vmul.f32 v23, v23;
	s15 =	smul.f32 s7, s5  }
0x3a6: {  	s7 =	smul.f32 s3, s1;
	s1 =	spop (v2sf)  }
0x3a7: {  	v23 =	vadd.f32 v23, v31;
	s16 =	ssub.f32 $1.500000000e+00, s15;
	s17 =	spop (v2sf)  }
0x3a8: {  	(xrf2) =	vadd.scan.msk.f32 $0xffff, v24;
	s18 =	sshrl.u32 s17, $0x1;
	s9 =	smul.f32 $5.000000000e-01, s17  }
0x3a9: {  	(xrf2) =	vadd.scan.msk.f32 $0xffff, v23;
	s3 =	smul.f32 s16, s5;
	s4 =	spop (v2sf);
	s19 =	ssub.s32 $0x5F3759DF, s18  }
0x3aa: {  	s10 =	spop (v2sf);
	s8 =	smul.f32 s19, s9  }
0x3ab: {  	s11 =	sshrl.u32 s10, $0x1;
	s10 =	smul.f32 $5.000000000e-01, s10  }
0x3ac: {  	v35, _, _ =	vpop (xrf2);
	s11 =	ssub.s32 $0x5F3759DF, s11;
	s8 =	smul.f32 s19, s8  }
0x3ad: {  	v36, _, _ =	vpop (xrf2);
	(v2sf) =	vpush v35, $0xF;
	s12 =	smul.f32 s11, s10  }
0x3ae: {  	(v2sf) =	vpush v36, $0xF;
	s6 =	smul.f32 s3, s6;
	s8 =	ssub.f32 $1.500000000e+00, s8  }
0x3af: {  	s12 =	smul.f32 s11, s12  }
0x3b0: {  	s5 =	smul.f32 s19, s8  }
0x3b1: {  	s6 =	smul.f32 s6, s3;
	s20 =	ssub.f32 $1.500000000e+00, s12  }
0x3b2: {  	v37, _, _ =	vpop (xrf2);
	s21 =	smul.f32 s5, s9  }
0x3b3: {  	v38, _, _ =	vpop (xrf2);
	(v2sf) =	vpush v37, $0xF;
	s8 =	smul.f32 s11, s20  }
0x3b4: {  	v15 =	vadd.f32 v28, v15;
	(v2sf) =	vpush v38, $0xF;
	s6 =	ssub.f32 $1.500000000e+00, s6;
	s22 =	smul.f32 s21, s5  }
0x3b5: {  	v39 =	vadd.f32 v33, v25;
	s23 =	smul.f32 s8, s10  }
0x3b6: {  	(xrf2) =	vadd.scan.msk.f32 $0xffff, v15;
	s3 =	smul.f32 s6, s3;
	s24 =	ssub.f32 $1.500000000e+00, s22  }
0x3b7: {  	(xrf2) =	vadd.scan.msk.f32 $0xffff, v39;
	s25 =	smul.f32 s23, s8  }
0x3b8: {  	s6 =	smul.f32 s24, s5  }
0x3b9: {  	s2 =	smul.f32 s3, s13;
	s29 =	ssub.f32 $1.500000000e+00, s25  }
0x3ba: {  	s5 =	smul.f32 s6, s9  }
0x3bb: {  	s3 =	smul.f32 s29, s8  }
0x3bc: {  	s9 =	smul.f32 s5, s6;
	s5 =	spop (v2sf)  }
0x3bd: {  	s11 =	smul.f32 s3, s10;
	s12 =	spop (v2sf)  }
0x3be: {  	s13 =	sshrl.u32 s12, $0x1;
	s10 =	smul.f32 $5.000000000e-01, s12  }
0x3bf: {  	s8 =	ssub.f32 $1.500000000e+00, s9;
	s9 =	smul.f32 s11, s3;
	s11 =	ssub.s32 $0x5F3759DF, s13  }
0x3c0: {  	v15, _, _ =	vpop (xrf2);
	s14 =	smul.f32 s11, s10  }
0x3c1: {  	v40, _, _ =	vpop (xrf2);
	(v2sf) =	vpush v15, $0xF;
	s8 =	smul.f32 s8, s6  }
0x3c2: {  	(v2sf) =	vpush v40, $0xF;
	s15 =	ssub.f32 $1.500000000e+00, s9;
	s6 =	spop (v2sf)  }
0x3c3: {  	v41 =	vadd.f32 v30, v20;
	s17 =	spop (v2sf);
	s16 =	smul.f32 s11, s14  }
0x3c4: {  	v19 =	vadd.f32 v29, v19;
	s13 =	sshrl.u32 s17, $0x1;
	s12 =	smul.f32 $5.000000000e-01, s17  }
0x3c5: {  	(xrf2) =	vadd.scan.msk.f32 $0xffff, v41;
	s3 =	smul.f32 s15, s3;
	s13 =	ssub.s32 $0x5F3759DF, s13;
	s9 =	ssub.f32 $1.500000000e+00, s16  }
0x3c6: {  	v42 =	vmul.f32 v32, v10;
	(xrf2) =	vadd.scan.msk.f32 $0xffff, v19;
	s18 =	smul.f32 s13, s12  }
0x3c7: {  	v43 =	vmul.f32 v32, v32;
	s11 =	smul.f32 s11, s9  }
0x3c8: {  	v10 =	vadd.f32 v42, v22;
	s15 =	smul.f32 s13, s18  }
0x3c9: {  	v15 =	vadd.f32 v43, v18;
	s14 =	smul.f32 s11, s10  }
0x3ca: {  	(xrf2) =	vadd.scan.msk.f32 $0xffff, v10;
	s9 =	smul.f32 s8, s1;
	s19 =	ssub.f32 $1.500000000e+00, s15  }
0x3cb: {  	(xrf2) =	vadd.scan.msk.f32 $0xffff, v15;
	s14 =	smul.f32 s14, s11  }
0x3cc: {  	s1 =	smul.f32 s13, s19  }
0x3cd: {  	s8 =	smul.f32 s3, s4;
	s20 =	ssub.f32 $1.500000000e+00, s14  }
0x3ce: {  	s21 =	smul.f32 s1, s12  }
0x3cf: {  	v44, _, _ =	vpop (xrf2);
	s3 =	smul.f32 s20, s11  }
0x3d0: {  	v45, _, _ =	vpop (xrf2);
	s11 =	spop (v2sf);
	(v2sf) =	vpush v44, $0xF;
	s4 =	smul.f32 s21, s1  }
0x3d1: {  	s22 =	spop (v2sf);
	(v2sf) =	vpush v45, $0xF;
	s10 =	smul.f32 s3, s10  }
0x3d2: {  	s23 =	sshrl.u32 s22, $0x1;
	s13 =	smul.f32 $5.000000000e-01, s22  }
0x3d3: {  	s4 =	ssub.f32 $1.500000000e+00, s4;
	s14 =	ssub.s32 $0x5F3759DF, s23;
	s10 =	smul.f32 s10, s3  }
0x3d4: {  	v46, _, _ =	vpop (xrf2);
	s24 =	smul.f32 s14, s13  }
0x3d5: {  	v14 =	vadd.f32 v21, v14;
	v47, _, _ =	vpop (xrf2);
	(v2sf) =	vpush v46, $0xF;
	s1 =	smul.f32 s4, s1  }
0x3d6: {  	(v2sf) =	vpush v47, $0xF;
	s25 =	ssub.f32 $1.500000000e+00, s10;
	s29 =	smul.f32 s14, s24  }
0x3d7: {  	(xrf2) =	vadd.scan.msk.f32 $0xffff, v14;
	s12 =	smul.f32 s1, s12  }
0x3d8: {  	(xrf2) =	vadd.scan.msk.f32 $0xffff, v11;
	s3 =	smul.f32 s25, s3;
	s15 =	ssub.f32 $1.500000000e+00, s29  }
0x3d9: {  	s12 =	smul.f32 s12, s1  }
0x3da: {  	s4 =	smul.f32 s14, s15  }
0x3db: {  	s10 =	smul.f32 s3, s5;
	s16 =	ssub.f32 $1.500000000e+00, s12  }
0x3dc: {  	s17 =	smul.f32 s4, s13  }
0x3dd: {  	v48 =	vmul.f32 v12, v12;
	s1 =	smul.f32 s16, s1  }
0x3de: {  	v49 =	vadd.f32 v17, v13;
	s18 =	smul.f32 s17, s4  }
0x3df: {  	v10 =	vadd.f32 v48, v16;
	s6 =	smul.f32 s1, s6;
	s1 =	spop (v2sf)  }
0x3e0: {  	(xrf2) =	vadd.scan.msk.f32 $0xffff, v49;
	s3 =	ssub.f32 $1.500000000e+00, s18;
	s19 =	spop (v2sf)  }
0x3e1: {  	v50, _, _ =	vpop (xrf2);
	(xrf2) =	vadd.scan.msk.f32 $0xffff, v10;
	s20 =	sshrl.u32 s19, $0x1;
	s5 =	smul.f32 $5.000000000e-01, s19  }
0x3e2: {  	v51, _, _ =	vpop (xrf2);
	(v2sf) =	vpush v50, $0xF;
	s3 =	smul.f32 s3, s4;
	s12 =	ssub.s32 $0x5F3759DF, s20  }
0x3e3: {  	(v2sf) =	vpush v51, $0xF;
	s21 =	smul.f32 s12, s5  }
0x3e4: {  	s4 =	spop (v2sf);
	s13 =	smul.f32 s3, s13  }
0x3e5: {  	s22 =	spop (v2sf);
	s14 =	smul.f32 s12, s21  }
0x3e6: {  	s16 =	sshrl.u32 s22, $0x1;
	s15 =	smul.f32 $5.000000000e-01, s22  }
0x3e7: {  	s16 =	ssub.s32 $0x5F3759DF, s16;
	s13 =	smul.f32 s13, s3;
	s14 =	ssub.f32 $1.500000000e+00, s14  }
0x3e8: {  	s17 =	smul.f32 s16, s15  }
0x3e9: {  	s12 =	smul.f32 s12, s14  }
0x3ea: {  	v52, _, _ =	vpop (xrf2);
	s13 =	ssub.f32 $1.500000000e+00, s13;
	s23 =	smul.f32 s16, s17  }
0x3eb: {  	v53, _, _ =	vpop (xrf2);
	(v2sf) =	vpush v52, $0xF;
	s24 =	smul.f32 s12, s5  }
0x3ec: {  	(v2sf) =	vpush v53, $0xF;
	s3 =	smul.f32 s13, s3;
	s25 =	ssub.f32 $1.500000000e+00, s23  }
0x3ed: {  	s29 =	smul.f32 s24, s12  }
0x3ee: {  	s13 =	smul.f32 s16, s25  }
0x3ef: {  	s11 =	smul.f32 s3, s11;
	s17 =	ssub.f32 $1.500000000e+00, s29  }
0x3f0: {  	s18 =	smul.f32 s13, s15  }
0x3f1: {  	s3 =	smul.f32 s17, s12;
	s12 =	spop (v2sf)  }
0x3f2: {  	s14 =	smul.f32 s18, s13;
	s19 =	spop (v2sf)  }
0x3f3: {  	(xrf2) =	vadd.scan.msk.f32 $0xffff, v8;
	s20 =	sshrl.u32 s19, $0x1;
	s16 =	smul.f32 $5.000000000e-01, s19  }
0x3f4: {  	(xrf2) =	vadd.scan.msk.f32 $0xffff, v9;
	s14 =	ssub.f32 $1.500000000e+00, s14;
	s5 =	smul.f32 s3, s5;
	s17 =	ssub.s32 $0x5F3759DF, s20  }
0x3f5: {  	s18 =	smul.f32 s17, s16  }
0x3f6: {  	(xrf2) =	vadd.scan.msk.f32 $0xffff, v6;
	s13 =	smul.f32 s14, s13  }
0x3f7: {  	(xrf2) =	vadd.scan.msk.f32 $0xffff, v7;
	s21 =	smul.f32 s17, s18  }
0x3f8: {  	s15 =	smul.f32 s13, s15  }
0x3f9: {  	s5 =	smul.f32 s5, s3;
	s18 =	ssub.f32 $1.500000000e+00, s21  }
0x3fa: {  	s14 =	spop (v2sf);
	s15 =	smul.f32 s15, s13  }
0x3fb: {  	s22 =	spop (v2sf);
	s17 =	smul.f32 s17, s18  }
0x3fc: {  	s19 =	sshrl.u32 s22, $0x1;
	s18 =	smul.f32 $5.000000000e-01, s22  }
0x3fd: {  	v54, _, _ =	vpop (xrf2);
	s19 =	ssub.s32 $0x5F3759DF, s19;
	s20 =	smul.f32 s17, s16  }
0x3fe: {  	v55, _, _ =	vpop (xrf2);
	(v2sf) =	vpush v54, $0xF;
	s21 =	smul.f32 s19, s18  }
0x3ff: {  	(v2sf) =	vpush v55, $0xF;
	s5 =	ssub.f32 $1.500000000e+00, s5;
	s20 =	smul.f32 s20, s17  }
0x400: {  	v56, _, _ =	vpop (xrf2);
	s15 =	ssub.f32 $1.500000000e+00, s15;
	s21 =	smul.f32 s19, s21  }
0x401: {  	v57, _, _ =	vpop (xrf2);
	(v2sf) =	vpush v56, $0xF;
	s3 =	smul.f32 s5, s3;
	s23 =	ssub.f32 $1.500000000e+00, s20  }
0x402: {  	(v2sf) =	vpush v57, $0xF;
	s13 =	smul.f32 s15, s13;
	s24 =	ssub.f32 $1.500000000e+00, s21  }
0x403: {  	s17 =	smul.f32 s23, s17  }
0x404: {  	s15 =	smul.f32 s19, s24  }
0x405: {  	(xrf2) =	vadd.scan.msk.f32 $0xffff, v4;
	s5 =	smul.f32 s17, s16  }
0x406: {  	(xrf2) =	vadd.scan.msk.f32 $0xffff, v5;
	s25 =	smul.f32 s15, s18  }
0x407: {  	s29 =	smul.f32 s5, s17  }
0x408: {  	s16 =	smul.f32 s25, s15  }
0x409: {  	s5 =	smul.f32 s3, s1;
	s3 =	ssub.f32 $1.500000000e+00, s29  }
0x40a: {  	s4 =	smul.f32 s13, s4;
	s13 =	ssub.f32 $1.500000000e+00, s16  }
0x40b: {  	s1 =	smul.f32 s3, s17  }
0x40c: {  	s3 =	smul.f32 s13, s15  }
0x40d: {  	s1 =	smul.f32 s1, s12;
	s12 =	spop (v2sf)  }
0x40e: {  	s16 =	smul.f32 s3, s18;
	s18 =	spop (v2sf)  }
0x40f: {  	(xrf2) =	vadd.scan.msk.f32 $0xffff, v1;
	v58, _, _ =	vpop (xrf2);
	s19 =	sshrl.u32 s18, $0x1;
	s17 =	smul.f32 $5.000000000e-01, s18  }
0x410: {  	v59, _, _ =	vpop (xrf2);
	(v2sf) =	vpush v58, $0xF;
	s13 =	smul.f32 s16, s3;
	s15 =	spop (v2sf);
	s16 =	ssub.s32 $0x5F3759DF, s19  }
0x411: {  	(v2sf) =	vpush v59, $0xF;
	s21 =	spop (v2sf);
	s20 =	smul.f32 s16, s17  }
0x412: {  	s22 =	sshrl.u32 s21, $0x1;
	s19 =	smul.f32 $5.000000000e-01, s21  }
0x413: {  	(xrf2) =	vadd.scan.msk.f32 $0xffff, v2;
	s13 =	ssub.f32 $1.500000000e+00, s13;
	s24 =	ssub.s32 $0x5F3759DF, s22;
	s18 =	smul.f32 s16, s20  }
0x414: {  	s20 =	smul.f32 s24, s19  }
0x415: {  	s3 =	smul.f32 s13, s3;
	s23 =	ssub.f32 $1.500000000e+00, s18  }
0x416: {  	s25 =	smul.f32 s24, s20  }
0x417: {  	s13 =	smul.f32 s16, s23  }
0x418: {  	p1 =	sgt.f32 s7, s0;
	(xrf2) =	vadd.scan.msk.f32 $0xffff, v0;
	s16 =	ssub.f32 $1.500000000e+00, s25  }
0x419: {  	v60, _, _ =	vpop (xrf2);
	(xrf2) =	vadd.scan.msk.f32 $0xffff, v3;
	s29 =	smul.f32 s13, s17  }
0x41a: {  	s0 =	smov.u32 @p1 s7;
	s16 =	smul.f32 s24, s16  }
0x41b: {  	p2 =	sgt.f32 s2, s0;
	s7 =	smul.f32 s29, s13  }
0x41c: {  	s21 =	smul.f32 s16, s19  }
0x41d: {  	s0 =	smov.u32 @p2 s2;
	v61, _, _ =	vpop (xrf2);
	(v2sf) =	vpush v60, $0xF;
	s2 =	smul.f32 s3, s14;
	s14 =	ssub.f32 $1.500000000e+00, s7  }
0x41e: {  	(v2sf) =	vpush v61, $0xF;
	s20 =	rddreg [dreg:$0x13];
	s22 =	smul.f32 s21, s16  }
0x41f: {  	s26 =	smov.u32 @p1 s20;
	s7 =	spop (v2sf);
	s3 =	smul.f32 s14, s13  }
0x420: {  	s18 =	sor.u32 $0x1, s20;
	p1 =	sgt.f32 s9, s0;
	s24 =	spop (v2sf)  }
0x421: {  	s26 =	smov.u32 @p2 s18;
	s13 =	ssub.f32 $1.500000000e+00, s22;
	s23 =	smul.f32 s3, s17  }
0x422: {  	v62, _, _ =	vpop (xrf2);
	s0 =	smov.u32 @p1 s9;
	s25 =	sshrl.u32 s24, $0x1;
	s17 =	smul.f32 $5.000000000e-01, s24  }
0x423: {  	v63, _, _ =	vpop (xrf2);
	p2 =	sgt.f32 s8, s0;
	(v2sf) =	vpush v62, $0xF;
	s29 =	ssub.s32 $0x5F3759DF, s25;
	s13 =	smul.f32 s13, s16  }
0x424: {  	(v2sf) =	vpush v63, $0xF;
	s18 =	smul.f32 s29, s17  }
0x425: {  	s0 =	smov.u32 @p2 s8;
	s14 =	sor.u32 $0x2, s20;
	s9 =	smul.f32 s23, s3  }
0x426: {  	s26 =	smov.u32 @p1 s14;
	p1 =	sgt.f32 s10, s0;
	s22 =	smul.f32 s13, s19  }
0x427: {  	s16 =	sor.u32 $0x3, s20;
	s21 =	smul.f32 s29, s18  }
0x428: {  	s0 =	smov.u32 @p1 s10;
	s9 =	ssub.f32 $1.500000000e+00, s9;
	s10 =	smul.f32 s22, s13  }
0x429: {  	s26 =	smov.u32 @p2 s16;
	s16 =	ssub.f32 $1.500000000e+00, s21  }
0x42a: {  	s3 =	smul.f32 s9, s3;
	s10 =	ssub.f32 $1.500000000e+00, s10  }
0x42b: {  	s14 =	smul.f32 s29, s16  }
0x42c: {  	s8 =	spop (v2sf);
	s10 =	smul.f32 s10, s13  }
0x42d: {  	s23 =	spop (v2sf);
	s9 =	sor.u32 $0x4, s20;
	s3 =	smul.f32 s3, s12  }
0x42e: {  	s26 =	smov.u32 @p1 s9;
	p1 =	sgt.f32 s6, s0;
	s13 =	smul.f32 $5.000000000e-01, s23  }
0x42f: {  	s24 =	smul.f32 s14, s17  }
0x430: {  	s0 =	smov.u32 @p1 s6;
	s6 =	sor.u32 $0x5, s20;
	s10 =	smul.f32 s10, s15  }
0x431: {  	s26 =	smov.u32 @p1 s6;
	s15 =	sshrl.u32 s23, $0x1;
	p1 =	sgt.f32 s11, s0  }
0x432: {  	s9 =	spop (v2sf);
	s6 =	ssub.s32 $0x5F3759DF, s15;
	s25 =	smul.f32 s24, s14  }
0x433: {  	s18 =	smul.f32 s6, s13;
	s19 =	spop (v2sf)  }
0x434: {  	s0 =	smov.u32 @p1 s11;
	s21 =	sshrl.u32 s19, $0x1;
	s16 =	smul.f32 $5.000000000e-01, s19  }
0x435: {  	s29 =	ssub.f32 $1.500000000e+00, s25;
	s22 =	smul.f32 s6, s18;
	s11 =	ssub.s32 $0x5F3759DF, s21  }
0x436: {  	s23 =	smul.f32 s11, s16  }
0x437: {  	s12 =	smul.f32 s29, s14;
	s14 =	sor.u32 $0x6, s20  }
0x438: {  	s26 =	smov.u32 @p1 s14;
	s14 =	ssub.f32 $1.500000000e+00, s22;
	s24 =	smul.f32 s11, s23  }
0x439: {  	p2 =	sgt.f32 s5, s0;
	s17 =	smul.f32 s12, s17  }
0x43a: {  	s6 =	smul.f32 s6, s14  }
0x43b: {  	s0 =	smov.u32 @p2 s5;
	s5 =	ssub.f32 $1.500000000e+00, s24;
	s25 =	smul.f32 s17, s12  }
0x43c: {  	p1 =	sgt.f32 s4, s0;
	s29 =	smul.f32 s6, s13  }
0x43d: {  	s17 =	smul.f32 s11, s5  }
0x43e: {  	s14 =	sor.u32 $0x7, s20;
	s0 =	smov.u32 @p1 s4;
	s19 =	smul.f32 s29, s6  }
0x43f: {  	s26 =	smov.u32 @p2 s14;
	p2 =	sgt.f32 s1, s0;
	s21 =	smul.f32 s17, s16  }
0x440: {  	s11 =	ssub.f32 $1.500000000e+00, s19  }
0x441: {  	s18 =	ssub.f32 $1.500000000e+00, s25;
	s0 =	smov.u32 @p2 s1;
	s22 =	smul.f32 s21, s17  }
0x442: {  	p3 =	sgt.f32 s2, s0;
	s6 =	smul.f32 s11, s6  }
0x443: {  	s5 =	smul.f32 s18, s12;
	s1 =	ssub.f32 $1.500000000e+00, s22  }
0x444: {  	s23 =	smul.f32 s6, s13  }
0x445: {  	s28 =	rddreg [dreg:$0x2];
	s0 =	smov.u32 @p3 s2;
	s1 =	smul.f32 s1, s17  }
0x446: {  	p4 =	sgt.f32 s3, s0;
	s2 =	smul.f32 s23, s6  }
0x447: {  	s30 =	simm.s32 $0x0;
	s4 =	sor.u32 $0x8, s20;
	s24 =	smul.f32 s1, s16  }
0x448: {  	s5 =	smul.f32 s5, s7;
	s0 =	smov.u32 @p4 s3;
	s2 =	ssub.f32 $1.500000000e+00, s2  }
0x449: {  	s26 =	smov.u32 @p1 s4;
	p1 =	sgt.f32 s10, s0;
	s3 =	smul.f32 s24, s1  }
0x44a: {  	s4 =	sor.u32 $0x9, s20;
	s25 =	rddreg [dreg:$0x14];
	s2 =	smul.f32 s2, s6  }
0x44b: {  	s26 =	smov.u32 @p2 s4;
	s0 =	smov.u32 @p1 s10;
	s3 =	ssub.f32 $1.500000000e+00, s3  }
0x44c: {  	s4 =	sor.u32 $0xA, s20;
	p2 =	sgt.f32 s5, s0;
	s2 =	smul.f32 s2, s8  }
0x44d: {  	s26 =	smov.u32 @p3 s4;
	s1 =	smul.f32 s3, s1;
	s3 =	sor.u32 $0xB, s20  }
0x44e: {  	s0 =	smov.u32 @p2 s5;
	s26 =	smov.u32 @p4 s3;
	s3 =	sor.u32 $0xC, s20  }
0x44f: {  	p3 =	sgt.f32 s2, s0;
	s26 =	smov.u32 @p1 s3;
	s3 =	sor.u32 $0xD, s20  }
0x450: {  	s29 =	simm.s32 $0xDC80;
	s1 =	smul.f32 s1, s9;
	s26 =	smov.u32 @p2 s3  }
.Ltmp6:
0x451: {  	s3 =	sadd.s32 s28, s25;
	s0 =	smov.u32 @p3 s2;
	(pc) =	sbr.rel @p0 .LBB2_12-.Ltmp6, $4  }
0x452: {  	[hbm4b:s3+s30] =	stream.linear.scatter [tilespmem:s29], [sflag:$0x8], $0x4800, $0x38;
	[tilespmem:$0x12580] =	vst v63  }
0x453: {  	s2 =	sor.u32 $0xE, s20;
	p1 =	sgt.f32 s1, s0  }
0x454: {  	s26 =	smov.u32 @p3 s2;
	s2 =	sor.u32 $0xF, s20  }
0x455: {  	s31 =	simm.s32 $0x4C80;
	s0 =	smov.u32 @p1 s1;
	s26 =	smov.u32 @p1 s2  }
0x456: {  	s1 =	rddreg [dreg:$0xb]  }
0x457: {  	s2 =	rddreg [dreg:$0x11];
	s25 =	simm.s32 $0x6  }
0x458: {  	s1 =	sadd.s32 s2, s1;
	_ =	swait.ge [sflag:s25], $0x4800  }
0x459: {  	s1 =	sshrl.u32 s1, $0x3;
	[sflag:s25] =	ssyncset.done $0x0  }
0x45a: {  	s1 =	smul.u32 $0x480, s1;
	[sflag:s25] =	ssyncadd.s32 $0xFFFFB800  }
.Ltmp7:
0x45b: {  	s3 =	rddreg [dreg:$0x1];
	(pc) =	sbr.rel .LBB2_2-.Ltmp7, $4  }
0x45c: {  	s29 =	rddreg [dreg:$0x10];
	s1 =	sadd.s32 s3, s1  }
0x45d: {  	[tilespmem:s31], [sflag:$0x2] =	stream.linear.gather [hbm4b:s1+s30], $0x4800, $0x38;
	[tilespmem:$0x12580] =	vst v63  }
0x45e: {  	s1 =	sadd.s32 $0x1, s29  }
0x45f: {  	[dreg:$0x10] =	wrdreg s1  }
.LBB2_13:
0x460: {  	_ =	sfence.sel $0x180000  }
0x461: {  	[bflag:$0x0] =	sbarrier.arrive $0xFFFF  }
0x462: {  	_ =	strace $0x90000047  }
0x463: {  	s0 =	stileid.u32;
	[bflag:$0x2] =	sbarrier.arrive $0xFFFF  }
0x464: {  	p0 =	sne.s32 s0, $0x0;
	s0 =	rddreg [dreg:$0x4]  }
0x465: {  	s0 =	sadd.s32 @!p0 $0x100000, s0  }
0x466: {  	[sflag:s0] =	ssyncadd.tile.s32 @!p0 $0x1;
	_ =	shalt  }
.Lfunc_end2:
_tile_overlayer_lowered:
.L_overlay_start_2:
0x467: {  	(tag) =	ssettag $0x2  }
0x468: {  	s0 =	rddreg [dreg:$0x0];
	s2 =	stileid.u32  }
0x469: {  	s1 =	rddreg [dreg:$0x1];
	p0 =	sne.s32 s2, $0x0  }
0x46a: {  	s3 =	rddreg [dreg:$0x2];
	[bflag:$0x3] =	sbarrier.arrive $0xFFFF;
	s2 =	simm.s32 @!p0 $0x1C09  }
0x46b: {  	[timem:s3], [sflag:s2] =	dma.local @!p0 [hbm:s0], s1  }
0x46c: {  	s0 =	simm.s32 @!p0 $0x9  }
0x46d: {  	_ =	swait.ge @!p0 [sflag:s0], s1  }
0x46e: {  	s1 =	ssub.s32 @!p0 $0x0, s1;
	[sflag:s0] =	ssyncset.done @!p0 $0x0  }
0x46f: {  	[sflag:s0] =	ssyncadd.s32 @!p0 s1  }
0x470: {  	[bflag:$0x3] =	sbarrier.arrive $0xFFFF  }
0x471: {  	_ =	shalt  }

</sc_bundles>
